<compile_context>
chip_gen: v7x
topology: tpu7x:2x2x1
jax: 0.10.2.dev20260603
libtpu: 0.0.44.dev20260713+nightly
codegen_flags: <defaults>
</compile_context>

<pallas_src>
import jax
import jax.numpy as jnp
from jax import lax
from jax.experimental import pallas as pl
from jax.experimental.pallas import tpu as pltpu
from jax.experimental.pallas import tpu_sc as plsc

N = 10000
E = 320000
B = 64
EMB = 128
HID = 128
FP = 2048

NPAD = 10240
NC, NS = 2, 16
NW = NC * NS
EPW = E // NW
C = 80
EC = 128
NCHW = 80
SPH = NCHW // 2
HH = HID // 2
RPT = NPAD // NS
DEPTH = 5
DEPTH2 = 2
R = 1024
GRID = NPAD // R

_f32 = jnp.float32


def _mesh():
    return plsc.VectorSubcoreMesh(
        core_axis_name="c", subcore_axis_name="s", num_cores=NC, num_subcores=NS
    )



def _emb_body(f0, f1, f2, f3, t0, t1, t2, t3, dst3, zrow, out, deg_out,
              ix0, ix1, ix2, ix3, rows, idxd, ones_v, dacc_sh,
              semi, semg, sems, semd, semdd):
    c = lax.axis_index("c")
    s = lax.axis_index("s")
    w = s * NC + c
    rbase = w * (NPAD // NW)
    fields = (f0, f1, f2, f3)
    tables = (t0, t1, t2, t3)
    ixs = (ix0, ix1, ix2, ix3)
    doff = s * (NPAD // NS)
    for i in range(EC // 16):
        ones_v[pl.ds(i * 16, 16)] = jnp.ones((16,), _f32)
    di = pltpu.async_copy(dst3.at[w], idxd, semd)
    pltpu.sync_copy(zrow, dacc_sh.at[pl.ds(doff, NPAD // NS)])
    idr = [pltpu.async_copy(fields[f].at[pl.ds(rbase, NPAD // NW)],
                            ixs[f], semi) for f in range(4)]
    di.wait()
    plsc.subcore_barrier()

    def douter(j0, carry):
        for b in range(DEPTH):
            j = j0 * DEPTH + b

            @pl.when(j0 > 0)
            def _():
                pltpu.make_async_copy(ones_v, dacc_sh.at[idxd.at[j]],
                                      semdd.at[b]).wait()

            pltpu.async_copy(ones_v, dacc_sh.at[idxd.at[j]], semdd.at[b],
                             add=True)
        return carry

    lax.fori_loop(0, NCHW // DEPTH, douter, 0)
    for b in range(DEPTH):
        j = NCHW - DEPTH + b
        pltpu.make_async_copy(ones_v, dacc_sh.at[idxd.at[j]],
                              semdd.at[b]).wait()
    for d in idr:
        d.wait()
    gd = [None] * 16
    sd = [None] * 16

    def idx_of(t):
        f, i = t // 4, t % 4
        return f, ixs[f].at[pl.ds(i * C, C)], rbase + i * C

    for t in range(16):
        k = t % 4
        if t >= 4:
            sd[t - 4].wait()
        f, idx, _ = idx_of(t)
        gd[t] = pltpu.async_copy(tables[f].at[idx], rows.at[k], semg.at[k])
        if t >= 1:
            k1 = (t - 1) % 4
            gd[t - 1].wait()
            f1, _, ob = idx_of(t - 1)
            sd[t - 1] = pltpu.async_copy(
                rows.at[k1], out.at[f1, pl.ds(ob, C)], sems.at[k1])
    gd[15].wait()
    f1, _, ob = idx_of(15)
    sd[15] = pltpu.async_copy(rows.at[3], out.at[f1, pl.ds(ob, C)],
                              sems.at[3])
    for t in range(12, 16):
        sd[t].wait()
    plsc.subcore_barrier()
    pltpu.sync_copy(dacc_sh.at[pl.ds(doff, NPAD // NS)],
                    deg_out.at[c, pl.ds(doff, NPAD // NS)])


def _scat_body(g, src3, dst3, zrows, out, idxs, idxd, rows, acc_sh,
               semi, semg, sems):
    c = lax.axis_index("c")
    s = lax.axis_index("s")
    w = s * NC + c
    off = s * RPT
    cis = pltpu.async_copy(src3.at[w, pl.ds(0, SPH)], idxs, semi)
    cid = pltpu.async_copy(dst3.at[w], idxd, semi)
    pltpu.sync_copy(zrows, acc_sh.at[pl.ds(off, RPT)])
    cis.wait()
    cid.wait()
    plsc.subcore_barrier()

    for p in range(2):
        if p == 1:
            pltpu.sync_copy(src3.at[w, pl.ds(SPH, SPH)], idxs)
        pb = p * SPH

        def outer(j0, carry):
            for b in range(DEPTH2):
                jj = j0 * DEPTH2 + b

                @pl.when(j0 > 0)
                def _():
                    pltpu.make_async_copy(rows.at[b],
                                          acc_sh.at[idxd.at[pb + jj - DEPTH2]],
                                          sems.at[b]).wait()

                pltpu.async_copy(g.at[idxs.at[jj]], rows.at[b], semg.at[b])
                k1 = (b - 1) % DEPTH2

                if b >= 1:
                    pltpu.make_async_copy(g.at[idxs.at[jj - 1]], rows.at[k1],
                                          semg.at[k1]).wait()
                    pltpu.async_copy(rows.at[k1], acc_sh.at[idxd.at[pb + jj - 1]],
                                     sems.at[k1], add=True)
                else:
                    @pl.when(j0 > 0)
                    def _():
                        pltpu.make_async_copy(g.at[idxs.at[jj - 1]],
                                              rows.at[k1], semg.at[k1]).wait()
                        pltpu.async_copy(rows.at[k1],
                                         acc_sh.at[idxd.at[pb + jj - 1]],
                                         sems.at[k1], add=True)
            return carry

        lax.fori_loop(0, SPH // DEPTH2, outer, 0)
        kl = (SPH - 1) % DEPTH2
        pltpu.make_async_copy(g.at[idxs.at[SPH - 1]], rows.at[kl],
                              semg.at[kl]).wait()
        pltpu.async_copy(rows.at[kl], acc_sh.at[idxd.at[pb + SPH - 1]],
                         sems.at[kl], add=True)
        for b in range(DEPTH2):
            j = pb + SPH - DEPTH2 + b
            pltpu.make_async_copy(rows.at[b], acc_sh.at[idxd.at[j]],
                                  sems.at[b]).wait()
    plsc.subcore_barrier()
    pltpu.sync_copy(acc_sh.at[pl.ds(off, RPT)], out.at[c, pl.ds(off, RPT)])


def _sc_emb(fp0, fp1, fp2, fp3, e0, e1, e2, e3, dst3, zrow):
    fn = pl.kernel(
        _emb_body,
        out_type=(jax.ShapeDtypeStruct((4, NPAD, EMB), _f32),
                  jax.ShapeDtypeStruct((NC, NPAD), _f32)),
        mesh=_mesh(),
        scratch_types=[
            pltpu.VMEM((NPAD // NW,), jnp.int32),
            pltpu.VMEM((NPAD // NW,), jnp.int32),
            pltpu.VMEM((NPAD // NW,), jnp.int32),
            pltpu.VMEM((NPAD // NW,), jnp.int32),
            pltpu.VMEM((4, C, EMB), _f32),
            pltpu.VMEM((NCHW, EC), jnp.int32),
            pltpu.VMEM((EC,), _f32),
            pltpu.VMEM_SHARED((NPAD,), _f32),
            pltpu.SemaphoreType.DMA,
            pltpu.SemaphoreType.DMA((4,)),
            pltpu.SemaphoreType.DMA((4,)),
            pltpu.SemaphoreType.DMA,
            pltpu.SemaphoreType.DMA((DEPTH,)),
        ],
    )
    return fn(fp0, fp1, fp2, fp3, e0, e1, e2, e3, dst3, zrow)


def _sc_scatter(g, src3, dst3, zrows):
    fn = pl.kernel(
        _scat_body,
        out_type=jax.ShapeDtypeStruct((NC, NPAD, HID), _f32),
        mesh=_mesh(),
        scratch_types=[
            pltpu.VMEM((SPH, EC), jnp.int32),
            pltpu.VMEM((NCHW, EC), jnp.int32),
            pltpu.VMEM((DEPTH2, EC, HID), _f32),
            pltpu.VMEM_SHARED((NPAD, HID), _f32),
            pltpu.SemaphoreType.DMA,
            pltpu.SemaphoreType.DMA((DEPTH2,)),
            pltpu.SemaphoreType.DMA((DEPTH2,)),
        ],
    )
    return fn(g, src3, dst3, zrows)



def _dinv(deg_ref):
    d = deg_ref[0] + deg_ref[1] + 1.0
    return lax.rsqrt(d)


def _t0_body(embs_ref, pW1_ref, pb1_ref, pW2_ref, pb2_ref, gW0_ref, deg_ref,
             out_ref):
    h = jnp.dot(embs_ref[0], pW1_ref[0], preferred_element_type=_f32)
    for f in range(1, 4):
        h += jnp.dot(embs_ref[f], pW1_ref[f], preferred_element_type=_f32)
    h = jnp.maximum(h + pb1_ref[...], 0.0)
    h = jnp.dot(h, pW2_ref[...], preferred_element_type=_f32) + pb2_ref[...]
    dinv = _dinv(deg_ref)
    out_ref[...] = dinv * jnp.dot(h, gW0_ref[...], preferred_element_type=_f32)


def _tc_proj(embs, pW1r, pb1, pW2, pb2, gW0, degr):
    return pl.pallas_call(
        _t0_body,
        grid=(GRID,),
        in_specs=[
            pl.BlockSpec((4, R, EMB), lambda i: (0, i, 0)),
            pl.BlockSpec((4, EMB, EMB), lambda i: (0, 0, 0)),
            pl.BlockSpec((1, EMB), lambda i: (0, 0)),
            pl.BlockSpec((EMB, EMB), lambda i: (0, 0)),
            pl.BlockSpec((1, EMB), lambda i: (0, 0)),
            pl.BlockSpec((EMB, HID), lambda i: (0, 0)),
            pl.BlockSpec((2, R, 1), lambda i: (0, i, 0)),
        ],
        out_specs=pl.BlockSpec((R, HID), lambda i: (i, 0)),
        out_shape=jax.ShapeDtypeStruct((NPAD, HID), _f32),
    )(embs, pW1r, pb1, pW2, pb2, gW0, degr)


def _comb_body(acc_ref, g_ref, deg_ref, gb_ref, W_ref, out_ref):
    dinv = _dinv(deg_ref)
    x = dinv * (acc_ref[0] + acc_ref[1] + g_ref[...]) + gb_ref[...]
    x = jnp.maximum(x, 0.0)
    out_ref[...] = dinv * jnp.dot(x, W_ref[...], preferred_element_type=_f32)


def _tc_combine(acc, g, degr, gb, W):
    return pl.pallas_call(
        _comb_body,
        grid=(GRID,),
        in_specs=[
            pl.BlockSpec((2, R, HID), lambda i: (0, i, 0)),
            pl.BlockSpec((R, HID), lambda i: (i, 0)),
            pl.BlockSpec((2, R, 1), lambda i: (0, i, 0)),
            pl.BlockSpec((1, HID), lambda i: (0, 0)),
            pl.BlockSpec((HID, HID), lambda i: (0, 0)),
        ],
        out_specs=pl.BlockSpec((R, HID), lambda i: (i, 0)),
        out_shape=jax.ShapeDtypeStruct((NPAD, HID), _f32),
    )(acc, g, degr, gb, W)


def _pool_head_body(acc_ref, g_ref, deg_ref, gb_ref, batch_ref, fp_ref,
                    fpW_ref, fpb_ref, l1a_ref, l1b_ref, l1bias_ref,
                    l2W_ref, l2b_ref, out_ref, pacc):
    i = pl.program_id(0)
    dinv = _dinv(deg_ref)
    x = dinv * (acc_ref[0] + acc_ref[1] + g_ref[...]) + gb_ref[...]
    x = jnp.maximum(x, 0.0)
    bt = batch_ref[...]
    oh = (bt == lax.broadcasted_iota(jnp.int32, (R, B), 1)).astype(_f32)
    cd = (((0,), (0,)), ((), ()))
    part = lax.dot_general(oh, x, cd, preferred_element_type=_f32)

    @pl.when(i == 0)
    def _():
        pacc[...] = part

    @pl.when(i != 0)
    def _():
        pacc[...] += part

    @pl.when(i == GRID - 1)
    def _():
        fpe = jnp.dot(fp_ref[...], fpW_ref[...], preferred_element_type=_f32)
        fpe = fpe + fpb_ref[...]
        z = (jnp.dot(fpe, l1a_ref[...], preferred_element_type=_f32)
             + jnp.dot(pacc[...], l1b_ref[...], preferred_element_type=_f32)
             + l1bias_ref[...])
        z = jnp.maximum(z, 0.0)
        out_ref[...] = (jnp.dot(z, l2W_ref[...], preferred_element_type=_f32)
                        + l2b_ref[...])


def _tc_pool_head(acc, g, degr, gb, batch_p, fingerprint, fpW, fpb,
                  l1Wa, l1Wb, l1b, l2W, l2b):
    return pl.pallas_call(
        _pool_head_body,
        grid=(GRID,),
        in_specs=[
            pl.BlockSpec((2, R, HID), lambda i: (0, i, 0)),
            pl.BlockSpec((R, HID), lambda i: (i, 0)),
            pl.BlockSpec((2, R, 1), lambda i: (0, i, 0)),
            pl.BlockSpec((1, HID), lambda i: (0, 0)),
            pl.BlockSpec((R, 1), lambda i: (i, 0)),
            pl.BlockSpec((B, FP), lambda i: (0, 0)),
            pl.BlockSpec((FP, HID), lambda i: (0, 0)),
            pl.BlockSpec((1, HID), lambda i: (0, 0)),
            pl.BlockSpec((HID, HID // 2), lambda i: (0, 0)),
            pl.BlockSpec((HID, HID // 2), lambda i: (0, 0)),
            pl.BlockSpec((1, HID // 2), lambda i: (0, 0)),
            pl.BlockSpec((HID // 2, 1), lambda i: (0, 0)),
            pl.BlockSpec((1, 1), lambda i: (0, 0)),
        ],
        out_specs=pl.BlockSpec((B, 1), lambda i: (0, 0)),
        out_shape=jax.ShapeDtypeStruct((B, 1), _f32),
        scratch_shapes=[pltpu.VMEM((B, HID), _f32)],
    )(acc, g, degr, gb, batch_p, fingerprint, fpW, fpb,
      l1Wa, l1Wb, l1b, l2W, l2b)



def kernel(f0, f1, f2, f3, edge_index, batch, fingerprint,
           emb0, emb1, emb2, emb3, pW1, pb1, pW2, pb2,
           gW0, gb0, gW1, gb1, gW2, gb2, fpW, fpb, l1W, l1b, l2W, l2b):
    npe = NCHW * EC - EPW
    pad_e = jnp.arange(npe, dtype=jnp.int32) % (NPAD - N) + N
    pad_e = jnp.broadcast_to(pad_e, (NW, npe))
    src3 = jnp.concatenate(
        [edge_index[0].reshape(NW, EPW), pad_e], axis=1).reshape(NW, NCHW, EC)
    dst3 = jnp.concatenate(
        [edge_index[1].reshape(NW, EPW), pad_e], axis=1).reshape(NW, NCHW, EC)

    pad_i = jnp.arange(NPAD - N, dtype=jnp.int32)
    fps = [jnp.concatenate([f.astype(jnp.int32), pad_i])
           for f in (f0, f1, f2, f3)]
    batch_p = jnp.concatenate(
        [batch.astype(jnp.int32), jnp.full((NPAD - N,), B, jnp.int32)]
    ).reshape(NPAD, 1)
    zrow = jnp.zeros((RPT,), _f32)
    zrows = jnp.zeros((RPT, HID), _f32)

    embs, deg = _sc_emb(*fps, emb0, emb1, emb2, emb3, dst3, zrow)
    degr = deg.reshape(NC, NPAD, 1)

    pW1r = pW1.reshape(4, EMB, EMB)
    g0 = _tc_proj(embs, pW1r, pb1.reshape(1, EMB), pW2, pb2.reshape(1, EMB),
                  gW0, degr)
    acc = _sc_scatter(g0, src3, dst3, zrows)
    g1 = _tc_combine(acc, g0, degr, gb0.reshape(1, HID), gW1)
    acc = _sc_scatter(g1, src3, dst3, zrows)
    g2 = _tc_combine(acc, g1, degr, gb1.reshape(1, HID), gW2)
    acc = _sc_scatter(g2, src3, dst3, zrows)
    out = _tc_pool_head(acc, g2, degr, gb2.reshape(1, HID), batch_p,
                        fingerprint, fpW, fpb.reshape(1, HID),
                        l1W[:HID], l1W[HID:], l1b.reshape(1, HID // 2),
                        l2W, l2b.reshape(1, 1))
    return out

# --- scband reference (transcript-rebuilt; emitter-appended) ---
"""Pipeline reference for scband-net-26680336843646 (READ-ONLY COPY).

The authoritative reference and input builder live on the scoring server;
editing this copy changes nothing except your own understanding.
"""

import jax, jax.numpy as jnp
import numpy as np

N = 10000
E = 320000
B = 64
EMB = 128
HID = 128
FP = 2048
VOCAB = 100000


def setup_inputs(seed: int = 0) -> dict:
    key = jax.random.key(seed)
    ks = jax.random.split(key, 32)
    inp = {}
    for i in range(4):
        inp[f"f{i}"] = jax.random.randint(ks[i], (N,), 0, VOCAB)
    inp["edge_index"] = jax.random.randint(ks[4], (2, E), 0, N)
    inp["batch"] = jnp.sort(jax.random.randint(ks[5], (N,), 0, B))
    inp["fingerprint"] = jax.random.normal(ks[6], (B, FP), dtype=jnp.float32)
    # learned parameters
    for i in range(4):
        inp[f"emb{i}"] = jax.random.normal(ks[7 + i], (VOCAB, EMB), dtype=jnp.float32) * 0.02
    inp["pW1"] = jax.random.normal(ks[11], (4 * EMB, EMB), dtype=jnp.float32) * 0.02
    inp["pb1"] = jnp.zeros((EMB,), dtype=jnp.float32)
    inp["pW2"] = jax.random.normal(ks[12], (EMB, EMB), dtype=jnp.float32) * 0.02
    inp["pb2"] = jnp.zeros((EMB,), dtype=jnp.float32)
    inp["gW0"] = jax.random.normal(ks[13], (EMB, HID), dtype=jnp.float32) * 0.02
    inp["gb0"] = jnp.zeros((HID,), dtype=jnp.float32)
    inp["gW1"] = jax.random.normal(ks[14], (HID, HID), dtype=jnp.float32) * 0.02
    inp["gb1"] = jnp.zeros((HID,), dtype=jnp.float32)
    inp["gW2"] = jax.random.normal(ks[15], (HID, HID), dtype=jnp.float32) * 0.02
    inp["gb2"] = jnp.zeros((HID,), dtype=jnp.float32)
    inp["fpW"] = jax.random.normal(ks[16], (FP, HID), dtype=jnp.float32) * 0.02
    inp["fpb"] = jnp.zeros((HID,), dtype=jnp.float32)
    inp["l1W"] = jax.random.normal(ks[17], (2 * HID, HID // 2), dtype=jnp.float32) * 0.02
    inp["l1b"] = jnp.zeros((HID // 2,), dtype=jnp.float32)
    inp["l2W"] = jax.random.normal(ks[18], (HID // 2, 1), dtype=jnp.float32) * 0.02
    inp["l2b"] = jnp.zeros((1,), dtype=jnp.float32)
    return inp


def _gcn_conv(x, src, dst, W, b):
    # GCNConv: x W, add self-loops, sym-normalized scatter-add
    h = x @ W
    loop = jnp.arange(N)
    s = jnp.concatenate([src, loop])
    d = jnp.concatenate([dst, loop])
    deg = jnp.zeros((N,), dtype=h.dtype).at[d].add(1.0)
    dinv = jax.lax.rsqrt(jnp.clip(deg, 1.0))
    norm = dinv[s] * dinv[d]
    msg = h[s] * norm[:, None]
    out = jnp.zeros((N, h.shape[1]), dtype=h.dtype).at[d].add(msg)
    return out + b


def reference(f0, f1, f2, f3, edge_index, batch, fingerprint,
              emb0, emb1, emb2, emb3, pW1, pb1, pW2, pb2,
              gW0, gb0, gW1, gb1, gW2, gb2, fpW, fpb, l1W, l1b, l2W, l2b):
    src = edge_index[0]
    dst = edge_index[1]
    # FieldAwareFactorizationMachine projector
    embs = jnp.concatenate([emb0[f0], emb1[f1], emb2[f2], emb3[f3]], axis=-1)
    h = jax.nn.relu(embs @ pW1 + pb1) @ pW2 + pb2
    # GCN stack
    h = jax.nn.relu(_gcn_conv(h, src, dst, gW0, gb0))
    h = jax.nn.relu(_gcn_conv(h, src, dst, gW1, gb1))
    h = jax.nn.relu(_gcn_conv(h, src, dst, gW2, gb2))
    # graph-level sum pooling (scatter over batch index)
    pooled = jax.ops.segment_sum(h, batch, num_segments=B)
    # fingerprint branch
    fp_emb = fingerprint @ fpW + fpb
    x = jnp.concatenate([fp_emb, pooled], axis=-1)
    # dropout is identity in eval mode
    x = jax.nn.relu(x @ l1W + l1b)
    x = x @ l2W + l2b
    return x

if __name__ == "__main__":
    import jax
    _d = setup_inputs()
    print(jax.jit(kernel)(*tuple(_d.values())))

</pallas_src>

<mosaic_0001>
#map = affine_map<(d0, d1) -> (0, 0)>
#map1 = affine_map<(d0, d1) -> (0, 0, 0)>
module attributes {stable_mosaic.version = 14 : i64} {
  func.func @_scat_body(%arg0: i32, %arg1: i32, %arg2: memref<10240x128xf32, #tpu.memory_space<hbm>>, %arg3: memref<32x80x128xi32, #tpu.memory_space<hbm>>, %arg4: memref<32x80x128xi32, #tpu.memory_space<hbm>>, %arg5: memref<640x128xf32, #tpu.memory_space<hbm>>, %arg6: memref<2x10240x128xf32, #tpu.memory_space<hbm>>, %arg7: memref<40x128xi32, #tpu.memory_space<vmem>>, %arg8: memref<80x128xi32, #tpu.memory_space<vmem>>, %arg9: memref<2x128x128xf32, #tpu.memory_space<vmem>>, %arg10: memref<10240x128xf32, #tpu.memory_space<vmem_shared>>, %arg11: memref<!tpu.dma_semaphore, #tpu.memory_space<semaphore_mem>>, %arg12: memref<2x!tpu.dma_semaphore, #tpu.memory_space<semaphore_mem>>, %arg13: memref<2x!tpu.dma_semaphore, #tpu.memory_space<semaphore_mem>>) attributes {dimension_semantics = [#tpu.dimension_semantics<core_parallel>, #tpu.dimension_semantics<subcore_parallel>], iteration_bounds = array<i64: 2, 16>, scalar_prefetch = 0 : i64, scratch_operands = 7 : i64, tpu.core_type = #tpu.core_type<sc_vector_subcore>, window_params = [{transform_indices = #map}, {transform_indices = #map1}, {transform_indices = #map1}, {transform_indices = #map}, {transform_indices = #map1}]} {
    %mul3A = arith.constant 2 : i32
    %mul3A_0 = arith.muli %arg1, %mul3A : i32
    %add3A = arith.addi %mul3A_0, %arg0 : i32
    %mul3A_1 = arith.constant 640 : i32
    %mul3A_2 = arith.muli %arg1, %mul3A_1 : i32
    %dma_start3A = arith.constant 0 : i32
    %dma_start3A_3 = arith.constant 0 : i32
    %dma_start3A_4 = tpu.memref_slice %arg3[%add3A, %dma_start3A, %dma_start3A_3] : memref<32x80x128xi32, #tpu.memory_space<hbm>> -> memref<1x40x128xi32, #tpu.memory_space<hbm>>
    %dma_start3A_5 = tpu.memref_squeeze %dma_start3A_4 : memref<1x40x128xi32, #tpu.memory_space<hbm>> -> memref<40x128xi32, #tpu.memory_space<hbm>>
    %dma_start3A_6 = arith.constant 0 : i32
    %dma_start3A_7 = arith.constant 0 : i32
    %dma_start3A_8 = tpu.memref_slice %arg3[%add3A, %dma_start3A_6, %dma_start3A_7] : memref<32x80x128xi32, #tpu.memory_space<hbm>> -> memref<1x40x128xi32, #tpu.memory_space<hbm>>
    %dma_start3A_9 = tpu.memref_squeeze %dma_start3A_8 : memref<1x40x128xi32, #tpu.memory_space<hbm>> -> memref<40x128xi32, #tpu.memory_space<hbm>>
    tpu.enqueue_dma source(%dma_start3A_9 : memref<40x128xi32, #tpu.memory_space<hbm>>) target(%arg7 : memref<40x128xi32, #tpu.memory_space<vmem>>) target_semaphore(%arg11 : memref<!tpu.dma_semaphore, #tpu.memory_space<semaphore_mem>>)
    %dma_start3A_10 = arith.constant 0 : i32
    %dma_start3A_11 = arith.constant 0 : i32
    %dma_start3A_12 = tpu.memref_slice %arg4[%add3A, %dma_start3A_10, %dma_start3A_11] : memref<32x80x128xi32, #tpu.memory_space<hbm>> -> memref<1x80x128xi32, #tpu.memory_space<hbm>>
    %dma_start3A_13 = tpu.memref_squeeze %dma_start3A_12 : memref<1x80x128xi32, #tpu.memory_space<hbm>> -> memref<80x128xi32, #tpu.memory_space<hbm>>
    %dma_start3A_14 = arith.constant 0 : i32
    %dma_start3A_15 = arith.constant 0 : i32
    %dma_start3A_16 = tpu.memref_slice %arg4[%add3A, %dma_start3A_14, %dma_start3A_15] : memref<32x80x128xi32, #tpu.memory_space<hbm>> -> memref<1x80x128xi32, #tpu.memory_space<hbm>>
    %dma_start3A_17 = tpu.memref_squeeze %dma_start3A_16 : memref<1x80x128xi32, #tpu.memory_space<hbm>> -> memref<80x128xi32, #tpu.memory_space<hbm>>
    tpu.enqueue_dma source(%dma_start3A_17 : memref<80x128xi32, #tpu.memory_space<hbm>>) target(%arg8 : memref<80x128xi32, #tpu.memory_space<vmem>>) target_semaphore(%arg11 : memref<!tpu.dma_semaphore, #tpu.memory_space<semaphore_mem>>)
    "tpu.region"() ({
      %run_scoped3A = tpu.sem_alloc : memref<!tpu.dma_semaphore, #tpu.memory_space<semaphore_mem>>
      %dma_start3A_165 = arith.constant 0 : i32
      %dma_start3A_166 = tpu.memref_slice %arg10[%mul3A_2, %dma_start3A_165] : memref<10240x128xf32, #tpu.memory_space<vmem_shared>> -> memref<640x128xf32, #tpu.memory_space<vmem_shared>>
      tpu.enqueue_dma source(%arg5 : memref<640x128xf32, #tpu.memory_space<hbm>>) target(%dma_start3A_166 : memref<640x128xf32, #tpu.memory_space<vmem_shared>>) target_semaphore(%run_scoped3A : memref<!tpu.dma_semaphore, #tpu.memory_space<semaphore_mem>>)
      %dma_wait3A_167 = arith.constant 0 : i32
      %dma_wait3A_168 = tpu.memref_slice %arg10[%mul3A_2, %dma_wait3A_167] : memref<10240x128xf32, #tpu.memory_space<vmem_shared>> -> memref<640x128xf32, #tpu.memory_space<vmem_shared>>
      tpu.wait_dma2 semaphore(%run_scoped3A : memref<!tpu.dma_semaphore, #tpu.memory_space<semaphore_mem>>) src(%arg5 : memref<640x128xf32, #tpu.memory_space<hbm>>) dst(%dma_wait3A_168 : memref<640x128xf32, #tpu.memory_space<vmem_shared>>)
      tpu.yield
    }) : () -> ()
    %dma_wait3A = arith.constant 0 : i32
    %dma_wait3A_18 = arith.constant 0 : i32
    %dma_wait3A_19 = tpu.memref_slice %arg3[%add3A, %dma_wait3A, %dma_wait3A_18] : memref<32x80x128xi32, #tpu.memory_space<hbm>> -> memref<1x40x128xi32, #tpu.memory_space<hbm>>
    %dma_wait3A_20 = tpu.memref_squeeze %dma_wait3A_19 : memref<1x40x128xi32, #tpu.memory_space<hbm>> -> memref<40x128xi32, #tpu.memory_space<hbm>>
    %dma_wait3A_21 = arith.constant 0 : i32
    %dma_wait3A_22 = arith.constant 0 : i32
    %dma_wait3A_23 = tpu.memref_slice %arg3[%add3A, %dma_wait3A_21, %dma_wait3A_22] : memref<32x80x128xi32, #tpu.memory_space<hbm>> -> memref<1x40x128xi32, #tpu.memory_space<hbm>>
    %dma_wait3A_24 = tpu.memref_squeeze %dma_wait3A_23 : memref<1x40x128xi32, #tpu.memory_space<hbm>> -> memref<40x128xi32, #tpu.memory_space<hbm>>
    tpu.wait_dma2 semaphore(%arg11 : memref<!tpu.dma_semaphore, #tpu.memory_space<semaphore_mem>>) src(%dma_wait3A_24 : memref<40x128xi32, #tpu.memory_space<hbm>>) dst(%arg7 : memref<40x128xi32, #tpu.memory_space<vmem>>)
    %dma_wait3A_25 = arith.constant 0 : i32
    %dma_wait3A_26 = arith.constant 0 : i32
    %dma_wait3A_27 = tpu.memref_slice %arg4[%add3A, %dma_wait3A_25, %dma_wait3A_26] : memref<32x80x128xi32, #tpu.memory_space<hbm>> -> memref<1x80x128xi32, #tpu.memory_space<hbm>>
    %dma_wait3A_28 = tpu.memref_squeeze %dma_wait3A_27 : memref<1x80x128xi32, #tpu.memory_space<hbm>> -> memref<80x128xi32, #tpu.memory_space<hbm>>
    %dma_wait3A_29 = arith.constant 0 : i32
    %dma_wait3A_30 = arith.constant 0 : i32
    %dma_wait3A_31 = tpu.memref_slice %arg4[%add3A, %dma_wait3A_29, %dma_wait3A_30] : memref<32x80x128xi32, #tpu.memory_space<hbm>> -> memref<1x80x128xi32, #tpu.memory_space<hbm>>
    %dma_wait3A_32 = tpu.memref_squeeze %dma_wait3A_31 : memref<1x80x128xi32, #tpu.memory_space<hbm>> -> memref<80x128xi32, #tpu.memory_space<hbm>>
    tpu.wait_dma2 semaphore(%arg11 : memref<!tpu.dma_semaphore, #tpu.memory_space<semaphore_mem>>) src(%dma_wait3A_32 : memref<80x128xi32, #tpu.memory_space<hbm>>) dst(%arg8 : memref<80x128xi32, #tpu.memory_space<vmem>>)
    %barrier3A = arith.constant 0 : index
    tpu.barrier barrier_id(%barrier3A)
    %scan3A = arith.constant 0 : i32
    %scan3A_33 = arith.constant 0 : i32
    %scan3A_34 = arith.constant 20 : i32
    %scan3A_35 = arith.addi %scan3A_33, %scan3A_34 : i32
    %scan3A_36 = arith.constant 1 : i32
    scf.for %scan3A_165 = %scan3A_33 to %scan3A_35 step %scan3A_36  : i32 {
      %mul3A_166 = arith.constant 2 : i32
      %mul3A_167 = arith.muli %scan3A_165, %mul3A_166 : i32
      %add3A_168 = arith.constant 0 : i32
      %add3A_169 = arith.addi %mul3A_167, %add3A_168 : i32
      %gt3A = arith.constant 0 : i32
      %gt3A_170 = arith.cmpi sgt, %scan3A_165, %gt3A : i32
      %convert_element_type3A = arith.extui %gt3A_170 : i1 to i32
      %cond3A = arith.constant 0 : i32
      %cond3A_171 = arith.cmpi ne, %convert_element_type3A, %cond3A : i32
      scf.if %cond3A_171 {
        %add3A_247 = arith.constant 0 : i32
        %add3A_248 = arith.addi %add3A_247, %add3A_169 : i32
        %sub3A_249 = arith.constant 2 : i32
        %sub3A_250 = arith.subi %add3A_248, %sub3A_249 : i32
        %dma_wait3A_251 = arith.constant 0 : i32
        %dma_wait3A_252 = arith.constant 0 : i32
        %dma_wait3A_253 = arith.constant 0 : i32
        %dma_wait3A_254 = arith.constant 0 : i32
        %dma_wait3A_255 = tpu.memref_slice %arg9[%dma_wait3A_251, %dma_wait3A_253, %dma_wait3A_254] : memref<2x128x128xf32, #tpu.memory_space<vmem>> -> memref<1x128x128xf32, #tpu.memory_space<vmem>>
        %dma_wait3A_256 = tpu.memref_squeeze %dma_wait3A_255 : memref<1x128x128xf32, #tpu.memory_space<vmem>> -> memref<128x128xf32, #tpu.memory_space<vmem>>
        %dma_wait3A_257 = arith.constant 0 : i32
        %dma_wait3A_258 = tpu.memref_slice %arg8[%sub3A_250, %dma_wait3A_257] : memref<80x128xi32, #tpu.memory_space<vmem>> -> memref<1x128xi32, #tpu.memory_space<vmem>>
        %dma_wait3A_259 = tpu.memref_squeeze %dma_wait3A_258 : memref<1x128xi32, #tpu.memory_space<vmem>> -> memref<128xi32, #tpu.memory_space<vmem>>
        %dma_wait3A_260 = arith.constant 0 : i32
        %dma_wait3A_261 = arith.constant 0 : i32
        %dma_wait3A_262 = tpu.memref_slice %arg10[%dma_wait3A_260, %dma_wait3A_261] : memref<10240x128xf32, #tpu.memory_space<vmem_shared>> -> memref<10240x128xf32, #tpu.memory_space<vmem_shared>>
        %dma_wait3A_263 = tpu.memref_slice %arg13[%dma_wait3A_252] : memref<2x!tpu.dma_semaphore, #tpu.memory_space<semaphore_mem>> -> memref<1x!tpu.dma_semaphore, #tpu.memory_space<semaphore_mem>>
        %dma_wait3A_264 = tpu.memref_squeeze %dma_wait3A_263 : memref<1x!tpu.dma_semaphore, #tpu.memory_space<semaphore_mem>> -> memref<!tpu.dma_semaphore, #tpu.memory_space<semaphore_mem>>
        tpu.wait_indirect_dma semaphore(%dma_wait3A_264 : memref<!tpu.dma_semaphore, #tpu.memory_space<semaphore_mem>>) src(%dma_wait3A_256 : memref<128x128xf32, #tpu.memory_space<vmem>>) dst(%dma_wait3A_262 : memref<10240x128xf32, #tpu.memory_space<vmem_shared>>)
      } else {
      }
      %dma_start3A_172 = arith.constant 0 : i32
      %dma_start3A_173 = arith.constant 0 : i32
      %dma_start3A_174 = arith.constant 0 : i32
      %dma_start3A_175 = arith.constant 0 : i32
      %dma_start3A_176 = tpu.memref_slice %arg9[%dma_start3A_172, %dma_start3A_174, %dma_start3A_175] : memref<2x128x128xf32, #tpu.memory_space<vmem>> -> memref<1x128x128xf32, #tpu.memory_space<vmem>>
      %dma_start3A_177 = tpu.memref_squeeze %dma_start3A_176 : memref<1x128x128xf32, #tpu.memory_space<vmem>> -> memref<128x128xf32, #tpu.memory_space<vmem>>
      %dma_start3A_178 = arith.constant 0 : i32
      %dma_start3A_179 = tpu.memref_slice %arg7[%add3A_169, %dma_start3A_178] : memref<40x128xi32, #tpu.memory_space<vmem>> -> memref<1x128xi32, #tpu.memory_space<vmem>>
      %dma_start3A_180 = tpu.memref_squeeze %dma_start3A_179 : memref<1x128xi32, #tpu.memory_space<vmem>> -> memref<128xi32, #tpu.memory_space<vmem>>
      %dma_start3A_181 = arith.constant 0 : i32
      %dma_start3A_182 = arith.constant 0 : i32
      %dma_start3A_183 = tpu.memref_slice %arg2[%dma_start3A_181, %dma_start3A_182] : memref<10240x128xf32, #tpu.memory_space<hbm>> -> memref<10240x128xf32, #tpu.memory_space<hbm>>
      %dma_start3A_184 = tpu.memref_slice %arg12[%dma_start3A_173] : memref<2x!tpu.dma_semaphore, #tpu.memory_space<semaphore_mem>> -> memref<1x!tpu.dma_semaphore, #tpu.memory_space<semaphore_mem>>
      %dma_start3A_185 = tpu.memref_squeeze %dma_start3A_184 : memref<1x!tpu.dma_semaphore, #tpu.memory_space<semaphore_mem>> -> memref<!tpu.dma_semaphore, #tpu.memory_space<semaphore_mem>>
      tpu.enqueue_indirect_dma source(%dma_start3A_183 : memref<10240x128xf32, #tpu.memory_space<hbm>>) target(%dma_start3A_177 : memref<128x128xf32, #tpu.memory_space<vmem>>) offsets(%dma_start3A_180 : memref<128xi32, #tpu.memory_space<vmem>>) semaphore(%dma_start3A_185 : memref<!tpu.dma_semaphore, #tpu.memory_space<semaphore_mem>>)
      %gt3A_186 = arith.constant 0 : i32
      %gt3A_187 = arith.cmpi sgt, %scan3A_165, %gt3A_186 : i32
      %convert_element_type3A_188 = arith.extui %gt3A_187 : i1 to i32
      %cond3A_189 = arith.constant 0 : i32
      %cond3A_190 = arith.cmpi ne, %convert_element_type3A_188, %cond3A_189 : i32
      scf.if %cond3A_190 {
        %sub3A_247 = arith.constant 1 : i32
        %sub3A_248 = arith.subi %add3A_169, %sub3A_247 : i32
        %dma_wait3A_249 = arith.constant 1 : i32
        %dma_wait3A_250 = arith.constant 1 : i32
        %dma_wait3A_251 = arith.constant 0 : i32
        %dma_wait3A_252 = arith.constant 0 : i32
        %dma_wait3A_253 = tpu.memref_slice %arg9[%dma_wait3A_249, %dma_wait3A_251, %dma_wait3A_252] : memref<2x128x128xf32, #tpu.memory_space<vmem>> -> memref<1x128x128xf32, #tpu.memory_space<vmem>>
        %dma_wait3A_254 = tpu.memref_squeeze %dma_wait3A_253 : memref<1x128x128xf32, #tpu.memory_space<vmem>> -> memref<128x128xf32, #tpu.memory_space<vmem>>
        %dma_wait3A_255 = arith.constant 0 : i32
        %dma_wait3A_256 = tpu.memref_slice %arg7[%sub3A_248, %dma_wait3A_255] : memref<40x128xi32, #tpu.memory_space<vmem>> -> memref<1x128xi32, #tpu.memory_space<vmem>>
        %dma_wait3A_257 = tpu.memref_squeeze %dma_wait3A_256 : memref<1x128xi32, #tpu.memory_space<vmem>> -> memref<128xi32, #tpu.memory_space<vmem>>
        %dma_wait3A_258 = arith.constant 0 : i32
        %dma_wait3A_259 = arith.constant 0 : i32
        %dma_wait3A_260 = tpu.memref_slice %arg2[%dma_wait3A_258, %dma_wait3A_259] : memref<10240x128xf32, #tpu.memory_space<hbm>> -> memref<10240x128xf32, #tpu.memory_space<hbm>>
        %dma_wait3A_261 = tpu.memref_slice %arg12[%dma_wait3A_250] : memref<2x!tpu.dma_semaphore, #tpu.memory_space<semaphore_mem>> -> memref<1x!tpu.dma_semaphore, #tpu.memory_space<semaphore_mem>>
        %dma_wait3A_262 = tpu.memref_squeeze %dma_wait3A_261 : memref<1x!tpu.dma_semaphore, #tpu.memory_space<semaphore_mem>> -> memref<!tpu.dma_semaphore, #tpu.memory_space<semaphore_mem>>
        tpu.wait_indirect_dma semaphore(%dma_wait3A_262 : memref<!tpu.dma_semaphore, #tpu.memory_space<semaphore_mem>>) src(%dma_wait3A_260 : memref<10240x128xf32, #tpu.memory_space<hbm>>) dst(%dma_wait3A_254 : memref<128x128xf32, #tpu.memory_space<vmem>>)
        %add3A_263 = arith.constant 0 : i32
        %add3A_264 = arith.addi %add3A_263, %add3A_169 : i32
        %sub3A_265 = arith.constant 1 : i32
        %sub3A_266 = arith.subi %add3A_264, %sub3A_265 : i32
        %dma_start3A_267 = arith.constant 1 : i32
        %dma_start3A_268 = arith.constant 1 : i32
        %dma_start3A_269 = arith.constant 0 : i32
        %dma_start3A_270 = arith.constant 0 : i32
        %dma_start3A_271 = tpu.memref_slice %arg9[%dma_start3A_267, %dma_start3A_269, %dma_start3A_270] : memref<2x128x128xf32, #tpu.memory_space<vmem>> -> memref<1x128x128xf32, #tpu.memory_space<vmem>>
        %dma_start3A_272 = tpu.memref_squeeze %dma_start3A_271 : memref<1x128x128xf32, #tpu.memory_space<vmem>> -> memref<128x128xf32, #tpu.memory_space<vmem>>
        %dma_start3A_273 = arith.constant 0 : i32
        %dma_start3A_274 = tpu.memref_slice %arg8[%sub3A_266, %dma_start3A_273] : memref<80x128xi32, #tpu.memory_space<vmem>> -> memref<1x128xi32, #tpu.memory_space<vmem>>
        %dma_start3A_275 = tpu.memref_squeeze %dma_start3A_274 : memref<1x128xi32, #tpu.memory_space<vmem>> -> memref<128xi32, #tpu.memory_space<vmem>>
        %dma_start3A_276 = arith.constant 0 : i32
        %dma_start3A_277 = arith.constant 0 : i32
        %dma_start3A_278 = tpu.memref_slice %arg10[%dma_start3A_276, %dma_start3A_277] : memref<10240x128xf32, #tpu.memory_space<vmem_shared>> -> memref<10240x128xf32, #tpu.memory_space<vmem_shared>>
        %dma_start3A_279 = tpu.memref_slice %arg13[%dma_start3A_268] : memref<2x!tpu.dma_semaphore, #tpu.memory_space<semaphore_mem>> -> memref<1x!tpu.dma_semaphore, #tpu.memory_space<semaphore_mem>>
        %dma_start3A_280 = tpu.memref_squeeze %dma_start3A_279 : memref<1x!tpu.dma_semaphore, #tpu.memory_space<semaphore_mem>> -> memref<!tpu.dma_semaphore, #tpu.memory_space<semaphore_mem>>
        tpu.enqueue_indirect_dma source(%dma_start3A_272 : memref<128x128xf32, #tpu.memory_space<vmem>>) target(%dma_start3A_278 : memref<10240x128xf32, #tpu.memory_space<vmem_shared>>) offsets(%dma_start3A_275 : memref<128xi32, #tpu.memory_space<vmem>>) semaphore(%dma_start3A_280 : memref<!tpu.dma_semaphore, #tpu.memory_space<semaphore_mem>>) {add = true}
      } else {
      }
      %mul3A_191 = arith.constant 2 : i32
      %mul3A_192 = arith.muli %scan3A_165, %mul3A_191 : i32
      %add3A_193 = arith.constant 1 : i32
      %add3A_194 = arith.addi %mul3A_192, %add3A_193 : i32
      %gt3A_195 = arith.constant 0 : i32
      %gt3A_196 = arith.cmpi sgt, %scan3A_165, %gt3A_195 : i32
      %convert_element_type3A_197 = arith.extui %gt3A_196 : i1 to i32
      %cond3A_198 = arith.constant 0 : i32
      %cond3A_199 = arith.cmpi ne, %convert_element_type3A_197, %cond3A_198 : i32
      scf.if %cond3A_199 {
        %add3A_247 = arith.constant 0 : i32
        %add3A_248 = arith.addi %add3A_247, %add3A_194 : i32
        %sub3A_249 = arith.constant 2 : i32
        %sub3A_250 = arith.subi %add3A_248, %sub3A_249 : i32
        %dma_wait3A_251 = arith.constant 1 : i32
        %dma_wait3A_252 = arith.constant 1 : i32
        %dma_wait3A_253 = arith.constant 0 : i32
        %dma_wait3A_254 = arith.constant 0 : i32
        %dma_wait3A_255 = tpu.memref_slice %arg9[%dma_wait3A_251, %dma_wait3A_253, %dma_wait3A_254] : memref<2x128x128xf32, #tpu.memory_space<vmem>> -> memref<1x128x128xf32, #tpu.memory_space<vmem>>
        %dma_wait3A_256 = tpu.memref_squeeze %dma_wait3A_255 : memref<1x128x128xf32, #tpu.memory_space<vmem>> -> memref<128x128xf32, #tpu.memory_space<vmem>>
        %dma_wait3A_257 = arith.constant 0 : i32
        %dma_wait3A_258 = tpu.memref_slice %arg8[%sub3A_250, %dma_wait3A_257] : memref<80x128xi32, #tpu.memory_space<vmem>> -> memref<1x128xi32, #tpu.memory_space<vmem>>
        %dma_wait3A_259 = tpu.memref_squeeze %dma_wait3A_258 : memref<1x128xi32, #tpu.memory_space<vmem>> -> memref<128xi32, #tpu.memory_space<vmem>>
        %dma_wait3A_260 = arith.constant 0 : i32
        %dma_wait3A_261 = arith.constant 0 : i32
        %dma_wait3A_262 = tpu.memref_slice %arg10[%dma_wait3A_260, %dma_wait3A_261] : memref<10240x128xf32, #tpu.memory_space<vmem_shared>> -> memref<10240x128xf32, #tpu.memory_space<vmem_shared>>
        %dma_wait3A_263 = tpu.memref_slice %arg13[%dma_wait3A_252] : memref<2x!tpu.dma_semaphore, #tpu.memory_space<semaphore_mem>> -> memref<1x!tpu.dma_semaphore, #tpu.memory_space<semaphore_mem>>
        %dma_wait3A_264 = tpu.memref_squeeze %dma_wait3A_263 : memref<1x!tpu.dma_semaphore, #tpu.memory_space<semaphore_mem>> -> memref<!tpu.dma_semaphore, #tpu.memory_space<semaphore_mem>>
        tpu.wait_indirect_dma semaphore(%dma_wait3A_264 : memref<!tpu.dma_semaphore, #tpu.memory_space<semaphore_mem>>) src(%dma_wait3A_256 : memref<128x128xf32, #tpu.memory_space<vmem>>) dst(%dma_wait3A_262 : memref<10240x128xf32, #tpu.memory_space<vmem_shared>>)
      } else {
      }
      %dma_start3A_200 = arith.constant 1 : i32
      %dma_start3A_201 = arith.constant 1 : i32
      %dma_start3A_202 = arith.constant 0 : i32
      %dma_start3A_203 = arith.constant 0 : i32
      %dma_start3A_204 = tpu.memref_slice %arg9[%dma_start3A_200, %dma_start3A_202, %dma_start3A_203] : memref<2x128x128xf32, #tpu.memory_space<vmem>> -> memref<1x128x128xf32, #tpu.memory_space<vmem>>
      %dma_start3A_205 = tpu.memref_squeeze %dma_start3A_204 : memref<1x128x128xf32, #tpu.memory_space<vmem>> -> memref<128x128xf32, #tpu.memory_space<vmem>>
      %dma_start3A_206 = arith.constant 0 : i32
      %dma_start3A_207 = tpu.memref_slice %arg7[%add3A_194, %dma_start3A_206] : memref<40x128xi32, #tpu.memory_space<vmem>> -> memref<1x128xi32, #tpu.memory_space<vmem>>
      %dma_start3A_208 = tpu.memref_squeeze %dma_start3A_207 : memref<1x128xi32, #tpu.memory_space<vmem>> -> memref<128xi32, #tpu.memory_space<vmem>>
      %dma_start3A_209 = arith.constant 0 : i32
      %dma_start3A_210 = arith.constant 0 : i32
      %dma_start3A_211 = tpu.memref_slice %arg2[%dma_start3A_209, %dma_start3A_210] : memref<10240x128xf32, #tpu.memory_space<hbm>> -> memref<10240x128xf32, #tpu.memory_space<hbm>>
      %dma_start3A_212 = tpu.memref_slice %arg12[%dma_start3A_201] : memref<2x!tpu.dma_semaphore, #tpu.memory_space<semaphore_mem>> -> memref<1x!tpu.dma_semaphore, #tpu.memory_space<semaphore_mem>>
      %dma_start3A_213 = tpu.memref_squeeze %dma_start3A_212 : memref<1x!tpu.dma_semaphore, #tpu.memory_space<semaphore_mem>> -> memref<!tpu.dma_semaphore, #tpu.memory_space<semaphore_mem>>
      tpu.enqueue_indirect_dma source(%dma_start3A_211 : memref<10240x128xf32, #tpu.memory_space<hbm>>) target(%dma_start3A_205 : memref<128x128xf32, #tpu.memory_space<vmem>>) offsets(%dma_start3A_208 : memref<128xi32, #tpu.memory_space<vmem>>) semaphore(%dma_start3A_213 : memref<!tpu.dma_semaphore, #tpu.memory_space<semaphore_mem>>)
      %sub3A = arith.constant 1 : i32
      %sub3A_214 = arith.subi %add3A_194, %sub3A : i32
      %dma_wait3A_215 = arith.constant 0 : i32
      %dma_wait3A_216 = arith.constant 0 : i32
      %dma_wait3A_217 = arith.constant 0 : i32
      %dma_wait3A_218 = arith.constant 0 : i32
      %dma_wait3A_219 = tpu.memref_slice %arg9[%dma_wait3A_215, %dma_wait3A_217, %dma_wait3A_218] : memref<2x128x128xf32, #tpu.memory_space<vmem>> -> memref<1x128x128xf32, #tpu.memory_space<vmem>>
      %dma_wait3A_220 = tpu.memref_squeeze %dma_wait3A_219 : memref<1x128x128xf32, #tpu.memory_space<vmem>> -> memref<128x128xf32, #tpu.memory_space<vmem>>
      %dma_wait3A_221 = arith.constant 0 : i32
      %dma_wait3A_222 = tpu.memref_slice %arg7[%sub3A_214, %dma_wait3A_221] : memref<40x128xi32, #tpu.memory_space<vmem>> -> memref<1x128xi32, #tpu.memory_space<vmem>>
      %dma_wait3A_223 = tpu.memref_squeeze %dma_wait3A_222 : memref<1x128xi32, #tpu.memory_space<vmem>> -> memref<128xi32, #tpu.memory_space<vmem>>
      %dma_wait3A_224 = arith.constant 0 : i32
      %dma_wait3A_225 = arith.constant 0 : i32
      %dma_wait3A_226 = tpu.memref_slice %arg2[%dma_wait3A_224, %dma_wait3A_225] : memref<10240x128xf32, #tpu.memory_space<hbm>> -> memref<10240x128xf32, #tpu.memory_space<hbm>>
      %dma_wait3A_227 = tpu.memref_slice %arg12[%dma_wait3A_216] : memref<2x!tpu.dma_semaphore, #tpu.memory_space<semaphore_mem>> -> memref<1x!tpu.dma_semaphore, #tpu.memory_space<semaphore_mem>>
      %dma_wait3A_228 = tpu.memref_squeeze %dma_wait3A_227 : memref<1x!tpu.dma_semaphore, #tpu.memory_space<semaphore_mem>> -> memref<!tpu.dma_semaphore, #tpu.memory_space<semaphore_mem>>
      tpu.wait_indirect_dma semaphore(%dma_wait3A_228 : memref<!tpu.dma_semaphore, #tpu.memory_space<semaphore_mem>>) src(%dma_wait3A_226 : memref<10240x128xf32, #tpu.memory_space<hbm>>) dst(%dma_wait3A_220 : memref<128x128xf32, #tpu.memory_space<vmem>>)
      %add3A_229 = arith.constant 0 : i32
      %add3A_230 = arith.addi %add3A_229, %add3A_194 : i32
      %sub3A_231 = arith.constant 1 : i32
      %sub3A_232 = arith.subi %add3A_230, %sub3A_231 : i32
      %dma_start3A_233 = arith.constant 0 : i32
      %dma_start3A_234 = arith.constant 0 : i32
      %dma_start3A_235 = arith.constant 0 : i32
      %dma_start3A_236 = arith.constant 0 : i32
      %dma_start3A_237 = tpu.memref_slice %arg9[%dma_start3A_233, %dma_start3A_235, %dma_start3A_236] : memref<2x128x128xf32, #tpu.memory_space<vmem>> -> memref<1x128x128xf32, #tpu.memory_space<vmem>>
      %dma_start3A_238 = tpu.memref_squeeze %dma_start3A_237 : memref<1x128x128xf32, #tpu.memory_space<vmem>> -> memref<128x128xf32, #tpu.memory_space<vmem>>
      %dma_start3A_239 = arith.constant 0 : i32
      %dma_start3A_240 = tpu.memref_slice %arg8[%sub3A_232, %dma_start3A_239] : memref<80x128xi32, #tpu.memory_space<vmem>> -> memref<1x128xi32, #tpu.memory_space<vmem>>
      %dma_start3A_241 = tpu.memref_squeeze %dma_start3A_240 : memref<1x128xi32, #tpu.memory_space<vmem>> -> memref<128xi32, #tpu.memory_space<vmem>>
      %dma_start3A_242 = arith.constant 0 : i32
      %dma_start3A_243 = arith.constant 0 : i32
      %dma_start3A_244 = tpu.memref_slice %arg10[%dma_start3A_242, %dma_start3A_243] : memref<10240x128xf32, #tpu.memory_space<vmem_shared>> -> memref<10240x128xf32, #tpu.memory_space<vmem_shared>>
      %dma_start3A_245 = tpu.memref_slice %arg13[%dma_start3A_234] : memref<2x!tpu.dma_semaphore, #tpu.memory_space<semaphore_mem>> -> memref<1x!tpu.dma_semaphore, #tpu.memory_space<semaphore_mem>>
      %dma_start3A_246 = tpu.memref_squeeze %dma_start3A_245 : memref<1x!tpu.dma_semaphore, #tpu.memory_space<semaphore_mem>> -> memref<!tpu.dma_semaphore, #tpu.memory_space<semaphore_mem>>
      tpu.enqueue_indirect_dma source(%dma_start3A_238 : memref<128x128xf32, #tpu.memory_space<vmem>>) target(%dma_start3A_244 : memref<10240x128xf32, #tpu.memory_space<vmem_shared>>) offsets(%dma_start3A_241 : memref<128xi32, #tpu.memory_space<vmem>>) semaphore(%dma_start3A_246 : memref<!tpu.dma_semaphore, #tpu.memory_space<semaphore_mem>>) {add = true}
    }
    %scan3A_37 = arith.constant 20 : i32
    %dma_wait3A_38 = arith.constant 39 : i32
    %dma_wait3A_39 = arith.constant 1 : i32
    %dma_wait3A_40 = arith.constant 1 : i32
    %dma_wait3A_41 = arith.constant 0 : i32
    %dma_wait3A_42 = arith.constant 0 : i32
    %dma_wait3A_43 = tpu.memref_slice %arg9[%dma_wait3A_39, %dma_wait3A_41, %dma_wait3A_42] : memref<2x128x128xf32, #tpu.memory_space<vmem>> -> memref<1x128x128xf32, #tpu.memory_space<vmem>>
    %dma_wait3A_44 = tpu.memref_squeeze %dma_wait3A_43 : memref<1x128x128xf32, #tpu.memory_space<vmem>> -> memref<128x128xf32, #tpu.memory_space<vmem>>
    %dma_wait3A_45 = arith.constant 0 : i32
    %dma_wait3A_46 = tpu.memref_slice %arg7[%dma_wait3A_38, %dma_wait3A_45] : memref<40x128xi32, #tpu.memory_space<vmem>> -> memref<1x128xi32, #tpu.memory_space<vmem>>
    %dma_wait3A_47 = tpu.memref_squeeze %dma_wait3A_46 : memref<1x128xi32, #tpu.memory_space<vmem>> -> memref<128xi32, #tpu.memory_space<vmem>>
    %dma_wait3A_48 = arith.constant 0 : i32
    %dma_wait3A_49 = arith.constant 0 : i32
    %dma_wait3A_50 = tpu.memref_slice %arg2[%dma_wait3A_48, %dma_wait3A_49] : memref<10240x128xf32, #tpu.memory_space<hbm>> -> memref<10240x128xf32, #tpu.memory_space<hbm>>
    %dma_wait3A_51 = tpu.memref_slice %arg12[%dma_wait3A_40] : memref<2x!tpu.dma_semaphore, #tpu.memory_space<semaphore_mem>> -> memref<1x!tpu.dma_semaphore, #tpu.memory_space<semaphore_mem>>
    %dma_wait3A_52 = tpu.memref_squeeze %dma_wait3A_51 : memref<1x!tpu.dma_semaphore, #tpu.memory_space<semaphore_mem>> -> memref<!tpu.dma_semaphore, #tpu.memory_space<semaphore_mem>>
    tpu.wait_indirect_dma semaphore(%dma_wait3A_52 : memref<!tpu.dma_semaphore, #tpu.memory_space<semaphore_mem>>) src(%dma_wait3A_50 : memref<10240x128xf32, #tpu.memory_space<hbm>>) dst(%dma_wait3A_44 : memref<128x128xf32, #tpu.memory_space<vmem>>)
    %dma_start3A_53 = arith.constant 1 : i32
    %dma_start3A_54 = arith.constant 39 : i32
    %dma_start3A_55 = arith.constant 1 : i32
    %dma_start3A_56 = arith.constant 0 : i32
    %dma_start3A_57 = arith.constant 0 : i32
    %dma_start3A_58 = tpu.memref_slice %arg9[%dma_start3A_53, %dma_start3A_56, %dma_start3A_57] : memref<2x128x128xf32, #tpu.memory_space<vmem>> -> memref<1x128x128xf32, #tpu.memory_space<vmem>>
    %dma_start3A_59 = tpu.memref_squeeze %dma_start3A_58 : memref<1x128x128xf32, #tpu.memory_space<vmem>> -> memref<128x128xf32, #tpu.memory_space<vmem>>
    %dma_start3A_60 = arith.constant 0 : i32
    %dma_start3A_61 = tpu.memref_slice %arg8[%dma_start3A_54, %dma_start3A_60] : memref<80x128xi32, #tpu.memory_space<vmem>> -> memref<1x128xi32, #tpu.memory_space<vmem>>
    %dma_start3A_62 = tpu.memref_squeeze %dma_start3A_61 : memref<1x128xi32, #tpu.memory_space<vmem>> -> memref<128xi32, #tpu.memory_space<vmem>>
    %dma_start3A_63 = arith.constant 0 : i32
    %dma_start3A_64 = arith.constant 0 : i32
    %dma_start3A_65 = tpu.memref_slice %arg10[%dma_start3A_63, %dma_start3A_64] : memref<10240x128xf32, #tpu.memory_space<vmem_shared>> -> memref<10240x128xf32, #tpu.memory_space<vmem_shared>>
    %dma_start3A_66 = tpu.memref_slice %arg13[%dma_start3A_55] : memref<2x!tpu.dma_semaphore, #tpu.memory_space<semaphore_mem>> -> memref<1x!tpu.dma_semaphore, #tpu.memory_space<semaphore_mem>>
    %dma_start3A_67 = tpu.memref_squeeze %dma_start3A_66 : memref<1x!tpu.dma_semaphore, #tpu.memory_space<semaphore_mem>> -> memref<!tpu.dma_semaphore, #tpu.memory_space<semaphore_mem>>
    tpu.enqueue_indirect_dma source(%dma_start3A_59 : memref<128x128xf32, #tpu.memory_space<vmem>>) target(%dma_start3A_65 : memref<10240x128xf32, #tpu.memory_space<vmem_shared>>) offsets(%dma_start3A_62 : memref<128xi32, #tpu.memory_space<vmem>>) semaphore(%dma_start3A_67 : memref<!tpu.dma_semaphore, #tpu.memory_space<semaphore_mem>>) {add = true}
    %dma_wait3A_68 = arith.constant 0 : i32
    %dma_wait3A_69 = arith.constant 38 : i32
    %dma_wait3A_70 = arith.constant 0 : i32
    %dma_wait3A_71 = arith.constant 0 : i32
    %dma_wait3A_72 = arith.constant 0 : i32
    %dma_wait3A_73 = tpu.memref_slice %arg9[%dma_wait3A_68, %dma_wait3A_71, %dma_wait3A_72] : memref<2x128x128xf32, #tpu.memory_space<vmem>> -> memref<1x128x128xf32, #tpu.memory_space<vmem>>
    %dma_wait3A_74 = tpu.memref_squeeze %dma_wait3A_73 : memref<1x128x128xf32, #tpu.memory_space<vmem>> -> memref<128x128xf32, #tpu.memory_space<vmem>>
    %dma_wait3A_75 = arith.constant 0 : i32
    %dma_wait3A_76 = tpu.memref_slice %arg8[%dma_wait3A_69, %dma_wait3A_75] : memref<80x128xi32, #tpu.memory_space<vmem>> -> memref<1x128xi32, #tpu.memory_space<vmem>>
    %dma_wait3A_77 = tpu.memref_squeeze %dma_wait3A_76 : memref<1x128xi32, #tpu.memory_space<vmem>> -> memref<128xi32, #tpu.memory_space<vmem>>
    %dma_wait3A_78 = arith.constant 0 : i32
    %dma_wait3A_79 = arith.constant 0 : i32
    %dma_wait3A_80 = tpu.memref_slice %arg10[%dma_wait3A_78, %dma_wait3A_79] : memref<10240x128xf32, #tpu.memory_space<vmem_shared>> -> memref<10240x128xf32, #tpu.memory_space<vmem_shared>>
    %dma_wait3A_81 = tpu.memref_slice %arg13[%dma_wait3A_70] : memref<2x!tpu.dma_semaphore, #tpu.memory_space<semaphore_mem>> -> memref<1x!tpu.dma_semaphore, #tpu.memory_space<semaphore_mem>>
    %dma_wait3A_82 = tpu.memref_squeeze %dma_wait3A_81 : memref<1x!tpu.dma_semaphore, #tpu.memory_space<semaphore_mem>> -> memref<!tpu.dma_semaphore, #tpu.memory_space<semaphore_mem>>
    tpu.wait_indirect_dma semaphore(%dma_wait3A_82 : memref<!tpu.dma_semaphore, #tpu.memory_space<semaphore_mem>>) src(%dma_wait3A_74 : memref<128x128xf32, #tpu.memory_space<vmem>>) dst(%dma_wait3A_80 : memref<10240x128xf32, #tpu.memory_space<vmem_shared>>)
    %dma_wait3A_83 = arith.constant 1 : i32
    %dma_wait3A_84 = arith.constant 39 : i32
    %dma_wait3A_85 = arith.constant 1 : i32
    %dma_wait3A_86 = arith.constant 0 : i32
    %dma_wait3A_87 = arith.constant 0 : i32
    %dma_wait3A_88 = tpu.memref_slice %arg9[%dma_wait3A_83, %dma_wait3A_86, %dma_wait3A_87] : memref<2x128x128xf32, #tpu.memory_space<vmem>> -> memref<1x128x128xf32, #tpu.memory_space<vmem>>
    %dma_wait3A_89 = tpu.memref_squeeze %dma_wait3A_88 : memref<1x128x128xf32, #tpu.memory_space<vmem>> -> memref<128x128xf32, #tpu.memory_space<vmem>>
    %dma_wait3A_90 = arith.constant 0 : i32
    %dma_wait3A_91 = tpu.memref_slice %arg8[%dma_wait3A_84, %dma_wait3A_90] : memref<80x128xi32, #tpu.memory_space<vmem>> -> memref<1x128xi32, #tpu.memory_space<vmem>>
    %dma_wait3A_92 = tpu.memref_squeeze %dma_wait3A_91 : memref<1x128xi32, #tpu.memory_space<vmem>> -> memref<128xi32, #tpu.memory_space<vmem>>
    %dma_wait3A_93 = arith.constant 0 : i32
    %dma_wait3A_94 = arith.constant 0 : i32
    %dma_wait3A_95 = tpu.memref_slice %arg10[%dma_wait3A_93, %dma_wait3A_94] : memref<10240x128xf32, #tpu.memory_space<vmem_shared>> -> memref<10240x128xf32, #tpu.memory_space<vmem_shared>>
    %dma_wait3A_96 = tpu.memref_slice %arg13[%dma_wait3A_85] : memref<2x!tpu.dma_semaphore, #tpu.memory_space<semaphore_mem>> -> memref<1x!tpu.dma_semaphore, #tpu.memory_space<semaphore_mem>>
    %dma_wait3A_97 = tpu.memref_squeeze %dma_wait3A_96 : memref<1x!tpu.dma_semaphore, #tpu.memory_space<semaphore_mem>> -> memref<!tpu.dma_semaphore, #tpu.memory_space<semaphore_mem>>
    tpu.wait_indirect_dma semaphore(%dma_wait3A_97 : memref<!tpu.dma_semaphore, #tpu.memory_space<semaphore_mem>>) src(%dma_wait3A_89 : memref<128x128xf32, #tpu.memory_space<vmem>>) dst(%dma_wait3A_95 : memref<10240x128xf32, #tpu.memory_space<vmem_shared>>)
    "tpu.region"() ({
      %run_scoped3A = tpu.sem_alloc : memref<!tpu.dma_semaphore, #tpu.memory_space<semaphore_mem>>
      %dma_start3A_165 = arith.constant 40 : i32
      %dma_start3A_166 = arith.constant 0 : i32
      %dma_start3A_167 = tpu.memref_slice %arg3[%add3A, %dma_start3A_165, %dma_start3A_166] : memref<32x80x128xi32, #tpu.memory_space<hbm>> -> memref<1x40x128xi32, #tpu.memory_space<hbm>>
      %dma_start3A_168 = tpu.memref_squeeze %dma_start3A_167 : memref<1x40x128xi32, #tpu.memory_space<hbm>> -> memref<40x128xi32, #tpu.memory_space<hbm>>
      %dma_start3A_169 = arith.constant 40 : i32
      %dma_start3A_170 = arith.constant 0 : i32
      %dma_start3A_171 = tpu.memref_slice %arg3[%add3A, %dma_start3A_169, %dma_start3A_170] : memref<32x80x128xi32, #tpu.memory_space<hbm>> -> memref<1x40x128xi32, #tpu.memory_space<hbm>>
      %dma_start3A_172 = tpu.memref_squeeze %dma_start3A_171 : memref<1x40x128xi32, #tpu.memory_space<hbm>> -> memref<40x128xi32, #tpu.memory_space<hbm>>
      tpu.enqueue_dma source(%dma_start3A_172 : memref<40x128xi32, #tpu.memory_space<hbm>>) target(%arg7 : memref<40x128xi32, #tpu.memory_space<vmem>>) target_semaphore(%run_scoped3A : memref<!tpu.dma_semaphore, #tpu.memory_space<semaphore_mem>>)
      %dma_wait3A_173 = arith.constant 40 : i32
      %dma_wait3A_174 = arith.constant 0 : i32
      %dma_wait3A_175 = tpu.memref_slice %arg3[%add3A, %dma_wait3A_173, %dma_wait3A_174] : memref<32x80x128xi32, #tpu.memory_space<hbm>> -> memref<1x40x128xi32, #tpu.memory_space<hbm>>
      %dma_wait3A_176 = tpu.memref_squeeze %dma_wait3A_175 : memref<1x40x128xi32, #tpu.memory_space<hbm>> -> memref<40x128xi32, #tpu.memory_space<hbm>>
      %dma_wait3A_177 = arith.constant 40 : i32
      %dma_wait3A_178 = arith.constant 0 : i32
      %dma_wait3A_179 = tpu.memref_slice %arg3[%add3A, %dma_wait3A_177, %dma_wait3A_178] : memref<32x80x128xi32, #tpu.memory_space<hbm>> -> memref<1x40x128xi32, #tpu.memory_space<hbm>>
      %dma_wait3A_180 = tpu.memref_squeeze %dma_wait3A_179 : memref<1x40x128xi32, #tpu.memory_space<hbm>> -> memref<40x128xi32, #tpu.memory_space<hbm>>
      tpu.wait_dma2 semaphore(%run_scoped3A : memref<!tpu.dma_semaphore, #tpu.memory_space<semaphore_mem>>) src(%dma_wait3A_180 : memref<40x128xi32, #tpu.memory_space<hbm>>) dst(%arg7 : memref<40x128xi32, #tpu.memory_space<vmem>>)
      tpu.yield
    }) : () -> ()
    %scan3A_98 = arith.constant 0 : i32
    %scan3A_99 = arith.constant 0 : i32
    %scan3A_100 = arith.constant 20 : i32
    %scan3A_101 = arith.addi %scan3A_99, %scan3A_100 : i32
    %scan3A_102 = arith.constant 1 : i32
    scf.for %scan3A_165 = %scan3A_99 to %scan3A_101 step %scan3A_102  : i32 {
      %mul3A_166 = arith.constant 2 : i32
      %mul3A_167 = arith.muli %scan3A_165, %mul3A_166 : i32
      %add3A_168 = arith.constant 0 : i32
      %add3A_169 = arith.addi %mul3A_167, %add3A_168 : i32
      %gt3A = arith.constant 0 : i32
      %gt3A_170 = arith.cmpi sgt, %scan3A_165, %gt3A : i32
      %convert_element_type3A = arith.extui %gt3A_170 : i1 to i32
      %cond3A = arith.constant 0 : i32
      %cond3A_171 = arith.cmpi ne, %convert_element_type3A, %cond3A : i32
      scf.if %cond3A_171 {
        %add3A_247 = arith.constant 40 : i32
        %add3A_248 = arith.addi %add3A_247, %add3A_169 : i32
        %sub3A_249 = arith.constant 2 : i32
        %sub3A_250 = arith.subi %add3A_248, %sub3A_249 : i32
        %dma_wait3A_251 = arith.constant 0 : i32
        %dma_wait3A_252 = arith.constant 0 : i32
        %dma_wait3A_253 = arith.constant 0 : i32
        %dma_wait3A_254 = arith.constant 0 : i32
        %dma_wait3A_255 = tpu.memref_slice %arg9[%dma_wait3A_251, %dma_wait3A_253, %dma_wait3A_254] : memref<2x128x128xf32, #tpu.memory_space<vmem>> -> memref<1x128x128xf32, #tpu.memory_space<vmem>>
        %dma_wait3A_256 = tpu.memref_squeeze %dma_wait3A_255 : memref<1x128x128xf32, #tpu.memory_space<vmem>> -> memref<128x128xf32, #tpu.memory_space<vmem>>
        %dma_wait3A_257 = arith.constant 0 : i32
        %dma_wait3A_258 = tpu.memref_slice %arg8[%sub3A_250, %dma_wait3A_257] : memref<80x128xi32, #tpu.memory_space<vmem>> -> memref<1x128xi32, #tpu.memory_space<vmem>>
        %dma_wait3A_259 = tpu.memref_squeeze %dma_wait3A_258 : memref<1x128xi32, #tpu.memory_space<vmem>> -> memref<128xi32, #tpu.memory_space<vmem>>
        %dma_wait3A_260 = arith.constant 0 : i32
        %dma_wait3A_261 = arith.constant 0 : i32
        %dma_wait3A_262 = tpu.memref_slice %arg10[%dma_wait3A_260, %dma_wait3A_261] : memref<10240x128xf32, #tpu.memory_space<vmem_shared>> -> memref<10240x128xf32, #tpu.memory_space<vmem_shared>>
        %dma_wait3A_263 = tpu.memref_slice %arg13[%dma_wait3A_252] : memref<2x!tpu.dma_semaphore, #tpu.memory_space<semaphore_mem>> -> memref<1x!tpu.dma_semaphore, #tpu.memory_space<semaphore_mem>>
        %dma_wait3A_264 = tpu.memref_squeeze %dma_wait3A_263 : memref<1x!tpu.dma_semaphore, #tpu.memory_space<semaphore_mem>> -> memref<!tpu.dma_semaphore, #tpu.memory_space<semaphore_mem>>
        tpu.wait_indirect_dma semaphore(%dma_wait3A_264 : memref<!tpu.dma_semaphore, #tpu.memory_space<semaphore_mem>>) src(%dma_wait3A_256 : memref<128x128xf32, #tpu.memory_space<vmem>>) dst(%dma_wait3A_262 : memref<10240x128xf32, #tpu.memory_space<vmem_shared>>)
      } else {
      }
      %dma_start3A_172 = arith.constant 0 : i32
      %dma_start3A_173 = arith.constant 0 : i32
      %dma_start3A_174 = arith.constant 0 : i32
      %dma_start3A_175 = arith.constant 0 : i32
      %dma_start3A_176 = tpu.memref_slice %arg9[%dma_start3A_172, %dma_start3A_174, %dma_start3A_175] : memref<2x128x128xf32, #tpu.memory_space<vmem>> -> memref<1x128x128xf32, #tpu.memory_space<vmem>>
      %dma_start3A_177 = tpu.memref_squeeze %dma_start3A_176 : memref<1x128x128xf32, #tpu.memory_space<vmem>> -> memref<128x128xf32, #tpu.memory_space<vmem>>
      %dma_start3A_178 = arith.constant 0 : i32
      %dma_start3A_179 = tpu.memref_slice %arg7[%add3A_169, %dma_start3A_178] : memref<40x128xi32, #tpu.memory_space<vmem>> -> memref<1x128xi32, #tpu.memory_space<vmem>>
      %dma_start3A_180 = tpu.memref_squeeze %dma_start3A_179 : memref<1x128xi32, #tpu.memory_space<vmem>> -> memref<128xi32, #tpu.memory_space<vmem>>
      %dma_start3A_181 = arith.constant 0 : i32
      %dma_start3A_182 = arith.constant 0 : i32
      %dma_start3A_183 = tpu.memref_slice %arg2[%dma_start3A_181, %dma_start3A_182] : memref<10240x128xf32, #tpu.memory_space<hbm>> -> memref<10240x128xf32, #tpu.memory_space<hbm>>
      %dma_start3A_184 = tpu.memref_slice %arg12[%dma_start3A_173] : memref<2x!tpu.dma_semaphore, #tpu.memory_space<semaphore_mem>> -> memref<1x!tpu.dma_semaphore, #tpu.memory_space<semaphore_mem>>
      %dma_start3A_185 = tpu.memref_squeeze %dma_start3A_184 : memref<1x!tpu.dma_semaphore, #tpu.memory_space<semaphore_mem>> -> memref<!tpu.dma_semaphore, #tpu.memory_space<semaphore_mem>>
      tpu.enqueue_indirect_dma source(%dma_start3A_183 : memref<10240x128xf32, #tpu.memory_space<hbm>>) target(%dma_start3A_177 : memref<128x128xf32, #tpu.memory_space<vmem>>) offsets(%dma_start3A_180 : memref<128xi32, #tpu.memory_space<vmem>>) semaphore(%dma_start3A_185 : memref<!tpu.dma_semaphore, #tpu.memory_space<semaphore_mem>>)
      %gt3A_186 = arith.constant 0 : i32
      %gt3A_187 = arith.cmpi sgt, %scan3A_165, %gt3A_186 : i32
      %convert_element_type3A_188 = arith.extui %gt3A_187 : i1 to i32
      %cond3A_189 = arith.constant 0 : i32
      %cond3A_190 = arith.cmpi ne, %convert_element_type3A_188, %cond3A_189 : i32
      scf.if %cond3A_190 {
        %sub3A_247 = arith.constant 1 : i32
        %sub3A_248 = arith.subi %add3A_169, %sub3A_247 : i32
        %dma_wait3A_249 = arith.constant 1 : i32
        %dma_wait3A_250 = arith.constant 1 : i32
        %dma_wait3A_251 = arith.constant 0 : i32
        %dma_wait3A_252 = arith.constant 0 : i32
        %dma_wait3A_253 = tpu.memref_slice %arg9[%dma_wait3A_249, %dma_wait3A_251, %dma_wait3A_252] : memref<2x128x128xf32, #tpu.memory_space<vmem>> -> memref<1x128x128xf32, #tpu.memory_space<vmem>>
        %dma_wait3A_254 = tpu.memref_squeeze %dma_wait3A_253 : memref<1x128x128xf32, #tpu.memory_space<vmem>> -> memref<128x128xf32, #tpu.memory_space<vmem>>
        %dma_wait3A_255 = arith.constant 0 : i32
        %dma_wait3A_256 = tpu.memref_slice %arg7[%sub3A_248, %dma_wait3A_255] : memref<40x128xi32, #tpu.memory_space<vmem>> -> memref<1x128xi32, #tpu.memory_space<vmem>>
        %dma_wait3A_257 = tpu.memref_squeeze %dma_wait3A_256 : memref<1x128xi32, #tpu.memory_space<vmem>> -> memref<128xi32, #tpu.memory_space<vmem>>
        %dma_wait3A_258 = arith.constant 0 : i32
        %dma_wait3A_259 = arith.constant 0 : i32
        %dma_wait3A_260 = tpu.memref_slice %arg2[%dma_wait3A_258, %dma_wait3A_259] : memref<10240x128xf32, #tpu.memory_space<hbm>> -> memref<10240x128xf32, #tpu.memory_space<hbm>>
        %dma_wait3A_261 = tpu.memref_slice %arg12[%dma_wait3A_250] : memref<2x!tpu.dma_semaphore, #tpu.memory_space<semaphore_mem>> -> memref<1x!tpu.dma_semaphore, #tpu.memory_space<semaphore_mem>>
        %dma_wait3A_262 = tpu.memref_squeeze %dma_wait3A_261 : memref<1x!tpu.dma_semaphore, #tpu.memory_space<semaphore_mem>> -> memref<!tpu.dma_semaphore, #tpu.memory_space<semaphore_mem>>
        tpu.wait_indirect_dma semaphore(%dma_wait3A_262 : memref<!tpu.dma_semaphore, #tpu.memory_space<semaphore_mem>>) src(%dma_wait3A_260 : memref<10240x128xf32, #tpu.memory_space<hbm>>) dst(%dma_wait3A_254 : memref<128x128xf32, #tpu.memory_space<vmem>>)
        %add3A_263 = arith.constant 40 : i32
        %add3A_264 = arith.addi %add3A_263, %add3A_169 : i32
        %sub3A_265 = arith.constant 1 : i32
        %sub3A_266 = arith.subi %add3A_264, %sub3A_265 : i32
        %dma_start3A_267 = arith.constant 1 : i32
        %dma_start3A_268 = arith.constant 1 : i32
        %dma_start3A_269 = arith.constant 0 : i32
        %dma_start3A_270 = arith.constant 0 : i32
        %dma_start3A_271 = tpu.memref_slice %arg9[%dma_start3A_267, %dma_start3A_269, %dma_start3A_270] : memref<2x128x128xf32, #tpu.memory_space<vmem>> -> memref<1x128x128xf32, #tpu.memory_space<vmem>>
        %dma_start3A_272 = tpu.memref_squeeze %dma_start3A_271 : memref<1x128x128xf32, #tpu.memory_space<vmem>> -> memref<128x128xf32, #tpu.memory_space<vmem>>
        %dma_start3A_273 = arith.constant 0 : i32
        %dma_start3A_274 = tpu.memref_slice %arg8[%sub3A_266, %dma_start3A_273] : memref<80x128xi32, #tpu.memory_space<vmem>> -> memref<1x128xi32, #tpu.memory_space<vmem>>
        %dma_start3A_275 = tpu.memref_squeeze %dma_start3A_274 : memref<1x128xi32, #tpu.memory_space<vmem>> -> memref<128xi32, #tpu.memory_space<vmem>>
        %dma_start3A_276 = arith.constant 0 : i32
        %dma_start3A_277 = arith.constant 0 : i32
        %dma_start3A_278 = tpu.memref_slice %arg10[%dma_start3A_276, %dma_start3A_277] : memref<10240x128xf32, #tpu.memory_space<vmem_shared>> -> memref<10240x128xf32, #tpu.memory_space<vmem_shared>>
        %dma_start3A_279 = tpu.memref_slice %arg13[%dma_start3A_268] : memref<2x!tpu.dma_semaphore, #tpu.memory_space<semaphore_mem>> -> memref<1x!tpu.dma_semaphore, #tpu.memory_space<semaphore_mem>>
        %dma_start3A_280 = tpu.memref_squeeze %dma_start3A_279 : memref<1x!tpu.dma_semaphore, #tpu.memory_space<semaphore_mem>> -> memref<!tpu.dma_semaphore, #tpu.memory_space<semaphore_mem>>
        tpu.enqueue_indirect_dma source(%dma_start3A_272 : memref<128x128xf32, #tpu.memory_space<vmem>>) target(%dma_start3A_278 : memref<10240x128xf32, #tpu.memory_space<vmem_shared>>) offsets(%dma_start3A_275 : memref<128xi32, #tpu.memory_space<vmem>>) semaphore(%dma_start3A_280 : memref<!tpu.dma_semaphore, #tpu.memory_space<semaphore_mem>>) {add = true}
      } else {
      }
      %mul3A_191 = arith.constant 2 : i32
      %mul3A_192 = arith.muli %scan3A_165, %mul3A_191 : i32
      %add3A_193 = arith.constant 1 : i32
      %add3A_194 = arith.addi %mul3A_192, %add3A_193 : i32
      %gt3A_195 = arith.constant 0 : i32
      %gt3A_196 = arith.cmpi sgt, %scan3A_165, %gt3A_195 : i32
      %convert_element_type3A_197 = arith.extui %gt3A_196 : i1 to i32
      %cond3A_198 = arith.constant 0 : i32
      %cond3A_199 = arith.cmpi ne, %convert_element_type3A_197, %cond3A_198 : i32
      scf.if %cond3A_199 {
        %add3A_247 = arith.constant 40 : i32
        %add3A_248 = arith.addi %add3A_247, %add3A_194 : i32
        %sub3A_249 = arith.constant 2 : i32
        %sub3A_250 = arith.subi %add3A_248, %sub3A_249 : i32
        %dma_wait3A_251 = arith.constant 1 : i32
        %dma_wait3A_252 = arith.constant 1 : i32
        %dma_wait3A_253 = arith.constant 0 : i32
        %dma_wait3A_254 = arith.constant 0 : i32
        %dma_wait3A_255 = tpu.memref_slice %arg9[%dma_wait3A_251, %dma_wait3A_253, %dma_wait3A_254] : memref<2x128x128xf32, #tpu.memory_space<vmem>> -> memref<1x128x128xf32, #tpu.memory_space<vmem>>
        %dma_wait3A_256 = tpu.memref_squeeze %dma_wait3A_255 : memref<1x128x128xf32, #tpu.memory_space<vmem>> -> memref<128x128xf32, #tpu.memory_space<vmem>>
        %dma_wait3A_257 = arith.constant 0 : i32
        %dma_wait3A_258 = tpu.memref_slice %arg8[%sub3A_250, %dma_wait3A_257] : memref<80x128xi32, #tpu.memory_space<vmem>> -> memref<1x128xi32, #tpu.memory_space<vmem>>
        %dma_wait3A_259 = tpu.memref_squeeze %dma_wait3A_258 : memref<1x128xi32, #tpu.memory_space<vmem>> -> memref<128xi32, #tpu.memory_space<vmem>>
        %dma_wait3A_260 = arith.constant 0 : i32
        %dma_wait3A_261 = arith.constant 0 : i32
        %dma_wait3A_262 = tpu.memref_slice %arg10[%dma_wait3A_260, %dma_wait3A_261] : memref<10240x128xf32, #tpu.memory_space<vmem_shared>> -> memref<10240x128xf32, #tpu.memory_space<vmem_shared>>
        %dma_wait3A_263 = tpu.memref_slice %arg13[%dma_wait3A_252] : memref<2x!tpu.dma_semaphore, #tpu.memory_space<semaphore_mem>> -> memref<1x!tpu.dma_semaphore, #tpu.memory_space<semaphore_mem>>
        %dma_wait3A_264 = tpu.memref_squeeze %dma_wait3A_263 : memref<1x!tpu.dma_semaphore, #tpu.memory_space<semaphore_mem>> -> memref<!tpu.dma_semaphore, #tpu.memory_space<semaphore_mem>>
        tpu.wait_indirect_dma semaphore(%dma_wait3A_264 : memref<!tpu.dma_semaphore, #tpu.memory_space<semaphore_mem>>) src(%dma_wait3A_256 : memref<128x128xf32, #tpu.memory_space<vmem>>) dst(%dma_wait3A_262 : memref<10240x128xf32, #tpu.memory_space<vmem_shared>>)
      } else {
      }
      %dma_start3A_200 = arith.constant 1 : i32
      %dma_start3A_201 = arith.constant 1 : i32
      %dma_start3A_202 = arith.constant 0 : i32
      %dma_start3A_203 = arith.constant 0 : i32
      %dma_start3A_204 = tpu.memref_slice %arg9[%dma_start3A_200, %dma_start3A_202, %dma_start3A_203] : memref<2x128x128xf32, #tpu.memory_space<vmem>> -> memref<1x128x128xf32, #tpu.memory_space<vmem>>
      %dma_start3A_205 = tpu.memref_squeeze %dma_start3A_204 : memref<1x128x128xf32, #tpu.memory_space<vmem>> -> memref<128x128xf32, #tpu.memory_space<vmem>>
      %dma_start3A_206 = arith.constant 0 : i32
      %dma_start3A_207 = tpu.memref_slice %arg7[%add3A_194, %dma_start3A_206] : memref<40x128xi32, #tpu.memory_space<vmem>> -> memref<1x128xi32, #tpu.memory_space<vmem>>
      %dma_start3A_208 = tpu.memref_squeeze %dma_start3A_207 : memref<1x128xi32, #tpu.memory_space<vmem>> -> memref<128xi32, #tpu.memory_space<vmem>>
      %dma_start3A_209 = arith.constant 0 : i32
      %dma_start3A_210 = arith.constant 0 : i32
      %dma_start3A_211 = tpu.memref_slice %arg2[%dma_start3A_209, %dma_start3A_210] : memref<10240x128xf32, #tpu.memory_space<hbm>> -> memref<10240x128xf32, #tpu.memory_space<hbm>>
      %dma_start3A_212 = tpu.memref_slice %arg12[%dma_start3A_201] : memref<2x!tpu.dma_semaphore, #tpu.memory_space<semaphore_mem>> -> memref<1x!tpu.dma_semaphore, #tpu.memory_space<semaphore_mem>>
      %dma_start3A_213 = tpu.memref_squeeze %dma_start3A_212 : memref<1x!tpu.dma_semaphore, #tpu.memory_space<semaphore_mem>> -> memref<!tpu.dma_semaphore, #tpu.memory_space<semaphore_mem>>
      tpu.enqueue_indirect_dma source(%dma_start3A_211 : memref<10240x128xf32, #tpu.memory_space<hbm>>) target(%dma_start3A_205 : memref<128x128xf32, #tpu.memory_space<vmem>>) offsets(%dma_start3A_208 : memref<128xi32, #tpu.memory_space<vmem>>) semaphore(%dma_start3A_213 : memref<!tpu.dma_semaphore, #tpu.memory_space<semaphore_mem>>)
      %sub3A = arith.constant 1 : i32
      %sub3A_214 = arith.subi %add3A_194, %sub3A : i32
      %dma_wait3A_215 = arith.constant 0 : i32
      %dma_wait3A_216 = arith.constant 0 : i32
      %dma_wait3A_217 = arith.constant 0 : i32
      %dma_wait3A_218 = arith.constant 0 : i32
      %dma_wait3A_219 = tpu.memref_slice %arg9[%dma_wait3A_215, %dma_wait3A_217, %dma_wait3A_218] : memref<2x128x128xf32, #tpu.memory_space<vmem>> -> memref<1x128x128xf32, #tpu.memory_space<vmem>>
      %dma_wait3A_220 = tpu.memref_squeeze %dma_wait3A_219 : memref<1x128x128xf32, #tpu.memory_space<vmem>> -> memref<128x128xf32, #tpu.memory_space<vmem>>
      %dma_wait3A_221 = arith.constant 0 : i32
      %dma_wait3A_222 = tpu.memref_slice %arg7[%sub3A_214, %dma_wait3A_221] : memref<40x128xi32, #tpu.memory_space<vmem>> -> memref<1x128xi32, #tpu.memory_space<vmem>>
      %dma_wait3A_223 = tpu.memref_squeeze %dma_wait3A_222 : memref<1x128xi32, #tpu.memory_space<vmem>> -> memref<128xi32, #tpu.memory_space<vmem>>
      %dma_wait3A_224 = arith.constant 0 : i32
      %dma_wait3A_225 = arith.constant 0 : i32
      %dma_wait3A_226 = tpu.memref_slice %arg2[%dma_wait3A_224, %dma_wait3A_225] : memref<10240x128xf32, #tpu.memory_space<hbm>> -> memref<10240x128xf32, #tpu.memory_space<hbm>>
      %dma_wait3A_227 = tpu.memref_slice %arg12[%dma_wait3A_216] : memref<2x!tpu.dma_semaphore, #tpu.memory_space<semaphore_mem>> -> memref<1x!tpu.dma_semaphore, #tpu.memory_space<semaphore_mem>>
      %dma_wait3A_228 = tpu.memref_squeeze %dma_wait3A_227 : memref<1x!tpu.dma_semaphore, #tpu.memory_space<semaphore_mem>> -> memref<!tpu.dma_semaphore, #tpu.memory_space<semaphore_mem>>
      tpu.wait_indirect_dma semaphore(%dma_wait3A_228 : memref<!tpu.dma_semaphore, #tpu.memory_space<semaphore_mem>>) src(%dma_wait3A_226 : memref<10240x128xf32, #tpu.memory_space<hbm>>) dst(%dma_wait3A_220 : memref<128x128xf32, #tpu.memory_space<vmem>>)
      %add3A_229 = arith.constant 40 : i32
      %add3A_230 = arith.addi %add3A_229, %add3A_194 : i32
      %sub3A_231 = arith.constant 1 : i32
      %sub3A_232 = arith.subi %add3A_230, %sub3A_231 : i32
      %dma_start3A_233 = arith.constant 0 : i32
      %dma_start3A_234 = arith.constant 0 : i32
      %dma_start3A_235 = arith.constant 0 : i32
      %dma_start3A_236 = arith.constant 0 : i32
      %dma_start3A_237 = tpu.memref_slice %arg9[%dma_start3A_233, %dma_start3A_235, %dma_start3A_236] : memref<2x128x128xf32, #tpu.memory_space<vmem>> -> memref<1x128x128xf32, #tpu.memory_space<vmem>>
      %dma_start3A_238 = tpu.memref_squeeze %dma_start3A_237 : memref<1x128x128xf32, #tpu.memory_space<vmem>> -> memref<128x128xf32, #tpu.memory_space<vmem>>
      %dma_start3A_239 = arith.constant 0 : i32
      %dma_start3A_240 = tpu.memref_slice %arg8[%sub3A_232, %dma_start3A_239] : memref<80x128xi32, #tpu.memory_space<vmem>> -> memref<1x128xi32, #tpu.memory_space<vmem>>
      %dma_start3A_241 = tpu.memref_squeeze %dma_start3A_240 : memref<1x128xi32, #tpu.memory_space<vmem>> -> memref<128xi32, #tpu.memory_space<vmem>>
      %dma_start3A_242 = arith.constant 0 : i32
      %dma_start3A_243 = arith.constant 0 : i32
      %dma_start3A_244 = tpu.memref_slice %arg10[%dma_start3A_242, %dma_start3A_243] : memref<10240x128xf32, #tpu.memory_space<vmem_shared>> -> memref<10240x128xf32, #tpu.memory_space<vmem_shared>>
      %dma_start3A_245 = tpu.memref_slice %arg13[%dma_start3A_234] : memref<2x!tpu.dma_semaphore, #tpu.memory_space<semaphore_mem>> -> memref<1x!tpu.dma_semaphore, #tpu.memory_space<semaphore_mem>>
      %dma_start3A_246 = tpu.memref_squeeze %dma_start3A_245 : memref<1x!tpu.dma_semaphore, #tpu.memory_space<semaphore_mem>> -> memref<!tpu.dma_semaphore, #tpu.memory_space<semaphore_mem>>
      tpu.enqueue_indirect_dma source(%dma_start3A_238 : memref<128x128xf32, #tpu.memory_space<vmem>>) target(%dma_start3A_244 : memref<10240x128xf32, #tpu.memory_space<vmem_shared>>) offsets(%dma_start3A_241 : memref<128xi32, #tpu.memory_space<vmem>>) semaphore(%dma_start3A_246 : memref<!tpu.dma_semaphore, #tpu.memory_space<semaphore_mem>>) {add = true}
    }
    %scan3A_103 = arith.constant 20 : i32
    %dma_wait3A_104 = arith.constant 39 : i32
    %dma_wait3A_105 = arith.constant 1 : i32
    %dma_wait3A_106 = arith.constant 1 : i32
    %dma_wait3A_107 = arith.constant 0 : i32
    %dma_wait3A_108 = arith.constant 0 : i32
    %dma_wait3A_109 = tpu.memref_slice %arg9[%dma_wait3A_105, %dma_wait3A_107, %dma_wait3A_108] : memref<2x128x128xf32, #tpu.memory_space<vmem>> -> memref<1x128x128xf32, #tpu.memory_space<vmem>>
    %dma_wait3A_110 = tpu.memref_squeeze %dma_wait3A_109 : memref<1x128x128xf32, #tpu.memory_space<vmem>> -> memref<128x128xf32, #tpu.memory_space<vmem>>
    %dma_wait3A_111 = arith.constant 0 : i32
    %dma_wait3A_112 = tpu.memref_slice %arg7[%dma_wait3A_104, %dma_wait3A_111] : memref<40x128xi32, #tpu.memory_space<vmem>> -> memref<1x128xi32, #tpu.memory_space<vmem>>
    %dma_wait3A_113 = tpu.memref_squeeze %dma_wait3A_112 : memref<1x128xi32, #tpu.memory_space<vmem>> -> memref<128xi32, #tpu.memory_space<vmem>>
    %dma_wait3A_114 = arith.constant 0 : i32
    %dma_wait3A_115 = arith.constant 0 : i32
    %dma_wait3A_116 = tpu.memref_slice %arg2[%dma_wait3A_114, %dma_wait3A_115] : memref<10240x128xf32, #tpu.memory_space<hbm>> -> memref<10240x128xf32, #tpu.memory_space<hbm>>
    %dma_wait3A_117 = tpu.memref_slice %arg12[%dma_wait3A_106] : memref<2x!tpu.dma_semaphore, #tpu.memory_space<semaphore_mem>> -> memref<1x!tpu.dma_semaphore, #tpu.memory_space<semaphore_mem>>
    %dma_wait3A_118 = tpu.memref_squeeze %dma_wait3A_117 : memref<1x!tpu.dma_semaphore, #tpu.memory_space<semaphore_mem>> -> memref<!tpu.dma_semaphore, #tpu.memory_space<semaphore_mem>>
    tpu.wait_indirect_dma semaphore(%dma_wait3A_118 : memref<!tpu.dma_semaphore, #tpu.memory_space<semaphore_mem>>) src(%dma_wait3A_116 : memref<10240x128xf32, #tpu.memory_space<hbm>>) dst(%dma_wait3A_110 : memref<128x128xf32, #tpu.memory_space<vmem>>)
    %dma_start3A_119 = arith.constant 1 : i32
    %dma_start3A_120 = arith.constant 79 : i32
    %dma_start3A_121 = arith.constant 1 : i32
    %dma_start3A_122 = arith.constant 0 : i32
    %dma_start3A_123 = arith.constant 0 : i32
    %dma_start3A_124 = tpu.memref_slice %arg9[%dma_start3A_119, %dma_start3A_122, %dma_start3A_123] : memref<2x128x128xf32, #tpu.memory_space<vmem>> -> memref<1x128x128xf32, #tpu.memory_space<vmem>>
    %dma_start3A_125 = tpu.memref_squeeze %dma_start3A_124 : memref<1x128x128xf32, #tpu.memory_space<vmem>> -> memref<128x128xf32, #tpu.memory_space<vmem>>
    %dma_start3A_126 = arith.constant 0 : i32
    %dma_start3A_127 = tpu.memref_slice %arg8[%dma_start3A_120, %dma_start3A_126] : memref<80x128xi32, #tpu.memory_space<vmem>> -> memref<1x128xi32, #tpu.memory_space<vmem>>
    %dma_start3A_128 = tpu.memref_squeeze %dma_start3A_127 : memref<1x128xi32, #tpu.memory_space<vmem>> -> memref<128xi32, #tpu.memory_space<vmem>>
    %dma_start3A_129 = arith.constant 0 : i32
    %dma_start3A_130 = arith.constant 0 : i32
    %dma_start3A_131 = tpu.memref_slice %arg10[%dma_start3A_129, %dma_start3A_130] : memref<10240x128xf32, #tpu.memory_space<vmem_shared>> -> memref<10240x128xf32, #tpu.memory_space<vmem_shared>>
    %dma_start3A_132 = tpu.memref_slice %arg13[%dma_start3A_121] : memref<2x!tpu.dma_semaphore, #tpu.memory_space<semaphore_mem>> -> memref<1x!tpu.dma_semaphore, #tpu.memory_space<semaphore_mem>>
    %dma_start3A_133 = tpu.memref_squeeze %dma_start3A_132 : memref<1x!tpu.dma_semaphore, #tpu.memory_space<semaphore_mem>> -> memref<!tpu.dma_semaphore, #tpu.memory_space<semaphore_mem>>
    tpu.enqueue_indirect_dma source(%dma_start3A_125 : memref<128x128xf32, #tpu.memory_space<vmem>>) target(%dma_start3A_131 : memref<10240x128xf32, #tpu.memory_space<vmem_shared>>) offsets(%dma_start3A_128 : memref<128xi32, #tpu.memory_space<vmem>>) semaphore(%dma_start3A_133 : memref<!tpu.dma_semaphore, #tpu.memory_space<semaphore_mem>>) {add = true}
    %dma_wait3A_134 = arith.constant 0 : i32
    %dma_wait3A_135 = arith.constant 78 : i32
    %dma_wait3A_136 = arith.constant 0 : i32
    %dma_wait3A_137 = arith.constant 0 : i32
    %dma_wait3A_138 = arith.constant 0 : i32
    %dma_wait3A_139 = tpu.memref_slice %arg9[%dma_wait3A_134, %dma_wait3A_137, %dma_wait3A_138] : memref<2x128x128xf32, #tpu.memory_space<vmem>> -> memref<1x128x128xf32, #tpu.memory_space<vmem>>
    %dma_wait3A_140 = tpu.memref_squeeze %dma_wait3A_139 : memref<1x128x128xf32, #tpu.memory_space<vmem>> -> memref<128x128xf32, #tpu.memory_space<vmem>>
    %dma_wait3A_141 = arith.constant 0 : i32
    %dma_wait3A_142 = tpu.memref_slice %arg8[%dma_wait3A_135, %dma_wait3A_141] : memref<80x128xi32, #tpu.memory_space<vmem>> -> memref<1x128xi32, #tpu.memory_space<vmem>>
    %dma_wait3A_143 = tpu.memref_squeeze %dma_wait3A_142 : memref<1x128xi32, #tpu.memory_space<vmem>> -> memref<128xi32, #tpu.memory_space<vmem>>
    %dma_wait3A_144 = arith.constant 0 : i32
    %dma_wait3A_145 = arith.constant 0 : i32
    %dma_wait3A_146 = tpu.memref_slice %arg10[%dma_wait3A_144, %dma_wait3A_145] : memref<10240x128xf32, #tpu.memory_space<vmem_shared>> -> memref<10240x128xf32, #tpu.memory_space<vmem_shared>>
    %dma_wait3A_147 = tpu.memref_slice %arg13[%dma_wait3A_136] : memref<2x!tpu.dma_semaphore, #tpu.memory_space<semaphore_mem>> -> memref<1x!tpu.dma_semaphore, #tpu.memory_space<semaphore_mem>>
    %dma_wait3A_148 = tpu.memref_squeeze %dma_wait3A_147 : memref<1x!tpu.dma_semaphore, #tpu.memory_space<semaphore_mem>> -> memref<!tpu.dma_semaphore, #tpu.memory_space<semaphore_mem>>
    tpu.wait_indirect_dma semaphore(%dma_wait3A_148 : memref<!tpu.dma_semaphore, #tpu.memory_space<semaphore_mem>>) src(%dma_wait3A_140 : memref<128x128xf32, #tpu.memory_space<vmem>>) dst(%dma_wait3A_146 : memref<10240x128xf32, #tpu.memory_space<vmem_shared>>)
    %dma_wait3A_149 = arith.constant 1 : i32
    %dma_wait3A_150 = arith.constant 79 : i32
    %dma_wait3A_151 = arith.constant 1 : i32
    %dma_wait3A_152 = arith.constant 0 : i32
    %dma_wait3A_153 = arith.constant 0 : i32
    %dma_wait3A_154 = tpu.memref_slice %arg9[%dma_wait3A_149, %dma_wait3A_152, %dma_wait3A_153] : memref<2x128x128xf32, #tpu.memory_space<vmem>> -> memref<1x128x128xf32, #tpu.memory_space<vmem>>
    %dma_wait3A_155 = tpu.memref_squeeze %dma_wait3A_154 : memref<1x128x128xf32, #tpu.memory_space<vmem>> -> memref<128x128xf32, #tpu.memory_space<vmem>>
    %dma_wait3A_156 = arith.constant 0 : i32
    %dma_wait3A_157 = tpu.memref_slice %arg8[%dma_wait3A_150, %dma_wait3A_156] : memref<80x128xi32, #tpu.memory_space<vmem>> -> memref<1x128xi32, #tpu.memory_space<vmem>>
    %dma_wait3A_158 = tpu.memref_squeeze %dma_wait3A_157 : memref<1x128xi32, #tpu.memory_space<vmem>> -> memref<128xi32, #tpu.memory_space<vmem>>
    %dma_wait3A_159 = arith.constant 0 : i32
    %dma_wait3A_160 = arith.constant 0 : i32
    %dma_wait3A_161 = tpu.memref_slice %arg10[%dma_wait3A_159, %dma_wait3A_160] : memref<10240x128xf32, #tpu.memory_space<vmem_shared>> -> memref<10240x128xf32, #tpu.memory_space<vmem_shared>>
    %dma_wait3A_162 = tpu.memref_slice %arg13[%dma_wait3A_151] : memref<2x!tpu.dma_semaphore, #tpu.memory_space<semaphore_mem>> -> memref<1x!tpu.dma_semaphore, #tpu.memory_space<semaphore_mem>>
    %dma_wait3A_163 = tpu.memref_squeeze %dma_wait3A_162 : memref<1x!tpu.dma_semaphore, #tpu.memory_space<semaphore_mem>> -> memref<!tpu.dma_semaphore, #tpu.memory_space<semaphore_mem>>
    tpu.wait_indirect_dma semaphore(%dma_wait3A_163 : memref<!tpu.dma_semaphore, #tpu.memory_space<semaphore_mem>>) src(%dma_wait3A_155 : memref<128x128xf32, #tpu.memory_space<vmem>>) dst(%dma_wait3A_161 : memref<10240x128xf32, #tpu.memory_space<vmem_shared>>)
    %barrier3A_164 = arith.constant 0 : index
    tpu.barrier barrier_id(%barrier3A_164)
    "tpu.region"() ({
      %run_scoped3A = tpu.sem_alloc : memref<!tpu.dma_semaphore, #tpu.memory_space<semaphore_mem>>
      %dma_start3A_165 = arith.constant 0 : i32
      %dma_start3A_166 = tpu.memref_slice %arg6[%arg0, %mul3A_2, %dma_start3A_165] : memref<2x10240x128xf32, #tpu.memory_space<hbm>> -> memref<1x640x128xf32, #tpu.memory_space<hbm>>
      %dma_start3A_167 = tpu.memref_squeeze %dma_start3A_166 : memref<1x640x128xf32, #tpu.memory_space<hbm>> -> memref<640x128xf32, #tpu.memory_space<hbm>>
      %dma_start3A_168 = arith.constant 0 : i32
      %dma_start3A_169 = tpu.memref_slice %arg10[%mul3A_2, %dma_start3A_168] : memref<10240x128xf32, #tpu.memory_space<vmem_shared>> -> memref<640x128xf32, #tpu.memory_space<vmem_shared>>
      tpu.enqueue_dma source(%dma_start3A_169 : memref<640x128xf32, #tpu.memory_space<vmem_shared>>) target(%dma_start3A_167 : memref<640x128xf32, #tpu.memory_space<hbm>>) target_semaphore(%run_scoped3A : memref<!tpu.dma_semaphore, #tpu.memory_space<semaphore_mem>>)
      %dma_wait3A_170 = arith.constant 0 : i32
      %dma_wait3A_171 = tpu.memref_slice %arg6[%arg0, %mul3A_2, %dma_wait3A_170] : memref<2x10240x128xf32, #tpu.memory_space<hbm>> -> memref<1x640x128xf32, #tpu.memory_space<hbm>>
      %dma_wait3A_172 = tpu.memref_squeeze %dma_wait3A_171 : memref<1x640x128xf32, #tpu.memory_space<hbm>> -> memref<640x128xf32, #tpu.memory_space<hbm>>
      %dma_wait3A_173 = arith.constant 0 : i32
      %dma_wait3A_174 = tpu.memref_slice %arg10[%mul3A_2, %dma_wait3A_173] : memref<10240x128xf32, #tpu.memory_space<vmem_shared>> -> memref<640x128xf32, #tpu.memory_space<vmem_shared>>
      tpu.wait_dma2 semaphore(%run_scoped3A : memref<!tpu.dma_semaphore, #tpu.memory_space<semaphore_mem>>) src(%dma_wait3A_174 : memref<640x128xf32, #tpu.memory_space<vmem_shared>>) dst(%dma_wait3A_172 : memref<640x128xf32, #tpu.memory_space<hbm>>)
      tpu.yield
    }) : () -> ()
    return
  }
}

#map = affine_map<(d0, d1) -> (0, 0)>
#map1 = affine_map<(d0, d1) -> (0, 0, 0)>
module attributes {stable_mosaic.version = 14 : i64} {
  func.func @_scat_body(%arg0: i32, %arg1: i32, %arg2: memref<10240x128xf32, #tpu.memory_space<hbm>>, %arg3: memref<32x80x128xi32, #tpu.memory_space<hbm>>, %arg4: memref<32x80x128xi32, #tpu.memory_space<hbm>>, %arg5: memref<640x128xf32, #tpu.memory_space<hbm>>, %arg6: memref<2x10240x128xf32, #tpu.memory_space<hbm>>, %arg7: memref<40x128xi32, #tpu.memory_space<vmem>>, %arg8: memref<80x128xi32, #tpu.memory_space<vmem>>, %arg9: memref<2x128x128xf32, #tpu.memory_space<vmem>>, %arg10: memref<10240x128xf32, #tpu.memory_space<vmem_shared>>, %arg11: memref<!tpu.dma_semaphore, #tpu.memory_space<semaphore_mem>>, %arg12: memref<2x!tpu.dma_semaphore, #tpu.memory_space<semaphore_mem>>, %arg13: memref<2x!tpu.dma_semaphore, #tpu.memory_space<semaphore_mem>>) attributes {dimension_semantics = [#tpu.dimension_semantics<core_parallel>, #tpu.dimension_semantics<subcore_parallel>], iteration_bounds = array<i64: 2, 16>, scalar_prefetch = 0 : i64, scratch_operands = 7 : i64, tpu.core_type = #tpu.core_type<sc_vector_subcore>, window_params = [{transform_indices = #map}, {transform_indices = #map1}, {transform_indices = #map1}, {transform_indices = #map}, {transform_indices = #map1}]} {
    %mul3A = arith.constant 2 : i32
    %mul3A_0 = arith.muli %arg1, %mul3A : i32
    %add3A = arith.addi %mul3A_0, %arg0 : i32
    %mul3A_1 = arith.constant 640 : i32
    %mul3A_2 = arith.muli %arg1, %mul3A_1 : i32
    %dma_start3A = arith.constant 0 : i32
    %dma_start3A_3 = arith.constant 0 : i32
    %dma_start3A_4 = tpu.memref_slice %arg3[%add3A, %dma_start3A, %dma_start3A_3] : memref<32x80x128xi32, #tpu.memory_space<hbm>> -> memref<1x40x128xi32, #tpu.memory_space<hbm>>
    %dma_start3A_5 = tpu.memref_squeeze %dma_start3A_4 : memref<1x40x128xi32, #tpu.memory_space<hbm>> -> memref<40x128xi32, #tpu.memory_space<hbm>>
    %dma_start3A_6 = arith.constant 0 : i32
    %dma_start3A_7 = arith.constant 0 : i32
    %dma_start3A_8 = tpu.memref_slice %arg3[%add3A, %dma_start3A_6, %dma_start3A_7] : memref<32x80x128xi32, #tpu.memory_space<hbm>> -> memref<1x40x128xi32, #tpu.memory_space<hbm>>
    %dma_start3A_9 = tpu.memref_squeeze %dma_start3A_8 : memref<1x40x128xi32, #tpu.memory_space<hbm>> -> memref<40x128xi32, #tpu.memory_space<hbm>>
    tpu.enqueue_dma source(%dma_start3A_9 : memref<40x128xi32, #tpu.memory_space<hbm>>) target(%arg7 : memref<40x128xi32, #tpu.memory_space<vmem>>) target_semaphore(%arg11 : memref<!tpu.dma_semaphore, #tpu.memory_space<semaphore_mem>>)
    %dma_start3A_10 = arith.constant 0 : i32
    %dma_start3A_11 = arith.constant 0 : i32
    %dma_start3A_12 = tpu.memref_slice %arg4[%add3A, %dma_start3A_10, %dma_start3A_11] : memref<32x80x128xi32, #tpu.memory_space<hbm>> -> memref<1x80x128xi32, #tpu.memory_space<hbm>>
    %dma_start3A_13 = tpu.memref_squeeze %dma_start3A_12 : memref<1x80x128xi32, #tpu.memory_space<hbm>> -> memref<80x128xi32, #tpu.memory_space<hbm>>
    %dma_start3A_14 = arith.constant 0 : i32
    %dma_start3A_15 = arith.constant 0 : i32
    %dma_start3A_16 = tpu.memref_slice %arg4[%add3A, %dma_start3A_14, %dma_start3A_15] : memref<32x80x128xi32, #tpu.memory_space<hbm>> -> memref<1x80x128xi32, #tpu.memory_space<hbm>>
    %dma_start3A_17 = tpu.memref_squeeze %dma_start3A_16 : memref<1x80x128xi32, #tpu.memory_space<hbm>> -> memref<80x128xi32, #tpu.memory_space<hbm>>
    tpu.enqueue_dma source(%dma_start3A_17 : memref<80x128xi32, #tpu.memory_space<hbm>>) target(%arg8 : memref<80x128xi32, #tpu.memory_space<vmem>>) target_semaphore(%arg11 : memref<!tpu.dma_semaphore, #tpu.memory_space<semaphore_mem>>)
    "tpu.region"() ({
      %run_scoped3A = tpu.sem_alloc : memref<!tpu.dma_semaphore, #tpu.memory_space<semaphore_mem>>
      %dma_start3A_165 = arith.constant 0 : i32
      %dma_start3A_166 = tpu.memref_slice %arg10[%mul3A_2, %dma_start3A_165] : memref<10240x128xf32, #tpu.memory_space<vmem_shared>> -> memref<640x128xf32, #tpu.memory_space<vmem_shared>>
      tpu.enqueue_dma source(%arg5 : memref<640x128xf32, #tpu.memory_space<hbm>>) target(%dma_start3A_166 : memref<640x128xf32, #tpu.memory_space<vmem_shared>>) target_semaphore(%run_scoped3A : memref<!tpu.dma_semaphore, #tpu.memory_space<semaphore_mem>>)
      %dma_wait3A_167 = arith.constant 0 : i32
      %dma_wait3A_168 = tpu.memref_slice %arg10[%mul3A_2, %dma_wait3A_167] : memref<10240x128xf32, #tpu.memory_space<vmem_shared>> -> memref<640x128xf32, #tpu.memory_space<vmem_shared>>
      tpu.wait_dma2 semaphore(%run_scoped3A : memref<!tpu.dma_semaphore, #tpu.memory_space<semaphore_mem>>) src(%arg5 : memref<640x128xf32, #tpu.memory_space<hbm>>) dst(%dma_wait3A_168 : memref<640x128xf32, #tpu.memory_space<vmem_shared>>)
      tpu.yield
    }) : () -> ()
    %dma_wait3A = arith.constant 0 : i32
    %dma_wait3A_18 = arith.constant 0 : i32
    %dma_wait3A_19 = tpu.memref_slice %arg3[%add3A, %dma_wait3A, %dma_wait3A_18] : memref<32x80x128xi32, #tpu.memory_space<hbm>> -> memref<1x40x128xi32, #tpu.memory_space<hbm>>
    %dma_wait3A_20 = tpu.memref_squeeze %dma_wait3A_19 : memref<1x40x128xi32, #tpu.memory_space<hbm>> -> memref<40x128xi32, #tpu.memory_space<hbm>>
    %dma_wait3A_21 = arith.constant 0 : i32
    %dma_wait3A_22 = arith.constant 0 : i32
    %dma_wait3A_23 = tpu.memref_slice %arg3[%add3A, %dma_wait3A_21, %dma_wait3A_22] : memref<32x80x128xi32, #tpu.memory_space<hbm>> -> memref<1x40x128xi32, #tpu.memory_space<hbm>>
    %dma_wait3A_24 = tpu.memref_squeeze %dma_wait3A_23 : memref<1x40x128xi32, #tpu.memory_space<hbm>> -> memref<40x128xi32, #tpu.memory_space<hbm>>
    tpu.wait_dma2 semaphore(%arg11 : memref<!tpu.dma_semaphore, #tpu.memory_space<semaphore_mem>>) src(%dma_wait3A_24 : memref<40x128xi32, #tpu.memory_space<hbm>>) dst(%arg7 : memref<40x128xi32, #tpu.memory_space<vmem>>)
    %dma_wait3A_25 = arith.constant 0 : i32
    %dma_wait3A_26 = arith.constant 0 : i32
    %dma_wait3A_27 = tpu.memref_slice %arg4[%add3A, %dma_wait3A_25, %dma_wait3A_26] : memref<32x80x128xi32, #tpu.memory_space<hbm>> -> memref<1x80x128xi32, #tpu.memory_space<hbm>>
    %dma_wait3A_28 = tpu.memref_squeeze %dma_wait3A_27 : memref<1x80x128xi32, #tpu.memory_space<hbm>> -> memref<80x128xi32, #tpu.memory_space<hbm>>
    %dma_wait3A_29 = arith.constant 0 : i32
    %dma_wait3A_30 = arith.constant 0 : i32
    %dma_wait3A_31 = tpu.memref_slice %arg4[%add3A, %dma_wait3A_29, %dma_wait3A_30] : memref<32x80x128xi32, #tpu.memory_space<hbm>> -> memref<1x80x128xi32, #tpu.memory_space<hbm>>
    %dma_wait3A_32 = tpu.memref_squeeze %dma_wait3A_31 : memref<1x80x128xi32, #tpu.memory_space<hbm>> -> memref<80x128xi32, #tpu.memory_space<hbm>>
    tpu.wait_dma2 semaphore(%arg11 : memref<!tpu.dma_semaphore, #tpu.memory_space<semaphore_mem>>) src(%dma_wait3A_32 : memref<80x128xi32, #tpu.memory_space<hbm>>) dst(%arg8 : memref<80x128xi32, #tpu.memory_space<vmem>>)
    %barrier3A = arith.constant 0 : index
    tpu.barrier barrier_id(%barrier3A)
    %scan3A = arith.constant 0 : i32
    %scan3A_33 = arith.constant 0 : i32
    %scan3A_34 = arith.constant 20 : i32
    %scan3A_35 = arith.addi %scan3A_33, %scan3A_34 : i32
    %scan3A_36 = arith.constant 1 : i32
    scf.for %scan3A_165 = %scan3A_33 to %scan3A_35 step %scan3A_36  : i32 {
      %mul3A_166 = arith.constant 2 : i32
      %mul3A_167 = arith.muli %scan3A_165, %mul3A_166 : i32
      %add3A_168 = arith.constant 0 : i32
      %add3A_169 = arith.addi %mul3A_167, %add3A_168 : i32
      %gt3A = arith.constant 0 : i32
      %gt3A_170 = arith.cmpi sgt, %scan3A_165, %gt3A : i32
      %convert_element_type3A = arith.extui %gt3A_170 : i1 to i32
      %cond3A = arith.constant 0 : i32
      %cond3A_171 = arith.cmpi ne, %convert_element_type3A, %cond3A : i32
      scf.if %cond3A_171 {
        %add3A_247 = arith.constant 0 : i32
        %add3A_248 = arith.addi %add3A_247, %add3A_169 : i32
        %sub3A_249 = arith.constant 2 : i32
        %sub3A_250 = arith.subi %add3A_248, %sub3A_249 : i32
        %dma_wait3A_251 = arith.constant 0 : i32
        %dma_wait3A_252 = arith.constant 0 : i32
        %dma_wait3A_253 = arith.constant 0 : i32
        %dma_wait3A_254 = arith.constant 0 : i32
        %dma_wait3A_255 = tpu.memref_slice %arg9[%dma_wait3A_251, %dma_wait3A_253, %dma_wait3A_254] : memref<2x128x128xf32, #tpu.memory_space<vmem>> -> memref<1x128x128xf32, #tpu.memory_space<vmem>>
        %dma_wait3A_256 = tpu.memref_squeeze %dma_wait3A_255 : memref<1x128x128xf32, #tpu.memory_space<vmem>> -> memref<128x128xf32, #tpu.memory_space<vmem>>
        %dma_wait3A_257 = arith.constant 0 : i32
        %dma_wait3A_258 = tpu.memref_slice %arg8[%sub3A_250, %dma_wait3A_257] : memref<80x128xi32, #tpu.memory_space<vmem>> -> memref<1x128xi32, #tpu.memory_space<vmem>>
        %dma_wait3A_259 = tpu.memref_squeeze %dma_wait3A_258 : memref<1x128xi32, #tpu.memory_space<vmem>> -> memref<128xi32, #tpu.memory_space<vmem>>
        %dma_wait3A_260 = arith.constant 0 : i32
        %dma_wait3A_261 = arith.constant 0 : i32
        %dma_wait3A_262 = tpu.memref_slice %arg10[%dma_wait3A_260, %dma_wait3A_261] : memref<10240x128xf32, #tpu.memory_space<vmem_shared>> -> memref<10240x128xf32, #tpu.memory_space<vmem_shared>>
        %dma_wait3A_263 = tpu.memref_slice %arg13[%dma_wait3A_252] : memref<2x!tpu.dma_semaphore, #tpu.memory_space<semaphore_mem>> -> memref<1x!tpu.dma_semaphore, #tpu.memory_space<semaphore_mem>>
        %dma_wait3A_264 = tpu.memref_squeeze %dma_wait3A_263 : memref<1x!tpu.dma_semaphore, #tpu.memory_space<semaphore_mem>> -> memref<!tpu.dma_semaphore, #tpu.memory_space<semaphore_mem>>
        tpu.wait_indirect_dma semaphore(%dma_wait3A_264 : memref<!tpu.dma_semaphore, #tpu.memory_space<semaphore_mem>>) src(%dma_wait3A_256 : memref<128x128xf32, #tpu.memory_space<vmem>>) dst(%dma_wait3A_262 : memref<10240x128xf32, #tpu.memory_space<vmem_shared>>)
      } else {
      }
      %dma_start3A_172 = arith.constant 0 : i32
      %dma_start3A_173 = arith.constant 0 : i32
      %dma_start3A_174 = arith.constant 0 : i32
      %dma_start3A_175 = arith.constant 0 : i32
      %dma_start3A_176 = tpu.memref_slice %arg9[%dma_start3A_172, %dma_start3A_174, %dma_start3A_175] : memref<2x128x128xf32, #tpu.memory_space<vmem>> -> memref<1x128x128xf32, #tpu.memory_space<vmem>>
      %dma_start3A_177 = tpu.memref_squeeze %dma_start3A_176 : memref<1x128x128xf32, #tpu.memory_space<vmem>> -> memref<128x128xf32, #tpu.memory_space<vmem>>
      %dma_start3A_178 = arith.constant 0 : i32
      %dma_start3A_179 = tpu.memref_slice %arg7[%add3A_169, %dma_start3A_178] : memref<40x128xi32, #tpu.memory_space<vmem>> -> memref<1x128xi32, #tpu.memory_space<vmem>>
      %dma_start3A_180 = tpu.memref_squeeze %dma_start3A_179 : memref<1x128xi32, #tpu.memory_space<vmem>> -> memref<128xi32, #tpu.memory_space<vmem>>
      %dma_start3A_181 = arith.constant 0 : i32
      %dma_start3A_182 = arith.constant 0 : i32
      %dma_start3A_183 = tpu.memref_slice %arg2[%dma_start3A_181, %dma_start3A_182] : memref<10240x128xf32, #tpu.memory_space<hbm>> -> memref<10240x128xf32, #tpu.memory_space<hbm>>
      %dma_start3A_184 = tpu.memref_slice %arg12[%dma_start3A_173] : memref<2x!tpu.dma_semaphore, #tpu.memory_space<semaphore_mem>> -> memref<1x!tpu.dma_semaphore, #tpu.memory_space<semaphore_mem>>
      %dma_start3A_185 = tpu.memref_squeeze %dma_start3A_184 : memref<1x!tpu.dma_semaphore, #tpu.memory_space<semaphore_mem>> -> memref<!tpu.dma_semaphore, #tpu.memory_space<semaphore_mem>>
      tpu.enqueue_indirect_dma source(%dma_start3A_183 : memref<10240x128xf32, #tpu.memory_space<hbm>>) target(%dma_start3A_177 : memref<128x128xf32, #tpu.memory_space<vmem>>) offsets(%dma_start3A_180 : memref<128xi32, #tpu.memory_space<vmem>>) semaphore(%dma_start3A_185 : memref<!tpu.dma_semaphore, #tpu.memory_space<semaphore_mem>>)
      %gt3A_186 = arith.constant 0 : i32
      %gt3A_187 = arith.cmpi sgt, %scan3A_165, %gt3A_186 : i32
      %convert_element_type3A_188 = arith.extui %gt3A_187 : i1 to i32
      %cond3A_189 = arith.constant 0 : i32
      %cond3A_190 = arith.cmpi ne, %convert_element_type3A_188, %cond3A_189 : i32
      scf.if %cond3A_190 {
        %sub3A_247 = arith.constant 1 : i32
        %sub3A_248 = arith.subi %add3A_169, %sub3A_247 : i32
        %dma_wait3A_249 = arith.constant 1 : i32
        %dma_wait3A_250 = arith.constant 1 : i32
        %dma_wait3A_251 = arith.constant 0 : i32
        %dma_wait3A_252 = arith.constant 0 : i32
        %dma_wait3A_253 = tpu.memref_slice %arg9[%dma_wait3A_249, %dma_wait3A_251, %dma_wait3A_252] : memref<2x128x128xf32, #tpu.memory_space<vmem>> -> memref<1x128x128xf32, #tpu.memory_space<vmem>>
        %dma_wait3A_254 = tpu.memref_squeeze %dma_wait3A_253 : memref<1x128x128xf32, #tpu.memory_space<vmem>> -> memref<128x128xf32, #tpu.memory_space<vmem>>
        %dma_wait3A_255 = arith.constant 0 : i32
        %dma_wait3A_256 = tpu.memref_slice %arg7[%sub3A_248, %dma_wait3A_255] : memref<40x128xi32, #tpu.memory_space<vmem>> -> memref<1x128xi32, #tpu.memory_space<vmem>>
        %dma_wait3A_257 = tpu.memref_squeeze %dma_wait3A_256 : memref<1x128xi32, #tpu.memory_space<vmem>> -> memref<128xi32, #tpu.memory_space<vmem>>
        %dma_wait3A_258 = arith.constant 0 : i32
        %dma_wait3A_259 = arith.constant 0 : i32
        %dma_wait3A_260 = tpu.memref_slice %arg2[%dma_wait3A_258, %dma_wait3A_259] : memref<10240x128xf32, #tpu.memory_space<hbm>> -> memref<10240x128xf32, #tpu.memory_space<hbm>>
        %dma_wait3A_261 = tpu.memref_slice %arg12[%dma_wait3A_250] : memref<2x!tpu.dma_semaphore, #tpu.memory_space<semaphore_mem>> -> memref<1x!tpu.dma_semaphore, #tpu.memory_space<semaphore_mem>>
        %dma_wait3A_262 = tpu.memref_squeeze %dma_wait3A_261 : memref<1x!tpu.dma_semaphore, #tpu.memory_space<semaphore_mem>> -> memref<!tpu.dma_semaphore, #tpu.memory_space<semaphore_mem>>
        tpu.wait_indirect_dma semaphore(%dma_wait3A_262 : memref<!tpu.dma_semaphore, #tpu.memory_space<semaphore_mem>>) src(%dma_wait3A_260 : memref<10240x128xf32, #tpu.memory_space<hbm>>) dst(%dma_wait3A_254 : memref<128x128xf32, #tpu.memory_space<vmem>>)
        %add3A_263 = arith.constant 0 : i32
        %add3A_264 = arith.addi %add3A_263, %add3A_169 : i32
        %sub3A_265 = arith.constant 1 : i32
        %sub3A_266 = arith.subi %add3A_264, %sub3A_265 : i32
        %dma_start3A_267 = arith.constant 1 : i32
        %dma_start3A_268 = arith.constant 1 : i32
        %dma_start3A_269 = arith.constant 0 : i32
        %dma_start3A_270 = arith.constant 0 : i32
        %dma_start3A_271 = tpu.memref_slice %arg9[%dma_start3A_267, %dma_start3A_269, %dma_start3A_270] : memref<2x128x128xf32, #tpu.memory_space<vmem>> -> memref<1x128x128xf32, #tpu.memory_space<vmem>>
        %dma_start3A_272 = tpu.memref_squeeze %dma_start3A_271 : memref<1x128x128xf32, #tpu.memory_space<vmem>> -> memref<128x128xf32, #tpu.memory_space<vmem>>
        %dma_start3A_273 = arith.constant 0 : i32
        %dma_start3A_274 = tpu.memref_slice %arg8[%sub3A_266, %dma_start3A_273] : memref<80x128xi32, #tpu.memory_space<vmem>> -> memref<1x128xi32, #tpu.memory_space<vmem>>
        %dma_start3A_275 = tpu.memref_squeeze %dma_start3A_274 : memref<1x128xi32, #tpu.memory_space<vmem>> -> memref<128xi32, #tpu.memory_space<vmem>>
        %dma_start3A_276 = arith.constant 0 : i32
        %dma_start3A_277 = arith.constant 0 : i32
        %dma_start3A_278 = tpu.memref_slice %arg10[%dma_start3A_276, %dma_start3A_277] : memref<10240x128xf32, #tpu.memory_space<vmem_shared>> -> memref<10240x128xf32, #tpu.memory_space<vmem_shared>>
        %dma_start3A_279 = tpu.memref_slice %arg13[%dma_start3A_268] : memref<2x!tpu.dma_semaphore, #tpu.memory_space<semaphore_mem>> -> memref<1x!tpu.dma_semaphore, #tpu.memory_space<semaphore_mem>>
        %dma_start3A_280 = tpu.memref_squeeze %dma_start3A_279 : memref<1x!tpu.dma_semaphore, #tpu.memory_space<semaphore_mem>> -> memref<!tpu.dma_semaphore, #tpu.memory_space<semaphore_mem>>
        tpu.enqueue_indirect_dma source(%dma_start3A_272 : memref<128x128xf32, #tpu.memory_space<vmem>>) target(%dma_start3A_278 : memref<10240x128xf32, #tpu.memory_space<vmem_shared>>) offsets(%dma_start3A_275 : memref<128xi32, #tpu.memory_space<vmem>>) semaphore(%dma_start3A_280 : memref<!tpu.dma_semaphore, #tpu.memory_space<semaphore_mem>>) {add = true}
      } else {
      }
      %mul3A_191 = arith.constant 2 : i32
      %mul3A_192 = arith.muli %scan3A_165, %mul3A_191 : i32
      %add3A_193 = arith.constant 1 : i32
      %add3A_194 = arith.addi %mul3A_192, %add3A_193 : i32
      %gt3A_195 = arith.constant 0 : i32
      %gt3A_196 = arith.cmpi sgt, %scan3A_165, %gt3A_195 : i32
      %convert_element_type3A_197 = arith.extui %gt3A_196 : i1 to i32
      %cond3A_198 = arith.constant 0 : i32
      %cond3A_199 = arith.cmpi ne, %convert_element_type3A_197, %cond3A_198 : i32
      scf.if %cond3A_199 {
        %add3A_247 = arith.constant 0 : i32
        %add3A_248 = arith.addi %add3A_247, %add3A_194 : i32
        %sub3A_249 = arith.constant 2 : i32
        %sub3A_250 = arith.subi %add3A_248, %sub3A_249 : i32
        %dma_wait3A_251 = arith.constant 1 : i32
        %dma_wait3A_252 = arith.constant 1 : i32
        %dma_wait3A_253 = arith.constant 0 : i32
        %dma_wait3A_254 = arith.constant 0 : i32
        %dma_wait3A_255 = tpu.memref_slice %arg9[%dma_wait3A_251, %dma_wait3A_253, %dma_wait3A_254] : memref<2x128x128xf32, #tpu.memory_space<vmem>> -> memref<1x128x128xf32, #tpu.memory_space<vmem>>
        %dma_wait3A_256 = tpu.memref_squeeze %dma_wait3A_255 : memref<1x128x128xf32, #tpu.memory_space<vmem>> -> memref<128x128xf32, #tpu.memory_space<vmem>>
        %dma_wait3A_257 = arith.constant 0 : i32
        %dma_wait3A_258 = tpu.memref_slice %arg8[%sub3A_250, %dma_wait3A_257] : memref<80x128xi32, #tpu.memory_space<vmem>> -> memref<1x128xi32, #tpu.memory_space<vmem>>
        %dma_wait3A_259 = tpu.memref_squeeze %dma_wait3A_258 : memref<1x128xi32, #tpu.memory_space<vmem>> -> memref<128xi32, #tpu.memory_space<vmem>>
        %dma_wait3A_260 = arith.constant 0 : i32
        %dma_wait3A_261 = arith.constant 0 : i32
        %dma_wait3A_262 = tpu.memref_slice %arg10[%dma_wait3A_260, %dma_wait3A_261] : memref<10240x128xf32, #tpu.memory_space<vmem_shared>> -> memref<10240x128xf32, #tpu.memory_space<vmem_shared>>
        %dma_wait3A_263 = tpu.memref_slice %arg13[%dma_wait3A_252] : memref<2x!tpu.dma_semaphore, #tpu.memory_space<semaphore_mem>> -> memref<1x!tpu.dma_semaphore, #tpu.memory_space<semaphore_mem>>
        %dma_wait3A_264 = tpu.memref_squeeze %dma_wait3A_263 : memref<1x!tpu.dma_semaphore, #tpu.memory_space<semaphore_mem>> -> memref<!tpu.dma_semaphore, #tpu.memory_space<semaphore_mem>>
        tpu.wait_indirect_dma semaphore(%dma_wait3A_264 : memref<!tpu.dma_semaphore, #tpu.memory_space<semaphore_mem>>) src(%dma_wait3A_256 : memref<128x128xf32, #tpu.memory_space<vmem>>) dst(%dma_wait3A_262 : memref<10240x128xf32, #tpu.memory_space<vmem_shared>>)
      } else {
      }
      %dma_start3A_200 = arith.constant 1 : i32
      %dma_start3A_201 = arith.constant 1 : i32
      %dma_start3A_202 = arith.constant 0 : i32
      %dma_start3A_203 = arith.constant 0 : i32
      %dma_start3A_204 = tpu.memref_slice %arg9[%dma_start3A_200, %dma_start3A_202, %dma_start3A_203] : memref<2x128x128xf32, #tpu.memory_space<vmem>> -> memref<1x128x128xf32, #tpu.memory_space<vmem>>
      %dma_start3A_205 = tpu.memref_squeeze %dma_start3A_204 : memref<1x128x128xf32, #tpu.memory_space<vmem>> -> memref<128x128xf32, #tpu.memory_space<vmem>>
      %dma_start3A_206 = arith.constant 0 : i32
      %dma_start3A_207 = tpu.memref_slice %arg7[%add3A_194, %dma_start3A_206] : memref<40x128xi32, #tpu.memory_space<vmem>> -> memref<1x128xi32, #tpu.memory_space<vmem>>
      %dma_start3A_208 = tpu.memref_squeeze %dma_start3A_207 : memref<1x128xi32, #tpu.memory_space<vmem>> -> memref<128xi32, #tpu.memory_space<vmem>>
      %dma_start3A_209 = arith.constant 0 : i32
      %dma_start3A_210 = arith.constant 0 : i32
      %dma_start3A_211 = tpu.memref_slice %arg2[%dma_start3A_209, %dma_start3A_210] : memref<10240x128xf32, #tpu.memory_space<hbm>> -> memref<10240x128xf32, #tpu.memory_space<hbm>>
      %dma_start3A_212 = tpu.memref_slice %arg12[%dma_start3A_201] : memref<2x!tpu.dma_semaphore, #tpu.memory_space<semaphore_mem>> -> memref<1x!tpu.dma_semaphore, #tpu.memory_space<semaphore_mem>>
      %dma_start3A_213 = tpu.memref_squeeze %dma_start3A_212 : memref<1x!tpu.dma_semaphore, #tpu.memory_space<semaphore_mem>> -> memref<!tpu.dma_semaphore, #tpu.memory_space<semaphore_mem>>
      tpu.enqueue_indirect_dma source(%dma_start3A_211 : memref<10240x128xf32, #tpu.memory_space<hbm>>) target(%dma_start3A_205 : memref<128x128xf32, #tpu.memory_space<vmem>>) offsets(%dma_start3A_208 : memref<128xi32, #tpu.memory_space<vmem>>) semaphore(%dma_start3A_213 : memref<!tpu.dma_semaphore, #tpu.memory_space<semaphore_mem>>)
      %sub3A = arith.constant 1 : i32
      %sub3A_214 = arith.subi %add3A_194, %sub3A : i32
      %dma_wait3A_215 = arith.constant 0 : i32
      %dma_wait3A_216 = arith.constant 0 : i32
      %dma_wait3A_217 = arith.constant 0 : i32
      %dma_wait3A_218 = arith.constant 0 : i32
      %dma_wait3A_219 = tpu.memref_slice %arg9[%dma_wait3A_215, %dma_wait3A_217, %dma_wait3A_218] : memref<2x128x128xf32, #tpu.memory_space<vmem>> -> memref<1x128x128xf32, #tpu.memory_space<vmem>>
      %dma_wait3A_220 = tpu.memref_squeeze %dma_wait3A_219 : memref<1x128x128xf32, #tpu.memory_space<vmem>> -> memref<128x128xf32, #tpu.memory_space<vmem>>
      %dma_wait3A_221 = arith.constant 0 : i32
      %dma_wait3A_222 = tpu.memref_slice %arg7[%sub3A_214, %dma_wait3A_221] : memref<40x128xi32, #tpu.memory_space<vmem>> -> memref<1x128xi32, #tpu.memory_space<vmem>>
      %dma_wait3A_223 = tpu.memref_squeeze %dma_wait3A_222 : memref<1x128xi32, #tpu.memory_space<vmem>> -> memref<128xi32, #tpu.memory_space<vmem>>
      %dma_wait3A_224 = arith.constant 0 : i32
      %dma_wait3A_225 = arith.constant 0 : i32
      %dma_wait3A_226 = tpu.memref_slice %arg2[%dma_wait3A_224, %dma_wait3A_225] : memref<10240x128xf32, #tpu.memory_space<hbm>> -> memref<10240x128xf32, #tpu.memory_space<hbm>>
      %dma_wait3A_227 = tpu.memref_slice %arg12[%dma_wait3A_216] : memref<2x!tpu.dma_semaphore, #tpu.memory_space<semaphore_mem>> -> memref<1x!tpu.dma_semaphore, #tpu.memory_space<semaphore_mem>>
      %dma_wait3A_228 = tpu.memref_squeeze %dma_wait3A_227 : memref<1x!tpu.dma_semaphore, #tpu.memory_space<semaphore_mem>> -> memref<!tpu.dma_semaphore, #tpu.memory_space<semaphore_mem>>
      tpu.wait_indirect_dma semaphore(%dma_wait3A_228 : memref<!tpu.dma_semaphore, #tpu.memory_space<semaphore_mem>>) src(%dma_wait3A_226 : memref<10240x128xf32, #tpu.memory_space<hbm>>) dst(%dma_wait3A_220 : memref<128x128xf32, #tpu.memory_space<vmem>>)
      %add3A_229 = arith.constant 0 : i32
      %add3A_230 = arith.addi %add3A_229, %add3A_194 : i32
      %sub3A_231 = arith.constant 1 : i32
      %sub3A_232 = arith.subi %add3A_230, %sub3A_231 : i32
      %dma_start3A_233 = arith.constant 0 : i32
      %dma_start3A_234 = arith.constant 0 : i32
      %dma_start3A_235 = arith.constant 0 : i32
      %dma_start3A_236 = arith.constant 0 : i32
      %dma_start3A_237 = tpu.memref_slice %arg9[%dma_start3A_233, %dma_start3A_235, %dma_start3A_236] : memref<2x128x128xf32, #tpu.memory_space<vmem>> -> memref<1x128x128xf32, #tpu.memory_space<vmem>>
      %dma_start3A_238 = tpu.memref_squeeze %dma_start3A_237 : memref<1x128x128xf32, #tpu.memory_space<vmem>> -> memref<128x128xf32, #tpu.memory_space<vmem>>
      %dma_start3A_239 = arith.constant 0 : i32
      %dma_start3A_240 = tpu.memref_slice %arg8[%sub3A_232, %dma_start3A_239] : memref<80x128xi32, #tpu.memory_space<vmem>> -> memref<1x128xi32, #tpu.memory_space<vmem>>
      %dma_start3A_241 = tpu.memref_squeeze %dma_start3A_240 : memref<1x128xi32, #tpu.memory_space<vmem>> -> memref<128xi32, #tpu.memory_space<vmem>>
      %dma_start3A_242 = arith.constant 0 : i32
      %dma_start3A_243 = arith.constant 0 : i32
      %dma_start3A_244 = tpu.memref_slice %arg10[%dma_start3A_242, %dma_start3A_243] : memref<10240x128xf32, #tpu.memory_space<vmem_shared>> -> memref<10240x128xf32, #tpu.memory_space<vmem_shared>>
      %dma_start3A_245 = tpu.memref_slice %arg13[%dma_start3A_234] : memref<2x!tpu.dma_semaphore, #tpu.memory_space<semaphore_mem>> -> memref<1x!tpu.dma_semaphore, #tpu.memory_space<semaphore_mem>>
      %dma_start3A_246 = tpu.memref_squeeze %dma_start3A_245 : memref<1x!tpu.dma_semaphore, #tpu.memory_space<semaphore_mem>> -> memref<!tpu.dma_semaphore, #tpu.memory_space<semaphore_mem>>
      tpu.enqueue_indirect_dma source(%dma_start3A_238 : memref<128x128xf32, #tpu.memory_space<vmem>>) target(%dma_start3A_244 : memref<10240x128xf32, #tpu.memory_space<vmem_shared>>) offsets(%dma_start3A_241 : memref<128xi32, #tpu.memory_space<vmem>>) semaphore(%dma_start3A_246 : memref<!tpu.dma_semaphore, #tpu.memory_space<semaphore_mem>>) {add = true}
    }
    %scan3A_37 = arith.constant 20 : i32
    %dma_wait3A_38 = arith.constant 39 : i32
    %dma_wait3A_39 = arith.constant 1 : i32
    %dma_wait3A_40 = arith.constant 1 : i32
    %dma_wait3A_41 = arith.constant 0 : i32
    %dma_wait3A_42 = arith.constant 0 : i32
    %dma_wait3A_43 = tpu.memref_slice %arg9[%dma_wait3A_39, %dma_wait3A_41, %dma_wait3A_42] : memref<2x128x128xf32, #tpu.memory_space<vmem>> -> memref<1x128x128xf32, #tpu.memory_space<vmem>>
    %dma_wait3A_44 = tpu.memref_squeeze %dma_wait3A_43 : memref<1x128x128xf32, #tpu.memory_space<vmem>> -> memref<128x128xf32, #tpu.memory_space<vmem>>
    %dma_wait3A_45 = arith.constant 0 : i32
    %dma_wait3A_46 = tpu.memref_slice %arg7[%dma_wait3A_38, %dma_wait3A_45] : memref<40x128xi32, #tpu.memory_space<vmem>> -> memref<1x128xi32, #tpu.memory_space<vmem>>
    %dma_wait3A_47 = tpu.memref_squeeze %dma_wait3A_46 : memref<1x128xi32, #tpu.memory_space<vmem>> -> memref<128xi32, #tpu.memory_space<vmem>>
    %dma_wait3A_48 = arith.constant 0 : i32
    %dma_wait3A_49 = arith.constant 0 : i32
    %dma_wait3A_50 = tpu.memref_slice %arg2[%dma_wait3A_48, %dma_wait3A_49] : memref<10240x128xf32, #tpu.memory_space<hbm>> -> memref<10240x128xf32, #tpu.memory_space<hbm>>
    %dma_wait3A_51 = tpu.memref_slice %arg12[%dma_wait3A_40] : memref<2x!tpu.dma_semaphore, #tpu.memory_space<semaphore_mem>> -> memref<1x!tpu.dma_semaphore, #tpu.memory_space<semaphore_mem>>
    %dma_wait3A_52 = tpu.memref_squeeze %dma_wait3A_51 : memref<1x!tpu.dma_semaphore, #tpu.memory_space<semaphore_mem>> -> memref<!tpu.dma_semaphore, #tpu.memory_space<semaphore_mem>>
    tpu.wait_indirect_dma semaphore(%dma_wait3A_52 : memref<!tpu.dma_semaphore, #tpu.memory_space<semaphore_mem>>) src(%dma_wait3A_50 : memref<10240x128xf32, #tpu.memory_space<hbm>>) dst(%dma_wait3A_44 : memref<128x128xf32, #tpu.memory_space<vmem>>)
    %dma_start3A_53 = arith.constant 1 : i32
    %dma_start3A_54 = arith.constant 39 : i32
    %dma_start3A_55 = arith.constant 1 : i32
    %dma_start3A_56 = arith.constant 0 : i32
    %dma_start3A_57 = arith.constant 0 : i32
    %dma_start3A_58 = tpu.memref_slice %arg9[%dma_start3A_53, %dma_start3A_56, %dma_start3A_57] : memref<2x128x128xf32, #tpu.memory_space<vmem>> -> memref<1x128x128xf32, #tpu.memory_space<vmem>>
    %dma_start3A_59 = tpu.memref_squeeze %dma_start3A_58 : memref<1x128x128xf32, #tpu.memory_space<vmem>> -> memref<128x128xf32, #tpu.memory_space<vmem>>
    %dma_start3A_60 = arith.constant 0 : i32
    %dma_start3A_61 = tpu.memref_slice %arg8[%dma_start3A_54, %dma_start3A_60] : memref<80x128xi32, #tpu.memory_space<vmem>> -> memref<1x128xi32, #tpu.memory_space<vmem>>
    %dma_start3A_62 = tpu.memref_squeeze %dma_start3A_61 : memref<1x128xi32, #tpu.memory_space<vmem>> -> memref<128xi32, #tpu.memory_space<vmem>>
    %dma_start3A_63 = arith.constant 0 : i32
    %dma_start3A_64 = arith.constant 0 : i32
    %dma_start3A_65 = tpu.memref_slice %arg10[%dma_start3A_63, %dma_start3A_64] : memref<10240x128xf32, #tpu.memory_space<vmem_shared>> -> memref<10240x128xf32, #tpu.memory_space<vmem_shared>>
    %dma_start3A_66 = tpu.memref_slice %arg13[%dma_start3A_55] : memref<2x!tpu.dma_semaphore, #tpu.memory_space<semaphore_mem>> -> memref<1x!tpu.dma_semaphore, #tpu.memory_space<semaphore_mem>>
    %dma_start3A_67 = tpu.memref_squeeze %dma_start3A_66 : memref<1x!tpu.dma_semaphore, #tpu.memory_space<semaphore_mem>> -> memref<!tpu.dma_semaphore, #tpu.memory_space<semaphore_mem>>
    tpu.enqueue_indirect_dma source(%dma_start3A_59 : memref<128x128xf32, #tpu.memory_space<vmem>>) target(%dma_start3A_65 : memref<10240x128xf32, #tpu.memory_space<vmem_shared>>) offsets(%dma_start3A_62 : memref<128xi32, #tpu.memory_space<vmem>>) semaphore(%dma_start3A_67 : memref<!tpu.dma_semaphore, #tpu.memory_space<semaphore_mem>>) {add = true}
    %dma_wait3A_68 = arith.constant 0 : i32
    %dma_wait3A_69 = arith.constant 38 : i32
    %dma_wait3A_70 = arith.constant 0 : i32
    %dma_wait3A_71 = arith.constant 0 : i32
    %dma_wait3A_72 = arith.constant 0 : i32
    %dma_wait3A_73 = tpu.memref_slice %arg9[%dma_wait3A_68, %dma_wait3A_71, %dma_wait3A_72] : memref<2x128x128xf32, #tpu.memory_space<vmem>> -> memref<1x128x128xf32, #tpu.memory_space<vmem>>
    %dma_wait3A_74 = tpu.memref_squeeze %dma_wait3A_73 : memref<1x128x128xf32, #tpu.memory_space<vmem>> -> memref<128x128xf32, #tpu.memory_space<vmem>>
    %dma_wait3A_75 = arith.constant 0 : i32
    %dma_wait3A_76 = tpu.memref_slice %arg8[%dma_wait3A_69, %dma_wait3A_75] : memref<80x128xi32, #tpu.memory_space<vmem>> -> memref<1x128xi32, #tpu.memory_space<vmem>>
    %dma_wait3A_77 = tpu.memref_squeeze %dma_wait3A_76 : memref<1x128xi32, #tpu.memory_space<vmem>> -> memref<128xi32, #tpu.memory_space<vmem>>
    %dma_wait3A_78 = arith.constant 0 : i32
    %dma_wait3A_79 = arith.constant 0 : i32
    %dma_wait3A_80 = tpu.memref_slice %arg10[%dma_wait3A_78, %dma_wait3A_79] : memref<10240x128xf32, #tpu.memory_space<vmem_shared>> -> memref<10240x128xf32, #tpu.memory_space<vmem_shared>>
    %dma_wait3A_81 = tpu.memref_slice %arg13[%dma_wait3A_70] : memref<2x!tpu.dma_semaphore, #tpu.memory_space<semaphore_mem>> -> memref<1x!tpu.dma_semaphore, #tpu.memory_space<semaphore_mem>>
    %dma_wait3A_82 = tpu.memref_squeeze %dma_wait3A_81 : memref<1x!tpu.dma_semaphore, #tpu.memory_space<semaphore_mem>> -> memref<!tpu.dma_semaphore, #tpu.memory_space<semaphore_mem>>
    tpu.wait_indirect_dma semaphore(%dma_wait3A_82 : memref<!tpu.dma_semaphore, #tpu.memory_space<semaphore_mem>>) src(%dma_wait3A_74 : memref<128x128xf32, #tpu.memory_space<vmem>>) dst(%dma_wait3A_80 : memref<10240x128xf32, #tpu.memory_space<vmem_shared>>)
    %dma_wait3A_83 = arith.constant 1 : i32
    %dma_wait3A_84 = arith.constant 39 : i32
    %dma_wait3A_85 = arith.constant 1 : i32
    %dma_wait3A_86 = arith.constant 0 : i32
    %dma_wait3A_87 = arith.constant 0 : i32
    %dma_wait3A_88 = tpu.memref_slice %arg9[%dma_wait3A_83, %dma_wait3A_86, %dma_wait3A_87] : memref<2x128x128xf32, #tpu.memory_space<vmem>> -> memref<1x128x128xf32, #tpu.memory_space<vmem>>
    %dma_wait3A_89 = tpu.memref_squeeze %dma_wait3A_88 : memref<1x128x128xf32, #tpu.memory_space<vmem>> -> memref<128x128xf32, #tpu.memory_space<vmem>>
    %dma_wait3A_90 = arith.constant 0 : i32
    %dma_wait3A_91 = tpu.memref_slice %arg8[%dma_wait3A_84, %dma_wait3A_90] : memref<80x128xi32, #tpu.memory_space<vmem>> -> memref<1x128xi32, #tpu.memory_space<vmem>>
    %dma_wait3A_92 = tpu.memref_squeeze %dma_wait3A_91 : memref<1x128xi32, #tpu.memory_space<vmem>> -> memref<128xi32, #tpu.memory_space<vmem>>
    %dma_wait3A_93 = arith.constant 0 : i32
    %dma_wait3A_94 = arith.constant 0 : i32
    %dma_wait3A_95 = tpu.memref_slice %arg10[%dma_wait3A_93, %dma_wait3A_94] : memref<10240x128xf32, #tpu.memory_space<vmem_shared>> -> memref<10240x128xf32, #tpu.memory_space<vmem_shared>>
    %dma_wait3A_96 = tpu.memref_slice %arg13[%dma_wait3A_85] : memref<2x!tpu.dma_semaphore, #tpu.memory_space<semaphore_mem>> -> memref<1x!tpu.dma_semaphore, #tpu.memory_space<semaphore_mem>>
    %dma_wait3A_97 = tpu.memref_squeeze %dma_wait3A_96 : memref<1x!tpu.dma_semaphore, #tpu.memory_space<semaphore_mem>> -> memref<!tpu.dma_semaphore, #tpu.memory_space<semaphore_mem>>
    tpu.wait_indirect_dma semaphore(%dma_wait3A_97 : memref<!tpu.dma_semaphore, #tpu.memory_space<semaphore_mem>>) src(%dma_wait3A_89 : memref<128x128xf32, #tpu.memory_space<vmem>>) dst(%dma_wait3A_95 : memref<10240x128xf32, #tpu.memory_space<vmem_shared>>)
    "tpu.region"() ({
      %run_scoped3A = tpu.sem_alloc : memref<!tpu.dma_semaphore, #tpu.memory_space<semaphore_mem>>
      %dma_start3A_165 = arith.constant 40 : i32
      %dma_start3A_166 = arith.constant 0 : i32
      %dma_start3A_167 = tpu.memref_slice %arg3[%add3A, %dma_start3A_165, %dma_start3A_166] : memref<32x80x128xi32, #tpu.memory_space<hbm>> -> memref<1x40x128xi32, #tpu.memory_space<hbm>>
      %dma_start3A_168 = tpu.memref_squeeze %dma_start3A_167 : memref<1x40x128xi32, #tpu.memory_space<hbm>> -> memref<40x128xi32, #tpu.memory_space<hbm>>
      %dma_start3A_169 = arith.constant 40 : i32
      %dma_start3A_170 = arith.constant 0 : i32
      %dma_start3A_171 = tpu.memref_slice %arg3[%add3A, %dma_start3A_169, %dma_start3A_170] : memref<32x80x128xi32, #tpu.memory_space<hbm>> -> memref<1x40x128xi32, #tpu.memory_space<hbm>>
      %dma_start3A_172 = tpu.memref_squeeze %dma_start3A_171 : memref<1x40x128xi32, #tpu.memory_space<hbm>> -> memref<40x128xi32, #tpu.memory_space<hbm>>
      tpu.enqueue_dma source(%dma_start3A_172 : memref<40x128xi32, #tpu.memory_space<hbm>>) target(%arg7 : memref<40x128xi32, #tpu.memory_space<vmem>>) target_semaphore(%run_scoped3A : memref<!tpu.dma_semaphore, #tpu.memory_space<semaphore_mem>>)
      %dma_wait3A_173 = arith.constant 40 : i32
      %dma_wait3A_174 = arith.constant 0 : i32
      %dma_wait3A_175 = tpu.memref_slice %arg3[%add3A, %dma_wait3A_173, %dma_wait3A_174] : memref<32x80x128xi32, #tpu.memory_space<hbm>> -> memref<1x40x128xi32, #tpu.memory_space<hbm>>
      %dma_wait3A_176 = tpu.memref_squeeze %dma_wait3A_175 : memref<1x40x128xi32, #tpu.memory_space<hbm>> -> memref<40x128xi32, #tpu.memory_space<hbm>>
      %dma_wait3A_177 = arith.constant 40 : i32
      %dma_wait3A_178 = arith.constant 0 : i32
      %dma_wait3A_179 = tpu.memref_slice %arg3[%add3A, %dma_wait3A_177, %dma_wait3A_178] : memref<32x80x128xi32, #tpu.memory_space<hbm>> -> memref<1x40x128xi32, #tpu.memory_space<hbm>>
      %dma_wait3A_180 = tpu.memref_squeeze %dma_wait3A_179 : memref<1x40x128xi32, #tpu.memory_space<hbm>> -> memref<40x128xi32, #tpu.memory_space<hbm>>
      tpu.wait_dma2 semaphore(%run_scoped3A : memref<!tpu.dma_semaphore, #tpu.memory_space<semaphore_mem>>) src(%dma_wait3A_180 : memref<40x128xi32, #tpu.memory_space<hbm>>) dst(%arg7 : memref<40x128xi32, #tpu.memory_space<vmem>>)
      tpu.yield
    }) : () -> ()
    %scan3A_98 = arith.constant 0 : i32
    %scan3A_99 = arith.constant 0 : i32
    %scan3A_100 = arith.constant 20 : i32
    %scan3A_101 = arith.addi %scan3A_99, %scan3A_100 : i32
    %scan3A_102 = arith.constant 1 : i32
    scf.for %scan3A_165 = %scan3A_99 to %scan3A_101 step %scan3A_102  : i32 {
      %mul3A_166 = arith.constant 2 : i32
      %mul3A_167 = arith.muli %scan3A_165, %mul3A_166 : i32
      %add3A_168 = arith.constant 0 : i32
      %add3A_169 = arith.addi %mul3A_167, %add3A_168 : i32
      %gt3A = arith.constant 0 : i32
      %gt3A_170 = arith.cmpi sgt, %scan3A_165, %gt3A : i32
      %convert_element_type3A = arith.extui %gt3A_170 : i1 to i32
      %cond3A = arith.constant 0 : i32
      %cond3A_171 = arith.cmpi ne, %convert_element_type3A, %cond3A : i32
      scf.if %cond3A_171 {
        %add3A_247 = arith.constant 40 : i32
        %add3A_248 = arith.addi %add3A_247, %add3A_169 : i32
        %sub3A_249 = arith.constant 2 : i32
        %sub3A_250 = arith.subi %add3A_248, %sub3A_249 : i32
        %dma_wait3A_251 = arith.constant 0 : i32
        %dma_wait3A_252 = arith.constant 0 : i32
        %dma_wait3A_253 = arith.constant 0 : i32
        %dma_wait3A_254 = arith.constant 0 : i32
        %dma_wait3A_255 = tpu.memref_slice %arg9[%dma_wait3A_251, %dma_wait3A_253, %dma_wait3A_254] : memref<2x128x128xf32, #tpu.memory_space<vmem>> -> memref<1x128x128xf32, #tpu.memory_space<vmem>>
        %dma_wait3A_256 = tpu.memref_squeeze %dma_wait3A_255 : memref<1x128x128xf32, #tpu.memory_space<vmem>> -> memref<128x128xf32, #tpu.memory_space<vmem>>
        %dma_wait3A_257 = arith.constant 0 : i32
        %dma_wait3A_258 = tpu.memref_slice %arg8[%sub3A_250, %dma_wait3A_257] : memref<80x128xi32, #tpu.memory_space<vmem>> -> memref<1x128xi32, #tpu.memory_space<vmem>>
        %dma_wait3A_259 = tpu.memref_squeeze %dma_wait3A_258 : memref<1x128xi32, #tpu.memory_space<vmem>> -> memref<128xi32, #tpu.memory_space<vmem>>
        %dma_wait3A_260 = arith.constant 0 : i32
        %dma_wait3A_261 = arith.constant 0 : i32
        %dma_wait3A_262 = tpu.memref_slice %arg10[%dma_wait3A_260, %dma_wait3A_261] : memref<10240x128xf32, #tpu.memory_space<vmem_shared>> -> memref<10240x128xf32, #tpu.memory_space<vmem_shared>>
        %dma_wait3A_263 = tpu.memref_slice %arg13[%dma_wait3A_252] : memref<2x!tpu.dma_semaphore, #tpu.memory_space<semaphore_mem>> -> memref<1x!tpu.dma_semaphore, #tpu.memory_space<semaphore_mem>>
        %dma_wait3A_264 = tpu.memref_squeeze %dma_wait3A_263 : memref<1x!tpu.dma_semaphore, #tpu.memory_space<semaphore_mem>> -> memref<!tpu.dma_semaphore, #tpu.memory_space<semaphore_mem>>
        tpu.wait_indirect_dma semaphore(%dma_wait3A_264 : memref<!tpu.dma_semaphore, #tpu.memory_space<semaphore_mem>>) src(%dma_wait3A_256 : memref<128x128xf32, #tpu.memory_space<vmem>>) dst(%dma_wait3A_262 : memref<10240x128xf32, #tpu.memory_space<vmem_shared>>)
      } else {
      }
      %dma_start3A_172 = arith.constant 0 : i32
      %dma_start3A_173 = arith.constant 0 : i32
      %dma_start3A_174 = arith.constant 0 : i32
      %dma_start3A_175 = arith.constant 0 : i32
      %dma_start3A_176 = tpu.memref_slice %arg9[%dma_start3A_172, %dma_start3A_174, %dma_start3A_175] : memref<2x128x128xf32, #tpu.memory_space<vmem>> -> memref<1x128x128xf32, #tpu.memory_space<vmem>>
      %dma_start3A_177 = tpu.memref_squeeze %dma_start3A_176 : memref<1x128x128xf32, #tpu.memory_space<vmem>> -> memref<128x128xf32, #tpu.memory_space<vmem>>
      %dma_start3A_178 = arith.constant 0 : i32
      %dma_start3A_179 = tpu.memref_slice %arg7[%add3A_169, %dma_start3A_178] : memref<40x128xi32, #tpu.memory_space<vmem>> -> memref<1x128xi32, #tpu.memory_space<vmem>>
      %dma_start3A_180 = tpu.memref_squeeze %dma_start3A_179 : memref<1x128xi32, #tpu.memory_space<vmem>> -> memref<128xi32, #tpu.memory_space<vmem>>
      %dma_start3A_181 = arith.constant 0 : i32
      %dma_start3A_182 = arith.constant 0 : i32
      %dma_start3A_183 = tpu.memref_slice %arg2[%dma_start3A_181, %dma_start3A_182] : memref<10240x128xf32, #tpu.memory_space<hbm>> -> memref<10240x128xf32, #tpu.memory_space<hbm>>
      %dma_start3A_184 = tpu.memref_slice %arg12[%dma_start3A_173] : memref<2x!tpu.dma_semaphore, #tpu.memory_space<semaphore_mem>> -> memref<1x!tpu.dma_semaphore, #tpu.memory_space<semaphore_mem>>
      %dma_start3A_185 = tpu.memref_squeeze %dma_start3A_184 : memref<1x!tpu.dma_semaphore, #tpu.memory_space<semaphore_mem>> -> memref<!tpu.dma_semaphore, #tpu.memory_space<semaphore_mem>>
      tpu.enqueue_indirect_dma source(%dma_start3A_183 : memref<10240x128xf32, #tpu.memory_space<hbm>>) target(%dma_start3A_177 : memref<128x128xf32, #tpu.memory_space<vmem>>) offsets(%dma_start3A_180 : memref<128xi32, #tpu.memory_space<vmem>>) semaphore(%dma_start3A_185 : memref<!tpu.dma_semaphore, #tpu.memory_space<semaphore_mem>>)
      %gt3A_186 = arith.constant 0 : i32
      %gt3A_187 = arith.cmpi sgt, %scan3A_165, %gt3A_186 : i32
      %convert_element_type3A_188 = arith.extui %gt3A_187 : i1 to i32
      %cond3A_189 = arith.constant 0 : i32
      %cond3A_190 = arith.cmpi ne, %convert_element_type3A_188, %cond3A_189 : i32
      scf.if %cond3A_190 {
        %sub3A_247 = arith.constant 1 : i32
        %sub3A_248 = arith.subi %add3A_169, %sub3A_247 : i32
        %dma_wait3A_249 = arith.constant 1 : i32
        %dma_wait3A_250 = arith.constant 1 : i32
        %dma_wait3A_251 = arith.constant 0 : i32
        %dma_wait3A_252 = arith.constant 0 : i32
        %dma_wait3A_253 = tpu.memref_slice %arg9[%dma_wait3A_249, %dma_wait3A_251, %dma_wait3A_252] : memref<2x128x128xf32, #tpu.memory_space<vmem>> -> memref<1x128x128xf32, #tpu.memory_space<vmem>>
        %dma_wait3A_254 = tpu.memref_squeeze %dma_wait3A_253 : memref<1x128x128xf32, #tpu.memory_space<vmem>> -> memref<128x128xf32, #tpu.memory_space<vmem>>
        %dma_wait3A_255 = arith.constant 0 : i32
        %dma_wait3A_256 = tpu.memref_slice %arg7[%sub3A_248, %dma_wait3A_255] : memref<40x128xi32, #tpu.memory_space<vmem>> -> memref<1x128xi32, #tpu.memory_space<vmem>>
        %dma_wait3A_257 = tpu.memref_squeeze %dma_wait3A_256 : memref<1x128xi32, #tpu.memory_space<vmem>> -> memref<128xi32, #tpu.memory_space<vmem>>
        %dma_wait3A_258 = arith.constant 0 : i32
        %dma_wait3A_259 = arith.constant 0 : i32
        %dma_wait3A_260 = tpu.memref_slice %arg2[%dma_wait3A_258, %dma_wait3A_259] : memref<10240x128xf32, #tpu.memory_space<hbm>> -> memref<10240x128xf32, #tpu.memory_space<hbm>>
        %dma_wait3A_261 = tpu.memref_slice %arg12[%dma_wait3A_250] : memref<2x!tpu.dma_semaphore, #tpu.memory_space<semaphore_mem>> -> memref<1x!tpu.dma_semaphore, #tpu.memory_space<semaphore_mem>>
        %dma_wait3A_262 = tpu.memref_squeeze %dma_wait3A_261 : memref<1x!tpu.dma_semaphore, #tpu.memory_space<semaphore_mem>> -> memref<!tpu.dma_semaphore, #tpu.memory_space<semaphore_mem>>
        tpu.wait_indirect_dma semaphore(%dma_wait3A_262 : memref<!tpu.dma_semaphore, #tpu.memory_space<semaphore_mem>>) src(%dma_wait3A_260 : memref<10240x128xf32, #tpu.memory_space<hbm>>) dst(%dma_wait3A_254 : memref<128x128xf32, #tpu.memory_space<vmem>>)
        %add3A_263 = arith.constant 40 : i32
        %add3A_264 = arith.addi %add3A_263, %add3A_169 : i32
        %sub3A_265 = arith.constant 1 : i32
        %sub3A_266 = arith.subi %add3A_264, %sub3A_265 : i32
        %dma_start3A_267 = arith.constant 1 : i32
        %dma_start3A_268 = arith.constant 1 : i32
        %dma_start3A_269 = arith.constant 0 : i32
        %dma_start3A_270 = arith.constant 0 : i32
        %dma_start3A_271 = tpu.memref_slice %arg9[%dma_start3A_267, %dma_start3A_269, %dma_start3A_270] : memref<2x128x128xf32, #tpu.memory_space<vmem>> -> memref<1x128x128xf32, #tpu.memory_space<vmem>>
        %dma_start3A_272 = tpu.memref_squeeze %dma_start3A_271 : memref<1x128x128xf32, #tpu.memory_space<vmem>> -> memref<128x128xf32, #tpu.memory_space<vmem>>
        %dma_start3A_273 = arith.constant 0 : i32
        %dma_start3A_274 = tpu.memref_slice %arg8[%sub3A_266, %dma_start3A_273] : memref<80x128xi32, #tpu.memory_space<vmem>> -> memref<1x128xi32, #tpu.memory_space<vmem>>
        %dma_start3A_275 = tpu.memref_squeeze %dma_start3A_274 : memref<1x128xi32, #tpu.memory_space<vmem>> -> memref<128xi32, #tpu.memory_space<vmem>>
        %dma_start3A_276 = arith.constant 0 : i32
        %dma_start3A_277 = arith.constant 0 : i32
        %dma_start3A_278 = tpu.memref_slice %arg10[%dma_start3A_276, %dma_start3A_277] : memref<10240x128xf32, #tpu.memory_space<vmem_shared>> -> memref<10240x128xf32, #tpu.memory_space<vmem_shared>>
        %dma_start3A_279 = tpu.memref_slice %arg13[%dma_start3A_268] : memref<2x!tpu.dma_semaphore, #tpu.memory_space<semaphore_mem>> -> memref<1x!tpu.dma_semaphore, #tpu.memory_space<semaphore_mem>>
        %dma_start3A_280 = tpu.memref_squeeze %dma_start3A_279 : memref<1x!tpu.dma_semaphore, #tpu.memory_space<semaphore_mem>> -> memref<!tpu.dma_semaphore, #tpu.memory_space<semaphore_mem>>
        tpu.enqueue_indirect_dma source(%dma_start3A_272 : memref<128x128xf32, #tpu.memory_space<vmem>>) target(%dma_start3A_278 : memref<10240x128xf32, #tpu.memory_space<vmem_shared>>) offsets(%dma_start3A_275 : memref<128xi32, #tpu.memory_space<vmem>>) semaphore(%dma_start3A_280 : memref<!tpu.dma_semaphore, #tpu.memory_space<semaphore_mem>>) {add = true}
      } else {
      }
      %mul3A_191 = arith.constant 2 : i32
      %mul3A_192 = arith.muli %scan3A_165, %mul3A_191 : i32
      %add3A_193 = arith.constant 1 : i32
      %add3A_194 = arith.addi %mul3A_192, %add3A_193 : i32
      %gt3A_195 = arith.constant 0 : i32
      %gt3A_196 = arith.cmpi sgt, %scan3A_165, %gt3A_195 : i32
      %convert_element_type3A_197 = arith.extui %gt3A_196 : i1 to i32
      %cond3A_198 = arith.constant 0 : i32
      %cond3A_199 = arith.cmpi ne, %convert_element_type3A_197, %cond3A_198 : i32
      scf.if %cond3A_199 {
        %add3A_247 = arith.constant 40 : i32
        %add3A_248 = arith.addi %add3A_247, %add3A_194 : i32
        %sub3A_249 = arith.constant 2 : i32
        %sub3A_250 = arith.subi %add3A_248, %sub3A_249 : i32
        %dma_wait3A_251 = arith.constant 1 : i32
        %dma_wait3A_252 = arith.constant 1 : i32
        %dma_wait3A_253 = arith.constant 0 : i32
        %dma_wait3A_254 = arith.constant 0 : i32
        %dma_wait3A_255 = tpu.memref_slice %arg9[%dma_wait3A_251, %dma_wait3A_253, %dma_wait3A_254] : memref<2x128x128xf32, #tpu.memory_space<vmem>> -> memref<1x128x128xf32, #tpu.memory_space<vmem>>
        %dma_wait3A_256 = tpu.memref_squeeze %dma_wait3A_255 : memref<1x128x128xf32, #tpu.memory_space<vmem>> -> memref<128x128xf32, #tpu.memory_space<vmem>>
        %dma_wait3A_257 = arith.constant 0 : i32
        %dma_wait3A_258 = tpu.memref_slice %arg8[%sub3A_250, %dma_wait3A_257] : memref<80x128xi32, #tpu.memory_space<vmem>> -> memref<1x128xi32, #tpu.memory_space<vmem>>
        %dma_wait3A_259 = tpu.memref_squeeze %dma_wait3A_258 : memref<1x128xi32, #tpu.memory_space<vmem>> -> memref<128xi32, #tpu.memory_space<vmem>>
        %dma_wait3A_260 = arith.constant 0 : i32
        %dma_wait3A_261 = arith.constant 0 : i32
        %dma_wait3A_262 = tpu.memref_slice %arg10[%dma_wait3A_260, %dma_wait3A_261] : memref<10240x128xf32, #tpu.memory_space<vmem_shared>> -> memref<10240x128xf32, #tpu.memory_space<vmem_shared>>
        %dma_wait3A_263 = tpu.memref_slice %arg13[%dma_wait3A_252] : memref<2x!tpu.dma_semaphore, #tpu.memory_space<semaphore_mem>> -> memref<1x!tpu.dma_semaphore, #tpu.memory_space<semaphore_mem>>
        %dma_wait3A_264 = tpu.memref_squeeze %dma_wait3A_263 : memref<1x!tpu.dma_semaphore, #tpu.memory_space<semaphore_mem>> -> memref<!tpu.dma_semaphore, #tpu.memory_space<semaphore_mem>>
        tpu.wait_indirect_dma semaphore(%dma_wait3A_264 : memref<!tpu.dma_semaphore, #tpu.memory_space<semaphore_mem>>) src(%dma_wait3A_256 : memref<128x128xf32, #tpu.memory_space<vmem>>) dst(%dma_wait3A_262 : memref<10240x128xf32, #tpu.memory_space<vmem_shared>>)
      } else {
      }
      %dma_start3A_200 = arith.constant 1 : i32
      %dma_start3A_201 = arith.constant 1 : i32
      %dma_start3A_202 = arith.constant 0 : i32
      %dma_start3A_203 = arith.constant 0 : i32
      %dma_start3A_204 = tpu.memref_slice %arg9[%dma_start3A_200, %dma_start3A_202, %dma_start3A_203] : memref<2x128x128xf32, #tpu.memory_space<vmem>> -> memref<1x128x128xf32, #tpu.memory_space<vmem>>
      %dma_start3A_205 = tpu.memref_squeeze %dma_start3A_204 : memref<1x128x128xf32, #tpu.memory_space<vmem>> -> memref<128x128xf32, #tpu.memory_space<vmem>>
      %dma_start3A_206 = arith.constant 0 : i32
      %dma_start3A_207 = tpu.memref_slice %arg7[%add3A_194, %dma_start3A_206] : memref<40x128xi32, #tpu.memory_space<vmem>> -> memref<1x128xi32, #tpu.memory_space<vmem>>
      %dma_start3A_208 = tpu.memref_squeeze %dma_start3A_207 : memref<1x128xi32, #tpu.memory_space<vmem>> -> memref<128xi32, #tpu.memory_space<vmem>>
      %dma_start3A_209 = arith.constant 0 : i32
      %dma_start3A_210 = arith.constant 0 : i32
      %dma_start3A_211 = tpu.memref_slice %arg2[%dma_start3A_209, %dma_start3A_210] : memref<10240x128xf32, #tpu.memory_space<hbm>> -> memref<10240x128xf32, #tpu.memory_space<hbm>>
      %dma_start3A_212 = tpu.memref_slice %arg12[%dma_start3A_201] : memref<2x!tpu.dma_semaphore, #tpu.memory_space<semaphore_mem>> -> memref<1x!tpu.dma_semaphore, #tpu.memory_space<semaphore_mem>>
      %dma_start3A_213 = tpu.memref_squeeze %dma_start3A_212 : memref<1x!tpu.dma_semaphore, #tpu.memory_space<semaphore_mem>> -> memref<!tpu.dma_semaphore, #tpu.memory_space<semaphore_mem>>
      tpu.enqueue_indirect_dma source(%dma_start3A_211 : memref<10240x128xf32, #tpu.memory_space<hbm>>) target(%dma_start3A_205 : memref<128x128xf32, #tpu.memory_space<vmem>>) offsets(%dma_start3A_208 : memref<128xi32, #tpu.memory_space<vmem>>) semaphore(%dma_start3A_213 : memref<!tpu.dma_semaphore, #tpu.memory_space<semaphore_mem>>)
      %sub3A = arith.constant 1 : i32
      %sub3A_214 = arith.subi %add3A_194, %sub3A : i32
      %dma_wait3A_215 = arith.constant 0 : i32
      %dma_wait3A_216 = arith.constant 0 : i32
      %dma_wait3A_217 = arith.constant 0 : i32
      %dma_wait3A_218 = arith.constant 0 : i32
      %dma_wait3A_219 = tpu.memref_slice %arg9[%dma_wait3A_215, %dma_wait3A_217, %dma_wait3A_218] : memref<2x128x128xf32, #tpu.memory_space<vmem>> -> memref<1x128x128xf32, #tpu.memory_space<vmem>>
      %dma_wait3A_220 = tpu.memref_squeeze %dma_wait3A_219 : memref<1x128x128xf32, #tpu.memory_space<vmem>> -> memref<128x128xf32, #tpu.memory_space<vmem>>
      %dma_wait3A_221 = arith.constant 0 : i32
      %dma_wait3A_222 = tpu.memref_slice %arg7[%sub3A_214, %dma_wait3A_221] : memref<40x128xi32, #tpu.memory_space<vmem>> -> memref<1x128xi32, #tpu.memory_space<vmem>>
      %dma_wait3A_223 = tpu.memref_squeeze %dma_wait3A_222 : memref<1x128xi32, #tpu.memory_space<vmem>> -> memref<128xi32, #tpu.memory_space<vmem>>
      %dma_wait3A_224 = arith.constant 0 : i32
      %dma_wait3A_225 = arith.constant 0 : i32
      %dma_wait3A_226 = tpu.memref_slice %arg2[%dma_wait3A_224, %dma_wait3A_225] : memref<10240x128xf32, #tpu.memory_space<hbm>> -> memref<10240x128xf32, #tpu.memory_space<hbm>>
      %dma_wait3A_227 = tpu.memref_slice %arg12[%dma_wait3A_216] : memref<2x!tpu.dma_semaphore, #tpu.memory_space<semaphore_mem>> -> memref<1x!tpu.dma_semaphore, #tpu.memory_space<semaphore_mem>>
      %dma_wait3A_228 = tpu.memref_squeeze %dma_wait3A_227 : memref<1x!tpu.dma_semaphore, #tpu.memory_space<semaphore_mem>> -> memref<!tpu.dma_semaphore, #tpu.memory_space<semaphore_mem>>
      tpu.wait_indirect_dma semaphore(%dma_wait3A_228 : memref<!tpu.dma_semaphore, #tpu.memory_space<semaphore_mem>>) src(%dma_wait3A_226 : memref<10240x128xf32, #tpu.memory_space<hbm>>) dst(%dma_wait3A_220 : memref<128x128xf32, #tpu.memory_space<vmem>>)
      %add3A_229 = arith.constant 40 : i32
      %add3A_230 = arith.addi %add3A_229, %add3A_194 : i32
      %sub3A_231 = arith.constant 1 : i32
      %sub3A_232 = arith.subi %add3A_230, %sub3A_231 : i32
      %dma_start3A_233 = arith.constant 0 : i32
      %dma_start3A_234 = arith.constant 0 : i32
      %dma_start3A_235 = arith.constant 0 : i32
      %dma_start3A_236 = arith.constant 0 : i32
      %dma_start3A_237 = tpu.memref_slice %arg9[%dma_start3A_233, %dma_start3A_235, %dma_start3A_236] : memref<2x128x128xf32, #tpu.memory_space<vmem>> -> memref<1x128x128xf32, #tpu.memory_space<vmem>>
      %dma_start3A_238 = tpu.memref_squeeze %dma_start3A_237 : memref<1x128x128xf32, #tpu.memory_space<vmem>> -> memref<128x128xf32, #tpu.memory_space<vmem>>
      %dma_start3A_239 = arith.constant 0 : i32
      %dma_start3A_240 = tpu.memref_slice %arg8[%sub3A_232, %dma_start3A_239] : memref<80x128xi32, #tpu.memory_space<vmem>> -> memref<1x128xi32, #tpu.memory_space<vmem>>
      %dma_start3A_241 = tpu.memref_squeeze %dma_start3A_240 : memref<1x128xi32, #tpu.memory_space<vmem>> -> memref<128xi32, #tpu.memory_space<vmem>>
      %dma_start3A_242 = arith.constant 0 : i32
      %dma_start3A_243 = arith.constant 0 : i32
      %dma_start3A_244 = tpu.memref_slice %arg10[%dma_start3A_242, %dma_start3A_243] : memref<10240x128xf32, #tpu.memory_space<vmem_shared>> -> memref<10240x128xf32, #tpu.memory_space<vmem_shared>>
      %dma_start3A_245 = tpu.memref_slice %arg13[%dma_start3A_234] : memref<2x!tpu.dma_semaphore, #tpu.memory_space<semaphore_mem>> -> memref<1x!tpu.dma_semaphore, #tpu.memory_space<semaphore_mem>>
      %dma_start3A_246 = tpu.memref_squeeze %dma_start3A_245 : memref<1x!tpu.dma_semaphore, #tpu.memory_space<semaphore_mem>> -> memref<!tpu.dma_semaphore, #tpu.memory_space<semaphore_mem>>
      tpu.enqueue_indirect_dma source(%dma_start3A_238 : memref<128x128xf32, #tpu.memory_space<vmem>>) target(%dma_start3A_244 : memref<10240x128xf32, #tpu.memory_space<vmem_shared>>) offsets(%dma_start3A_241 : memref<128xi32, #tpu.memory_space<vmem>>) semaphore(%dma_start3A_246 : memref<!tpu.dma_semaphore, #tpu.memory_space<semaphore_mem>>) {add = true}
    }
    %scan3A_103 = arith.constant 20 : i32
    %dma_wait3A_104 = arith.constant 39 : i32
    %dma_wait3A_105 = arith.constant 1 : i32
    %dma_wait3A_106 = arith.constant 1 : i32
    %dma_wait3A_107 = arith.constant 0 : i32
    %dma_wait3A_108 = arith.constant 0 : i32
    %dma_wait3A_109 = tpu.memref_slice %arg9[%dma_wait3A_105, %dma_wait3A_107, %dma_wait3A_108] : memref<2x128x128xf32, #tpu.memory_space<vmem>> -> memref<1x128x128xf32, #tpu.memory_space<vmem>>
    %dma_wait3A_110 = tpu.memref_squeeze %dma_wait3A_109 : memref<1x128x128xf32, #tpu.memory_space<vmem>> -> memref<128x128xf32, #tpu.memory_space<vmem>>
    %dma_wait3A_111 = arith.constant 0 : i32
    %dma_wait3A_112 = tpu.memref_slice %arg7[%dma_wait3A_104, %dma_wait3A_111] : memref<40x128xi32, #tpu.memory_space<vmem>> -> memref<1x128xi32, #tpu.memory_space<vmem>>
    %dma_wait3A_113 = tpu.memref_squeeze %dma_wait3A_112 : memref<1x128xi32, #tpu.memory_space<vmem>> -> memref<128xi32, #tpu.memory_space<vmem>>
    %dma_wait3A_114 = arith.constant 0 : i32
    %dma_wait3A_115 = arith.constant 0 : i32
    %dma_wait3A_116 = tpu.memref_slice %arg2[%dma_wait3A_114, %dma_wait3A_115] : memref<10240x128xf32, #tpu.memory_space<hbm>> -> memref<10240x128xf32, #tpu.memory_space<hbm>>
    %dma_wait3A_117 = tpu.memref_slice %arg12[%dma_wait3A_106] : memref<2x!tpu.dma_semaphore, #tpu.memory_space<semaphore_mem>> -> memref<1x!tpu.dma_semaphore, #tpu.memory_space<semaphore_mem>>
    %dma_wait3A_118 = tpu.memref_squeeze %dma_wait3A_117 : memref<1x!tpu.dma_semaphore, #tpu.memory_space<semaphore_mem>> -> memref<!tpu.dma_semaphore, #tpu.memory_space<semaphore_mem>>
    tpu.wait_indirect_dma semaphore(%dma_wait3A_118 : memref<!tpu.dma_semaphore, #tpu.memory_space<semaphore_mem>>) src(%dma_wait3A_116 : memref<10240x128xf32, #tpu.memory_space<hbm>>) dst(%dma_wait3A_110 : memref<128x128xf32, #tpu.memory_space<vmem>>)
    %dma_start3A_119 = arith.constant 1 : i32
    %dma_start3A_120 = arith.constant 79 : i32
    %dma_start3A_121 = arith.constant 1 : i32
    %dma_start3A_122 = arith.constant 0 : i32
    %dma_start3A_123 = arith.constant 0 : i32
    %dma_start3A_124 = tpu.memref_slice %arg9[%dma_start3A_119, %dma_start3A_122, %dma_start3A_123] : memref<2x128x128xf32, #tpu.memory_space<vmem>> -> memref<1x128x128xf32, #tpu.memory_space<vmem>>
    %dma_start3A_125 = tpu.memref_squeeze %dma_start3A_124 : memref<1x128x128xf32, #tpu.memory_space<vmem>> -> memref<128x128xf32, #tpu.memory_space<vmem>>
    %dma_start3A_126 = arith.constant 0 : i32
    %dma_start3A_127 = tpu.memref_slice %arg8[%dma_start3A_120, %dma_start3A_126] : memref<80x128xi32, #tpu.memory_space<vmem>> -> memref<1x128xi32, #tpu.memory_space<vmem>>
    %dma_start3A_128 = tpu.memref_squeeze %dma_start3A_127 : memref<1x128xi32, #tpu.memory_space<vmem>> -> memref<128xi32, #tpu.memory_space<vmem>>
    %dma_start3A_129 = arith.constant 0 : i32
    %dma_start3A_130 = arith.constant 0 : i32
    %dma_start3A_131 = tpu.memref_slice %arg10[%dma_start3A_129, %dma_start3A_130] : memref<10240x128xf32, #tpu.memory_space<vmem_shared>> -> memref<10240x128xf32, #tpu.memory_space<vmem_shared>>
    %dma_start3A_132 = tpu.memref_slice %arg13[%dma_start3A_121] : memref<2x!tpu.dma_semaphore, #tpu.memory_space<semaphore_mem>> -> memref<1x!tpu.dma_semaphore, #tpu.memory_space<semaphore_mem>>
    %dma_start3A_133 = tpu.memref_squeeze %dma_start3A_132 : memref<1x!tpu.dma_semaphore, #tpu.memory_space<semaphore_mem>> -> memref<!tpu.dma_semaphore, #tpu.memory_space<semaphore_mem>>
    tpu.enqueue_indirect_dma source(%dma_start3A_125 : memref<128x128xf32, #tpu.memory_space<vmem>>) target(%dma_start3A_131 : memref<10240x128xf32, #tpu.memory_space<vmem_shared>>) offsets(%dma_start3A_128 : memref<128xi32, #tpu.memory_space<vmem>>) semaphore(%dma_start3A_133 : memref<!tpu.dma_semaphore, #tpu.memory_space<semaphore_mem>>) {add = true}
    %dma_wait3A_134 = arith.constant 0 : i32
    %dma_wait3A_135 = arith.constant 78 : i32
    %dma_wait3A_136 = arith.constant 0 : i32
    %dma_wait3A_137 = arith.constant 0 : i32
    %dma_wait3A_138 = arith.constant 0 : i32
    %dma_wait3A_139 = tpu.memref_slice %arg9[%dma_wait3A_134, %dma_wait3A_137, %dma_wait3A_138] : memref<2x128x128xf32, #tpu.memory_space<vmem>> -> memref<1x128x128xf32, #tpu.memory_space<vmem>>
    %dma_wait3A_140 = tpu.memref_squeeze %dma_wait3A_139 : memref<1x128x128xf32, #tpu.memory_space<vmem>> -> memref<128x128xf32, #tpu.memory_space<vmem>>
    %dma_wait3A_141 = arith.constant 0 : i32
    %dma_wait3A_142 = tpu.memref_slice %arg8[%dma_wait3A_135, %dma_wait3A_141] : memref<80x128xi32, #tpu.memory_space<vmem>> -> memref<1x128xi32, #tpu.memory_space<vmem>>
    %dma_wait3A_143 = tpu.memref_squeeze %dma_wait3A_142 : memref<1x128xi32, #tpu.memory_space<vmem>> -> memref<128xi32, #tpu.memory_space<vmem>>
    %dma_wait3A_144 = arith.constant 0 : i32
    %dma_wait3A_145 = arith.constant 0 : i32
    %dma_wait3A_146 = tpu.memref_slice %arg10[%dma_wait3A_144, %dma_wait3A_145] : memref<10240x128xf32, #tpu.memory_space<vmem_shared>> -> memref<10240x128xf32, #tpu.memory_space<vmem_shared>>
    %dma_wait3A_147 = tpu.memref_slice %arg13[%dma_wait3A_136] : memref<2x!tpu.dma_semaphore, #tpu.memory_space<semaphore_mem>> -> memref<1x!tpu.dma_semaphore, #tpu.memory_space<semaphore_mem>>
    %dma_wait3A_148 = tpu.memref_squeeze %dma_wait3A_147 : memref<1x!tpu.dma_semaphore, #tpu.memory_space<semaphore_mem>> -> memref<!tpu.dma_semaphore, #tpu.memory_space<semaphore_mem>>
    tpu.wait_indirect_dma semaphore(%dma_wait3A_148 : memref<!tpu.dma_semaphore, #tpu.memory_space<semaphore_mem>>) src(%dma_wait3A_140 : memref<128x128xf32, #tpu.memory_space<vmem>>) dst(%dma_wait3A_146 : memref<10240x128xf32, #tpu.memory_space<vmem_shared>>)
    %dma_wait3A_149 = arith.constant 1 : i32
    %dma_wait3A_150 = arith.constant 79 : i32
    %dma_wait3A_151 = arith.constant 1 : i32
    %dma_wait3A_152 = arith.constant 0 : i32
    %dma_wait3A_153 = arith.constant 0 : i32
    %dma_wait3A_154 = tpu.memref_slice %arg9[%dma_wait3A_149, %dma_wait3A_152, %dma_wait3A_153] : memref<2x128x128xf32, #tpu.memory_space<vmem>> -> memref<1x128x128xf32, #tpu.memory_space<vmem>>
    %dma_wait3A_155 = tpu.memref_squeeze %dma_wait3A_154 : memref<1x128x128xf32, #tpu.memory_space<vmem>> -> memref<128x128xf32, #tpu.memory_space<vmem>>
    %dma_wait3A_156 = arith.constant 0 : i32
    %dma_wait3A_157 = tpu.memref_slice %arg8[%dma_wait3A_150, %dma_wait3A_156] : memref<80x128xi32, #tpu.memory_space<vmem>> -> memref<1x128xi32, #tpu.memory_space<vmem>>
    %dma_wait3A_158 = tpu.memref_squeeze %dma_wait3A_157 : memref<1x128xi32, #tpu.memory_space<vmem>> -> memref<128xi32, #tpu.memory_space<vmem>>
    %dma_wait3A_159 = arith.constant 0 : i32
    %dma_wait3A_160 = arith.constant 0 : i32
    %dma_wait3A_161 = tpu.memref_slice %arg10[%dma_wait3A_159, %dma_wait3A_160] : memref<10240x128xf32, #tpu.memory_space<vmem_shared>> -> memref<10240x128xf32, #tpu.memory_space<vmem_shared>>
    %dma_wait3A_162 = tpu.memref_slice %arg13[%dma_wait3A_151] : memref<2x!tpu.dma_semaphore, #tpu.memory_space<semaphore_mem>> -> memref<1x!tpu.dma_semaphore, #tpu.memory_space<semaphore_mem>>
    %dma_wait3A_163 = tpu.memref_squeeze %dma_wait3A_162 : memref<1x!tpu.dma_semaphore, #tpu.memory_space<semaphore_mem>> -> memref<!tpu.dma_semaphore, #tpu.memory_space<semaphore_mem>>
    tpu.wait_indirect_dma semaphore(%dma_wait3A_163 : memref<!tpu.dma_semaphore, #tpu.memory_space<semaphore_mem>>) src(%dma_wait3A_155 : memref<128x128xf32, #tpu.memory_space<vmem>>) dst(%dma_wait3A_161 : memref<10240x128xf32, #tpu.memory_space<vmem_shared>>)
    %barrier3A_164 = arith.constant 0 : index
    tpu.barrier barrier_id(%barrier3A_164)
    "tpu.region"() ({
      %run_scoped3A = tpu.sem_alloc : memref<!tpu.dma_semaphore, #tpu.memory_space<semaphore_mem>>
      %dma_start3A_165 = arith.constant 0 : i32
      %dma_start3A_166 = tpu.memref_slice %arg6[%arg0, %mul3A_2, %dma_start3A_165] : memref<2x10240x128xf32, #tpu.memory_space<hbm>> -> memref<1x640x128xf32, #tpu.memory_space<hbm>>
      %dma_start3A_167 = tpu.memref_squeeze %dma_start3A_166 : memref<1x640x128xf32, #tpu.memory_space<hbm>> -> memref<640x128xf32, #tpu.memory_space<hbm>>
      %dma_start3A_168 = arith.constant 0 : i32
      %dma_start3A_169 = tpu.memref_slice %arg10[%mul3A_2, %dma_start3A_168] : memref<10240x128xf32, #tpu.memory_space<vmem_shared>> -> memref<640x128xf32, #tpu.memory_space<vmem_shared>>
      tpu.enqueue_dma source(%dma_start3A_169 : memref<640x128xf32, #tpu.memory_space<vmem_shared>>) target(%dma_start3A_167 : memref<640x128xf32, #tpu.memory_space<hbm>>) target_semaphore(%run_scoped3A : memref<!tpu.dma_semaphore, #tpu.memory_space<semaphore_mem>>)
      %dma_wait3A_170 = arith.constant 0 : i32
      %dma_wait3A_171 = tpu.memref_slice %arg6[%arg0, %mul3A_2, %dma_wait3A_170] : memref<2x10240x128xf32, #tpu.memory_space<hbm>> -> memref<1x640x128xf32, #tpu.memory_space<hbm>>
      %dma_wait3A_172 = tpu.memref_squeeze %dma_wait3A_171 : memref<1x640x128xf32, #tpu.memory_space<hbm>> -> memref<640x128xf32, #tpu.memory_space<hbm>>
      %dma_wait3A_173 = arith.constant 0 : i32
      %dma_wait3A_174 = tpu.memref_slice %arg10[%mul3A_2, %dma_wait3A_173] : memref<10240x128xf32, #tpu.memory_space<vmem_shared>> -> memref<640x128xf32, #tpu.memory_space<vmem_shared>>
      tpu.wait_dma2 semaphore(%run_scoped3A : memref<!tpu.dma_semaphore, #tpu.memory_space<semaphore_mem>>) src(%dma_wait3A_174 : memref<640x128xf32, #tpu.memory_space<vmem_shared>>) dst(%dma_wait3A_172 : memref<640x128xf32, #tpu.memory_space<hbm>>)
      tpu.yield
    }) : () -> ()
    return
  }
}

#map = affine_map<(d0, d1) -> (0, 0)>
#map1 = affine_map<(d0, d1) -> (0, 0, 0)>
module attributes {stable_mosaic.version = 14 : i64} {
  func.func @_scat_body(%arg0: i32, %arg1: i32, %arg2: memref<10240x128xf32, #tpu.memory_space<hbm>>, %arg3: memref<32x80x128xi32, #tpu.memory_space<hbm>>, %arg4: memref<32x80x128xi32, #tpu.memory_space<hbm>>, %arg5: memref<640x128xf32, #tpu.memory_space<hbm>>, %arg6: memref<2x10240x128xf32, #tpu.memory_space<hbm>>, %arg7: memref<40x128xi32, #tpu.memory_space<vmem>>, %arg8: memref<80x128xi32, #tpu.memory_space<vmem>>, %arg9: memref<2x128x128xf32, #tpu.memory_space<vmem>>, %arg10: memref<10240x128xf32, #tpu.memory_space<vmem_shared>>, %arg11: memref<!tpu.dma_semaphore, #tpu.memory_space<semaphore_mem>>, %arg12: memref<2x!tpu.dma_semaphore, #tpu.memory_space<semaphore_mem>>, %arg13: memref<2x!tpu.dma_semaphore, #tpu.memory_space<semaphore_mem>>) attributes {dimension_semantics = [#tpu.dimension_semantics<core_parallel>, #tpu.dimension_semantics<subcore_parallel>], iteration_bounds = array<i64: 2, 16>, scalar_prefetch = 0 : i64, scratch_operands = 7 : i64, tpu.core_type = #tpu.core_type<sc_vector_subcore>, window_params = [{transform_indices = #map}, {transform_indices = #map1}, {transform_indices = #map1}, {transform_indices = #map}, {transform_indices = #map1}]} {
    %mul3A = arith.constant 2 : i32
    %mul3A_0 = arith.muli %arg1, %mul3A : i32
    %add3A = arith.addi %mul3A_0, %arg0 : i32
    %mul3A_1 = arith.constant 640 : i32
    %mul3A_2 = arith.muli %arg1, %mul3A_1 : i32
    %dma_start3A = arith.constant 0 : i32
    %dma_start3A_3 = arith.constant 0 : i32
    %dma_start3A_4 = tpu.memref_slice %arg3[%add3A, %dma_start3A, %dma_start3A_3] : memref<32x80x128xi32, #tpu.memory_space<hbm>> -> memref<1x40x128xi32, #tpu.memory_space<hbm>>
    %dma_start3A_5 = tpu.memref_squeeze %dma_start3A_4 : memref<1x40x128xi32, #tpu.memory_space<hbm>> -> memref<40x128xi32, #tpu.memory_space<hbm>>
    %dma_start3A_6 = arith.constant 0 : i32
    %dma_start3A_7 = arith.constant 0 : i32
    %dma_start3A_8 = tpu.memref_slice %arg3[%add3A, %dma_start3A_6, %dma_start3A_7] : memref<32x80x128xi32, #tpu.memory_space<hbm>> -> memref<1x40x128xi32, #tpu.memory_space<hbm>>
    %dma_start3A_9 = tpu.memref_squeeze %dma_start3A_8 : memref<1x40x128xi32, #tpu.memory_space<hbm>> -> memref<40x128xi32, #tpu.memory_space<hbm>>
    tpu.enqueue_dma source(%dma_start3A_9 : memref<40x128xi32, #tpu.memory_space<hbm>>) target(%arg7 : memref<40x128xi32, #tpu.memory_space<vmem>>) target_semaphore(%arg11 : memref<!tpu.dma_semaphore, #tpu.memory_space<semaphore_mem>>)
    %dma_start3A_10 = arith.constant 0 : i32
    %dma_start3A_11 = arith.constant 0 : i32
    %dma_start3A_12 = tpu.memref_slice %arg4[%add3A, %dma_start3A_10, %dma_start3A_11] : memref<32x80x128xi32, #tpu.memory_space<hbm>> -> memref<1x80x128xi32, #tpu.memory_space<hbm>>
    %dma_start3A_13 = tpu.memref_squeeze %dma_start3A_12 : memref<1x80x128xi32, #tpu.memory_space<hbm>> -> memref<80x128xi32, #tpu.memory_space<hbm>>
    %dma_start3A_14 = arith.constant 0 : i32
    %dma_start3A_15 = arith.constant 0 : i32
    %dma_start3A_16 = tpu.memref_slice %arg4[%add3A, %dma_start3A_14, %dma_start3A_15] : memref<32x80x128xi32, #tpu.memory_space<hbm>> -> memref<1x80x128xi32, #tpu.memory_space<hbm>>
    %dma_start3A_17 = tpu.memref_squeeze %dma_start3A_16 : memref<1x80x128xi32, #tpu.memory_space<hbm>> -> memref<80x128xi32, #tpu.memory_space<hbm>>
    tpu.enqueue_dma source(%dma_start3A_17 : memref<80x128xi32, #tpu.memory_space<hbm>>) target(%arg8 : memref<80x128xi32, #tpu.memory_space<vmem>>) target_semaphore(%arg11 : memref<!tpu.dma_semaphore, #tpu.memory_space<semaphore_mem>>)
    "tpu.region"() ({
      %run_scoped3A = tpu.sem_alloc : memref<!tpu.dma_semaphore, #tpu.memory_space<semaphore_mem>>
      %dma_start3A_165 = arith.constant 0 : i32
      %dma_start3A_166 = tpu.memref_slice %arg10[%mul3A_2, %dma_start3A_165] : memref<10240x128xf32, #tpu.memory_space<vmem_shared>> -> memref<640x128xf32, #tpu.memory_space<vmem_shared>>
      tpu.enqueue_dma source(%arg5 : memref<640x128xf32, #tpu.memory_space<hbm>>) target(%dma_start3A_166 : memref<640x128xf32, #tpu.memory_space<vmem_shared>>) target_semaphore(%run_scoped3A : memref<!tpu.dma_semaphore, #tpu.memory_space<semaphore_mem>>)
      %dma_wait3A_167 = arith.constant 0 : i32
      %dma_wait3A_168 = tpu.memref_slice %arg10[%mul3A_2, %dma_wait3A_167] : memref<10240x128xf32, #tpu.memory_space<vmem_shared>> -> memref<640x128xf32, #tpu.memory_space<vmem_shared>>
      tpu.wait_dma2 semaphore(%run_scoped3A : memref<!tpu.dma_semaphore, #tpu.memory_space<semaphore_mem>>) src(%arg5 : memref<640x128xf32, #tpu.memory_space<hbm>>) dst(%dma_wait3A_168 : memref<640x128xf32, #tpu.memory_space<vmem_shared>>)
      tpu.yield
    }) : () -> ()
    %dma_wait3A = arith.constant 0 : i32
    %dma_wait3A_18 = arith.constant 0 : i32
    %dma_wait3A_19 = tpu.memref_slice %arg3[%add3A, %dma_wait3A, %dma_wait3A_18] : memref<32x80x128xi32, #tpu.memory_space<hbm>> -> memref<1x40x128xi32, #tpu.memory_space<hbm>>
    %dma_wait3A_20 = tpu.memref_squeeze %dma_wait3A_19 : memref<1x40x128xi32, #tpu.memory_space<hbm>> -> memref<40x128xi32, #tpu.memory_space<hbm>>
    %dma_wait3A_21 = arith.constant 0 : i32
    %dma_wait3A_22 = arith.constant 0 : i32
    %dma_wait3A_23 = tpu.memref_slice %arg3[%add3A, %dma_wait3A_21, %dma_wait3A_22] : memref<32x80x128xi32, #tpu.memory_space<hbm>> -> memref<1x40x128xi32, #tpu.memory_space<hbm>>
    %dma_wait3A_24 = tpu.memref_squeeze %dma_wait3A_23 : memref<1x40x128xi32, #tpu.memory_space<hbm>> -> memref<40x128xi32, #tpu.memory_space<hbm>>
    tpu.wait_dma2 semaphore(%arg11 : memref<!tpu.dma_semaphore, #tpu.memory_space<semaphore_mem>>) src(%dma_wait3A_24 : memref<40x128xi32, #tpu.memory_space<hbm>>) dst(%arg7 : memref<40x128xi32, #tpu.memory_space<vmem>>)
    %dma_wait3A_25 = arith.constant 0 : i32
    %dma_wait3A_26 = arith.constant 0 : i32
    %dma_wait3A_27 = tpu.memref_slice %arg4[%add3A, %dma_wait3A_25, %dma_wait3A_26] : memref<32x80x128xi32, #tpu.memory_space<hbm>> -> memref<1x80x128xi32, #tpu.memory_space<hbm>>
    %dma_wait3A_28 = tpu.memref_squeeze %dma_wait3A_27 : memref<1x80x128xi32, #tpu.memory_space<hbm>> -> memref<80x128xi32, #tpu.memory_space<hbm>>
    %dma_wait3A_29 = arith.constant 0 : i32
    %dma_wait3A_30 = arith.constant 0 : i32
    %dma_wait3A_31 = tpu.memref_slice %arg4[%add3A, %dma_wait3A_29, %dma_wait3A_30] : memref<32x80x128xi32, #tpu.memory_space<hbm>> -> memref<1x80x128xi32, #tpu.memory_space<hbm>>
    %dma_wait3A_32 = tpu.memref_squeeze %dma_wait3A_31 : memref<1x80x128xi32, #tpu.memory_space<hbm>> -> memref<80x128xi32, #tpu.memory_space<hbm>>
    tpu.wait_dma2 semaphore(%arg11 : memref<!tpu.dma_semaphore, #tpu.memory_space<semaphore_mem>>) src(%dma_wait3A_32 : memref<80x128xi32, #tpu.memory_space<hbm>>) dst(%arg8 : memref<80x128xi32, #tpu.memory_space<vmem>>)
    %barrier3A = arith.constant 0 : index
    tpu.barrier barrier_id(%barrier3A)
    %scan3A = arith.constant 0 : i32
    %scan3A_33 = arith.constant 0 : i32
    %scan3A_34 = arith.constant 20 : i32
    %scan3A_35 = arith.addi %scan3A_33, %scan3A_34 : i32
    %scan3A_36 = arith.constant 1 : i32
    scf.for %scan3A_165 = %scan3A_33 to %scan3A_35 step %scan3A_36  : i32 {
      %mul3A_166 = arith.constant 2 : i32
      %mul3A_167 = arith.muli %scan3A_165, %mul3A_166 : i32
      %add3A_168 = arith.constant 0 : i32
      %add3A_169 = arith.addi %mul3A_167, %add3A_168 : i32
      %gt3A = arith.constant 0 : i32
      %gt3A_170 = arith.cmpi sgt, %scan3A_165, %gt3A : i32
      %convert_element_type3A = arith.extui %gt3A_170 : i1 to i32
      %cond3A = arith.constant 0 : i32
      %cond3A_171 = arith.cmpi ne, %convert_element_type3A, %cond3A : i32
      scf.if %cond3A_171 {
        %add3A_247 = arith.constant 0 : i32
        %add3A_248 = arith.addi %add3A_247, %add3A_169 : i32
        %sub3A_249 = arith.constant 2 : i32
        %sub3A_250 = arith.subi %add3A_248, %sub3A_249 : i32
        %dma_wait3A_251 = arith.constant 0 : i32
        %dma_wait3A_252 = arith.constant 0 : i32
        %dma_wait3A_253 = arith.constant 0 : i32
        %dma_wait3A_254 = arith.constant 0 : i32
        %dma_wait3A_255 = tpu.memref_slice %arg9[%dma_wait3A_251, %dma_wait3A_253, %dma_wait3A_254] : memref<2x128x128xf32, #tpu.memory_space<vmem>> -> memref<1x128x128xf32, #tpu.memory_space<vmem>>
        %dma_wait3A_256 = tpu.memref_squeeze %dma_wait3A_255 : memref<1x128x128xf32, #tpu.memory_space<vmem>> -> memref<128x128xf32, #tpu.memory_space<vmem>>
        %dma_wait3A_257 = arith.constant 0 : i32
        %dma_wait3A_258 = tpu.memref_slice %arg8[%sub3A_250, %dma_wait3A_257] : memref<80x128xi32, #tpu.memory_space<vmem>> -> memref<1x128xi32, #tpu.memory_space<vmem>>
        %dma_wait3A_259 = tpu.memref_squeeze %dma_wait3A_258 : memref<1x128xi32, #tpu.memory_space<vmem>> -> memref<128xi32, #tpu.memory_space<vmem>>
        %dma_wait3A_260 = arith.constant 0 : i32
        %dma_wait3A_261 = arith.constant 0 : i32
        %dma_wait3A_262 = tpu.memref_slice %arg10[%dma_wait3A_260, %dma_wait3A_261] : memref<10240x128xf32, #tpu.memory_space<vmem_shared>> -> memref<10240x128xf32, #tpu.memory_space<vmem_shared>>
        %dma_wait3A_263 = tpu.memref_slice %arg13[%dma_wait3A_252] : memref<2x!tpu.dma_semaphore, #tpu.memory_space<semaphore_mem>> -> memref<1x!tpu.dma_semaphore, #tpu.memory_space<semaphore_mem>>
        %dma_wait3A_264 = tpu.memref_squeeze %dma_wait3A_263 : memref<1x!tpu.dma_semaphore, #tpu.memory_space<semaphore_mem>> -> memref<!tpu.dma_semaphore, #tpu.memory_space<semaphore_mem>>
        tpu.wait_indirect_dma semaphore(%dma_wait3A_264 : memref<!tpu.dma_semaphore, #tpu.memory_space<semaphore_mem>>) src(%dma_wait3A_256 : memref<128x128xf32, #tpu.memory_space<vmem>>) dst(%dma_wait3A_262 : memref<10240x128xf32, #tpu.memory_space<vmem_shared>>)
      } else {
      }
      %dma_start3A_172 = arith.constant 0 : i32
      %dma_start3A_173 = arith.constant 0 : i32
      %dma_start3A_174 = arith.constant 0 : i32
      %dma_start3A_175 = arith.constant 0 : i32
      %dma_start3A_176 = tpu.memref_slice %arg9[%dma_start3A_172, %dma_start3A_174, %dma_start3A_175] : memref<2x128x128xf32, #tpu.memory_space<vmem>> -> memref<1x128x128xf32, #tpu.memory_space<vmem>>
      %dma_start3A_177 = tpu.memref_squeeze %dma_start3A_176 : memref<1x128x128xf32, #tpu.memory_space<vmem>> -> memref<128x128xf32, #tpu.memory_space<vmem>>
      %dma_start3A_178 = arith.constant 0 : i32
      %dma_start3A_179 = tpu.memref_slice %arg7[%add3A_169, %dma_start3A_178] : memref<40x128xi32, #tpu.memory_space<vmem>> -> memref<1x128xi32, #tpu.memory_space<vmem>>
      %dma_start3A_180 = tpu.memref_squeeze %dma_start3A_179 : memref<1x128xi32, #tpu.memory_space<vmem>> -> memref<128xi32, #tpu.memory_space<vmem>>
      %dma_start3A_181 = arith.constant 0 : i32
      %dma_start3A_182 = arith.constant 0 : i32
      %dma_start3A_183 = tpu.memref_slice %arg2[%dma_start3A_181, %dma_start3A_182] : memref<10240x128xf32, #tpu.memory_space<hbm>> -> memref<10240x128xf32, #tpu.memory_space<hbm>>
      %dma_start3A_184 = tpu.memref_slice %arg12[%dma_start3A_173] : memref<2x!tpu.dma_semaphore, #tpu.memory_space<semaphore_mem>> -> memref<1x!tpu.dma_semaphore, #tpu.memory_space<semaphore_mem>>
      %dma_start3A_185 = tpu.memref_squeeze %dma_start3A_184 : memref<1x!tpu.dma_semaphore, #tpu.memory_space<semaphore_mem>> -> memref<!tpu.dma_semaphore, #tpu.memory_space<semaphore_mem>>
      tpu.enqueue_indirect_dma source(%dma_start3A_183 : memref<10240x128xf32, #tpu.memory_space<hbm>>) target(%dma_start3A_177 : memref<128x128xf32, #tpu.memory_space<vmem>>) offsets(%dma_start3A_180 : memref<128xi32, #tpu.memory_space<vmem>>) semaphore(%dma_start3A_185 : memref<!tpu.dma_semaphore, #tpu.memory_space<semaphore_mem>>)
      %gt3A_186 = arith.constant 0 : i32
      %gt3A_187 = arith.cmpi sgt, %scan3A_165, %gt3A_186 : i32
      %convert_element_type3A_188 = arith.extui %gt3A_187 : i1 to i32
      %cond3A_189 = arith.constant 0 : i32
      %cond3A_190 = arith.cmpi ne, %convert_element_type3A_188, %cond3A_189 : i32
      scf.if %cond3A_190 {
        %sub3A_247 = arith.constant 1 : i32
        %sub3A_248 = arith.subi %add3A_169, %sub3A_247 : i32
        %dma_wait3A_249 = arith.constant 1 : i32
        %dma_wait3A_250 = arith.constant 1 : i32
        %dma_wait3A_251 = arith.constant 0 : i32
        %dma_wait3A_252 = arith.constant 0 : i32
        %dma_wait3A_253 = tpu.memref_slice %arg9[%dma_wait3A_249, %dma_wait3A_251, %dma_wait3A_252] : memref<2x128x128xf32, #tpu.memory_space<vmem>> -> memref<1x128x128xf32, #tpu.memory_space<vmem>>
        %dma_wait3A_254 = tpu.memref_squeeze %dma_wait3A_253 : memref<1x128x128xf32, #tpu.memory_space<vmem>> -> memref<128x128xf32, #tpu.memory_space<vmem>>
        %dma_wait3A_255 = arith.constant 0 : i32
        %dma_wait3A_256 = tpu.memref_slice %arg7[%sub3A_248, %dma_wait3A_255] : memref<40x128xi32, #tpu.memory_space<vmem>> -> memref<1x128xi32, #tpu.memory_space<vmem>>
        %dma_wait3A_257 = tpu.memref_squeeze %dma_wait3A_256 : memref<1x128xi32, #tpu.memory_space<vmem>> -> memref<128xi32, #tpu.memory_space<vmem>>
        %dma_wait3A_258 = arith.constant 0 : i32
        %dma_wait3A_259 = arith.constant 0 : i32
        %dma_wait3A_260 = tpu.memref_slice %arg2[%dma_wait3A_258, %dma_wait3A_259] : memref<10240x128xf32, #tpu.memory_space<hbm>> -> memref<10240x128xf32, #tpu.memory_space<hbm>>
        %dma_wait3A_261 = tpu.memref_slice %arg12[%dma_wait3A_250] : memref<2x!tpu.dma_semaphore, #tpu.memory_space<semaphore_mem>> -> memref<1x!tpu.dma_semaphore, #tpu.memory_space<semaphore_mem>>
        %dma_wait3A_262 = tpu.memref_squeeze %dma_wait3A_261 : memref<1x!tpu.dma_semaphore, #tpu.memory_space<semaphore_mem>> -> memref<!tpu.dma_semaphore, #tpu.memory_space<semaphore_mem>>
        tpu.wait_indirect_dma semaphore(%dma_wait3A_262 : memref<!tpu.dma_semaphore, #tpu.memory_space<semaphore_mem>>) src(%dma_wait3A_260 : memref<10240x128xf32, #tpu.memory_space<hbm>>) dst(%dma_wait3A_254 : memref<128x128xf32, #tpu.memory_space<vmem>>)
        %add3A_263 = arith.constant 0 : i32
        %add3A_264 = arith.addi %add3A_263, %add3A_169 : i32
        %sub3A_265 = arith.constant 1 : i32
        %sub3A_266 = arith.subi %add3A_264, %sub3A_265 : i32
        %dma_start3A_267 = arith.constant 1 : i32
        %dma_start3A_268 = arith.constant 1 : i32
        %dma_start3A_269 = arith.constant 0 : i32
        %dma_start3A_270 = arith.constant 0 : i32
        %dma_start3A_271 = tpu.memref_slice %arg9[%dma_start3A_267, %dma_start3A_269, %dma_start3A_270] : memref<2x128x128xf32, #tpu.memory_space<vmem>> -> memref<1x128x128xf32, #tpu.memory_space<vmem>>
        %dma_start3A_272 = tpu.memref_squeeze %dma_start3A_271 : memref<1x128x128xf32, #tpu.memory_space<vmem>> -> memref<128x128xf32, #tpu.memory_space<vmem>>
        %dma_start3A_273 = arith.constant 0 : i32
        %dma_start3A_274 = tpu.memref_slice %arg8[%sub3A_266, %dma_start3A_273] : memref<80x128xi32, #tpu.memory_space<vmem>> -> memref<1x128xi32, #tpu.memory_space<vmem>>
        %dma_start3A_275 = tpu.memref_squeeze %dma_start3A_274 : memref<1x128xi32, #tpu.memory_space<vmem>> -> memref<128xi32, #tpu.memory_space<vmem>>
        %dma_start3A_276 = arith.constant 0 : i32
        %dma_start3A_277 = arith.constant 0 : i32
        %dma_start3A_278 = tpu.memref_slice %arg10[%dma_start3A_276, %dma_start3A_277] : memref<10240x128xf32, #tpu.memory_space<vmem_shared>> -> memref<10240x128xf32, #tpu.memory_space<vmem_shared>>
        %dma_start3A_279 = tpu.memref_slice %arg13[%dma_start3A_268] : memref<2x!tpu.dma_semaphore, #tpu.memory_space<semaphore_mem>> -> memref<1x!tpu.dma_semaphore, #tpu.memory_space<semaphore_mem>>
        %dma_start3A_280 = tpu.memref_squeeze %dma_start3A_279 : memref<1x!tpu.dma_semaphore, #tpu.memory_space<semaphore_mem>> -> memref<!tpu.dma_semaphore, #tpu.memory_space<semaphore_mem>>
        tpu.enqueue_indirect_dma source(%dma_start3A_272 : memref<128x128xf32, #tpu.memory_space<vmem>>) target(%dma_start3A_278 : memref<10240x128xf32, #tpu.memory_space<vmem_shared>>) offsets(%dma_start3A_275 : memref<128xi32, #tpu.memory_space<vmem>>) semaphore(%dma_start3A_280 : memref<!tpu.dma_semaphore, #tpu.memory_space<semaphore_mem>>) {add = true}
      } else {
      }
      %mul3A_191 = arith.constant 2 : i32
      %mul3A_192 = arith.muli %scan3A_165, %mul3A_191 : i32
      %add3A_193 = arith.constant 1 : i32
      %add3A_194 = arith.addi %mul3A_192, %add3A_193 : i32
      %gt3A_195 = arith.constant 0 : i32
      %gt3A_196 = arith.cmpi sgt, %scan3A_165, %gt3A_195 : i32
      %convert_element_type3A_197 = arith.extui %gt3A_196 : i1 to i32
      %cond3A_198 = arith.constant 0 : i32
      %cond3A_199 = arith.cmpi ne, %convert_element_type3A_197, %cond3A_198 : i32
      scf.if %cond3A_199 {
        %add3A_247 = arith.constant 0 : i32
        %add3A_248 = arith.addi %add3A_247, %add3A_194 : i32
        %sub3A_249 = arith.constant 2 : i32
        %sub3A_250 = arith.subi %add3A_248, %sub3A_249 : i32
        %dma_wait3A_251 = arith.constant 1 : i32
        %dma_wait3A_252 = arith.constant 1 : i32
        %dma_wait3A_253 = arith.constant 0 : i32
        %dma_wait3A_254 = arith.constant 0 : i32
        %dma_wait3A_255 = tpu.memref_slice %arg9[%dma_wait3A_251, %dma_wait3A_253, %dma_wait3A_254] : memref<2x128x128xf32, #tpu.memory_space<vmem>> -> memref<1x128x128xf32, #tpu.memory_space<vmem>>
        %dma_wait3A_256 = tpu.memref_squeeze %dma_wait3A_255 : memref<1x128x128xf32, #tpu.memory_space<vmem>> -> memref<128x128xf32, #tpu.memory_space<vmem>>
        %dma_wait3A_257 = arith.constant 0 : i32
        %dma_wait3A_258 = tpu.memref_slice %arg8[%sub3A_250, %dma_wait3A_257] : memref<80x128xi32, #tpu.memory_space<vmem>> -> memref<1x128xi32, #tpu.memory_space<vmem>>
        %dma_wait3A_259 = tpu.memref_squeeze %dma_wait3A_258 : memref<1x128xi32, #tpu.memory_space<vmem>> -> memref<128xi32, #tpu.memory_space<vmem>>
        %dma_wait3A_260 = arith.constant 0 : i32
        %dma_wait3A_261 = arith.constant 0 : i32
        %dma_wait3A_262 = tpu.memref_slice %arg10[%dma_wait3A_260, %dma_wait3A_261] : memref<10240x128xf32, #tpu.memory_space<vmem_shared>> -> memref<10240x128xf32, #tpu.memory_space<vmem_shared>>
        %dma_wait3A_263 = tpu.memref_slice %arg13[%dma_wait3A_252] : memref<2x!tpu.dma_semaphore, #tpu.memory_space<semaphore_mem>> -> memref<1x!tpu.dma_semaphore, #tpu.memory_space<semaphore_mem>>
        %dma_wait3A_264 = tpu.memref_squeeze %dma_wait3A_263 : memref<1x!tpu.dma_semaphore, #tpu.memory_space<semaphore_mem>> -> memref<!tpu.dma_semaphore, #tpu.memory_space<semaphore_mem>>
        tpu.wait_indirect_dma semaphore(%dma_wait3A_264 : memref<!tpu.dma_semaphore, #tpu.memory_space<semaphore_mem>>) src(%dma_wait3A_256 : memref<128x128xf32, #tpu.memory_space<vmem>>) dst(%dma_wait3A_262 : memref<10240x128xf32, #tpu.memory_space<vmem_shared>>)
      } else {
      }
      %dma_start3A_200 = arith.constant 1 : i32
      %dma_start3A_201 = arith.constant 1 : i32
      %dma_start3A_202 = arith.constant 0 : i32
      %dma_start3A_203 = arith.constant 0 : i32
      %dma_start3A_204 = tpu.memref_slice %arg9[%dma_start3A_200, %dma_start3A_202, %dma_start3A_203] : memref<2x128x128xf32, #tpu.memory_space<vmem>> -> memref<1x128x128xf32, #tpu.memory_space<vmem>>
      %dma_start3A_205 = tpu.memref_squeeze %dma_start3A_204 : memref<1x128x128xf32, #tpu.memory_space<vmem>> -> memref<128x128xf32, #tpu.memory_space<vmem>>
      %dma_start3A_206 = arith.constant 0 : i32
      %dma_start3A_207 = tpu.memref_slice %arg7[%add3A_194, %dma_start3A_206] : memref<40x128xi32, #tpu.memory_space<vmem>> -> memref<1x128xi32, #tpu.memory_space<vmem>>
      %dma_start3A_208 = tpu.memref_squeeze %dma_start3A_207 : memref<1x128xi32, #tpu.memory_space<vmem>> -> memref<128xi32, #tpu.memory_space<vmem>>
      %dma_start3A_209 = arith.constant 0 : i32
      %dma_start3A_210 = arith.constant 0 : i32
      %dma_start3A_211 = tpu.memref_slice %arg2[%dma_start3A_209, %dma_start3A_210] : memref<10240x128xf32, #tpu.memory_space<hbm>> -> memref<10240x128xf32, #tpu.memory_space<hbm>>
      %dma_start3A_212 = tpu.memref_slice %arg12[%dma_start3A_201] : memref<2x!tpu.dma_semaphore, #tpu.memory_space<semaphore_mem>> -> memref<1x!tpu.dma_semaphore, #tpu.memory_space<semaphore_mem>>
      %dma_start3A_213 = tpu.memref_squeeze %dma_start3A_212 : memref<1x!tpu.dma_semaphore, #tpu.memory_space<semaphore_mem>> -> memref<!tpu.dma_semaphore, #tpu.memory_space<semaphore_mem>>
      tpu.enqueue_indirect_dma source(%dma_start3A_211 : memref<10240x128xf32, #tpu.memory_space<hbm>>) target(%dma_start3A_205 : memref<128x128xf32, #tpu.memory_space<vmem>>) offsets(%dma_start3A_208 : memref<128xi32, #tpu.memory_space<vmem>>) semaphore(%dma_start3A_213 : memref<!tpu.dma_semaphore, #tpu.memory_space<semaphore_mem>>)
      %sub3A = arith.constant 1 : i32
      %sub3A_214 = arith.subi %add3A_194, %sub3A : i32
      %dma_wait3A_215 = arith.constant 0 : i32
      %dma_wait3A_216 = arith.constant 0 : i32
      %dma_wait3A_217 = arith.constant 0 : i32
      %dma_wait3A_218 = arith.constant 0 : i32
      %dma_wait3A_219 = tpu.memref_slice %arg9[%dma_wait3A_215, %dma_wait3A_217, %dma_wait3A_218] : memref<2x128x128xf32, #tpu.memory_space<vmem>> -> memref<1x128x128xf32, #tpu.memory_space<vmem>>
      %dma_wait3A_220 = tpu.memref_squeeze %dma_wait3A_219 : memref<1x128x128xf32, #tpu.memory_space<vmem>> -> memref<128x128xf32, #tpu.memory_space<vmem>>
      %dma_wait3A_221 = arith.constant 0 : i32
      %dma_wait3A_222 = tpu.memref_slice %arg7[%sub3A_214, %dma_wait3A_221] : memref<40x128xi32, #tpu.memory_space<vmem>> -> memref<1x128xi32, #tpu.memory_space<vmem>>
      %dma_wait3A_223 = tpu.memref_squeeze %dma_wait3A_222 : memref<1x128xi32, #tpu.memory_space<vmem>> -> memref<128xi32, #tpu.memory_space<vmem>>
      %dma_wait3A_224 = arith.constant 0 : i32
      %dma_wait3A_225 = arith.constant 0 : i32
      %dma_wait3A_226 = tpu.memref_slice %arg2[%dma_wait3A_224, %dma_wait3A_225] : memref<10240x128xf32, #tpu.memory_space<hbm>> -> memref<10240x128xf32, #tpu.memory_space<hbm>>
      %dma_wait3A_227 = tpu.memref_slice %arg12[%dma_wait3A_216] : memref<2x!tpu.dma_semaphore, #tpu.memory_space<semaphore_mem>> -> memref<1x!tpu.dma_semaphore, #tpu.memory_space<semaphore_mem>>
      %dma_wait3A_228 = tpu.memref_squeeze %dma_wait3A_227 : memref<1x!tpu.dma_semaphore, #tpu.memory_space<semaphore_mem>> -> memref<!tpu.dma_semaphore, #tpu.memory_space<semaphore_mem>>
      tpu.wait_indirect_dma semaphore(%dma_wait3A_228 : memref<!tpu.dma_semaphore, #tpu.memory_space<semaphore_mem>>) src(%dma_wait3A_226 : memref<10240x128xf32, #tpu.memory_space<hbm>>) dst(%dma_wait3A_220 : memref<128x128xf32, #tpu.memory_space<vmem>>)
      %add3A_229 = arith.constant 0 : i32
      %add3A_230 = arith.addi %add3A_229, %add3A_194 : i32
      %sub3A_231 = arith.constant 1 : i32
      %sub3A_232 = arith.subi %add3A_230, %sub3A_231 : i32
      %dma_start3A_233 = arith.constant 0 : i32
      %dma_start3A_234 = arith.constant 0 : i32
      %dma_start3A_235 = arith.constant 0 : i32
      %dma_start3A_236 = arith.constant 0 : i32
      %dma_start3A_237 = tpu.memref_slice %arg9[%dma_start3A_233, %dma_start3A_235, %dma_start3A_236] : memref<2x128x128xf32, #tpu.memory_space<vmem>> -> memref<1x128x128xf32, #tpu.memory_space<vmem>>
      %dma_start3A_238 = tpu.memref_squeeze %dma_start3A_237 : memref<1x128x128xf32, #tpu.memory_space<vmem>> -> memref<128x128xf32, #tpu.memory_space<vmem>>
      %dma_start3A_239 = arith.constant 0 : i32
      %dma_start3A_240 = tpu.memref_slice %arg8[%sub3A_232, %dma_start3A_239] : memref<80x128xi32, #tpu.memory_space<vmem>> -> memref<1x128xi32, #tpu.memory_space<vmem>>
      %dma_start3A_241 = tpu.memref_squeeze %dma_start3A_240 : memref<1x128xi32, #tpu.memory_space<vmem>> -> memref<128xi32, #tpu.memory_space<vmem>>
      %dma_start3A_242 = arith.constant 0 : i32
      %dma_start3A_243 = arith.constant 0 : i32
      %dma_start3A_244 = tpu.memref_slice %arg10[%dma_start3A_242, %dma_start3A_243] : memref<10240x128xf32, #tpu.memory_space<vmem_shared>> -> memref<10240x128xf32, #tpu.memory_space<vmem_shared>>
      %dma_start3A_245 = tpu.memref_slice %arg13[%dma_start3A_234] : memref<2x!tpu.dma_semaphore, #tpu.memory_space<semaphore_mem>> -> memref<1x!tpu.dma_semaphore, #tpu.memory_space<semaphore_mem>>
      %dma_start3A_246 = tpu.memref_squeeze %dma_start3A_245 : memref<1x!tpu.dma_semaphore, #tpu.memory_space<semaphore_mem>> -> memref<!tpu.dma_semaphore, #tpu.memory_space<semaphore_mem>>
      tpu.enqueue_indirect_dma source(%dma_start3A_238 : memref<128x128xf32, #tpu.memory_space<vmem>>) target(%dma_start3A_244 : memref<10240x128xf32, #tpu.memory_space<vmem_shared>>) offsets(%dma_start3A_241 : memref<128xi32, #tpu.memory_space<vmem>>) semaphore(%dma_start3A_246 : memref<!tpu.dma_semaphore, #tpu.memory_space<semaphore_mem>>) {add = true}
    }
    %scan3A_37 = arith.constant 20 : i32
    %dma_wait3A_38 = arith.constant 39 : i32
    %dma_wait3A_39 = arith.constant 1 : i32
    %dma_wait3A_40 = arith.constant 1 : i32
    %dma_wait3A_41 = arith.constant 0 : i32
    %dma_wait3A_42 = arith.constant 0 : i32
    %dma_wait3A_43 = tpu.memref_slice %arg9[%dma_wait3A_39, %dma_wait3A_41, %dma_wait3A_42] : memref<2x128x128xf32, #tpu.memory_space<vmem>> -> memref<1x128x128xf32, #tpu.memory_space<vmem>>
    %dma_wait3A_44 = tpu.memref_squeeze %dma_wait3A_43 : memref<1x128x128xf32, #tpu.memory_space<vmem>> -> memref<128x128xf32, #tpu.memory_space<vmem>>
    %dma_wait3A_45 = arith.constant 0 : i32
    %dma_wait3A_46 = tpu.memref_slice %arg7[%dma_wait3A_38, %dma_wait3A_45] : memref<40x128xi32, #tpu.memory_space<vmem>> -> memref<1x128xi32, #tpu.memory_space<vmem>>
    %dma_wait3A_47 = tpu.memref_squeeze %dma_wait3A_46 : memref<1x128xi32, #tpu.memory_space<vmem>> -> memref<128xi32, #tpu.memory_space<vmem>>
    %dma_wait3A_48 = arith.constant 0 : i32
    %dma_wait3A_49 = arith.constant 0 : i32
    %dma_wait3A_50 = tpu.memref_slice %arg2[%dma_wait3A_48, %dma_wait3A_49] : memref<10240x128xf32, #tpu.memory_space<hbm>> -> memref<10240x128xf32, #tpu.memory_space<hbm>>
    %dma_wait3A_51 = tpu.memref_slice %arg12[%dma_wait3A_40] : memref<2x!tpu.dma_semaphore, #tpu.memory_space<semaphore_mem>> -> memref<1x!tpu.dma_semaphore, #tpu.memory_space<semaphore_mem>>
    %dma_wait3A_52 = tpu.memref_squeeze %dma_wait3A_51 : memref<1x!tpu.dma_semaphore, #tpu.memory_space<semaphore_mem>> -> memref<!tpu.dma_semaphore, #tpu.memory_space<semaphore_mem>>
    tpu.wait_indirect_dma semaphore(%dma_wait3A_52 : memref<!tpu.dma_semaphore, #tpu.memory_space<semaphore_mem>>) src(%dma_wait3A_50 : memref<10240x128xf32, #tpu.memory_space<hbm>>) dst(%dma_wait3A_44 : memref<128x128xf32, #tpu.memory_space<vmem>>)
    %dma_start3A_53 = arith.constant 1 : i32
    %dma_start3A_54 = arith.constant 39 : i32
    %dma_start3A_55 = arith.constant 1 : i32
    %dma_start3A_56 = arith.constant 0 : i32
    %dma_start3A_57 = arith.constant 0 : i32
    %dma_start3A_58 = tpu.memref_slice %arg9[%dma_start3A_53, %dma_start3A_56, %dma_start3A_57] : memref<2x128x128xf32, #tpu.memory_space<vmem>> -> memref<1x128x128xf32, #tpu.memory_space<vmem>>
    %dma_start3A_59 = tpu.memref_squeeze %dma_start3A_58 : memref<1x128x128xf32, #tpu.memory_space<vmem>> -> memref<128x128xf32, #tpu.memory_space<vmem>>
    %dma_start3A_60 = arith.constant 0 : i32
    %dma_start3A_61 = tpu.memref_slice %arg8[%dma_start3A_54, %dma_start3A_60] : memref<80x128xi32, #tpu.memory_space<vmem>> -> memref<1x128xi32, #tpu.memory_space<vmem>>
    %dma_start3A_62 = tpu.memref_squeeze %dma_start3A_61 : memref<1x128xi32, #tpu.memory_space<vmem>> -> memref<128xi32, #tpu.memory_space<vmem>>
    %dma_start3A_63 = arith.constant 0 : i32
    %dma_start3A_64 = arith.constant 0 : i32
    %dma_start3A_65 = tpu.memref_slice %arg10[%dma_start3A_63, %dma_start3A_64] : memref<10240x128xf32, #tpu.memory_space<vmem_shared>> -> memref<10240x128xf32, #tpu.memory_space<vmem_shared>>
    %dma_start3A_66 = tpu.memref_slice %arg13[%dma_start3A_55] : memref<2x!tpu.dma_semaphore, #tpu.memory_space<semaphore_mem>> -> memref<1x!tpu.dma_semaphore, #tpu.memory_space<semaphore_mem>>
    %dma_start3A_67 = tpu.memref_squeeze %dma_start3A_66 : memref<1x!tpu.dma_semaphore, #tpu.memory_space<semaphore_mem>> -> memref<!tpu.dma_semaphore, #tpu.memory_space<semaphore_mem>>
    tpu.enqueue_indirect_dma source(%dma_start3A_59 : memref<128x128xf32, #tpu.memory_space<vmem>>) target(%dma_start3A_65 : memref<10240x128xf32, #tpu.memory_space<vmem_shared>>) offsets(%dma_start3A_62 : memref<128xi32, #tpu.memory_space<vmem>>) semaphore(%dma_start3A_67 : memref<!tpu.dma_semaphore, #tpu.memory_space<semaphore_mem>>) {add = true}
    %dma_wait3A_68 = arith.constant 0 : i32
    %dma_wait3A_69 = arith.constant 38 : i32
    %dma_wait3A_70 = arith.constant 0 : i32
    %dma_wait3A_71 = arith.constant 0 : i32
    %dma_wait3A_72 = arith.constant 0 : i32
    %dma_wait3A_73 = tpu.memref_slice %arg9[%dma_wait3A_68, %dma_wait3A_71, %dma_wait3A_72] : memref<2x128x128xf32, #tpu.memory_space<vmem>> -> memref<1x128x128xf32, #tpu.memory_space<vmem>>
    %dma_wait3A_74 = tpu.memref_squeeze %dma_wait3A_73 : memref<1x128x128xf32, #tpu.memory_space<vmem>> -> memref<128x128xf32, #tpu.memory_space<vmem>>
    %dma_wait3A_75 = arith.constant 0 : i32
    %dma_wait3A_76 = tpu.memref_slice %arg8[%dma_wait3A_69, %dma_wait3A_75] : memref<80x128xi32, #tpu.memory_space<vmem>> -> memref<1x128xi32, #tpu.memory_space<vmem>>
    %dma_wait3A_77 = tpu.memref_squeeze %dma_wait3A_76 : memref<1x128xi32, #tpu.memory_space<vmem>> -> memref<128xi32, #tpu.memory_space<vmem>>
    %dma_wait3A_78 = arith.constant 0 : i32
    %dma_wait3A_79 = arith.constant 0 : i32
    %dma_wait3A_80 = tpu.memref_slice %arg10[%dma_wait3A_78, %dma_wait3A_79] : memref<10240x128xf32, #tpu.memory_space<vmem_shared>> -> memref<10240x128xf32, #tpu.memory_space<vmem_shared>>
    %dma_wait3A_81 = tpu.memref_slice %arg13[%dma_wait3A_70] : memref<2x!tpu.dma_semaphore, #tpu.memory_space<semaphore_mem>> -> memref<1x!tpu.dma_semaphore, #tpu.memory_space<semaphore_mem>>
    %dma_wait3A_82 = tpu.memref_squeeze %dma_wait3A_81 : memref<1x!tpu.dma_semaphore, #tpu.memory_space<semaphore_mem>> -> memref<!tpu.dma_semaphore, #tpu.memory_space<semaphore_mem>>
    tpu.wait_indirect_dma semaphore(%dma_wait3A_82 : memref<!tpu.dma_semaphore, #tpu.memory_space<semaphore_mem>>) src(%dma_wait3A_74 : memref<128x128xf32, #tpu.memory_space<vmem>>) dst(%dma_wait3A_80 : memref<10240x128xf32, #tpu.memory_space<vmem_shared>>)
    %dma_wait3A_83 = arith.constant 1 : i32
    %dma_wait3A_84 = arith.constant 39 : i32
    %dma_wait3A_85 = arith.constant 1 : i32
    %dma_wait3A_86 = arith.constant 0 : i32
    %dma_wait3A_87 = arith.constant 0 : i32
    %dma_wait3A_88 = tpu.memref_slice %arg9[%dma_wait3A_83, %dma_wait3A_86, %dma_wait3A_87] : memref<2x128x128xf32, #tpu.memory_space<vmem>> -> memref<1x128x128xf32, #tpu.memory_space<vmem>>
    %dma_wait3A_89 = tpu.memref_squeeze %dma_wait3A_88 : memref<1x128x128xf32, #tpu.memory_space<vmem>> -> memref<128x128xf32, #tpu.memory_space<vmem>>
    %dma_wait3A_90 = arith.constant 0 : i32
    %dma_wait3A_91 = tpu.memref_slice %arg8[%dma_wait3A_84, %dma_wait3A_90] : memref<80x128xi32, #tpu.memory_space<vmem>> -> memref<1x128xi32, #tpu.memory_space<vmem>>
    %dma_wait3A_92 = tpu.memref_squeeze %dma_wait3A_91 : memref<1x128xi32, #tpu.memory_space<vmem>> -> memref<128xi32, #tpu.memory_space<vmem>>
    %dma_wait3A_93 = arith.constant 0 : i32
    %dma_wait3A_94 = arith.constant 0 : i32
    %dma_wait3A_95 = tpu.memref_slice %arg10[%dma_wait3A_93, %dma_wait3A_94] : memref<10240x128xf32, #tpu.memory_space<vmem_shared>> -> memref<10240x128xf32, #tpu.memory_space<vmem_shared>>
    %dma_wait3A_96 = tpu.memref_slice %arg13[%dma_wait3A_85] : memref<2x!tpu.dma_semaphore, #tpu.memory_space<semaphore_mem>> -> memref<1x!tpu.dma_semaphore, #tpu.memory_space<semaphore_mem>>
    %dma_wait3A_97 = tpu.memref_squeeze %dma_wait3A_96 : memref<1x!tpu.dma_semaphore, #tpu.memory_space<semaphore_mem>> -> memref<!tpu.dma_semaphore, #tpu.memory_space<semaphore_mem>>
    tpu.wait_indirect_dma semaphore(%dma_wait3A_97 : memref<!tpu.dma_semaphore, #tpu.memory_space<semaphore_mem>>) src(%dma_wait3A_89 : memref<128x128xf32, #tpu.memory_space<vmem>>) dst(%dma_wait3A_95 : memref<10240x128xf32, #tpu.memory_space<vmem_shared>>)
    "tpu.region"() ({
      %run_scoped3A = tpu.sem_alloc : memref<!tpu.dma_semaphore, #tpu.memory_space<semaphore_mem>>
      %dma_start3A_165 = arith.constant 40 : i32
      %dma_start3A_166 = arith.constant 0 : i32
      %dma_start3A_167 = tpu.memref_slice %arg3[%add3A, %dma_start3A_165, %dma_start3A_166] : memref<32x80x128xi32, #tpu.memory_space<hbm>> -> memref<1x40x128xi32, #tpu.memory_space<hbm>>
      %dma_start3A_168 = tpu.memref_squeeze %dma_start3A_167 : memref<1x40x128xi32, #tpu.memory_space<hbm>> -> memref<40x128xi32, #tpu.memory_space<hbm>>
      %dma_start3A_169 = arith.constant 40 : i32
      %dma_start3A_170 = arith.constant 0 : i32
      %dma_start3A_171 = tpu.memref_slice %arg3[%add3A, %dma_start3A_169, %dma_start3A_170] : memref<32x80x128xi32, #tpu.memory_space<hbm>> -> memref<1x40x128xi32, #tpu.memory_space<hbm>>
      %dma_start3A_172 = tpu.memref_squeeze %dma_start3A_171 : memref<1x40x128xi32, #tpu.memory_space<hbm>> -> memref<40x128xi32, #tpu.memory_space<hbm>>
      tpu.enqueue_dma source(%dma_start3A_172 : memref<40x128xi32, #tpu.memory_space<hbm>>) target(%arg7 : memref<40x128xi32, #tpu.memory_space<vmem>>) target_semaphore(%run_scoped3A : memref<!tpu.dma_semaphore, #tpu.memory_space<semaphore_mem>>)
      %dma_wait3A_173 = arith.constant 40 : i32
      %dma_wait3A_174 = arith.constant 0 : i32
      %dma_wait3A_175 = tpu.memref_slice %arg3[%add3A, %dma_wait3A_173, %dma_wait3A_174] : memref<32x80x128xi32, #tpu.memory_space<hbm>> -> memref<1x40x128xi32, #tpu.memory_space<hbm>>
      %dma_wait3A_176 = tpu.memref_squeeze %dma_wait3A_175 : memref<1x40x128xi32, #tpu.memory_space<hbm>> -> memref<40x128xi32, #tpu.memory_space<hbm>>
      %dma_wait3A_177 = arith.constant 40 : i32
      %dma_wait3A_178 = arith.constant 0 : i32
      %dma_wait3A_179 = tpu.memref_slice %arg3[%add3A, %dma_wait3A_177, %dma_wait3A_178] : memref<32x80x128xi32, #tpu.memory_space<hbm>> -> memref<1x40x128xi32, #tpu.memory_space<hbm>>
      %dma_wait3A_180 = tpu.memref_squeeze %dma_wait3A_179 : memref<1x40x128xi32, #tpu.memory_space<hbm>> -> memref<40x128xi32, #tpu.memory_space<hbm>>
      tpu.wait_dma2 semaphore(%run_scoped3A : memref<!tpu.dma_semaphore, #tpu.memory_space<semaphore_mem>>) src(%dma_wait3A_180 : memref<40x128xi32, #tpu.memory_space<hbm>>) dst(%arg7 : memref<40x128xi32, #tpu.memory_space<vmem>>)
      tpu.yield
    }) : () -> ()
    %scan3A_98 = arith.constant 0 : i32
    %scan3A_99 = arith.constant 0 : i32
    %scan3A_100 = arith.constant 20 : i32
    %scan3A_101 = arith.addi %scan3A_99, %scan3A_100 : i32
    %scan3A_102 = arith.constant 1 : i32
    scf.for %scan3A_165 = %scan3A_99 to %scan3A_101 step %scan3A_102  : i32 {
      %mul3A_166 = arith.constant 2 : i32
      %mul3A_167 = arith.muli %scan3A_165, %mul3A_166 : i32
      %add3A_168 = arith.constant 0 : i32
      %add3A_169 = arith.addi %mul3A_167, %add3A_168 : i32
      %gt3A = arith.constant 0 : i32
      %gt3A_170 = arith.cmpi sgt, %scan3A_165, %gt3A : i32
      %convert_element_type3A = arith.extui %gt3A_170 : i1 to i32
      %cond3A = arith.constant 0 : i32
      %cond3A_171 = arith.cmpi ne, %convert_element_type3A, %cond3A : i32
      scf.if %cond3A_171 {
        %add3A_247 = arith.constant 40 : i32
        %add3A_248 = arith.addi %add3A_247, %add3A_169 : i32
        %sub3A_249 = arith.constant 2 : i32
        %sub3A_250 = arith.subi %add3A_248, %sub3A_249 : i32
        %dma_wait3A_251 = arith.constant 0 : i32
        %dma_wait3A_252 = arith.constant 0 : i32
        %dma_wait3A_253 = arith.constant 0 : i32
        %dma_wait3A_254 = arith.constant 0 : i32
        %dma_wait3A_255 = tpu.memref_slice %arg9[%dma_wait3A_251, %dma_wait3A_253, %dma_wait3A_254] : memref<2x128x128xf32, #tpu.memory_space<vmem>> -> memref<1x128x128xf32, #tpu.memory_space<vmem>>
        %dma_wait3A_256 = tpu.memref_squeeze %dma_wait3A_255 : memref<1x128x128xf32, #tpu.memory_space<vmem>> -> memref<128x128xf32, #tpu.memory_space<vmem>>
        %dma_wait3A_257 = arith.constant 0 : i32
        %dma_wait3A_258 = tpu.memref_slice %arg8[%sub3A_250, %dma_wait3A_257] : memref<80x128xi32, #tpu.memory_space<vmem>> -> memref<1x128xi32, #tpu.memory_space<vmem>>
        %dma_wait3A_259 = tpu.memref_squeeze %dma_wait3A_258 : memref<1x128xi32, #tpu.memory_space<vmem>> -> memref<128xi32, #tpu.memory_space<vmem>>
        %dma_wait3A_260 = arith.constant 0 : i32
        %dma_wait3A_261 = arith.constant 0 : i32
        %dma_wait3A_262 = tpu.memref_slice %arg10[%dma_wait3A_260, %dma_wait3A_261] : memref<10240x128xf32, #tpu.memory_space<vmem_shared>> -> memref<10240x128xf32, #tpu.memory_space<vmem_shared>>
        %dma_wait3A_263 = tpu.memref_slice %arg13[%dma_wait3A_252] : memref<2x!tpu.dma_semaphore, #tpu.memory_space<semaphore_mem>> -> memref<1x!tpu.dma_semaphore, #tpu.memory_space<semaphore_mem>>
        %dma_wait3A_264 = tpu.memref_squeeze %dma_wait3A_263 : memref<1x!tpu.dma_semaphore, #tpu.memory_space<semaphore_mem>> -> memref<!tpu.dma_semaphore, #tpu.memory_space<semaphore_mem>>
        tpu.wait_indirect_dma semaphore(%dma_wait3A_264 : memref<!tpu.dma_semaphore, #tpu.memory_space<semaphore_mem>>) src(%dma_wait3A_256 : memref<128x128xf32, #tpu.memory_space<vmem>>) dst(%dma_wait3A_262 : memref<10240x128xf32, #tpu.memory_space<vmem_shared>>)
      } else {
      }
      %dma_start3A_172 = arith.constant 0 : i32
      %dma_start3A_173 = arith.constant 0 : i32
      %dma_start3A_174 = arith.constant 0 : i32
      %dma_start3A_175 = arith.constant 0 : i32
      %dma_start3A_176 = tpu.memref_slice %arg9[%dma_start3A_172, %dma_start3A_174, %dma_start3A_175] : memref<2x128x128xf32, #tpu.memory_space<vmem>> -> memref<1x128x128xf32, #tpu.memory_space<vmem>>
      %dma_start3A_177 = tpu.memref_squeeze %dma_start3A_176 : memref<1x128x128xf32, #tpu.memory_space<vmem>> -> memref<128x128xf32, #tpu.memory_space<vmem>>
      %dma_start3A_178 = arith.constant 0 : i32
      %dma_start3A_179 = tpu.memref_slice %arg7[%add3A_169, %dma_start3A_178] : memref<40x128xi32, #tpu.memory_space<vmem>> -> memref<1x128xi32, #tpu.memory_space<vmem>>
      %dma_start3A_180 = tpu.memref_squeeze %dma_start3A_179 : memref<1x128xi32, #tpu.memory_space<vmem>> -> memref<128xi32, #tpu.memory_space<vmem>>
      %dma_start3A_181 = arith.constant 0 : i32
      %dma_start3A_182 = arith.constant 0 : i32
      %dma_start3A_183 = tpu.memref_slice %arg2[%dma_start3A_181, %dma_start3A_182] : memref<10240x128xf32, #tpu.memory_space<hbm>> -> memref<10240x128xf32, #tpu.memory_space<hbm>>
      %dma_start3A_184 = tpu.memref_slice %arg12[%dma_start3A_173] : memref<2x!tpu.dma_semaphore, #tpu.memory_space<semaphore_mem>> -> memref<1x!tpu.dma_semaphore, #tpu.memory_space<semaphore_mem>>
      %dma_start3A_185 = tpu.memref_squeeze %dma_start3A_184 : memref<1x!tpu.dma_semaphore, #tpu.memory_space<semaphore_mem>> -> memref<!tpu.dma_semaphore, #tpu.memory_space<semaphore_mem>>
      tpu.enqueue_indirect_dma source(%dma_start3A_183 : memref<10240x128xf32, #tpu.memory_space<hbm>>) target(%dma_start3A_177 : memref<128x128xf32, #tpu.memory_space<vmem>>) offsets(%dma_start3A_180 : memref<128xi32, #tpu.memory_space<vmem>>) semaphore(%dma_start3A_185 : memref<!tpu.dma_semaphore, #tpu.memory_space<semaphore_mem>>)
      %gt3A_186 = arith.constant 0 : i32
      %gt3A_187 = arith.cmpi sgt, %scan3A_165, %gt3A_186 : i32
      %convert_element_type3A_188 = arith.extui %gt3A_187 : i1 to i32
      %cond3A_189 = arith.constant 0 : i32
      %cond3A_190 = arith.cmpi ne, %convert_element_type3A_188, %cond3A_189 : i32
      scf.if %cond3A_190 {
        %sub3A_247 = arith.constant 1 : i32
        %sub3A_248 = arith.subi %add3A_169, %sub3A_247 : i32
        %dma_wait3A_249 = arith.constant 1 : i32
        %dma_wait3A_250 = arith.constant 1 : i32
        %dma_wait3A_251 = arith.constant 0 : i32
        %dma_wait3A_252 = arith.constant 0 : i32
        %dma_wait3A_253 = tpu.memref_slice %arg9[%dma_wait3A_249, %dma_wait3A_251, %dma_wait3A_252] : memref<2x128x128xf32, #tpu.memory_space<vmem>> -> memref<1x128x128xf32, #tpu.memory_space<vmem>>
        %dma_wait3A_254 = tpu.memref_squeeze %dma_wait3A_253 : memref<1x128x128xf32, #tpu.memory_space<vmem>> -> memref<128x128xf32, #tpu.memory_space<vmem>>
        %dma_wait3A_255 = arith.constant 0 : i32
        %dma_wait3A_256 = tpu.memref_slice %arg7[%sub3A_248, %dma_wait3A_255] : memref<40x128xi32, #tpu.memory_space<vmem>> -> memref<1x128xi32, #tpu.memory_space<vmem>>
        %dma_wait3A_257 = tpu.memref_squeeze %dma_wait3A_256 : memref<1x128xi32, #tpu.memory_space<vmem>> -> memref<128xi32, #tpu.memory_space<vmem>>
        %dma_wait3A_258 = arith.constant 0 : i32
        %dma_wait3A_259 = arith.constant 0 : i32
        %dma_wait3A_260 = tpu.memref_slice %arg2[%dma_wait3A_258, %dma_wait3A_259] : memref<10240x128xf32, #tpu.memory_space<hbm>> -> memref<10240x128xf32, #tpu.memory_space<hbm>>
        %dma_wait3A_261 = tpu.memref_slice %arg12[%dma_wait3A_250] : memref<2x!tpu.dma_semaphore, #tpu.memory_space<semaphore_mem>> -> memref<1x!tpu.dma_semaphore, #tpu.memory_space<semaphore_mem>>
        %dma_wait3A_262 = tpu.memref_squeeze %dma_wait3A_261 : memref<1x!tpu.dma_semaphore, #tpu.memory_space<semaphore_mem>> -> memref<!tpu.dma_semaphore, #tpu.memory_space<semaphore_mem>>
        tpu.wait_indirect_dma semaphore(%dma_wait3A_262 : memref<!tpu.dma_semaphore, #tpu.memory_space<semaphore_mem>>) src(%dma_wait3A_260 : memref<10240x128xf32, #tpu.memory_space<hbm>>) dst(%dma_wait3A_254 : memref<128x128xf32, #tpu.memory_space<vmem>>)
        %add3A_263 = arith.constant 40 : i32
        %add3A_264 = arith.addi %add3A_263, %add3A_169 : i32
        %sub3A_265 = arith.constant 1 : i32
        %sub3A_266 = arith.subi %add3A_264, %sub3A_265 : i32
        %dma_start3A_267 = arith.constant 1 : i32
        %dma_start3A_268 = arith.constant 1 : i32
        %dma_start3A_269 = arith.constant 0 : i32
        %dma_start3A_270 = arith.constant 0 : i32
        %dma_start3A_271 = tpu.memref_slice %arg9[%dma_start3A_267, %dma_start3A_269, %dma_start3A_270] : memref<2x128x128xf32, #tpu.memory_space<vmem>> -> memref<1x128x128xf32, #tpu.memory_space<vmem>>
        %dma_start3A_272 = tpu.memref_squeeze %dma_start3A_271 : memref<1x128x128xf32, #tpu.memory_space<vmem>> -> memref<128x128xf32, #tpu.memory_space<vmem>>
        %dma_start3A_273 = arith.constant 0 : i32
        %dma_start3A_274 = tpu.memref_slice %arg8[%sub3A_266, %dma_start3A_273] : memref<80x128xi32, #tpu.memory_space<vmem>> -> memref<1x128xi32, #tpu.memory_space<vmem>>
        %dma_start3A_275 = tpu.memref_squeeze %dma_start3A_274 : memref<1x128xi32, #tpu.memory_space<vmem>> -> memref<128xi32, #tpu.memory_space<vmem>>
        %dma_start3A_276 = arith.constant 0 : i32
        %dma_start3A_277 = arith.constant 0 : i32
        %dma_start3A_278 = tpu.memref_slice %arg10[%dma_start3A_276, %dma_start3A_277] : memref<10240x128xf32, #tpu.memory_space<vmem_shared>> -> memref<10240x128xf32, #tpu.memory_space<vmem_shared>>
        %dma_start3A_279 = tpu.memref_slice %arg13[%dma_start3A_268] : memref<2x!tpu.dma_semaphore, #tpu.memory_space<semaphore_mem>> -> memref<1x!tpu.dma_semaphore, #tpu.memory_space<semaphore_mem>>
        %dma_start3A_280 = tpu.memref_squeeze %dma_start3A_279 : memref<1x!tpu.dma_semaphore, #tpu.memory_space<semaphore_mem>> -> memref<!tpu.dma_semaphore, #tpu.memory_space<semaphore_mem>>
        tpu.enqueue_indirect_dma source(%dma_start3A_272 : memref<128x128xf32, #tpu.memory_space<vmem>>) target(%dma_start3A_278 : memref<10240x128xf32, #tpu.memory_space<vmem_shared>>) offsets(%dma_start3A_275 : memref<128xi32, #tpu.memory_space<vmem>>) semaphore(%dma_start3A_280 : memref<!tpu.dma_semaphore, #tpu.memory_space<semaphore_mem>>) {add = true}
      } else {
      }
      %mul3A_191 = arith.constant 2 : i32
      %mul3A_192 = arith.muli %scan3A_165, %mul3A_191 : i32
      %add3A_193 = arith.constant 1 : i32
      %add3A_194 = arith.addi %mul3A_192, %add3A_193 : i32
      %gt3A_195 = arith.constant 0 : i32
      %gt3A_196 = arith.cmpi sgt, %scan3A_165, %gt3A_195 : i32
      %convert_element_type3A_197 = arith.extui %gt3A_196 : i1 to i32
      %cond3A_198 = arith.constant 0 : i32
      %cond3A_199 = arith.cmpi ne, %convert_element_type3A_197, %cond3A_198 : i32
      scf.if %cond3A_199 {
        %add3A_247 = arith.constant 40 : i32
        %add3A_248 = arith.addi %add3A_247, %add3A_194 : i32
        %sub3A_249 = arith.constant 2 : i32
        %sub3A_250 = arith.subi %add3A_248, %sub3A_249 : i32
        %dma_wait3A_251 = arith.constant 1 : i32
        %dma_wait3A_252 = arith.constant 1 : i32
        %dma_wait3A_253 = arith.constant 0 : i32
        %dma_wait3A_254 = arith.constant 0 : i32
        %dma_wait3A_255 = tpu.memref_slice %arg9[%dma_wait3A_251, %dma_wait3A_253, %dma_wait3A_254] : memref<2x128x128xf32, #tpu.memory_space<vmem>> -> memref<1x128x128xf32, #tpu.memory_space<vmem>>
        %dma_wait3A_256 = tpu.memref_squeeze %dma_wait3A_255 : memref<1x128x128xf32, #tpu.memory_space<vmem>> -> memref<128x128xf32, #tpu.memory_space<vmem>>
        %dma_wait3A_257 = arith.constant 0 : i32
        %dma_wait3A_258 = tpu.memref_slice %arg8[%sub3A_250, %dma_wait3A_257] : memref<80x128xi32, #tpu.memory_space<vmem>> -> memref<1x128xi32, #tpu.memory_space<vmem>>
        %dma_wait3A_259 = tpu.memref_squeeze %dma_wait3A_258 : memref<1x128xi32, #tpu.memory_space<vmem>> -> memref<128xi32, #tpu.memory_space<vmem>>
        %dma_wait3A_260 = arith.constant 0 : i32
        %dma_wait3A_261 = arith.constant 0 : i32
        %dma_wait3A_262 = tpu.memref_slice %arg10[%dma_wait3A_260, %dma_wait3A_261] : memref<10240x128xf32, #tpu.memory_space<vmem_shared>> -> memref<10240x128xf32, #tpu.memory_space<vmem_shared>>
        %dma_wait3A_263 = tpu.memref_slice %arg13[%dma_wait3A_252] : memref<2x!tpu.dma_semaphore, #tpu.memory_space<semaphore_mem>> -> memref<1x!tpu.dma_semaphore, #tpu.memory_space<semaphore_mem>>
        %dma_wait3A_264 = tpu.memref_squeeze %dma_wait3A_263 : memref<1x!tpu.dma_semaphore, #tpu.memory_space<semaphore_mem>> -> memref<!tpu.dma_semaphore, #tpu.memory_space<semaphore_mem>>
        tpu.wait_indirect_dma semaphore(%dma_wait3A_264 : memref<!tpu.dma_semaphore, #tpu.memory_space<semaphore_mem>>) src(%dma_wait3A_256 : memref<128x128xf32, #tpu.memory_space<vmem>>) dst(%dma_wait3A_262 : memref<10240x128xf32, #tpu.memory_space<vmem_shared>>)
      } else {
      }
      %dma_start3A_200 = arith.constant 1 : i32
      %dma_start3A_201 = arith.constant 1 : i32
      %dma_start3A_202 = arith.constant 0 : i32
      %dma_start3A_203 = arith.constant 0 : i32
      %dma_start3A_204 = tpu.memref_slice %arg9[%dma_start3A_200, %dma_start3A_202, %dma_start3A_203] : memref<2x128x128xf32, #tpu.memory_space<vmem>> -> memref<1x128x128xf32, #tpu.memory_space<vmem>>
      %dma_start3A_205 = tpu.memref_squeeze %dma_start3A_204 : memref<1x128x128xf32, #tpu.memory_space<vmem>> -> memref<128x128xf32, #tpu.memory_space<vmem>>
      %dma_start3A_206 = arith.constant 0 : i32
      %dma_start3A_207 = tpu.memref_slice %arg7[%add3A_194, %dma_start3A_206] : memref<40x128xi32, #tpu.memory_space<vmem>> -> memref<1x128xi32, #tpu.memory_space<vmem>>
      %dma_start3A_208 = tpu.memref_squeeze %dma_start3A_207 : memref<1x128xi32, #tpu.memory_space<vmem>> -> memref<128xi32, #tpu.memory_space<vmem>>
      %dma_start3A_209 = arith.constant 0 : i32
      %dma_start3A_210 = arith.constant 0 : i32
      %dma_start3A_211 = tpu.memref_slice %arg2[%dma_start3A_209, %dma_start3A_210] : memref<10240x128xf32, #tpu.memory_space<hbm>> -> memref<10240x128xf32, #tpu.memory_space<hbm>>
      %dma_start3A_212 = tpu.memref_slice %arg12[%dma_start3A_201] : memref<2x!tpu.dma_semaphore, #tpu.memory_space<semaphore_mem>> -> memref<1x!tpu.dma_semaphore, #tpu.memory_space<semaphore_mem>>
      %dma_start3A_213 = tpu.memref_squeeze %dma_start3A_212 : memref<1x!tpu.dma_semaphore, #tpu.memory_space<semaphore_mem>> -> memref<!tpu.dma_semaphore, #tpu.memory_space<semaphore_mem>>
      tpu.enqueue_indirect_dma source(%dma_start3A_211 : memref<10240x128xf32, #tpu.memory_space<hbm>>) target(%dma_start3A_205 : memref<128x128xf32, #tpu.memory_space<vmem>>) offsets(%dma_start3A_208 : memref<128xi32, #tpu.memory_space<vmem>>) semaphore(%dma_start3A_213 : memref<!tpu.dma_semaphore, #tpu.memory_space<semaphore_mem>>)
      %sub3A = arith.constant 1 : i32
      %sub3A_214 = arith.subi %add3A_194, %sub3A : i32
      %dma_wait3A_215 = arith.constant 0 : i32
      %dma_wait3A_216 = arith.constant 0 : i32
      %dma_wait3A_217 = arith.constant 0 : i32
      %dma_wait3A_218 = arith.constant 0 : i32
      %dma_wait3A_219 = tpu.memref_slice %arg9[%dma_wait3A_215, %dma_wait3A_217, %dma_wait3A_218] : memref<2x128x128xf32, #tpu.memory_space<vmem>> -> memref<1x128x128xf32, #tpu.memory_space<vmem>>
      %dma_wait3A_220 = tpu.memref_squeeze %dma_wait3A_219 : memref<1x128x128xf32, #tpu.memory_space<vmem>> -> memref<128x128xf32, #tpu.memory_space<vmem>>
      %dma_wait3A_221 = arith.constant 0 : i32
      %dma_wait3A_222 = tpu.memref_slice %arg7[%sub3A_214, %dma_wait3A_221] : memref<40x128xi32, #tpu.memory_space<vmem>> -> memref<1x128xi32, #tpu.memory_space<vmem>>
      %dma_wait3A_223 = tpu.memref_squeeze %dma_wait3A_222 : memref<1x128xi32, #tpu.memory_space<vmem>> -> memref<128xi32, #tpu.memory_space<vmem>>
      %dma_wait3A_224 = arith.constant 0 : i32
      %dma_wait3A_225 = arith.constant 0 : i32
      %dma_wait3A_226 = tpu.memref_slice %arg2[%dma_wait3A_224, %dma_wait3A_225] : memref<10240x128xf32, #tpu.memory_space<hbm>> -> memref<10240x128xf32, #tpu.memory_space<hbm>>
      %dma_wait3A_227 = tpu.memref_slice %arg12[%dma_wait3A_216] : memref<2x!tpu.dma_semaphore, #tpu.memory_space<semaphore_mem>> -> memref<1x!tpu.dma_semaphore, #tpu.memory_space<semaphore_mem>>
      %dma_wait3A_228 = tpu.memref_squeeze %dma_wait3A_227 : memref<1x!tpu.dma_semaphore, #tpu.memory_space<semaphore_mem>> -> memref<!tpu.dma_semaphore, #tpu.memory_space<semaphore_mem>>
      tpu.wait_indirect_dma semaphore(%dma_wait3A_228 : memref<!tpu.dma_semaphore, #tpu.memory_space<semaphore_mem>>) src(%dma_wait3A_226 : memref<10240x128xf32, #tpu.memory_space<hbm>>) dst(%dma_wait3A_220 : memref<128x128xf32, #tpu.memory_space<vmem>>)
      %add3A_229 = arith.constant 40 : i32
      %add3A_230 = arith.addi %add3A_229, %add3A_194 : i32
      %sub3A_231 = arith.constant 1 : i32
      %sub3A_232 = arith.subi %add3A_230, %sub3A_231 : i32
      %dma_start3A_233 = arith.constant 0 : i32
      %dma_start3A_234 = arith.constant 0 : i32
      %dma_start3A_235 = arith.constant 0 : i32
      %dma_start3A_236 = arith.constant 0 : i32
      %dma_start3A_237 = tpu.memref_slice %arg9[%dma_start3A_233, %dma_start3A_235, %dma_start3A_236] : memref<2x128x128xf32, #tpu.memory_space<vmem>> -> memref<1x128x128xf32, #tpu.memory_space<vmem>>
      %dma_start3A_238 = tpu.memref_squeeze %dma_start3A_237 : memref<1x128x128xf32, #tpu.memory_space<vmem>> -> memref<128x128xf32, #tpu.memory_space<vmem>>
      %dma_start3A_239 = arith.constant 0 : i32
      %dma_start3A_240 = tpu.memref_slice %arg8[%sub3A_232, %dma_start3A_239] : memref<80x128xi32, #tpu.memory_space<vmem>> -> memref<1x128xi32, #tpu.memory_space<vmem>>
      %dma_start3A_241 = tpu.memref_squeeze %dma_start3A_240 : memref<1x128xi32, #tpu.memory_space<vmem>> -> memref<128xi32, #tpu.memory_space<vmem>>
      %dma_start3A_242 = arith.constant 0 : i32
      %dma_start3A_243 = arith.constant 0 : i32
      %dma_start3A_244 = tpu.memref_slice %arg10[%dma_start3A_242, %dma_start3A_243] : memref<10240x128xf32, #tpu.memory_space<vmem_shared>> -> memref<10240x128xf32, #tpu.memory_space<vmem_shared>>
      %dma_start3A_245 = tpu.memref_slice %arg13[%dma_start3A_234] : memref<2x!tpu.dma_semaphore, #tpu.memory_space<semaphore_mem>> -> memref<1x!tpu.dma_semaphore, #tpu.memory_space<semaphore_mem>>
      %dma_start3A_246 = tpu.memref_squeeze %dma_start3A_245 : memref<1x!tpu.dma_semaphore, #tpu.memory_space<semaphore_mem>> -> memref<!tpu.dma_semaphore, #tpu.memory_space<semaphore_mem>>
      tpu.enqueue_indirect_dma source(%dma_start3A_238 : memref<128x128xf32, #tpu.memory_space<vmem>>) target(%dma_start3A_244 : memref<10240x128xf32, #tpu.memory_space<vmem_shared>>) offsets(%dma_start3A_241 : memref<128xi32, #tpu.memory_space<vmem>>) semaphore(%dma_start3A_246 : memref<!tpu.dma_semaphore, #tpu.memory_space<semaphore_mem>>) {add = true}
    }
    %scan3A_103 = arith.constant 20 : i32
    %dma_wait3A_104 = arith.constant 39 : i32
    %dma_wait3A_105 = arith.constant 1 : i32
    %dma_wait3A_106 = arith.constant 1 : i32
    %dma_wait3A_107 = arith.constant 0 : i32
    %dma_wait3A_108 = arith.constant 0 : i32
    %dma_wait3A_109 = tpu.memref_slice %arg9[%dma_wait3A_105, %dma_wait3A_107, %dma_wait3A_108] : memref<2x128x128xf32, #tpu.memory_space<vmem>> -> memref<1x128x128xf32, #tpu.memory_space<vmem>>
    %dma_wait3A_110 = tpu.memref_squeeze %dma_wait3A_109 : memref<1x128x128xf32, #tpu.memory_space<vmem>> -> memref<128x128xf32, #tpu.memory_space<vmem>>
    %dma_wait3A_111 = arith.constant 0 : i32
    %dma_wait3A_112 = tpu.memref_slice %arg7[%dma_wait3A_104, %dma_wait3A_111] : memref<40x128xi32, #tpu.memory_space<vmem>> -> memref<1x128xi32, #tpu.memory_space<vmem>>
    %dma_wait3A_113 = tpu.memref_squeeze %dma_wait3A_112 : memref<1x128xi32, #tpu.memory_space<vmem>> -> memref<128xi32, #tpu.memory_space<vmem>>
    %dma_wait3A_114 = arith.constant 0 : i32
    %dma_wait3A_115 = arith.constant 0 : i32
    %dma_wait3A_116 = tpu.memref_slice %arg2[%dma_wait3A_114, %dma_wait3A_115] : memref<10240x128xf32, #tpu.memory_space<hbm>> -> memref<10240x128xf32, #tpu.memory_space<hbm>>
    %dma_wait3A_117 = tpu.memref_slice %arg12[%dma_wait3A_106] : memref<2x!tpu.dma_semaphore, #tpu.memory_space<semaphore_mem>> -> memref<1x!tpu.dma_semaphore, #tpu.memory_space<semaphore_mem>>
    %dma_wait3A_118 = tpu.memref_squeeze %dma_wait3A_117 : memref<1x!tpu.dma_semaphore, #tpu.memory_space<semaphore_mem>> -> memref<!tpu.dma_semaphore, #tpu.memory_space<semaphore_mem>>
    tpu.wait_indirect_dma semaphore(%dma_wait3A_118 : memref<!tpu.dma_semaphore, #tpu.memory_space<semaphore_mem>>) src(%dma_wait3A_116 : memref<10240x128xf32, #tpu.memory_space<hbm>>) dst(%dma_wait3A_110 : memref<128x128xf32, #tpu.memory_space<vmem>>)
    %dma_start3A_119 = arith.constant 1 : i32
    %dma_start3A_120 = arith.constant 79 : i32
    %dma_start3A_121 = arith.constant 1 : i32
    %dma_start3A_122 = arith.constant 0 : i32
    %dma_start3A_123 = arith.constant 0 : i32
    %dma_start3A_124 = tpu.memref_slice %arg9[%dma_start3A_119, %dma_start3A_122, %dma_start3A_123] : memref<2x128x128xf32, #tpu.memory_space<vmem>> -> memref<1x128x128xf32, #tpu.memory_space<vmem>>
    %dma_start3A_125 = tpu.memref_squeeze %dma_start3A_124 : memref<1x128x128xf32, #tpu.memory_space<vmem>> -> memref<128x128xf32, #tpu.memory_space<vmem>>
    %dma_start3A_126 = arith.constant 0 : i32
    %dma_start3A_127 = tpu.memref_slice %arg8[%dma_start3A_120, %dma_start3A_126] : memref<80x128xi32, #tpu.memory_space<vmem>> -> memref<1x128xi32, #tpu.memory_space<vmem>>
    %dma_start3A_128 = tpu.memref_squeeze %dma_start3A_127 : memref<1x128xi32, #tpu.memory_space<vmem>> -> memref<128xi32, #tpu.memory_space<vmem>>
    %dma_start3A_129 = arith.constant 0 : i32
    %dma_start3A_130 = arith.constant 0 : i32
    %dma_start3A_131 = tpu.memref_slice %arg10[%dma_start3A_129, %dma_start3A_130] : memref<10240x128xf32, #tpu.memory_space<vmem_shared>> -> memref<10240x128xf32, #tpu.memory_space<vmem_shared>>
    %dma_start3A_132 = tpu.memref_slice %arg13[%dma_start3A_121] : memref<2x!tpu.dma_semaphore, #tpu.memory_space<semaphore_mem>> -> memref<1x!tpu.dma_semaphore, #tpu.memory_space<semaphore_mem>>
    %dma_start3A_133 = tpu.memref_squeeze %dma_start3A_132 : memref<1x!tpu.dma_semaphore, #tpu.memory_space<semaphore_mem>> -> memref<!tpu.dma_semaphore, #tpu.memory_space<semaphore_mem>>
    tpu.enqueue_indirect_dma source(%dma_start3A_125 : memref<128x128xf32, #tpu.memory_space<vmem>>) target(%dma_start3A_131 : memref<10240x128xf32, #tpu.memory_space<vmem_shared>>) offsets(%dma_start3A_128 : memref<128xi32, #tpu.memory_space<vmem>>) semaphore(%dma_start3A_133 : memref<!tpu.dma_semaphore, #tpu.memory_space<semaphore_mem>>) {add = true}
    %dma_wait3A_134 = arith.constant 0 : i32
    %dma_wait3A_135 = arith.constant 78 : i32
    %dma_wait3A_136 = arith.constant 0 : i32
    %dma_wait3A_137 = arith.constant 0 : i32
    %dma_wait3A_138 = arith.constant 0 : i32
    %dma_wait3A_139 = tpu.memref_slice %arg9[%dma_wait3A_134, %dma_wait3A_137, %dma_wait3A_138] : memref<2x128x128xf32, #tpu.memory_space<vmem>> -> memref<1x128x128xf32, #tpu.memory_space<vmem>>
    %dma_wait3A_140 = tpu.memref_squeeze %dma_wait3A_139 : memref<1x128x128xf32, #tpu.memory_space<vmem>> -> memref<128x128xf32, #tpu.memory_space<vmem>>
    %dma_wait3A_141 = arith.constant 0 : i32
    %dma_wait3A_142 = tpu.memref_slice %arg8[%dma_wait3A_135, %dma_wait3A_141] : memref<80x128xi32, #tpu.memory_space<vmem>> -> memref<1x128xi32, #tpu.memory_space<vmem>>
    %dma_wait3A_143 = tpu.memref_squeeze %dma_wait3A_142 : memref<1x128xi32, #tpu.memory_space<vmem>> -> memref<128xi32, #tpu.memory_space<vmem>>
    %dma_wait3A_144 = arith.constant 0 : i32
    %dma_wait3A_145 = arith.constant 0 : i32
    %dma_wait3A_146 = tpu.memref_slice %arg10[%dma_wait3A_144, %dma_wait3A_145] : memref<10240x128xf32, #tpu.memory_space<vmem_shared>> -> memref<10240x128xf32, #tpu.memory_space<vmem_shared>>
    %dma_wait3A_147 = tpu.memref_slice %arg13[%dma_wait3A_136] : memref<2x!tpu.dma_semaphore, #tpu.memory_space<semaphore_mem>> -> memref<1x!tpu.dma_semaphore, #tpu.memory_space<semaphore_mem>>
    %dma_wait3A_148 = tpu.memref_squeeze %dma_wait3A_147 : memref<1x!tpu.dma_semaphore, #tpu.memory_space<semaphore_mem>> -> memref<!tpu.dma_semaphore, #tpu.memory_space<semaphore_mem>>
    tpu.wait_indirect_dma semaphore(%dma_wait3A_148 : memref<!tpu.dma_semaphore, #tpu.memory_space<semaphore_mem>>) src(%dma_wait3A_140 : memref<128x128xf32, #tpu.memory_space<vmem>>) dst(%dma_wait3A_146 : memref<10240x128xf32, #tpu.memory_space<vmem_shared>>)
    %dma_wait3A_149 = arith.constant 1 : i32
    %dma_wait3A_150 = arith.constant 79 : i32
    %dma_wait3A_151 = arith.constant 1 : i32
    %dma_wait3A_152 = arith.constant 0 : i32
    %dma_wait3A_153 = arith.constant 0 : i32
    %dma_wait3A_154 = tpu.memref_slice %arg9[%dma_wait3A_149, %dma_wait3A_152, %dma_wait3A_153] : memref<2x128x128xf32, #tpu.memory_space<vmem>> -> memref<1x128x128xf32, #tpu.memory_space<vmem>>
    %dma_wait3A_155 = tpu.memref_squeeze %dma_wait3A_154 : memref<1x128x128xf32, #tpu.memory_space<vmem>> -> memref<128x128xf32, #tpu.memory_space<vmem>>
    %dma_wait3A_156 = arith.constant 0 : i32
    %dma_wait3A_157 = tpu.memref_slice %arg8[%dma_wait3A_150, %dma_wait3A_156] : memref<80x128xi32, #tpu.memory_space<vmem>> -> memref<1x128xi32, #tpu.memory_space<vmem>>
    %dma_wait3A_158 = tpu.memref_squeeze %dma_wait3A_157 : memref<1x128xi32, #tpu.memory_space<vmem>> -> memref<128xi32, #tpu.memory_space<vmem>>
    %dma_wait3A_159 = arith.constant 0 : i32
    %dma_wait3A_160 = arith.constant 0 : i32
    %dma_wait3A_161 = tpu.memref_slice %arg10[%dma_wait3A_159, %dma_wait3A_160] : memref<10240x128xf32, #tpu.memory_space<vmem_shared>> -> memref<10240x128xf32, #tpu.memory_space<vmem_shared>>
    %dma_wait3A_162 = tpu.memref_slice %arg13[%dma_wait3A_151] : memref<2x!tpu.dma_semaphore, #tpu.memory_space<semaphore_mem>> -> memref<1x!tpu.dma_semaphore, #tpu.memory_space<semaphore_mem>>
    %dma_wait3A_163 = tpu.memref_squeeze %dma_wait3A_162 : memref<1x!tpu.dma_semaphore, #tpu.memory_space<semaphore_mem>> -> memref<!tpu.dma_semaphore, #tpu.memory_space<semaphore_mem>>
    tpu.wait_indirect_dma semaphore(%dma_wait3A_163 : memref<!tpu.dma_semaphore, #tpu.memory_space<semaphore_mem>>) src(%dma_wait3A_155 : memref<128x128xf32, #tpu.memory_space<vmem>>) dst(%dma_wait3A_161 : memref<10240x128xf32, #tpu.memory_space<vmem_shared>>)
    %barrier3A_164 = arith.constant 0 : index
    tpu.barrier barrier_id(%barrier3A_164)
    "tpu.region"() ({
      %run_scoped3A = tpu.sem_alloc : memref<!tpu.dma_semaphore, #tpu.memory_space<semaphore_mem>>
      %dma_start3A_165 = arith.constant 0 : i32
      %dma_start3A_166 = tpu.memref_slice %arg6[%arg0, %mul3A_2, %dma_start3A_165] : memref<2x10240x128xf32, #tpu.memory_space<hbm>> -> memref<1x640x128xf32, #tpu.memory_space<hbm>>
      %dma_start3A_167 = tpu.memref_squeeze %dma_start3A_166 : memref<1x640x128xf32, #tpu.memory_space<hbm>> -> memref<640x128xf32, #tpu.memory_space<hbm>>
      %dma_start3A_168 = arith.constant 0 : i32
      %dma_start3A_169 = tpu.memref_slice %arg10[%mul3A_2, %dma_start3A_168] : memref<10240x128xf32, #tpu.memory_space<vmem_shared>> -> memref<640x128xf32, #tpu.memory_space<vmem_shared>>
      tpu.enqueue_dma source(%dma_start3A_169 : memref<640x128xf32, #tpu.memory_space<vmem_shared>>) target(%dma_start3A_167 : memref<640x128xf32, #tpu.memory_space<hbm>>) target_semaphore(%run_scoped3A : memref<!tpu.dma_semaphore, #tpu.memory_space<semaphore_mem>>)
      %dma_wait3A_170 = arith.constant 0 : i32
      %dma_wait3A_171 = tpu.memref_slice %arg6[%arg0, %mul3A_2, %dma_wait3A_170] : memref<2x10240x128xf32, #tpu.memory_space<hbm>> -> memref<1x640x128xf32, #tpu.memory_space<hbm>>
      %dma_wait3A_172 = tpu.memref_squeeze %dma_wait3A_171 : memref<1x640x128xf32, #tpu.memory_space<hbm>> -> memref<640x128xf32, #tpu.memory_space<hbm>>
      %dma_wait3A_173 = arith.constant 0 : i32
      %dma_wait3A_174 = tpu.memref_slice %arg10[%mul3A_2, %dma_wait3A_173] : memref<10240x128xf32, #tpu.memory_space<vmem_shared>> -> memref<640x128xf32, #tpu.memory_space<vmem_shared>>
      tpu.wait_dma2 semaphore(%run_scoped3A : memref<!tpu.dma_semaphore, #tpu.memory_space<semaphore_mem>>) src(%dma_wait3A_174 : memref<640x128xf32, #tpu.memory_space<vmem_shared>>) dst(%dma_wait3A_172 : memref<640x128xf32, #tpu.memory_space<hbm>>)
      tpu.yield
    }) : () -> ()
    return
  }
}

#map = affine_map<(d0, d1) -> (0)>
#map1 = affine_map<(d0, d1) -> (0, 0)>
#map2 = affine_map<(d0, d1) -> (0, 0, 0)>
module attributes {stable_mosaic.version = 14 : i64} {
  func.func @_emb_body(%arg0: i32, %arg1: i32, %arg2: memref<10240xi32, #tpu.memory_space<hbm>>, %arg3: memref<10240xi32, #tpu.memory_space<hbm>>, %arg4: memref<10240xi32, #tpu.memory_space<hbm>>, %arg5: memref<10240xi32, #tpu.memory_space<hbm>>, %arg6: memref<100000x128xf32, #tpu.memory_space<hbm>>, %arg7: memref<100000x128xf32, #tpu.memory_space<hbm>>, %arg8: memref<100000x128xf32, #tpu.memory_space<hbm>>, %arg9: memref<100000x128xf32, #tpu.memory_space<hbm>>, %arg10: memref<32x80x128xi32, #tpu.memory_space<hbm>>, %arg11: memref<640xf32, #tpu.memory_space<hbm>>, %arg12: memref<4x10240x128xf32, #tpu.memory_space<hbm>>, %arg13: memref<2x10240xf32, #tpu.memory_space<hbm>>, %arg14: memref<320xi32, #tpu.memory_space<vmem>>, %arg15: memref<320xi32, #tpu.memory_space<vmem>>, %arg16: memref<320xi32, #tpu.memory_space<vmem>>, %arg17: memref<320xi32, #tpu.memory_space<vmem>>, %arg18: memref<4x80x128xf32, #tpu.memory_space<vmem>>, %arg19: memref<80x128xi32, #tpu.memory_space<vmem>>, %arg20: memref<128xf32, #tpu.memory_space<vmem>>, %arg21: memref<10240xf32, #tpu.memory_space<vmem_shared>>, %arg22: memref<!tpu.dma_semaphore, #tpu.memory_space<semaphore_mem>>, %arg23: memref<4x!tpu.dma_semaphore, #tpu.memory_space<semaphore_mem>>, %arg24: memref<4x!tpu.dma_semaphore, #tpu.memory_space<semaphore_mem>>, %arg25: memref<!tpu.dma_semaphore, #tpu.memory_space<semaphore_mem>>, %arg26: memref<5x!tpu.dma_semaphore, #tpu.memory_space<semaphore_mem>>) attributes {dimension_semantics = [#tpu.dimension_semantics<core_parallel>, #tpu.dimension_semantics<subcore_parallel>], iteration_bounds = array<i64: 2, 16>, scalar_prefetch = 0 : i64, scratch_operands = 13 : i64, tpu.core_type = #tpu.core_type<sc_vector_subcore>, window_params = [{transform_indices = #map}, {transform_indices = #map}, {transform_indices = #map}, {transform_indices = #map}, {transform_indices = #map1}, {transform_indices = #map1}, {transform_indices = #map1}, {transform_indices = #map1}, {transform_indices = #map2}, {transform_indices = #map}, {transform_indices = #map2}, {transform_indices = #map1}]} {
    %mul3A = arith.constant 2 : i32
    %mul3A_0 = arith.muli %arg1, %mul3A : i32
    %add3A = arith.addi %mul3A_0, %arg0 : i32
    %mul3A_1 = arith.constant 320 : i32
    %mul3A_2 = arith.muli %add3A, %mul3A_1 : i32
    %mul3A_3 = arith.constant 640 : i32
    %mul3A_4 = arith.muli %arg1, %mul3A_3 : i32
    %broadcast_in_dim3A = arith.constant 1.000000e+00 : f32
    %broadcast_in_dim3A_5 = vector.broadcast %broadcast_in_dim3A : f32 to vector<16xf32>
    %swap3A = arith.constant 0 : index
    %swap3A_6 = tpu.vector_load %arg20[%swap3A] {strides = array<i32>} : memref<128xf32, #tpu.memory_space<vmem>>, vector<16xf32>,
    %swap3A_7 = vector.shape_cast %swap3A_6 : vector<16xf32> to vector<16xf32>
    %swap3A_8 = vector.shape_cast %broadcast_in_dim3A_5 : vector<16xf32> to vector<16xf32>
    tpu.vector_store %arg20[%swap3A], %swap3A_8 {strides = array<i32>} : memref<128xf32, #tpu.memory_space<vmem>>, vector<16xf32>,
    %broadcast_in_dim3A_9 = arith.constant 1.000000e+00 : f32
    %broadcast_in_dim3A_10 = vector.broadcast %broadcast_in_dim3A_9 : f32 to vector<16xf32>
    %swap3A_11 = arith.constant 16 : index
    %swap3A_12 = tpu.vector_load %arg20[%swap3A_11] {strides = array<i32>} : memref<128xf32, #tpu.memory_space<vmem>>, vector<16xf32>,
    %swap3A_13 = vector.shape_cast %swap3A_12 : vector<16xf32> to vector<16xf32>
    %swap3A_14 = vector.shape_cast %broadcast_in_dim3A_10 : vector<16xf32> to vector<16xf32>
    tpu.vector_store %arg20[%swap3A_11], %swap3A_14 {strides = array<i32>} : memref<128xf32, #tpu.memory_space<vmem>>, vector<16xf32>,
    %broadcast_in_dim3A_15 = arith.constant 1.000000e+00 : f32
    %broadcast_in_dim3A_16 = vector.broadcast %broadcast_in_dim3A_15 : f32 to vector<16xf32>
    %swap3A_17 = arith.constant 32 : index
    %swap3A_18 = tpu.vector_load %arg20[%swap3A_17] {strides = array<i32>} : memref<128xf32, #tpu.memory_space<vmem>>, vector<16xf32>,
    %swap3A_19 = vector.shape_cast %swap3A_18 : vector<16xf32> to vector<16xf32>
    %swap3A_20 = vector.shape_cast %broadcast_in_dim3A_16 : vector<16xf32> to vector<16xf32>
    tpu.vector_store %arg20[%swap3A_17], %swap3A_20 {strides = array<i32>} : memref<128xf32, #tpu.memory_space<vmem>>, vector<16xf32>,
    %broadcast_in_dim3A_21 = arith.constant 1.000000e+00 : f32
    %broadcast_in_dim3A_22 = vector.broadcast %broadcast_in_dim3A_21 : f32 to vector<16xf32>
    %swap3A_23 = arith.constant 48 : index
    %swap3A_24 = tpu.vector_load %arg20[%swap3A_23] {strides = array<i32>} : memref<128xf32, #tpu.memory_space<vmem>>, vector<16xf32>,
    %swap3A_25 = vector.shape_cast %swap3A_24 : vector<16xf32> to vector<16xf32>
    %swap3A_26 = vector.shape_cast %broadcast_in_dim3A_22 : vector<16xf32> to vector<16xf32>
    tpu.vector_store %arg20[%swap3A_23], %swap3A_26 {strides = array<i32>} : memref<128xf32, #tpu.memory_space<vmem>>, vector<16xf32>,
    %broadcast_in_dim3A_27 = arith.constant 1.000000e+00 : f32
    %broadcast_in_dim3A_28 = vector.broadcast %broadcast_in_dim3A_27 : f32 to vector<16xf32>
    %swap3A_29 = arith.constant 64 : index
    %swap3A_30 = tpu.vector_load %arg20[%swap3A_29] {strides = array<i32>} : memref<128xf32, #tpu.memory_space<vmem>>, vector<16xf32>,
    %swap3A_31 = vector.shape_cast %swap3A_30 : vector<16xf32> to vector<16xf32>
    %swap3A_32 = vector.shape_cast %broadcast_in_dim3A_28 : vector<16xf32> to vector<16xf32>
    tpu.vector_store %arg20[%swap3A_29], %swap3A_32 {strides = array<i32>} : memref<128xf32, #tpu.memory_space<vmem>>, vector<16xf32>,
    %broadcast_in_dim3A_33 = arith.constant 1.000000e+00 : f32
    %broadcast_in_dim3A_34 = vector.broadcast %broadcast_in_dim3A_33 : f32 to vector<16xf32>
    %swap3A_35 = arith.constant 80 : index
    %swap3A_36 = tpu.vector_load %arg20[%swap3A_35] {strides = array<i32>} : memref<128xf32, #tpu.memory_space<vmem>>, vector<16xf32>,
    %swap3A_37 = vector.shape_cast %swap3A_36 : vector<16xf32> to vector<16xf32>
    %swap3A_38 = vector.shape_cast %broadcast_in_dim3A_34 : vector<16xf32> to vector<16xf32>
    tpu.vector_store %arg20[%swap3A_35], %swap3A_38 {strides = array<i32>} : memref<128xf32, #tpu.memory_space<vmem>>, vector<16xf32>,
    %broadcast_in_dim3A_39 = arith.constant 1.000000e+00 : f32
    %broadcast_in_dim3A_40 = vector.broadcast %broadcast_in_dim3A_39 : f32 to vector<16xf32>
    %swap3A_41 = arith.constant 96 : index
    %swap3A_42 = tpu.vector_load %arg20[%swap3A_41] {strides = array<i32>} : memref<128xf32, #tpu.memory_space<vmem>>, vector<16xf32>,
    %swap3A_43 = vector.shape_cast %swap3A_42 : vector<16xf32> to vector<16xf32>
    %swap3A_44 = vector.shape_cast %broadcast_in_dim3A_40 : vector<16xf32> to vector<16xf32>
    tpu.vector_store %arg20[%swap3A_41], %swap3A_44 {strides = array<i32>} : memref<128xf32, #tpu.memory_space<vmem>>, vector<16xf32>,
    %broadcast_in_dim3A_45 = arith.constant 1.000000e+00 : f32
    %broadcast_in_dim3A_46 = vector.broadcast %broadcast_in_dim3A_45 : f32 to vector<16xf32>
    %swap3A_47 = arith.constant 112 : index
    %swap3A_48 = tpu.vector_load %arg20[%swap3A_47] {strides = array<i32>} : memref<128xf32, #tpu.memory_space<vmem>>, vector<16xf32>,
    %swap3A_49 = vector.shape_cast %swap3A_48 : vector<16xf32> to vector<16xf32>
    %swap3A_50 = vector.shape_cast %broadcast_in_dim3A_46 : vector<16xf32> to vector<16xf32>
    tpu.vector_store %arg20[%swap3A_47], %swap3A_50 {strides = array<i32>} : memref<128xf32, #tpu.memory_space<vmem>>, vector<16xf32>,
    %dma_start3A = arith.constant 0 : i32
    %dma_start3A_51 = arith.constant 0 : i32
    %dma_start3A_52 = tpu.memref_slice %arg10[%add3A, %dma_start3A, %dma_start3A_51] : memref<32x80x128xi32, #tpu.memory_space<hbm>> -> memref<1x80x128xi32, #tpu.memory_space<hbm>>
    %dma_start3A_53 = tpu.memref_squeeze %dma_start3A_52 : memref<1x80x128xi32, #tpu.memory_space<hbm>> -> memref<80x128xi32, #tpu.memory_space<hbm>>
    %dma_start3A_54 = arith.constant 0 : i32
    %dma_start3A_55 = arith.constant 0 : i32
    %dma_start3A_56 = tpu.memref_slice %arg10[%add3A, %dma_start3A_54, %dma_start3A_55] : memref<32x80x128xi32, #tpu.memory_space<hbm>> -> memref<1x80x128xi32, #tpu.memory_space<hbm>>
    %dma_start3A_57 = tpu.memref_squeeze %dma_start3A_56 : memref<1x80x128xi32, #tpu.memory_space<hbm>> -> memref<80x128xi32, #tpu.memory_space<hbm>>
    tpu.enqueue_dma source(%dma_start3A_57 : memref<80x128xi32, #tpu.memory_space<hbm>>) target(%arg19 : memref<80x128xi32, #tpu.memory_space<vmem>>) target_semaphore(%arg25 : memref<!tpu.dma_semaphore, #tpu.memory_space<semaphore_mem>>)
    "tpu.region"() ({
      %run_scoped3A = tpu.sem_alloc : memref<!tpu.dma_semaphore, #tpu.memory_space<semaphore_mem>>
      %dma_start3A_1220 = tpu.memref_slice %arg21[%mul3A_4] : memref<10240xf32, #tpu.memory_space<vmem_shared>> -> memref<640xf32, #tpu.memory_space<vmem_shared>>
      tpu.enqueue_dma source(%arg11 : memref<640xf32, #tpu.memory_space<hbm>>) target(%dma_start3A_1220 : memref<640xf32, #tpu.memory_space<vmem_shared>>) target_semaphore(%run_scoped3A : memref<!tpu.dma_semaphore, #tpu.memory_space<semaphore_mem>>)
      %dma_wait3A_1221 = tpu.memref_slice %arg21[%mul3A_4] : memref<10240xf32, #tpu.memory_space<vmem_shared>> -> memref<640xf32, #tpu.memory_space<vmem_shared>>
      tpu.wait_dma2 semaphore(%run_scoped3A : memref<!tpu.dma_semaphore, #tpu.memory_space<semaphore_mem>>) src(%arg11 : memref<640xf32, #tpu.memory_space<hbm>>) dst(%dma_wait3A_1221 : memref<640xf32, #tpu.memory_space<vmem_shared>>)
      tpu.yield
    }) : () -> ()
    %dma_start3A_58 = tpu.memref_slice %arg2[%mul3A_2] : memref<10240xi32, #tpu.memory_space<hbm>> -> memref<320xi32, #tpu.memory_space<hbm>>
    %dma_start3A_59 = tpu.memref_slice %arg2[%mul3A_2] : memref<10240xi32, #tpu.memory_space<hbm>> -> memref<320xi32, #tpu.memory_space<hbm>>
    tpu.enqueue_dma source(%dma_start3A_59 : memref<320xi32, #tpu.memory_space<hbm>>) target(%arg14 : memref<320xi32, #tpu.memory_space<vmem>>) target_semaphore(%arg22 : memref<!tpu.dma_semaphore, #tpu.memory_space<semaphore_mem>>)
    %dma_start3A_60 = tpu.memref_slice %arg3[%mul3A_2] : memref<10240xi32, #tpu.memory_space<hbm>> -> memref<320xi32, #tpu.memory_space<hbm>>
    %dma_start3A_61 = tpu.memref_slice %arg3[%mul3A_2] : memref<10240xi32, #tpu.memory_space<hbm>> -> memref<320xi32, #tpu.memory_space<hbm>>
    tpu.enqueue_dma source(%dma_start3A_61 : memref<320xi32, #tpu.memory_space<hbm>>) target(%arg15 : memref<320xi32, #tpu.memory_space<vmem>>) target_semaphore(%arg22 : memref<!tpu.dma_semaphore, #tpu.memory_space<semaphore_mem>>)
    %dma_start3A_62 = tpu.memref_slice %arg4[%mul3A_2] : memref<10240xi32, #tpu.memory_space<hbm>> -> memref<320xi32, #tpu.memory_space<hbm>>
    %dma_start3A_63 = tpu.memref_slice %arg4[%mul3A_2] : memref<10240xi32, #tpu.memory_space<hbm>> -> memref<320xi32, #tpu.memory_space<hbm>>
    tpu.enqueue_dma source(%dma_start3A_63 : memref<320xi32, #tpu.memory_space<hbm>>) target(%arg16 : memref<320xi32, #tpu.memory_space<vmem>>) target_semaphore(%arg22 : memref<!tpu.dma_semaphore, #tpu.memory_space<semaphore_mem>>)
    %dma_start3A_64 = tpu.memref_slice %arg5[%mul3A_2] : memref<10240xi32, #tpu.memory_space<hbm>> -> memref<320xi32, #tpu.memory_space<hbm>>
    %dma_start3A_65 = tpu.memref_slice %arg5[%mul3A_2] : memref<10240xi32, #tpu.memory_space<hbm>> -> memref<320xi32, #tpu.memory_space<hbm>>
    tpu.enqueue_dma source(%dma_start3A_65 : memref<320xi32, #tpu.memory_space<hbm>>) target(%arg17 : memref<320xi32, #tpu.memory_space<vmem>>) target_semaphore(%arg22 : memref<!tpu.dma_semaphore, #tpu.memory_space<semaphore_mem>>)
    %dma_wait3A = arith.constant 0 : i32
    %dma_wait3A_66 = arith.constant 0 : i32
    %dma_wait3A_67 = tpu.memref_slice %arg10[%add3A, %dma_wait3A, %dma_wait3A_66] : memref<32x80x128xi32, #tpu.memory_space<hbm>> -> memref<1x80x128xi32, #tpu.memory_space<hbm>>
    %dma_wait3A_68 = tpu.memref_squeeze %dma_wait3A_67 : memref<1x80x128xi32, #tpu.memory_space<hbm>> -> memref<80x128xi32, #tpu.memory_space<hbm>>
    %dma_wait3A_69 = arith.constant 0 : i32
    %dma_wait3A_70 = arith.constant 0 : i32
    %dma_wait3A_71 = tpu.memref_slice %arg10[%add3A, %dma_wait3A_69, %dma_wait3A_70] : memref<32x80x128xi32, #tpu.memory_space<hbm>> -> memref<1x80x128xi32, #tpu.memory_space<hbm>>
    %dma_wait3A_72 = tpu.memref_squeeze %dma_wait3A_71 : memref<1x80x128xi32, #tpu.memory_space<hbm>> -> memref<80x128xi32, #tpu.memory_space<hbm>>
    tpu.wait_dma2 semaphore(%arg25 : memref<!tpu.dma_semaphore, #tpu.memory_space<semaphore_mem>>) src(%dma_wait3A_72 : memref<80x128xi32, #tpu.memory_space<hbm>>) dst(%arg19 : memref<80x128xi32, #tpu.memory_space<vmem>>)
    %barrier3A = arith.constant 0 : index
    tpu.barrier barrier_id(%barrier3A)
    %scan3A = arith.constant 0 : i32
    %scan3A_73 = arith.constant 0 : i32
    %scan3A_74 = arith.constant 16 : i32
    %scan3A_75 = arith.addi %scan3A_73, %scan3A_74 : i32
    %scan3A_76 = arith.constant 1 : i32
    scf.for %scan3A_1220 = %scan3A_73 to %scan3A_75 step %scan3A_76  : i32 {
      %mul3A_1221 = arith.constant 5 : i32
      %mul3A_1222 = arith.muli %scan3A_1220, %mul3A_1221 : i32
      %add3A_1223 = arith.constant 0 : i32
      %add3A_1224 = arith.addi %mul3A_1222, %add3A_1223 : i32
      %gt3A = arith.constant 0 : i32
      %gt3A_1225 = arith.cmpi sgt, %scan3A_1220, %gt3A : i32
      %convert_element_type3A = arith.extui %gt3A_1225 : i1 to i32
      %cond3A = arith.constant 0 : i32
      %cond3A_1226 = arith.cmpi ne, %convert_element_type3A, %cond3A : i32
      scf.if %cond3A_1226 {
        %dma_wait3A_1303 = arith.constant 0 : i32
        %dma_wait3A_1304 = arith.constant 0 : i32
        %dma_wait3A_1305 = tpu.memref_slice %arg19[%add3A_1224, %dma_wait3A_1304] : memref<80x128xi32, #tpu.memory_space<vmem>> -> memref<1x128xi32, #tpu.memory_space<vmem>>
        %dma_wait3A_1306 = tpu.memref_squeeze %dma_wait3A_1305 : memref<1x128xi32, #tpu.memory_space<vmem>> -> memref<128xi32, #tpu.memory_space<vmem>>
        %dma_wait3A_1307 = arith.constant 0 : i32
        %dma_wait3A_1308 = tpu.memref_slice %arg21[%dma_wait3A_1307] : memref<10240xf32, #tpu.memory_space<vmem_shared>> -> memref<10240xf32, #tpu.memory_space<vmem_shared>>
        %dma_wait3A_1309 = tpu.memref_slice %arg26[%dma_wait3A_1303] : memref<5x!tpu.dma_semaphore, #tpu.memory_space<semaphore_mem>> -> memref<1x!tpu.dma_semaphore, #tpu.memory_space<semaphore_mem>>
        %dma_wait3A_1310 = tpu.memref_squeeze %dma_wait3A_1309 : memref<1x!tpu.dma_semaphore, #tpu.memory_space<semaphore_mem>> -> memref<!tpu.dma_semaphore, #tpu.memory_space<semaphore_mem>>
        tpu.wait_indirect_dma semaphore(%dma_wait3A_1310 : memref<!tpu.dma_semaphore, #tpu.memory_space<semaphore_mem>>) src(%arg20 : memref<128xf32, #tpu.memory_space<vmem>>) dst(%dma_wait3A_1308 : memref<10240xf32, #tpu.memory_space<vmem_shared>>)
      } else {
      }
      %dma_start3A_1227 = arith.constant 0 : i32
      %dma_start3A_1228 = arith.constant 0 : i32
      %dma_start3A_1229 = tpu.memref_slice %arg19[%add3A_1224, %dma_start3A_1228] : memref<80x128xi32, #tpu.memory_space<vmem>> -> memref<1x128xi32, #tpu.memory_space<vmem>>
      %dma_start3A_1230 = tpu.memref_squeeze %dma_start3A_1229 : memref<1x128xi32, #tpu.memory_space<vmem>> -> memref<128xi32, #tpu.memory_space<vmem>>
      %dma_start3A_1231 = arith.constant 0 : i32
      %dma_start3A_1232 = tpu.memref_slice %arg21[%dma_start3A_1231] : memref<10240xf32, #tpu.memory_space<vmem_shared>> -> memref<10240xf32, #tpu.memory_space<vmem_shared>>
      %dma_start3A_1233 = tpu.memref_slice %arg26[%dma_start3A_1227] : memref<5x!tpu.dma_semaphore, #tpu.memory_space<semaphore_mem>> -> memref<1x!tpu.dma_semaphore, #tpu.memory_space<semaphore_mem>>
      %dma_start3A_1234 = tpu.memref_squeeze %dma_start3A_1233 : memref<1x!tpu.dma_semaphore, #tpu.memory_space<semaphore_mem>> -> memref<!tpu.dma_semaphore, #tpu.memory_space<semaphore_mem>>
      tpu.enqueue_indirect_dma source(%arg20 : memref<128xf32, #tpu.memory_space<vmem>>) target(%dma_start3A_1232 : memref<10240xf32, #tpu.memory_space<vmem_shared>>) offsets(%dma_start3A_1230 : memref<128xi32, #tpu.memory_space<vmem>>) semaphore(%dma_start3A_1234 : memref<!tpu.dma_semaphore, #tpu.memory_space<semaphore_mem>>) {add = true}
      %mul3A_1235 = arith.constant 5 : i32
      %mul3A_1236 = arith.muli %scan3A_1220, %mul3A_1235 : i32
      %add3A_1237 = arith.constant 1 : i32
      %add3A_1238 = arith.addi %mul3A_1236, %add3A_1237 : i32
      %gt3A_1239 = arith.constant 0 : i32
      %gt3A_1240 = arith.cmpi sgt, %scan3A_1220, %gt3A_1239 : i32
      %convert_element_type3A_1241 = arith.extui %gt3A_1240 : i1 to i32
      %cond3A_1242 = arith.constant 0 : i32
      %cond3A_1243 = arith.cmpi ne, %convert_element_type3A_1241, %cond3A_1242 : i32
      scf.if %cond3A_1243 {
        %dma_wait3A_1303 = arith.constant 1 : i32
        %dma_wait3A_1304 = arith.constant 0 : i32
        %dma_wait3A_1305 = tpu.memref_slice %arg19[%add3A_1238, %dma_wait3A_1304] : memref<80x128xi32, #tpu.memory_space<vmem>> -> memref<1x128xi32, #tpu.memory_space<vmem>>
        %dma_wait3A_1306 = tpu.memref_squeeze %dma_wait3A_1305 : memref<1x128xi32, #tpu.memory_space<vmem>> -> memref<128xi32, #tpu.memory_space<vmem>>
        %dma_wait3A_1307 = arith.constant 0 : i32
        %dma_wait3A_1308 = tpu.memref_slice %arg21[%dma_wait3A_1307] : memref<10240xf32, #tpu.memory_space<vmem_shared>> -> memref<10240xf32, #tpu.memory_space<vmem_shared>>
        %dma_wait3A_1309 = tpu.memref_slice %arg26[%dma_wait3A_1303] : memref<5x!tpu.dma_semaphore, #tpu.memory_space<semaphore_mem>> -> memref<1x!tpu.dma_semaphore, #tpu.memory_space<semaphore_mem>>
        %dma_wait3A_1310 = tpu.memref_squeeze %dma_wait3A_1309 : memref<1x!tpu.dma_semaphore, #tpu.memory_space<semaphore_mem>> -> memref<!tpu.dma_semaphore, #tpu.memory_space<semaphore_mem>>
        tpu.wait_indirect_dma semaphore(%dma_wait3A_1310 : memref<!tpu.dma_semaphore, #tpu.memory_space<semaphore_mem>>) src(%arg20 : memref<128xf32, #tpu.memory_space<vmem>>) dst(%dma_wait3A_1308 : memref<10240xf32, #tpu.memory_space<vmem_shared>>)
      } else {
      }
      %dma_start3A_1244 = arith.constant 1 : i32
      %dma_start3A_1245 = arith.constant 0 : i32
      %dma_start3A_1246 = tpu.memref_slice %arg19[%add3A_1238, %dma_start3A_1245] : memref<80x128xi32, #tpu.memory_space<vmem>> -> memref<1x128xi32, #tpu.memory_space<vmem>>
      %dma_start3A_1247 = tpu.memref_squeeze %dma_start3A_1246 : memref<1x128xi32, #tpu.memory_space<vmem>> -> memref<128xi32, #tpu.memory_space<vmem>>
      %dma_start3A_1248 = arith.constant 0 : i32
      %dma_start3A_1249 = tpu.memref_slice %arg21[%dma_start3A_1248] : memref<10240xf32, #tpu.memory_space<vmem_shared>> -> memref<10240xf32, #tpu.memory_space<vmem_shared>>
      %dma_start3A_1250 = tpu.memref_slice %arg26[%dma_start3A_1244] : memref<5x!tpu.dma_semaphore, #tpu.memory_space<semaphore_mem>> -> memref<1x!tpu.dma_semaphore, #tpu.memory_space<semaphore_mem>>
      %dma_start3A_1251 = tpu.memref_squeeze %dma_start3A_1250 : memref<1x!tpu.dma_semaphore, #tpu.memory_space<semaphore_mem>> -> memref<!tpu.dma_semaphore, #tpu.memory_space<semaphore_mem>>
      tpu.enqueue_indirect_dma source(%arg20 : memref<128xf32, #tpu.memory_space<vmem>>) target(%dma_start3A_1249 : memref<10240xf32, #tpu.memory_space<vmem_shared>>) offsets(%dma_start3A_1247 : memref<128xi32, #tpu.memory_space<vmem>>) semaphore(%dma_start3A_1251 : memref<!tpu.dma_semaphore, #tpu.memory_space<semaphore_mem>>) {add = true}
      %mul3A_1252 = arith.constant 5 : i32
      %mul3A_1253 = arith.muli %scan3A_1220, %mul3A_1252 : i32
      %add3A_1254 = arith.constant 2 : i32
      %add3A_1255 = arith.addi %mul3A_1253, %add3A_1254 : i32
      %gt3A_1256 = arith.constant 0 : i32
      %gt3A_1257 = arith.cmpi sgt, %scan3A_1220, %gt3A_1256 : i32
      %convert_element_type3A_1258 = arith.extui %gt3A_1257 : i1 to i32
      %cond3A_1259 = arith.constant 0 : i32
      %cond3A_1260 = arith.cmpi ne, %convert_element_type3A_1258, %cond3A_1259 : i32
      scf.if %cond3A_1260 {
        %dma_wait3A_1303 = arith.constant 2 : i32
        %dma_wait3A_1304 = arith.constant 0 : i32
        %dma_wait3A_1305 = tpu.memref_slice %arg19[%add3A_1255, %dma_wait3A_1304] : memref<80x128xi32, #tpu.memory_space<vmem>> -> memref<1x128xi32, #tpu.memory_space<vmem>>
        %dma_wait3A_1306 = tpu.memref_squeeze %dma_wait3A_1305 : memref<1x128xi32, #tpu.memory_space<vmem>> -> memref<128xi32, #tpu.memory_space<vmem>>
        %dma_wait3A_1307 = arith.constant 0 : i32
        %dma_wait3A_1308 = tpu.memref_slice %arg21[%dma_wait3A_1307] : memref<10240xf32, #tpu.memory_space<vmem_shared>> -> memref<10240xf32, #tpu.memory_space<vmem_shared>>
        %dma_wait3A_1309 = tpu.memref_slice %arg26[%dma_wait3A_1303] : memref<5x!tpu.dma_semaphore, #tpu.memory_space<semaphore_mem>> -> memref<1x!tpu.dma_semaphore, #tpu.memory_space<semaphore_mem>>
        %dma_wait3A_1310 = tpu.memref_squeeze %dma_wait3A_1309 : memref<1x!tpu.dma_semaphore, #tpu.memory_space<semaphore_mem>> -> memref<!tpu.dma_semaphore, #tpu.memory_space<semaphore_mem>>
        tpu.wait_indirect_dma semaphore(%dma_wait3A_1310 : memref<!tpu.dma_semaphore, #tpu.memory_space<semaphore_mem>>) src(%arg20 : memref<128xf32, #tpu.memory_space<vmem>>) dst(%dma_wait3A_1308 : memref<10240xf32, #tpu.memory_space<vmem_shared>>)
      } else {
      }
      %dma_start3A_1261 = arith.constant 2 : i32
      %dma_start3A_1262 = arith.constant 0 : i32
      %dma_start3A_1263 = tpu.memref_slice %arg19[%add3A_1255, %dma_start3A_1262] : memref<80x128xi32, #tpu.memory_space<vmem>> -> memref<1x128xi32, #tpu.memory_space<vmem>>
      %dma_start3A_1264 = tpu.memref_squeeze %dma_start3A_1263 : memref<1x128xi32, #tpu.memory_space<vmem>> -> memref<128xi32, #tpu.memory_space<vmem>>
      %dma_start3A_1265 = arith.constant 0 : i32
      %dma_start3A_1266 = tpu.memref_slice %arg21[%dma_start3A_1265] : memref<10240xf32, #tpu.memory_space<vmem_shared>> -> memref<10240xf32, #tpu.memory_space<vmem_shared>>
      %dma_start3A_1267 = tpu.memref_slice %arg26[%dma_start3A_1261] : memref<5x!tpu.dma_semaphore, #tpu.memory_space<semaphore_mem>> -> memref<1x!tpu.dma_semaphore, #tpu.memory_space<semaphore_mem>>
      %dma_start3A_1268 = tpu.memref_squeeze %dma_start3A_1267 : memref<1x!tpu.dma_semaphore, #tpu.memory_space<semaphore_mem>> -> memref<!tpu.dma_semaphore, #tpu.memory_space<semaphore_mem>>
      tpu.enqueue_indirect_dma source(%arg20 : memref<128xf32, #tpu.memory_space<vmem>>) target(%dma_start3A_1266 : memref<10240xf32, #tpu.memory_space<vmem_shared>>) offsets(%dma_start3A_1264 : memref<128xi32, #tpu.memory_space<vmem>>) semaphore(%dma_start3A_1268 : memref<!tpu.dma_semaphore, #tpu.memory_space<semaphore_mem>>) {add = true}
      %mul3A_1269 = arith.constant 5 : i32
      %mul3A_1270 = arith.muli %scan3A_1220, %mul3A_1269 : i32
      %add3A_1271 = arith.constant 3 : i32
      %add3A_1272 = arith.addi %mul3A_1270, %add3A_1271 : i32
      %gt3A_1273 = arith.constant 0 : i32
      %gt3A_1274 = arith.cmpi sgt, %scan3A_1220, %gt3A_1273 : i32
      %convert_element_type3A_1275 = arith.extui %gt3A_1274 : i1 to i32
      %cond3A_1276 = arith.constant 0 : i32
      %cond3A_1277 = arith.cmpi ne, %convert_element_type3A_1275, %cond3A_1276 : i32
      scf.if %cond3A_1277 {
        %dma_wait3A_1303 = arith.constant 3 : i32
        %dma_wait3A_1304 = arith.constant 0 : i32
        %dma_wait3A_1305 = tpu.memref_slice %arg19[%add3A_1272, %dma_wait3A_1304] : memref<80x128xi32, #tpu.memory_space<vmem>> -> memref<1x128xi32, #tpu.memory_space<vmem>>
        %dma_wait3A_1306 = tpu.memref_squeeze %dma_wait3A_1305 : memref<1x128xi32, #tpu.memory_space<vmem>> -> memref<128xi32, #tpu.memory_space<vmem>>
        %dma_wait3A_1307 = arith.constant 0 : i32
        %dma_wait3A_1308 = tpu.memref_slice %arg21[%dma_wait3A_1307] : memref<10240xf32, #tpu.memory_space<vmem_shared>> -> memref<10240xf32, #tpu.memory_space<vmem_shared>>
        %dma_wait3A_1309 = tpu.memref_slice %arg26[%dma_wait3A_1303] : memref<5x!tpu.dma_semaphore, #tpu.memory_space<semaphore_mem>> -> memref<1x!tpu.dma_semaphore, #tpu.memory_space<semaphore_mem>>
        %dma_wait3A_1310 = tpu.memref_squeeze %dma_wait3A_1309 : memref<1x!tpu.dma_semaphore, #tpu.memory_space<semaphore_mem>> -> memref<!tpu.dma_semaphore, #tpu.memory_space<semaphore_mem>>
        tpu.wait_indirect_dma semaphore(%dma_wait3A_1310 : memref<!tpu.dma_semaphore, #tpu.memory_space<semaphore_mem>>) src(%arg20 : memref<128xf32, #tpu.memory_space<vmem>>) dst(%dma_wait3A_1308 : memref<10240xf32, #tpu.memory_space<vmem_shared>>)
      } else {
      }
      %dma_start3A_1278 = arith.constant 3 : i32
      %dma_start3A_1279 = arith.constant 0 : i32
      %dma_start3A_1280 = tpu.memref_slice %arg19[%add3A_1272, %dma_start3A_1279] : memref<80x128xi32, #tpu.memory_space<vmem>> -> memref<1x128xi32, #tpu.memory_space<vmem>>
      %dma_start3A_1281 = tpu.memref_squeeze %dma_start3A_1280 : memref<1x128xi32, #tpu.memory_space<vmem>> -> memref<128xi32, #tpu.memory_space<vmem>>
      %dma_start3A_1282 = arith.constant 0 : i32
      %dma_start3A_1283 = tpu.memref_slice %arg21[%dma_start3A_1282] : memref<10240xf32, #tpu.memory_space<vmem_shared>> -> memref<10240xf32, #tpu.memory_space<vmem_shared>>
      %dma_start3A_1284 = tpu.memref_slice %arg26[%dma_start3A_1278] : memref<5x!tpu.dma_semaphore, #tpu.memory_space<semaphore_mem>> -> memref<1x!tpu.dma_semaphore, #tpu.memory_space<semaphore_mem>>
      %dma_start3A_1285 = tpu.memref_squeeze %dma_start3A_1284 : memref<1x!tpu.dma_semaphore, #tpu.memory_space<semaphore_mem>> -> memref<!tpu.dma_semaphore, #tpu.memory_space<semaphore_mem>>
      tpu.enqueue_indirect_dma source(%arg20 : memref<128xf32, #tpu.memory_space<vmem>>) target(%dma_start3A_1283 : memref<10240xf32, #tpu.memory_space<vmem_shared>>) offsets(%dma_start3A_1281 : memref<128xi32, #tpu.memory_space<vmem>>) semaphore(%dma_start3A_1285 : memref<!tpu.dma_semaphore, #tpu.memory_space<semaphore_mem>>) {add = true}
      %mul3A_1286 = arith.constant 5 : i32
      %mul3A_1287 = arith.muli %scan3A_1220, %mul3A_1286 : i32
      %add3A_1288 = arith.constant 4 : i32
      %add3A_1289 = arith.addi %mul3A_1287, %add3A_1288 : i32
      %gt3A_1290 = arith.constant 0 : i32
      %gt3A_1291 = arith.cmpi sgt, %scan3A_1220, %gt3A_1290 : i32
      %convert_element_type3A_1292 = arith.extui %gt3A_1291 : i1 to i32
      %cond3A_1293 = arith.constant 0 : i32
      %cond3A_1294 = arith.cmpi ne, %convert_element_type3A_1292, %cond3A_1293 : i32
      scf.if %cond3A_1294 {
        %dma_wait3A_1303 = arith.constant 4 : i32
        %dma_wait3A_1304 = arith.constant 0 : i32
        %dma_wait3A_1305 = tpu.memref_slice %arg19[%add3A_1289, %dma_wait3A_1304] : memref<80x128xi32, #tpu.memory_space<vmem>> -> memref<1x128xi32, #tpu.memory_space<vmem>>
        %dma_wait3A_1306 = tpu.memref_squeeze %dma_wait3A_1305 : memref<1x128xi32, #tpu.memory_space<vmem>> -> memref<128xi32, #tpu.memory_space<vmem>>
        %dma_wait3A_1307 = arith.constant 0 : i32
        %dma_wait3A_1308 = tpu.memref_slice %arg21[%dma_wait3A_1307] : memref<10240xf32, #tpu.memory_space<vmem_shared>> -> memref<10240xf32, #tpu.memory_space<vmem_shared>>
        %dma_wait3A_1309 = tpu.memref_slice %arg26[%dma_wait3A_1303] : memref<5x!tpu.dma_semaphore, #tpu.memory_space<semaphore_mem>> -> memref<1x!tpu.dma_semaphore, #tpu.memory_space<semaphore_mem>>
        %dma_wait3A_1310 = tpu.memref_squeeze %dma_wait3A_1309 : memref<1x!tpu.dma_semaphore, #tpu.memory_space<semaphore_mem>> -> memref<!tpu.dma_semaphore, #tpu.memory_space<semaphore_mem>>
        tpu.wait_indirect_dma semaphore(%dma_wait3A_1310 : memref<!tpu.dma_semaphore, #tpu.memory_space<semaphore_mem>>) src(%arg20 : memref<128xf32, #tpu.memory_space<vmem>>) dst(%dma_wait3A_1308 : memref<10240xf32, #tpu.memory_space<vmem_shared>>)
      } else {
      }
      %dma_start3A_1295 = arith.constant 4 : i32
      %dma_start3A_1296 = arith.constant 0 : i32
      %dma_start3A_1297 = tpu.memref_slice %arg19[%add3A_1289, %dma_start3A_1296] : memref<80x128xi32, #tpu.memory_space<vmem>> -> memref<1x128xi32, #tpu.memory_space<vmem>>
      %dma_start3A_1298 = tpu.memref_squeeze %dma_start3A_1297 : memref<1x128xi32, #tpu.memory_space<vmem>> -> memref<128xi32, #tpu.memory_space<vmem>>
      %dma_start3A_1299 = arith.constant 0 : i32
      %dma_start3A_1300 = tpu.memref_slice %arg21[%dma_start3A_1299] : memref<10240xf32, #tpu.memory_space<vmem_shared>> -> memref<10240xf32, #tpu.memory_space<vmem_shared>>
      %dma_start3A_1301 = tpu.memref_slice %arg26[%dma_start3A_1295] : memref<5x!tpu.dma_semaphore, #tpu.memory_space<semaphore_mem>> -> memref<1x!tpu.dma_semaphore, #tpu.memory_space<semaphore_mem>>
      %dma_start3A_1302 = tpu.memref_squeeze %dma_start3A_1301 : memref<1x!tpu.dma_semaphore, #tpu.memory_space<semaphore_mem>> -> memref<!tpu.dma_semaphore, #tpu.memory_space<semaphore_mem>>
      tpu.enqueue_indirect_dma source(%arg20 : memref<128xf32, #tpu.memory_space<vmem>>) target(%dma_start3A_1300 : memref<10240xf32, #tpu.memory_space<vmem_shared>>) offsets(%dma_start3A_1298 : memref<128xi32, #tpu.memory_space<vmem>>) semaphore(%dma_start3A_1302 : memref<!tpu.dma_semaphore, #tpu.memory_space<semaphore_mem>>) {add = true}
    }
    %scan3A_77 = arith.constant 16 : i32
    %dma_wait3A_78 = arith.constant 75 : i32
    %dma_wait3A_79 = arith.constant 0 : i32
    %dma_wait3A_80 = arith.constant 0 : i32
    %dma_wait3A_81 = tpu.memref_slice %arg19[%dma_wait3A_78, %dma_wait3A_80] : memref<80x128xi32, #tpu.memory_space<vmem>> -> memref<1x128xi32, #tpu.memory_space<vmem>>
    %dma_wait3A_82 = tpu.memref_squeeze %dma_wait3A_81 : memref<1x128xi32, #tpu.memory_space<vmem>> -> memref<128xi32, #tpu.memory_space<vmem>>
    %dma_wait3A_83 = arith.constant 0 : i32
    %dma_wait3A_84 = tpu.memref_slice %arg21[%dma_wait3A_83] : memref<10240xf32, #tpu.memory_space<vmem_shared>> -> memref<10240xf32, #tpu.memory_space<vmem_shared>>
    %dma_wait3A_85 = tpu.memref_slice %arg26[%dma_wait3A_79] : memref<5x!tpu.dma_semaphore, #tpu.memory_space<semaphore_mem>> -> memref<1x!tpu.dma_semaphore, #tpu.memory_space<semaphore_mem>>
    %dma_wait3A_86 = tpu.memref_squeeze %dma_wait3A_85 : memref<1x!tpu.dma_semaphore, #tpu.memory_space<semaphore_mem>> -> memref<!tpu.dma_semaphore, #tpu.memory_space<semaphore_mem>>
    tpu.wait_indirect_dma semaphore(%dma_wait3A_86 : memref<!tpu.dma_semaphore, #tpu.memory_space<semaphore_mem>>) src(%arg20 : memref<128xf32, #tpu.memory_space<vmem>>) dst(%dma_wait3A_84 : memref<10240xf32, #tpu.memory_space<vmem_shared>>)
    %dma_wait3A_87 = arith.constant 76 : i32
    %dma_wait3A_88 = arith.constant 1 : i32
    %dma_wait3A_89 = arith.constant 0 : i32
    %dma_wait3A_90 = tpu.memref_slice %arg19[%dma_wait3A_87, %dma_wait3A_89] : memref<80x128xi32, #tpu.memory_space<vmem>> -> memref<1x128xi32, #tpu.memory_space<vmem>>
    %dma_wait3A_91 = tpu.memref_squeeze %dma_wait3A_90 : memref<1x128xi32, #tpu.memory_space<vmem>> -> memref<128xi32, #tpu.memory_space<vmem>>
    %dma_wait3A_92 = arith.constant 0 : i32
    %dma_wait3A_93 = tpu.memref_slice %arg21[%dma_wait3A_92] : memref<10240xf32, #tpu.memory_space<vmem_shared>> -> memref<10240xf32, #tpu.memory_space<vmem_shared>>
    %dma_wait3A_94 = tpu.memref_slice %arg26[%dma_wait3A_88] : memref<5x!tpu.dma_semaphore, #tpu.memory_space<semaphore_mem>> -> memref<1x!tpu.dma_semaphore, #tpu.memory_space<semaphore_mem>>
    %dma_wait3A_95 = tpu.memref_squeeze %dma_wait3A_94 : memref<1x!tpu.dma_semaphore, #tpu.memory_space<semaphore_mem>> -> memref<!tpu.dma_semaphore, #tpu.memory_space<semaphore_mem>>
    tpu.wait_indirect_dma semaphore(%dma_wait3A_95 : memref<!tpu.dma_semaphore, #tpu.memory_space<semaphore_mem>>) src(%arg20 : memref<128xf32, #tpu.memory_space<vmem>>) dst(%dma_wait3A_93 : memref<10240xf32, #tpu.memory_space<vmem_shared>>)
    %dma_wait3A_96 = arith.constant 77 : i32
    %dma_wait3A_97 = arith.constant 2 : i32
    %dma_wait3A_98 = arith.constant 0 : i32
    %dma_wait3A_99 = tpu.memref_slice %arg19[%dma_wait3A_96, %dma_wait3A_98] : memref<80x128xi32, #tpu.memory_space<vmem>> -> memref<1x128xi32, #tpu.memory_space<vmem>>
    %dma_wait3A_100 = tpu.memref_squeeze %dma_wait3A_99 : memref<1x128xi32, #tpu.memory_space<vmem>> -> memref<128xi32, #tpu.memory_space<vmem>>
    %dma_wait3A_101 = arith.constant 0 : i32
    %dma_wait3A_102 = tpu.memref_slice %arg21[%dma_wait3A_101] : memref<10240xf32, #tpu.memory_space<vmem_shared>> -> memref<10240xf32, #tpu.memory_space<vmem_shared>>
    %dma_wait3A_103 = tpu.memref_slice %arg26[%dma_wait3A_97] : memref<5x!tpu.dma_semaphore, #tpu.memory_space<semaphore_mem>> -> memref<1x!tpu.dma_semaphore, #tpu.memory_space<semaphore_mem>>
    %dma_wait3A_104 = tpu.memref_squeeze %dma_wait3A_103 : memref<1x!tpu.dma_semaphore, #tpu.memory_space<semaphore_mem>> -> memref<!tpu.dma_semaphore, #tpu.memory_space<semaphore_mem>>
    tpu.wait_indirect_dma semaphore(%dma_wait3A_104 : memref<!tpu.dma_semaphore, #tpu.memory_space<semaphore_mem>>) src(%arg20 : memref<128xf32, #tpu.memory_space<vmem>>) dst(%dma_wait3A_102 : memref<10240xf32, #tpu.memory_space<vmem_shared>>)
    %dma_wait3A_105 = arith.constant 78 : i32
    %dma_wait3A_106 = arith.constant 3 : i32
    %dma_wait3A_107 = arith.constant 0 : i32
    %dma_wait3A_108 = tpu.memref_slice %arg19[%dma_wait3A_105, %dma_wait3A_107] : memref<80x128xi32, #tpu.memory_space<vmem>> -> memref<1x128xi32, #tpu.memory_space<vmem>>
    %dma_wait3A_109 = tpu.memref_squeeze %dma_wait3A_108 : memref<1x128xi32, #tpu.memory_space<vmem>> -> memref<128xi32, #tpu.memory_space<vmem>>
    %dma_wait3A_110 = arith.constant 0 : i32
    %dma_wait3A_111 = tpu.memref_slice %arg21[%dma_wait3A_110] : memref<10240xf32, #tpu.memory_space<vmem_shared>> -> memref<10240xf32, #tpu.memory_space<vmem_shared>>
    %dma_wait3A_112 = tpu.memref_slice %arg26[%dma_wait3A_106] : memref<5x!tpu.dma_semaphore, #tpu.memory_space<semaphore_mem>> -> memref<1x!tpu.dma_semaphore, #tpu.memory_space<semaphore_mem>>
    %dma_wait3A_113 = tpu.memref_squeeze %dma_wait3A_112 : memref<1x!tpu.dma_semaphore, #tpu.memory_space<semaphore_mem>> -> memref<!tpu.dma_semaphore, #tpu.memory_space<semaphore_mem>>
    tpu.wait_indirect_dma semaphore(%dma_wait3A_113 : memref<!tpu.dma_semaphore, #tpu.memory_space<semaphore_mem>>) src(%arg20 : memref<128xf32, #tpu.memory_space<vmem>>) dst(%dma_wait3A_111 : memref<10240xf32, #tpu.memory_space<vmem_shared>>)
    %dma_wait3A_114 = arith.constant 79 : i32
    %dma_wait3A_115 = arith.constant 4 : i32
    %dma_wait3A_116 = arith.constant 0 : i32
    %dma_wait3A_117 = tpu.memref_slice %arg19[%dma_wait3A_114, %dma_wait3A_116] : memref<80x128xi32, #tpu.memory_space<vmem>> -> memref<1x128xi32, #tpu.memory_space<vmem>>
    %dma_wait3A_118 = tpu.memref_squeeze %dma_wait3A_117 : memref<1x128xi32, #tpu.memory_space<vmem>> -> memref<128xi32, #tpu.memory_space<vmem>>
    %dma_wait3A_119 = arith.constant 0 : i32
    %dma_wait3A_120 = tpu.memref_slice %arg21[%dma_wait3A_119] : memref<10240xf32, #tpu.memory_space<vmem_shared>> -> memref<10240xf32, #tpu.memory_space<vmem_shared>>
    %dma_wait3A_121 = tpu.memref_slice %arg26[%dma_wait3A_115] : memref<5x!tpu.dma_semaphore, #tpu.memory_space<semaphore_mem>> -> memref<1x!tpu.dma_semaphore, #tpu.memory_space<semaphore_mem>>
    %dma_wait3A_122 = tpu.memref_squeeze %dma_wait3A_121 : memref<1x!tpu.dma_semaphore, #tpu.memory_space<semaphore_mem>> -> memref<!tpu.dma_semaphore, #tpu.memory_space<semaphore_mem>>
    tpu.wait_indirect_dma semaphore(%dma_wait3A_122 : memref<!tpu.dma_semaphore, #tpu.memory_space<semaphore_mem>>) src(%arg20 : memref<128xf32, #tpu.memory_space<vmem>>) dst(%dma_wait3A_120 : memref<10240xf32, #tpu.memory_space<vmem_shared>>)
    %dma_wait3A_123 = tpu.memref_slice %arg2[%mul3A_2] : memref<10240xi32, #tpu.memory_space<hbm>> -> memref<320xi32, #tpu.memory_space<hbm>>
    %dma_wait3A_124 = tpu.memref_slice %arg2[%mul3A_2] : memref<10240xi32, #tpu.memory_space<hbm>> -> memref<320xi32, #tpu.memory_space<hbm>>
    tpu.wait_dma2 semaphore(%arg22 : memref<!tpu.dma_semaphore, #tpu.memory_space<semaphore_mem>>) src(%dma_wait3A_124 : memref<320xi32, #tpu.memory_space<hbm>>) dst(%arg14 : memref<320xi32, #tpu.memory_space<vmem>>)
    %dma_wait3A_125 = tpu.memref_slice %arg3[%mul3A_2] : memref<10240xi32, #tpu.memory_space<hbm>> -> memref<320xi32, #tpu.memory_space<hbm>>
    %dma_wait3A_126 = tpu.memref_slice %arg3[%mul3A_2] : memref<10240xi32, #tpu.memory_space<hbm>> -> memref<320xi32, #tpu.memory_space<hbm>>
    tpu.wait_dma2 semaphore(%arg22 : memref<!tpu.dma_semaphore, #tpu.memory_space<semaphore_mem>>) src(%dma_wait3A_126 : memref<320xi32, #tpu.memory_space<hbm>>) dst(%arg15 : memref<320xi32, #tpu.memory_space<vmem>>)
    %dma_wait3A_127 = tpu.memref_slice %arg4[%mul3A_2] : memref<10240xi32, #tpu.memory_space<hbm>> -> memref<320xi32, #tpu.memory_space<hbm>>
    %dma_wait3A_128 = tpu.memref_slice %arg4[%mul3A_2] : memref<10240xi32, #tpu.memory_space<hbm>> -> memref<320xi32, #tpu.memory_space<hbm>>
    tpu.wait_dma2 semaphore(%arg22 : memref<!tpu.dma_semaphore, #tpu.memory_space<semaphore_mem>>) src(%dma_wait3A_128 : memref<320xi32, #tpu.memory_space<hbm>>) dst(%arg16 : memref<320xi32, #tpu.memory_space<vmem>>)
    %dma_wait3A_129 = tpu.memref_slice %arg5[%mul3A_2] : memref<10240xi32, #tpu.memory_space<hbm>> -> memref<320xi32, #tpu.memory_space<hbm>>
    %dma_wait3A_130 = tpu.memref_slice %arg5[%mul3A_2] : memref<10240xi32, #tpu.memory_space<hbm>> -> memref<320xi32, #tpu.memory_space<hbm>>
    tpu.wait_dma2 semaphore(%arg22 : memref<!tpu.dma_semaphore, #tpu.memory_space<semaphore_mem>>) src(%dma_wait3A_130 : memref<320xi32, #tpu.memory_space<hbm>>) dst(%arg17 : memref<320xi32, #tpu.memory_space<vmem>>)
    %add3A_131 = arith.constant 0 : i32
    %add3A_132 = arith.addi %mul3A_2, %add3A_131 : i32
    %dma_start3A_133 = arith.constant 0 : i32
    %dma_start3A_134 = arith.constant 0 : i32
    %dma_start3A_135 = arith.constant 0 : i32
    %dma_start3A_136 = arith.constant 0 : i32
    %dma_start3A_137 = tpu.memref_slice %arg18[%dma_start3A_133, %dma_start3A_135, %dma_start3A_136] : memref<4x80x128xf32, #tpu.memory_space<vmem>> -> memref<1x80x128xf32, #tpu.memory_space<vmem>>
    %dma_start3A_138 = tpu.memref_squeeze %dma_start3A_137 : memref<1x80x128xf32, #tpu.memory_space<vmem>> -> memref<80x128xf32, #tpu.memory_space<vmem>>
    %dma_start3A_139 = arith.constant 0 : i32
    %dma_start3A_140 = tpu.memref_slice %arg14[%dma_start3A_139] : memref<320xi32, #tpu.memory_space<vmem>> -> memref<80xi32, #tpu.memory_space<vmem>>
    %dma_start3A_141 = arith.constant 0 : i32
    %dma_start3A_142 = arith.constant 0 : i32
    %dma_start3A_143 = tpu.memref_slice %arg6[%dma_start3A_141, %dma_start3A_142] : memref<100000x128xf32, #tpu.memory_space<hbm>> -> memref<100000x128xf32, #tpu.memory_space<hbm>>
    %dma_start3A_144 = tpu.memref_slice %arg23[%dma_start3A_134] : memref<4x!tpu.dma_semaphore, #tpu.memory_space<semaphore_mem>> -> memref<1x!tpu.dma_semaphore, #tpu.memory_space<semaphore_mem>>
    %dma_start3A_145 = tpu.memref_squeeze %dma_start3A_144 : memref<1x!tpu.dma_semaphore, #tpu.memory_space<semaphore_mem>> -> memref<!tpu.dma_semaphore, #tpu.memory_space<semaphore_mem>>
    tpu.enqueue_indirect_dma source(%dma_start3A_143 : memref<100000x128xf32, #tpu.memory_space<hbm>>) target(%dma_start3A_138 : memref<80x128xf32, #tpu.memory_space<vmem>>) offsets(%dma_start3A_140 : memref<80xi32, #tpu.memory_space<vmem>>) semaphore(%dma_start3A_145 : memref<!tpu.dma_semaphore, #tpu.memory_space<semaphore_mem>>)
    %add3A_146 = arith.constant 80 : i32
    %add3A_147 = arith.addi %mul3A_2, %add3A_146 : i32
    %dma_start3A_148 = arith.constant 1 : i32
    %dma_start3A_149 = arith.constant 1 : i32
    %dma_start3A_150 = arith.constant 0 : i32
    %dma_start3A_151 = arith.constant 0 : i32
    %dma_start3A_152 = tpu.memref_slice %arg18[%dma_start3A_148, %dma_start3A_150, %dma_start3A_151] : memref<4x80x128xf32, #tpu.memory_space<vmem>> -> memref<1x80x128xf32, #tpu.memory_space<vmem>>
    %dma_start3A_153 = tpu.memref_squeeze %dma_start3A_152 : memref<1x80x128xf32, #tpu.memory_space<vmem>> -> memref<80x128xf32, #tpu.memory_space<vmem>>
    %dma_start3A_154 = arith.constant 80 : i32
    %dma_start3A_155 = tpu.memref_slice %arg14[%dma_start3A_154] : memref<320xi32, #tpu.memory_space<vmem>> -> memref<80xi32, #tpu.memory_space<vmem>>
    %dma_start3A_156 = arith.constant 0 : i32
    %dma_start3A_157 = arith.constant 0 : i32
    %dma_start3A_158 = tpu.memref_slice %arg6[%dma_start3A_156, %dma_start3A_157] : memref<100000x128xf32, #tpu.memory_space<hbm>> -> memref<100000x128xf32, #tpu.memory_space<hbm>>
    %dma_start3A_159 = tpu.memref_slice %arg23[%dma_start3A_149] : memref<4x!tpu.dma_semaphore, #tpu.memory_space<semaphore_mem>> -> memref<1x!tpu.dma_semaphore, #tpu.memory_space<semaphore_mem>>
    %dma_start3A_160 = tpu.memref_squeeze %dma_start3A_159 : memref<1x!tpu.dma_semaphore, #tpu.memory_space<semaphore_mem>> -> memref<!tpu.dma_semaphore, #tpu.memory_space<semaphore_mem>>
    tpu.enqueue_indirect_dma source(%dma_start3A_158 : memref<100000x128xf32, #tpu.memory_space<hbm>>) target(%dma_start3A_153 : memref<80x128xf32, #tpu.memory_space<vmem>>) offsets(%dma_start3A_155 : memref<80xi32, #tpu.memory_space<vmem>>) semaphore(%dma_start3A_160 : memref<!tpu.dma_semaphore, #tpu.memory_space<semaphore_mem>>)
    %dma_wait3A_161 = arith.constant 0 : i32
    %dma_wait3A_162 = arith.constant 0 : i32
    %dma_wait3A_163 = arith.constant 0 : i32
    %dma_wait3A_164 = arith.constant 0 : i32
    %dma_wait3A_165 = tpu.memref_slice %arg18[%dma_wait3A_161, %dma_wait3A_163, %dma_wait3A_164] : memref<4x80x128xf32, #tpu.memory_space<vmem>> -> memref<1x80x128xf32, #tpu.memory_space<vmem>>
    %dma_wait3A_166 = tpu.memref_squeeze %dma_wait3A_165 : memref<1x80x128xf32, #tpu.memory_space<vmem>> -> memref<80x128xf32, #tpu.memory_space<vmem>>
    %dma_wait3A_167 = arith.constant 0 : i32
    %dma_wait3A_168 = tpu.memref_slice %arg14[%dma_wait3A_167] : memref<320xi32, #tpu.memory_space<vmem>> -> memref<80xi32, #tpu.memory_space<vmem>>
    %dma_wait3A_169 = arith.constant 0 : i32
    %dma_wait3A_170 = arith.constant 0 : i32
    %dma_wait3A_171 = tpu.memref_slice %arg6[%dma_wait3A_169, %dma_wait3A_170] : memref<100000x128xf32, #tpu.memory_space<hbm>> -> memref<100000x128xf32, #tpu.memory_space<hbm>>
    %dma_wait3A_172 = tpu.memref_slice %arg23[%dma_wait3A_162] : memref<4x!tpu.dma_semaphore, #tpu.memory_space<semaphore_mem>> -> memref<1x!tpu.dma_semaphore, #tpu.memory_space<semaphore_mem>>
    %dma_wait3A_173 = tpu.memref_squeeze %dma_wait3A_172 : memref<1x!tpu.dma_semaphore, #tpu.memory_space<semaphore_mem>> -> memref<!tpu.dma_semaphore, #tpu.memory_space<semaphore_mem>>
    tpu.wait_indirect_dma semaphore(%dma_wait3A_173 : memref<!tpu.dma_semaphore, #tpu.memory_space<semaphore_mem>>) src(%dma_wait3A_171 : memref<100000x128xf32, #tpu.memory_space<hbm>>) dst(%dma_wait3A_166 : memref<80x128xf32, #tpu.memory_space<vmem>>)
    %add3A_174 = arith.constant 0 : i32
    %add3A_175 = arith.addi %mul3A_2, %add3A_174 : i32
    %dma_start3A_176 = arith.constant 0 : i32
    %dma_start3A_177 = arith.constant 0 : i32
    %dma_start3A_178 = arith.constant 0 : i32
    %dma_start3A_179 = arith.constant 0 : i32
    %dma_start3A_180 = arith.constant 0 : i32
    %dma_start3A_181 = tpu.memref_slice %arg18[%dma_start3A_176, %dma_start3A_179, %dma_start3A_180] : memref<4x80x128xf32, #tpu.memory_space<vmem>> -> memref<1x80x128xf32, #tpu.memory_space<vmem>>
    %dma_start3A_182 = tpu.memref_squeeze %dma_start3A_181 : memref<1x80x128xf32, #tpu.memory_space<vmem>> -> memref<80x128xf32, #tpu.memory_space<vmem>>
    %dma_start3A_183 = arith.constant 0 : i32
    %dma_start3A_184 = tpu.memref_slice %arg12[%dma_start3A_177, %add3A_175, %dma_start3A_183] : memref<4x10240x128xf32, #tpu.memory_space<hbm>> -> memref<1x80x128xf32, #tpu.memory_space<hbm>>
    %dma_start3A_185 = tpu.memref_squeeze %dma_start3A_184 : memref<1x80x128xf32, #tpu.memory_space<hbm>> -> memref<80x128xf32, #tpu.memory_space<hbm>>
    %dma_start3A_186 = tpu.memref_slice %arg24[%dma_start3A_178] : memref<4x!tpu.dma_semaphore, #tpu.memory_space<semaphore_mem>> -> memref<1x!tpu.dma_semaphore, #tpu.memory_space<semaphore_mem>>
    %dma_start3A_187 = tpu.memref_squeeze %dma_start3A_186 : memref<1x!tpu.dma_semaphore, #tpu.memory_space<semaphore_mem>> -> memref<!tpu.dma_semaphore, #tpu.memory_space<semaphore_mem>>
    %dma_start3A_188 = arith.constant 0 : i32
    %dma_start3A_189 = tpu.memref_slice %arg12[%dma_start3A_177, %add3A_175, %dma_start3A_188] : memref<4x10240x128xf32, #tpu.memory_space<hbm>> -> memref<1x80x128xf32, #tpu.memory_space<hbm>>
    %dma_start3A_190 = tpu.memref_squeeze %dma_start3A_189 : memref<1x80x128xf32, #tpu.memory_space<hbm>> -> memref<80x128xf32, #tpu.memory_space<hbm>>
    %dma_start3A_191 = arith.constant 0 : i32
    %dma_start3A_192 = arith.constant 0 : i32
    %dma_start3A_193 = tpu.memref_slice %arg18[%dma_start3A_176, %dma_start3A_191, %dma_start3A_192] : memref<4x80x128xf32, #tpu.memory_space<vmem>> -> memref<1x80x128xf32, #tpu.memory_space<vmem>>
    %dma_start3A_194 = tpu.memref_squeeze %dma_start3A_193 : memref<1x80x128xf32, #tpu.memory_space<vmem>> -> memref<80x128xf32, #tpu.memory_space<vmem>>
    tpu.enqueue_dma source(%dma_start3A_194 : memref<80x128xf32, #tpu.memory_space<vmem>>) target(%dma_start3A_190 : memref<80x128xf32, #tpu.memory_space<hbm>>) target_semaphore(%dma_start3A_187 : memref<!tpu.dma_semaphore, #tpu.memory_space<semaphore_mem>>)
    %add3A_195 = arith.constant 160 : i32
    %add3A_196 = arith.addi %mul3A_2, %add3A_195 : i32
    %dma_start3A_197 = arith.constant 2 : i32
    %dma_start3A_198 = arith.constant 2 : i32
    %dma_start3A_199 = arith.constant 0 : i32
    %dma_start3A_200 = arith.constant 0 : i32
    %dma_start3A_201 = tpu.memref_slice %arg18[%dma_start3A_197, %dma_start3A_199, %dma_start3A_200] : memref<4x80x128xf32, #tpu.memory_space<vmem>> -> memref<1x80x128xf32, #tpu.memory_space<vmem>>
    %dma_start3A_202 = tpu.memref_squeeze %dma_start3A_201 : memref<1x80x128xf32, #tpu.memory_space<vmem>> -> memref<80x128xf32, #tpu.memory_space<vmem>>
    %dma_start3A_203 = arith.constant 160 : i32
    %dma_start3A_204 = tpu.memref_slice %arg14[%dma_start3A_203] : memref<320xi32, #tpu.memory_space<vmem>> -> memref<80xi32, #tpu.memory_space<vmem>>
    %dma_start3A_205 = arith.constant 0 : i32
    %dma_start3A_206 = arith.constant 0 : i32
    %dma_start3A_207 = tpu.memref_slice %arg6[%dma_start3A_205, %dma_start3A_206] : memref<100000x128xf32, #tpu.memory_space<hbm>> -> memref<100000x128xf32, #tpu.memory_space<hbm>>
    %dma_start3A_208 = tpu.memref_slice %arg23[%dma_start3A_198] : memref<4x!tpu.dma_semaphore, #tpu.memory_space<semaphore_mem>> -> memref<1x!tpu.dma_semaphore, #tpu.memory_space<semaphore_mem>>
    %dma_start3A_209 = tpu.memref_squeeze %dma_start3A_208 : memref<1x!tpu.dma_semaphore, #tpu.memory_space<semaphore_mem>> -> memref<!tpu.dma_semaphore, #tpu.memory_space<semaphore_mem>>
    tpu.enqueue_indirect_dma source(%dma_start3A_207 : memref<100000x128xf32, #tpu.memory_space<hbm>>) target(%dma_start3A_202 : memref<80x128xf32, #tpu.memory_space<vmem>>) offsets(%dma_start3A_204 : memref<80xi32, #tpu.memory_space<vmem>>) semaphore(%dma_start3A_209 : memref<!tpu.dma_semaphore, #tpu.memory_space<semaphore_mem>>)
    %dma_wait3A_210 = arith.constant 1 : i32
    %dma_wait3A_211 = arith.constant 1 : i32
    %dma_wait3A_212 = arith.constant 0 : i32
    %dma_wait3A_213 = arith.constant 0 : i32
    %dma_wait3A_214 = tpu.memref_slice %arg18[%dma_wait3A_210, %dma_wait3A_212, %dma_wait3A_213] : memref<4x80x128xf32, #tpu.memory_space<vmem>> -> memref<1x80x128xf32, #tpu.memory_space<vmem>>
    %dma_wait3A_215 = tpu.memref_squeeze %dma_wait3A_214 : memref<1x80x128xf32, #tpu.memory_space<vmem>> -> memref<80x128xf32, #tpu.memory_space<vmem>>
    %dma_wait3A_216 = arith.constant 80 : i32
    %dma_wait3A_217 = tpu.memref_slice %arg14[%dma_wait3A_216] : memref<320xi32, #tpu.memory_space<vmem>> -> memref<80xi32, #tpu.memory_space<vmem>>
    %dma_wait3A_218 = arith.constant 0 : i32
    %dma_wait3A_219 = arith.constant 0 : i32
    %dma_wait3A_220 = tpu.memref_slice %arg6[%dma_wait3A_218, %dma_wait3A_219] : memref<100000x128xf32, #tpu.memory_space<hbm>> -> memref<100000x128xf32, #tpu.memory_space<hbm>>
    %dma_wait3A_221 = tpu.memref_slice %arg23[%dma_wait3A_211] : memref<4x!tpu.dma_semaphore, #tpu.memory_space<semaphore_mem>> -> memref<1x!tpu.dma_semaphore, #tpu.memory_space<semaphore_mem>>
    %dma_wait3A_222 = tpu.memref_squeeze %dma_wait3A_221 : memref<1x!tpu.dma_semaphore, #tpu.memory_space<semaphore_mem>> -> memref<!tpu.dma_semaphore, #tpu.memory_space<semaphore_mem>>
    tpu.wait_indirect_dma semaphore(%dma_wait3A_222 : memref<!tpu.dma_semaphore, #tpu.memory_space<semaphore_mem>>) src(%dma_wait3A_220 : memref<100000x128xf32, #tpu.memory_space<hbm>>) dst(%dma_wait3A_215 : memref<80x128xf32, #tpu.memory_space<vmem>>)
    %add3A_223 = arith.constant 80 : i32
    %add3A_224 = arith.addi %mul3A_2, %add3A_223 : i32
    %dma_start3A_225 = arith.constant 1 : i32
    %dma_start3A_226 = arith.constant 0 : i32
    %dma_start3A_227 = arith.constant 1 : i32
    %dma_start3A_228 = arith.constant 0 : i32
    %dma_start3A_229 = arith.constant 0 : i32
    %dma_start3A_230 = tpu.memref_slice %arg18[%dma_start3A_225, %dma_start3A_228, %dma_start3A_229] : memref<4x80x128xf32, #tpu.memory_space<vmem>> -> memref<1x80x128xf32, #tpu.memory_space<vmem>>
    %dma_start3A_231 = tpu.memref_squeeze %dma_start3A_230 : memref<1x80x128xf32, #tpu.memory_space<vmem>> -> memref<80x128xf32, #tpu.memory_space<vmem>>
    %dma_start3A_232 = arith.constant 0 : i32
    %dma_start3A_233 = tpu.memref_slice %arg12[%dma_start3A_226, %add3A_224, %dma_start3A_232] : memref<4x10240x128xf32, #tpu.memory_space<hbm>> -> memref<1x80x128xf32, #tpu.memory_space<hbm>>
    %dma_start3A_234 = tpu.memref_squeeze %dma_start3A_233 : memref<1x80x128xf32, #tpu.memory_space<hbm>> -> memref<80x128xf32, #tpu.memory_space<hbm>>
    %dma_start3A_235 = tpu.memref_slice %arg24[%dma_start3A_227] : memref<4x!tpu.dma_semaphore, #tpu.memory_space<semaphore_mem>> -> memref<1x!tpu.dma_semaphore, #tpu.memory_space<semaphore_mem>>
    %dma_start3A_236 = tpu.memref_squeeze %dma_start3A_235 : memref<1x!tpu.dma_semaphore, #tpu.memory_space<semaphore_mem>> -> memref<!tpu.dma_semaphore, #tpu.memory_space<semaphore_mem>>
    %dma_start3A_237 = arith.constant 0 : i32
    %dma_start3A_238 = tpu.memref_slice %arg12[%dma_start3A_226, %add3A_224, %dma_start3A_237] : memref<4x10240x128xf32, #tpu.memory_space<hbm>> -> memref<1x80x128xf32, #tpu.memory_space<hbm>>
    %dma_start3A_239 = tpu.memref_squeeze %dma_start3A_238 : memref<1x80x128xf32, #tpu.memory_space<hbm>> -> memref<80x128xf32, #tpu.memory_space<hbm>>
    %dma_start3A_240 = arith.constant 0 : i32
    %dma_start3A_241 = arith.constant 0 : i32
    %dma_start3A_242 = tpu.memref_slice %arg18[%dma_start3A_225, %dma_start3A_240, %dma_start3A_241] : memref<4x80x128xf32, #tpu.memory_space<vmem>> -> memref<1x80x128xf32, #tpu.memory_space<vmem>>
    %dma_start3A_243 = tpu.memref_squeeze %dma_start3A_242 : memref<1x80x128xf32, #tpu.memory_space<vmem>> -> memref<80x128xf32, #tpu.memory_space<vmem>>
    tpu.enqueue_dma source(%dma_start3A_243 : memref<80x128xf32, #tpu.memory_space<vmem>>) target(%dma_start3A_239 : memref<80x128xf32, #tpu.memory_space<hbm>>) target_semaphore(%dma_start3A_236 : memref<!tpu.dma_semaphore, #tpu.memory_space<semaphore_mem>>)
    %add3A_244 = arith.constant 240 : i32
    %add3A_245 = arith.addi %mul3A_2, %add3A_244 : i32
    %dma_start3A_246 = arith.constant 3 : i32
    %dma_start3A_247 = arith.constant 3 : i32
    %dma_start3A_248 = arith.constant 0 : i32
    %dma_start3A_249 = arith.constant 0 : i32
    %dma_start3A_250 = tpu.memref_slice %arg18[%dma_start3A_246, %dma_start3A_248, %dma_start3A_249] : memref<4x80x128xf32, #tpu.memory_space<vmem>> -> memref<1x80x128xf32, #tpu.memory_space<vmem>>
    %dma_start3A_251 = tpu.memref_squeeze %dma_start3A_250 : memref<1x80x128xf32, #tpu.memory_space<vmem>> -> memref<80x128xf32, #tpu.memory_space<vmem>>
    %dma_start3A_252 = arith.constant 240 : i32
    %dma_start3A_253 = tpu.memref_slice %arg14[%dma_start3A_252] : memref<320xi32, #tpu.memory_space<vmem>> -> memref<80xi32, #tpu.memory_space<vmem>>
    %dma_start3A_254 = arith.constant 0 : i32
    %dma_start3A_255 = arith.constant 0 : i32
    %dma_start3A_256 = tpu.memref_slice %arg6[%dma_start3A_254, %dma_start3A_255] : memref<100000x128xf32, #tpu.memory_space<hbm>> -> memref<100000x128xf32, #tpu.memory_space<hbm>>
    %dma_start3A_257 = tpu.memref_slice %arg23[%dma_start3A_247] : memref<4x!tpu.dma_semaphore, #tpu.memory_space<semaphore_mem>> -> memref<1x!tpu.dma_semaphore, #tpu.memory_space<semaphore_mem>>
    %dma_start3A_258 = tpu.memref_squeeze %dma_start3A_257 : memref<1x!tpu.dma_semaphore, #tpu.memory_space<semaphore_mem>> -> memref<!tpu.dma_semaphore, #tpu.memory_space<semaphore_mem>>
    tpu.enqueue_indirect_dma source(%dma_start3A_256 : memref<100000x128xf32, #tpu.memory_space<hbm>>) target(%dma_start3A_251 : memref<80x128xf32, #tpu.memory_space<vmem>>) offsets(%dma_start3A_253 : memref<80xi32, #tpu.memory_space<vmem>>) semaphore(%dma_start3A_258 : memref<!tpu.dma_semaphore, #tpu.memory_space<semaphore_mem>>)
    %dma_wait3A_259 = arith.constant 2 : i32
    %dma_wait3A_260 = arith.constant 2 : i32
    %dma_wait3A_261 = arith.constant 0 : i32
    %dma_wait3A_262 = arith.constant 0 : i32
    %dma_wait3A_263 = tpu.memref_slice %arg18[%dma_wait3A_259, %dma_wait3A_261, %dma_wait3A_262] : memref<4x80x128xf32, #tpu.memory_space<vmem>> -> memref<1x80x128xf32, #tpu.memory_space<vmem>>
    %dma_wait3A_264 = tpu.memref_squeeze %dma_wait3A_263 : memref<1x80x128xf32, #tpu.memory_space<vmem>> -> memref<80x128xf32, #tpu.memory_space<vmem>>
    %dma_wait3A_265 = arith.constant 160 : i32
    %dma_wait3A_266 = tpu.memref_slice %arg14[%dma_wait3A_265] : memref<320xi32, #tpu.memory_space<vmem>> -> memref<80xi32, #tpu.memory_space<vmem>>
    %dma_wait3A_267 = arith.constant 0 : i32
    %dma_wait3A_268 = arith.constant 0 : i32
    %dma_wait3A_269 = tpu.memref_slice %arg6[%dma_wait3A_267, %dma_wait3A_268] : memref<100000x128xf32, #tpu.memory_space<hbm>> -> memref<100000x128xf32, #tpu.memory_space<hbm>>
    %dma_wait3A_270 = tpu.memref_slice %arg23[%dma_wait3A_260] : memref<4x!tpu.dma_semaphore, #tpu.memory_space<semaphore_mem>> -> memref<1x!tpu.dma_semaphore, #tpu.memory_space<semaphore_mem>>
    %dma_wait3A_271 = tpu.memref_squeeze %dma_wait3A_270 : memref<1x!tpu.dma_semaphore, #tpu.memory_space<semaphore_mem>> -> memref<!tpu.dma_semaphore, #tpu.memory_space<semaphore_mem>>
    tpu.wait_indirect_dma semaphore(%dma_wait3A_271 : memref<!tpu.dma_semaphore, #tpu.memory_space<semaphore_mem>>) src(%dma_wait3A_269 : memref<100000x128xf32, #tpu.memory_space<hbm>>) dst(%dma_wait3A_264 : memref<80x128xf32, #tpu.memory_space<vmem>>)
    %add3A_272 = arith.constant 160 : i32
    %add3A_273 = arith.addi %mul3A_2, %add3A_272 : i32
    %dma_start3A_274 = arith.constant 2 : i32
    %dma_start3A_275 = arith.constant 0 : i32
    %dma_start3A_276 = arith.constant 2 : i32
    %dma_start3A_277 = arith.constant 0 : i32
    %dma_start3A_278 = arith.constant 0 : i32
    %dma_start3A_279 = tpu.memref_slice %arg18[%dma_start3A_274, %dma_start3A_277, %dma_start3A_278] : memref<4x80x128xf32, #tpu.memory_space<vmem>> -> memref<1x80x128xf32, #tpu.memory_space<vmem>>
    %dma_start3A_280 = tpu.memref_squeeze %dma_start3A_279 : memref<1x80x128xf32, #tpu.memory_space<vmem>> -> memref<80x128xf32, #tpu.memory_space<vmem>>
    %dma_start3A_281 = arith.constant 0 : i32
    %dma_start3A_282 = tpu.memref_slice %arg12[%dma_start3A_275, %add3A_273, %dma_start3A_281] : memref<4x10240x128xf32, #tpu.memory_space<hbm>> -> memref<1x80x128xf32, #tpu.memory_space<hbm>>
    %dma_start3A_283 = tpu.memref_squeeze %dma_start3A_282 : memref<1x80x128xf32, #tpu.memory_space<hbm>> -> memref<80x128xf32, #tpu.memory_space<hbm>>
    %dma_start3A_284 = tpu.memref_slice %arg24[%dma_start3A_276] : memref<4x!tpu.dma_semaphore, #tpu.memory_space<semaphore_mem>> -> memref<1x!tpu.dma_semaphore, #tpu.memory_space<semaphore_mem>>
    %dma_start3A_285 = tpu.memref_squeeze %dma_start3A_284 : memref<1x!tpu.dma_semaphore, #tpu.memory_space<semaphore_mem>> -> memref<!tpu.dma_semaphore, #tpu.memory_space<semaphore_mem>>
    %dma_start3A_286 = arith.constant 0 : i32
    %dma_start3A_287 = tpu.memref_slice %arg12[%dma_start3A_275, %add3A_273, %dma_start3A_286] : memref<4x10240x128xf32, #tpu.memory_space<hbm>> -> memref<1x80x128xf32, #tpu.memory_space<hbm>>
    %dma_start3A_288 = tpu.memref_squeeze %dma_start3A_287 : memref<1x80x128xf32, #tpu.memory_space<hbm>> -> memref<80x128xf32, #tpu.memory_space<hbm>>
    %dma_start3A_289 = arith.constant 0 : i32
    %dma_start3A_290 = arith.constant 0 : i32
    %dma_start3A_291 = tpu.memref_slice %arg18[%dma_start3A_274, %dma_start3A_289, %dma_start3A_290] : memref<4x80x128xf32, #tpu.memory_space<vmem>> -> memref<1x80x128xf32, #tpu.memory_space<vmem>>
    %dma_start3A_292 = tpu.memref_squeeze %dma_start3A_291 : memref<1x80x128xf32, #tpu.memory_space<vmem>> -> memref<80x128xf32, #tpu.memory_space<vmem>>
    tpu.enqueue_dma source(%dma_start3A_292 : memref<80x128xf32, #tpu.memory_space<vmem>>) target(%dma_start3A_288 : memref<80x128xf32, #tpu.memory_space<hbm>>) target_semaphore(%dma_start3A_285 : memref<!tpu.dma_semaphore, #tpu.memory_space<semaphore_mem>>)
    %dma_wait3A_293 = arith.constant 0 : i32
    %dma_wait3A_294 = arith.constant 0 : i32
    %dma_wait3A_295 = arith.constant 0 : i32
    %dma_wait3A_296 = arith.constant 0 : i32
    %dma_wait3A_297 = arith.constant 0 : i32
    %dma_wait3A_298 = tpu.memref_slice %arg18[%dma_wait3A_293, %dma_wait3A_296, %dma_wait3A_297] : memref<4x80x128xf32, #tpu.memory_space<vmem>> -> memref<1x80x128xf32, #tpu.memory_space<vmem>>
    %dma_wait3A_299 = tpu.memref_squeeze %dma_wait3A_298 : memref<1x80x128xf32, #tpu.memory_space<vmem>> -> memref<80x128xf32, #tpu.memory_space<vmem>>
    %dma_wait3A_300 = arith.constant 0 : i32
    %dma_wait3A_301 = tpu.memref_slice %arg12[%dma_wait3A_294, %add3A_175, %dma_wait3A_300] : memref<4x10240x128xf32, #tpu.memory_space<hbm>> -> memref<1x80x128xf32, #tpu.memory_space<hbm>>
    %dma_wait3A_302 = tpu.memref_squeeze %dma_wait3A_301 : memref<1x80x128xf32, #tpu.memory_space<hbm>> -> memref<80x128xf32, #tpu.memory_space<hbm>>
    %dma_wait3A_303 = tpu.memref_slice %arg24[%dma_wait3A_295] : memref<4x!tpu.dma_semaphore, #tpu.memory_space<semaphore_mem>> -> memref<1x!tpu.dma_semaphore, #tpu.memory_space<semaphore_mem>>
    %dma_wait3A_304 = tpu.memref_squeeze %dma_wait3A_303 : memref<1x!tpu.dma_semaphore, #tpu.memory_space<semaphore_mem>> -> memref<!tpu.dma_semaphore, #tpu.memory_space<semaphore_mem>>
    %dma_wait3A_305 = arith.constant 0 : i32
    %dma_wait3A_306 = tpu.memref_slice %arg12[%dma_wait3A_294, %add3A_175, %dma_wait3A_305] : memref<4x10240x128xf32, #tpu.memory_space<hbm>> -> memref<1x80x128xf32, #tpu.memory_space<hbm>>
    %dma_wait3A_307 = tpu.memref_squeeze %dma_wait3A_306 : memref<1x80x128xf32, #tpu.memory_space<hbm>> -> memref<80x128xf32, #tpu.memory_space<hbm>>
    %dma_wait3A_308 = arith.constant 0 : i32
    %dma_wait3A_309 = arith.constant 0 : i32
    %dma_wait3A_310 = tpu.memref_slice %arg18[%dma_wait3A_293, %dma_wait3A_308, %dma_wait3A_309] : memref<4x80x128xf32, #tpu.memory_space<vmem>> -> memref<1x80x128xf32, #tpu.memory_space<vmem>>
    %dma_wait3A_311 = tpu.memref_squeeze %dma_wait3A_310 : memref<1x80x128xf32, #tpu.memory_space<vmem>> -> memref<80x128xf32, #tpu.memory_space<vmem>>
    tpu.wait_dma2 semaphore(%dma_wait3A_304 : memref<!tpu.dma_semaphore, #tpu.memory_space<semaphore_mem>>) src(%dma_wait3A_311 : memref<80x128xf32, #tpu.memory_space<vmem>>) dst(%dma_wait3A_307 : memref<80x128xf32, #tpu.memory_space<hbm>>)
    %add3A_312 = arith.constant 0 : i32
    %add3A_313 = arith.addi %mul3A_2, %add3A_312 : i32
    %dma_start3A_314 = arith.constant 0 : i32
    %dma_start3A_315 = arith.constant 0 : i32
    %dma_start3A_316 = arith.constant 0 : i32
    %dma_start3A_317 = arith.constant 0 : i32
    %dma_start3A_318 = tpu.memref_slice %arg18[%dma_start3A_314, %dma_start3A_316, %dma_start3A_317] : memref<4x80x128xf32, #tpu.memory_space<vmem>> -> memref<1x80x128xf32, #tpu.memory_space<vmem>>
    %dma_start3A_319 = tpu.memref_squeeze %dma_start3A_318 : memref<1x80x128xf32, #tpu.memory_space<vmem>> -> memref<80x128xf32, #tpu.memory_space<vmem>>
    %dma_start3A_320 = arith.constant 0 : i32
    %dma_start3A_321 = tpu.memref_slice %arg15[%dma_start3A_320] : memref<320xi32, #tpu.memory_space<vmem>> -> memref<80xi32, #tpu.memory_space<vmem>>
    %dma_start3A_322 = arith.constant 0 : i32
    %dma_start3A_323 = arith.constant 0 : i32
    %dma_start3A_324 = tpu.memref_slice %arg7[%dma_start3A_322, %dma_start3A_323] : memref<100000x128xf32, #tpu.memory_space<hbm>> -> memref<100000x128xf32, #tpu.memory_space<hbm>>
    %dma_start3A_325 = tpu.memref_slice %arg23[%dma_start3A_315] : memref<4x!tpu.dma_semaphore, #tpu.memory_space<semaphore_mem>> -> memref<1x!tpu.dma_semaphore, #tpu.memory_space<semaphore_mem>>
    %dma_start3A_326 = tpu.memref_squeeze %dma_start3A_325 : memref<1x!tpu.dma_semaphore, #tpu.memory_space<semaphore_mem>> -> memref<!tpu.dma_semaphore, #tpu.memory_space<semaphore_mem>>
    tpu.enqueue_indirect_dma source(%dma_start3A_324 : memref<100000x128xf32, #tpu.memory_space<hbm>>) target(%dma_start3A_319 : memref<80x128xf32, #tpu.memory_space<vmem>>) offsets(%dma_start3A_321 : memref<80xi32, #tpu.memory_space<vmem>>) semaphore(%dma_start3A_326 : memref<!tpu.dma_semaphore, #tpu.memory_space<semaphore_mem>>)
    %dma_wait3A_327 = arith.constant 3 : i32
    %dma_wait3A_328 = arith.constant 3 : i32
    %dma_wait3A_329 = arith.constant 0 : i32
    %dma_wait3A_330 = arith.constant 0 : i32
    %dma_wait3A_331 = tpu.memref_slice %arg18[%dma_wait3A_327, %dma_wait3A_329, %dma_wait3A_330] : memref<4x80x128xf32, #tpu.memory_space<vmem>> -> memref<1x80x128xf32, #tpu.memory_space<vmem>>
    %dma_wait3A_332 = tpu.memref_squeeze %dma_wait3A_331 : memref<1x80x128xf32, #tpu.memory_space<vmem>> -> memref<80x128xf32, #tpu.memory_space<vmem>>
    %dma_wait3A_333 = arith.constant 240 : i32
    %dma_wait3A_334 = tpu.memref_slice %arg14[%dma_wait3A_333] : memref<320xi32, #tpu.memory_space<vmem>> -> memref<80xi32, #tpu.memory_space<vmem>>
    %dma_wait3A_335 = arith.constant 0 : i32
    %dma_wait3A_336 = arith.constant 0 : i32
    %dma_wait3A_337 = tpu.memref_slice %arg6[%dma_wait3A_335, %dma_wait3A_336] : memref<100000x128xf32, #tpu.memory_space<hbm>> -> memref<100000x128xf32, #tpu.memory_space<hbm>>
    %dma_wait3A_338 = tpu.memref_slice %arg23[%dma_wait3A_328] : memref<4x!tpu.dma_semaphore, #tpu.memory_space<semaphore_mem>> -> memref<1x!tpu.dma_semaphore, #tpu.memory_space<semaphore_mem>>
    %dma_wait3A_339 = tpu.memref_squeeze %dma_wait3A_338 : memref<1x!tpu.dma_semaphore, #tpu.memory_space<semaphore_mem>> -> memref<!tpu.dma_semaphore, #tpu.memory_space<semaphore_mem>>
    tpu.wait_indirect_dma semaphore(%dma_wait3A_339 : memref<!tpu.dma_semaphore, #tpu.memory_space<semaphore_mem>>) src(%dma_wait3A_337 : memref<100000x128xf32, #tpu.memory_space<hbm>>) dst(%dma_wait3A_332 : memref<80x128xf32, #tpu.memory_space<vmem>>)
    %add3A_340 = arith.constant 240 : i32
    %add3A_341 = arith.addi %mul3A_2, %add3A_340 : i32
    %dma_start3A_342 = arith.constant 3 : i32
    %dma_start3A_343 = arith.constant 0 : i32
    %dma_start3A_344 = arith.constant 3 : i32
    %dma_start3A_345 = arith.constant 0 : i32
    %dma_start3A_346 = arith.constant 0 : i32
    %dma_start3A_347 = tpu.memref_slice %arg18[%dma_start3A_342, %dma_start3A_345, %dma_start3A_346] : memref<4x80x128xf32, #tpu.memory_space<vmem>> -> memref<1x80x128xf32, #tpu.memory_space<vmem>>
    %dma_start3A_348 = tpu.memref_squeeze %dma_start3A_347 : memref<1x80x128xf32, #tpu.memory_space<vmem>> -> memref<80x128xf32, #tpu.memory_space<vmem>>
    %dma_start3A_349 = arith.constant 0 : i32
    %dma_start3A_350 = tpu.memref_slice %arg12[%dma_start3A_343, %add3A_341, %dma_start3A_349] : memref<4x10240x128xf32, #tpu.memory_space<hbm>> -> memref<1x80x128xf32, #tpu.memory_space<hbm>>
    %dma_start3A_351 = tpu.memref_squeeze %dma_start3A_350 : memref<1x80x128xf32, #tpu.memory_space<hbm>> -> memref<80x128xf32, #tpu.memory_space<hbm>>
    %dma_start3A_352 = tpu.memref_slice %arg24[%dma_start3A_344] : memref<4x!tpu.dma_semaphore, #tpu.memory_space<semaphore_mem>> -> memref<1x!tpu.dma_semaphore, #tpu.memory_space<semaphore_mem>>
    %dma_start3A_353 = tpu.memref_squeeze %dma_start3A_352 : memref<1x!tpu.dma_semaphore, #tpu.memory_space<semaphore_mem>> -> memref<!tpu.dma_semaphore, #tpu.memory_space<semaphore_mem>>
    %dma_start3A_354 = arith.constant 0 : i32
    %dma_start3A_355 = tpu.memref_slice %arg12[%dma_start3A_343, %add3A_341, %dma_start3A_354] : memref<4x10240x128xf32, #tpu.memory_space<hbm>> -> memref<1x80x128xf32, #tpu.memory_space<hbm>>
    %dma_start3A_356 = tpu.memref_squeeze %dma_start3A_355 : memref<1x80x128xf32, #tpu.memory_space<hbm>> -> memref<80x128xf32, #tpu.memory_space<hbm>>
    %dma_start3A_357 = arith.constant 0 : i32
    %dma_start3A_358 = arith.constant 0 : i32
    %dma_start3A_359 = tpu.memref_slice %arg18[%dma_start3A_342, %dma_start3A_357, %dma_start3A_358] : memref<4x80x128xf32, #tpu.memory_space<vmem>> -> memref<1x80x128xf32, #tpu.memory_space<vmem>>
    %dma_start3A_360 = tpu.memref_squeeze %dma_start3A_359 : memref<1x80x128xf32, #tpu.memory_space<vmem>> -> memref<80x128xf32, #tpu.memory_space<vmem>>
    tpu.enqueue_dma source(%dma_start3A_360 : memref<80x128xf32, #tpu.memory_space<vmem>>) target(%dma_start3A_356 : memref<80x128xf32, #tpu.memory_space<hbm>>) target_semaphore(%dma_start3A_353 : memref<!tpu.dma_semaphore, #tpu.memory_space<semaphore_mem>>)
    %dma_wait3A_361 = arith.constant 1 : i32
    %dma_wait3A_362 = arith.constant 0 : i32
    %dma_wait3A_363 = arith.constant 1 : i32
    %dma_wait3A_364 = arith.constant 0 : i32
    %dma_wait3A_365 = arith.constant 0 : i32
    %dma_wait3A_366 = tpu.memref_slice %arg18[%dma_wait3A_361, %dma_wait3A_364, %dma_wait3A_365] : memref<4x80x128xf32, #tpu.memory_space<vmem>> -> memref<1x80x128xf32, #tpu.memory_space<vmem>>
    %dma_wait3A_367 = tpu.memref_squeeze %dma_wait3A_366 : memref<1x80x128xf32, #tpu.memory_space<vmem>> -> memref<80x128xf32, #tpu.memory_space<vmem>>
    %dma_wait3A_368 = arith.constant 0 : i32
    %dma_wait3A_369 = tpu.memref_slice %arg12[%dma_wait3A_362, %add3A_224, %dma_wait3A_368] : memref<4x10240x128xf32, #tpu.memory_space<hbm>> -> memref<1x80x128xf32, #tpu.memory_space<hbm>>
    %dma_wait3A_370 = tpu.memref_squeeze %dma_wait3A_369 : memref<1x80x128xf32, #tpu.memory_space<hbm>> -> memref<80x128xf32, #tpu.memory_space<hbm>>
    %dma_wait3A_371 = tpu.memref_slice %arg24[%dma_wait3A_363] : memref<4x!tpu.dma_semaphore, #tpu.memory_space<semaphore_mem>> -> memref<1x!tpu.dma_semaphore, #tpu.memory_space<semaphore_mem>>
    %dma_wait3A_372 = tpu.memref_squeeze %dma_wait3A_371 : memref<1x!tpu.dma_semaphore, #tpu.memory_space<semaphore_mem>> -> memref<!tpu.dma_semaphore, #tpu.memory_space<semaphore_mem>>
    %dma_wait3A_373 = arith.constant 0 : i32
    %dma_wait3A_374 = tpu.memref_slice %arg12[%dma_wait3A_362, %add3A_224, %dma_wait3A_373] : memref<4x10240x128xf32, #tpu.memory_space<hbm>> -> memref<1x80x128xf32, #tpu.memory_space<hbm>>
    %dma_wait3A_375 = tpu.memref_squeeze %dma_wait3A_374 : memref<1x80x128xf32, #tpu.memory_space<hbm>> -> memref<80x128xf32, #tpu.memory_space<hbm>>
    %dma_wait3A_376 = arith.constant 0 : i32
    %dma_wait3A_377 = arith.constant 0 : i32
    %dma_wait3A_378 = tpu.memref_slice %arg18[%dma_wait3A_361, %dma_wait3A_376, %dma_wait3A_377] : memref<4x80x128xf32, #tpu.memory_space<vmem>> -> memref<1x80x128xf32, #tpu.memory_space<vmem>>
    %dma_wait3A_379 = tpu.memref_squeeze %dma_wait3A_378 : memref<1x80x128xf32, #tpu.memory_space<vmem>> -> memref<80x128xf32, #tpu.memory_space<vmem>>
    tpu.wait_dma2 semaphore(%dma_wait3A_372 : memref<!tpu.dma_semaphore, #tpu.memory_space<semaphore_mem>>) src(%dma_wait3A_379 : memref<80x128xf32, #tpu.memory_space<vmem>>) dst(%dma_wait3A_375 : memref<80x128xf32, #tpu.memory_space<hbm>>)
    %add3A_380 = arith.constant 80 : i32
    %add3A_381 = arith.addi %mul3A_2, %add3A_380 : i32
    %dma_start3A_382 = arith.constant 1 : i32
    %dma_start3A_383 = arith.constant 1 : i32
    %dma_start3A_384 = arith.constant 0 : i32
    %dma_start3A_385 = arith.constant 0 : i32
    %dma_start3A_386 = tpu.memref_slice %arg18[%dma_start3A_382, %dma_start3A_384, %dma_start3A_385] : memref<4x80x128xf32, #tpu.memory_space<vmem>> -> memref<1x80x128xf32, #tpu.memory_space<vmem>>
    %dma_start3A_387 = tpu.memref_squeeze %dma_start3A_386 : memref<1x80x128xf32, #tpu.memory_space<vmem>> -> memref<80x128xf32, #tpu.memory_space<vmem>>
    %dma_start3A_388 = arith.constant 80 : i32
    %dma_start3A_389 = tpu.memref_slice %arg15[%dma_start3A_388] : memref<320xi32, #tpu.memory_space<vmem>> -> memref<80xi32, #tpu.memory_space<vmem>>
    %dma_start3A_390 = arith.constant 0 : i32
    %dma_start3A_391 = arith.constant 0 : i32
    %dma_start3A_392 = tpu.memref_slice %arg7[%dma_start3A_390, %dma_start3A_391] : memref<100000x128xf32, #tpu.memory_space<hbm>> -> memref<100000x128xf32, #tpu.memory_space<hbm>>
    %dma_start3A_393 = tpu.memref_slice %arg23[%dma_start3A_383] : memref<4x!tpu.dma_semaphore, #tpu.memory_space<semaphore_mem>> -> memref<1x!tpu.dma_semaphore, #tpu.memory_space<semaphore_mem>>
    %dma_start3A_394 = tpu.memref_squeeze %dma_start3A_393 : memref<1x!tpu.dma_semaphore, #tpu.memory_space<semaphore_mem>> -> memref<!tpu.dma_semaphore, #tpu.memory_space<semaphore_mem>>
    tpu.enqueue_indirect_dma source(%dma_start3A_392 : memref<100000x128xf32, #tpu.memory_space<hbm>>) target(%dma_start3A_387 : memref<80x128xf32, #tpu.memory_space<vmem>>) offsets(%dma_start3A_389 : memref<80xi32, #tpu.memory_space<vmem>>) semaphore(%dma_start3A_394 : memref<!tpu.dma_semaphore, #tpu.memory_space<semaphore_mem>>)
    %dma_wait3A_395 = arith.constant 0 : i32
    %dma_wait3A_396 = arith.constant 0 : i32
    %dma_wait3A_397 = arith.constant 0 : i32
    %dma_wait3A_398 = arith.constant 0 : i32
    %dma_wait3A_399 = tpu.memref_slice %arg18[%dma_wait3A_395, %dma_wait3A_397, %dma_wait3A_398] : memref<4x80x128xf32, #tpu.memory_space<vmem>> -> memref<1x80x128xf32, #tpu.memory_space<vmem>>
    %dma_wait3A_400 = tpu.memref_squeeze %dma_wait3A_399 : memref<1x80x128xf32, #tpu.memory_space<vmem>> -> memref<80x128xf32, #tpu.memory_space<vmem>>
    %dma_wait3A_401 = arith.constant 0 : i32
    %dma_wait3A_402 = tpu.memref_slice %arg15[%dma_wait3A_401] : memref<320xi32, #tpu.memory_space<vmem>> -> memref<80xi32, #tpu.memory_space<vmem>>
    %dma_wait3A_403 = arith.constant 0 : i32
    %dma_wait3A_404 = arith.constant 0 : i32
    %dma_wait3A_405 = tpu.memref_slice %arg7[%dma_wait3A_403, %dma_wait3A_404] : memref<100000x128xf32, #tpu.memory_space<hbm>> -> memref<100000x128xf32, #tpu.memory_space<hbm>>
    %dma_wait3A_406 = tpu.memref_slice %arg23[%dma_wait3A_396] : memref<4x!tpu.dma_semaphore, #tpu.memory_space<semaphore_mem>> -> memref<1x!tpu.dma_semaphore, #tpu.memory_space<semaphore_mem>>
    %dma_wait3A_407 = tpu.memref_squeeze %dma_wait3A_406 : memref<1x!tpu.dma_semaphore, #tpu.memory_space<semaphore_mem>> -> memref<!tpu.dma_semaphore, #tpu.memory_space<semaphore_mem>>
    tpu.wait_indirect_dma semaphore(%dma_wait3A_407 : memref<!tpu.dma_semaphore, #tpu.memory_space<semaphore_mem>>) src(%dma_wait3A_405 : memref<100000x128xf32, #tpu.memory_space<hbm>>) dst(%dma_wait3A_400 : memref<80x128xf32, #tpu.memory_space<vmem>>)
    %add3A_408 = arith.constant 0 : i32
    %add3A_409 = arith.addi %mul3A_2, %add3A_408 : i32
    %dma_start3A_410 = arith.constant 0 : i32
    %dma_start3A_411 = arith.constant 1 : i32
    %dma_start3A_412 = arith.constant 0 : i32
    %dma_start3A_413 = arith.constant 0 : i32
    %dma_start3A_414 = arith.constant 0 : i32
    %dma_start3A_415 = tpu.memref_slice %arg18[%dma_start3A_410, %dma_start3A_413, %dma_start3A_414] : memref<4x80x128xf32, #tpu.memory_space<vmem>> -> memref<1x80x128xf32, #tpu.memory_space<vmem>>
    %dma_start3A_416 = tpu.memref_squeeze %dma_start3A_415 : memref<1x80x128xf32, #tpu.memory_space<vmem>> -> memref<80x128xf32, #tpu.memory_space<vmem>>
    %dma_start3A_417 = arith.constant 0 : i32
    %dma_start3A_418 = tpu.memref_slice %arg12[%dma_start3A_411, %add3A_409, %dma_start3A_417] : memref<4x10240x128xf32, #tpu.memory_space<hbm>> -> memref<1x80x128xf32, #tpu.memory_space<hbm>>
    %dma_start3A_419 = tpu.memref_squeeze %dma_start3A_418 : memref<1x80x128xf32, #tpu.memory_space<hbm>> -> memref<80x128xf32, #tpu.memory_space<hbm>>
    %dma_start3A_420 = tpu.memref_slice %arg24[%dma_start3A_412] : memref<4x!tpu.dma_semaphore, #tpu.memory_space<semaphore_mem>> -> memref<1x!tpu.dma_semaphore, #tpu.memory_space<semaphore_mem>>
    %dma_start3A_421 = tpu.memref_squeeze %dma_start3A_420 : memref<1x!tpu.dma_semaphore, #tpu.memory_space<semaphore_mem>> -> memref<!tpu.dma_semaphore, #tpu.memory_space<semaphore_mem>>
    %dma_start3A_422 = arith.constant 0 : i32
    %dma_start3A_423 = tpu.memref_slice %arg12[%dma_start3A_411, %add3A_409, %dma_start3A_422] : memref<4x10240x128xf32, #tpu.memory_space<hbm>> -> memref<1x80x128xf32, #tpu.memory_space<hbm>>
    %dma_start3A_424 = tpu.memref_squeeze %dma_start3A_423 : memref<1x80x128xf32, #tpu.memory_space<hbm>> -> memref<80x128xf32, #tpu.memory_space<hbm>>
    %dma_start3A_425 = arith.constant 0 : i32
    %dma_start3A_426 = arith.constant 0 : i32
    %dma_start3A_427 = tpu.memref_slice %arg18[%dma_start3A_410, %dma_start3A_425, %dma_start3A_426] : memref<4x80x128xf32, #tpu.memory_space<vmem>> -> memref<1x80x128xf32, #tpu.memory_space<vmem>>
    %dma_start3A_428 = tpu.memref_squeeze %dma_start3A_427 : memref<1x80x128xf32, #tpu.memory_space<vmem>> -> memref<80x128xf32, #tpu.memory_space<vmem>>
    tpu.enqueue_dma source(%dma_start3A_428 : memref<80x128xf32, #tpu.memory_space<vmem>>) target(%dma_start3A_424 : memref<80x128xf32, #tpu.memory_space<hbm>>) target_semaphore(%dma_start3A_421 : memref<!tpu.dma_semaphore, #tpu.memory_space<semaphore_mem>>)
    %dma_wait3A_429 = arith.constant 2 : i32
    %dma_wait3A_430 = arith.constant 0 : i32
    %dma_wait3A_431 = arith.constant 2 : i32
    %dma_wait3A_432 = arith.constant 0 : i32
    %dma_wait3A_433 = arith.constant 0 : i32
    %dma_wait3A_434 = tpu.memref_slice %arg18[%dma_wait3A_429, %dma_wait3A_432, %dma_wait3A_433] : memref<4x80x128xf32, #tpu.memory_space<vmem>> -> memref<1x80x128xf32, #tpu.memory_space<vmem>>
    %dma_wait3A_435 = tpu.memref_squeeze %dma_wait3A_434 : memref<1x80x128xf32, #tpu.memory_space<vmem>> -> memref<80x128xf32, #tpu.memory_space<vmem>>
    %dma_wait3A_436 = arith.constant 0 : i32
    %dma_wait3A_437 = tpu.memref_slice %arg12[%dma_wait3A_430, %add3A_273, %dma_wait3A_436] : memref<4x10240x128xf32, #tpu.memory_space<hbm>> -> memref<1x80x128xf32, #tpu.memory_space<hbm>>
    %dma_wait3A_438 = tpu.memref_squeeze %dma_wait3A_437 : memref<1x80x128xf32, #tpu.memory_space<hbm>> -> memref<80x128xf32, #tpu.memory_space<hbm>>
    %dma_wait3A_439 = tpu.memref_slice %arg24[%dma_wait3A_431] : memref<4x!tpu.dma_semaphore, #tpu.memory_space<semaphore_mem>> -> memref<1x!tpu.dma_semaphore, #tpu.memory_space<semaphore_mem>>
    %dma_wait3A_440 = tpu.memref_squeeze %dma_wait3A_439 : memref<1x!tpu.dma_semaphore, #tpu.memory_space<semaphore_mem>> -> memref<!tpu.dma_semaphore, #tpu.memory_space<semaphore_mem>>
    %dma_wait3A_441 = arith.constant 0 : i32
    %dma_wait3A_442 = tpu.memref_slice %arg12[%dma_wait3A_430, %add3A_273, %dma_wait3A_441] : memref<4x10240x128xf32, #tpu.memory_space<hbm>> -> memref<1x80x128xf32, #tpu.memory_space<hbm>>
    %dma_wait3A_443 = tpu.memref_squeeze %dma_wait3A_442 : memref<1x80x128xf32, #tpu.memory_space<hbm>> -> memref<80x128xf32, #tpu.memory_space<hbm>>
    %dma_wait3A_444 = arith.constant 0 : i32
    %dma_wait3A_445 = arith.constant 0 : i32
    %dma_wait3A_446 = tpu.memref_slice %arg18[%dma_wait3A_429, %dma_wait3A_444, %dma_wait3A_445] : memref<4x80x128xf32, #tpu.memory_space<vmem>> -> memref<1x80x128xf32, #tpu.memory_space<vmem>>
    %dma_wait3A_447 = tpu.memref_squeeze %dma_wait3A_446 : memref<1x80x128xf32, #tpu.memory_space<vmem>> -> memref<80x128xf32, #tpu.memory_space<vmem>>
    tpu.wait_dma2 semaphore(%dma_wait3A_440 : memref<!tpu.dma_semaphore, #tpu.memory_space<semaphore_mem>>) src(%dma_wait3A_447 : memref<80x128xf32, #tpu.memory_space<vmem>>) dst(%dma_wait3A_443 : memref<80x128xf32, #tpu.memory_space<hbm>>)
    %add3A_448 = arith.constant 160 : i32
    %add3A_449 = arith.addi %mul3A_2, %add3A_448 : i32
    %dma_start3A_450 = arith.constant 2 : i32
    %dma_start3A_451 = arith.constant 2 : i32
    %dma_start3A_452 = arith.constant 0 : i32
    %dma_start3A_453 = arith.constant 0 : i32
    %dma_start3A_454 = tpu.memref_slice %arg18[%dma_start3A_450, %dma_start3A_452, %dma_start3A_453] : memref<4x80x128xf32, #tpu.memory_space<vmem>> -> memref<1x80x128xf32, #tpu.memory_space<vmem>>
    %dma_start3A_455 = tpu.memref_squeeze %dma_start3A_454 : memref<1x80x128xf32, #tpu.memory_space<vmem>> -> memref<80x128xf32, #tpu.memory_space<vmem>>
    %dma_start3A_456 = arith.constant 160 : i32
    %dma_start3A_457 = tpu.memref_slice %arg15[%dma_start3A_456] : memref<320xi32, #tpu.memory_space<vmem>> -> memref<80xi32, #tpu.memory_space<vmem>>
    %dma_start3A_458 = arith.constant 0 : i32
    %dma_start3A_459 = arith.constant 0 : i32
    %dma_start3A_460 = tpu.memref_slice %arg7[%dma_start3A_458, %dma_start3A_459] : memref<100000x128xf32, #tpu.memory_space<hbm>> -> memref<100000x128xf32, #tpu.memory_space<hbm>>
    %dma_start3A_461 = tpu.memref_slice %arg23[%dma_start3A_451] : memref<4x!tpu.dma_semaphore, #tpu.memory_space<semaphore_mem>> -> memref<1x!tpu.dma_semaphore, #tpu.memory_space<semaphore_mem>>
    %dma_start3A_462 = tpu.memref_squeeze %dma_start3A_461 : memref<1x!tpu.dma_semaphore, #tpu.memory_space<semaphore_mem>> -> memref<!tpu.dma_semaphore, #tpu.memory_space<semaphore_mem>>
    tpu.enqueue_indirect_dma source(%dma_start3A_460 : memref<100000x128xf32, #tpu.memory_space<hbm>>) target(%dma_start3A_455 : memref<80x128xf32, #tpu.memory_space<vmem>>) offsets(%dma_start3A_457 : memref<80xi32, #tpu.memory_space<vmem>>) semaphore(%dma_start3A_462 : memref<!tpu.dma_semaphore, #tpu.memory_space<semaphore_mem>>)
    %dma_wait3A_463 = arith.constant 1 : i32
    %dma_wait3A_464 = arith.constant 1 : i32
    %dma_wait3A_465 = arith.constant 0 : i32
    %dma_wait3A_466 = arith.constant 0 : i32
    %dma_wait3A_467 = tpu.memref_slice %arg18[%dma_wait3A_463, %dma_wait3A_465, %dma_wait3A_466] : memref<4x80x128xf32, #tpu.memory_space<vmem>> -> memref<1x80x128xf32, #tpu.memory_space<vmem>>
    %dma_wait3A_468 = tpu.memref_squeeze %dma_wait3A_467 : memref<1x80x128xf32, #tpu.memory_space<vmem>> -> memref<80x128xf32, #tpu.memory_space<vmem>>
    %dma_wait3A_469 = arith.constant 80 : i32
    %dma_wait3A_470 = tpu.memref_slice %arg15[%dma_wait3A_469] : memref<320xi32, #tpu.memory_space<vmem>> -> memref<80xi32, #tpu.memory_space<vmem>>
    %dma_wait3A_471 = arith.constant 0 : i32
    %dma_wait3A_472 = arith.constant 0 : i32
    %dma_wait3A_473 = tpu.memref_slice %arg7[%dma_wait3A_471, %dma_wait3A_472] : memref<100000x128xf32, #tpu.memory_space<hbm>> -> memref<100000x128xf32, #tpu.memory_space<hbm>>
    %dma_wait3A_474 = tpu.memref_slice %arg23[%dma_wait3A_464] : memref<4x!tpu.dma_semaphore, #tpu.memory_space<semaphore_mem>> -> memref<1x!tpu.dma_semaphore, #tpu.memory_space<semaphore_mem>>
    %dma_wait3A_475 = tpu.memref_squeeze %dma_wait3A_474 : memref<1x!tpu.dma_semaphore, #tpu.memory_space<semaphore_mem>> -> memref<!tpu.dma_semaphore, #tpu.memory_space<semaphore_mem>>
    tpu.wait_indirect_dma semaphore(%dma_wait3A_475 : memref<!tpu.dma_semaphore, #tpu.memory_space<semaphore_mem>>) src(%dma_wait3A_473 : memref<100000x128xf32, #tpu.memory_space<hbm>>) dst(%dma_wait3A_468 : memref<80x128xf32, #tpu.memory_space<vmem>>)
    %add3A_476 = arith.constant 80 : i32
    %add3A_477 = arith.addi %mul3A_2, %add3A_476 : i32
    %dma_start3A_478 = arith.constant 1 : i32
    %dma_start3A_479 = arith.constant 1 : i32
    %dma_start3A_480 = arith.constant 1 : i32
    %dma_start3A_481 = arith.constant 0 : i32
    %dma_start3A_482 = arith.constant 0 : i32
    %dma_start3A_483 = tpu.memref_slice %arg18[%dma_start3A_478, %dma_start3A_481, %dma_start3A_482] : memref<4x80x128xf32, #tpu.memory_space<vmem>> -> memref<1x80x128xf32, #tpu.memory_space<vmem>>
    %dma_start3A_484 = tpu.memref_squeeze %dma_start3A_483 : memref<1x80x128xf32, #tpu.memory_space<vmem>> -> memref<80x128xf32, #tpu.memory_space<vmem>>
    %dma_start3A_485 = arith.constant 0 : i32
    %dma_start3A_486 = tpu.memref_slice %arg12[%dma_start3A_479, %add3A_477, %dma_start3A_485] : memref<4x10240x128xf32, #tpu.memory_space<hbm>> -> memref<1x80x128xf32, #tpu.memory_space<hbm>>
    %dma_start3A_487 = tpu.memref_squeeze %dma_start3A_486 : memref<1x80x128xf32, #tpu.memory_space<hbm>> -> memref<80x128xf32, #tpu.memory_space<hbm>>
    %dma_start3A_488 = tpu.memref_slice %arg24[%dma_start3A_480] : memref<4x!tpu.dma_semaphore, #tpu.memory_space<semaphore_mem>> -> memref<1x!tpu.dma_semaphore, #tpu.memory_space<semaphore_mem>>
    %dma_start3A_489 = tpu.memref_squeeze %dma_start3A_488 : memref<1x!tpu.dma_semaphore, #tpu.memory_space<semaphore_mem>> -> memref<!tpu.dma_semaphore, #tpu.memory_space<semaphore_mem>>
    %dma_start3A_490 = arith.constant 0 : i32
    %dma_start3A_491 = tpu.memref_slice %arg12[%dma_start3A_479, %add3A_477, %dma_start3A_490] : memref<4x10240x128xf32, #tpu.memory_space<hbm>> -> memref<1x80x128xf32, #tpu.memory_space<hbm>>
    %dma_start3A_492 = tpu.memref_squeeze %dma_start3A_491 : memref<1x80x128xf32, #tpu.memory_space<hbm>> -> memref<80x128xf32, #tpu.memory_space<hbm>>
    %dma_start3A_493 = arith.constant 0 : i32
    %dma_start3A_494 = arith.constant 0 : i32
    %dma_start3A_495 = tpu.memref_slice %arg18[%dma_start3A_478, %dma_start3A_493, %dma_start3A_494] : memref<4x80x128xf32, #tpu.memory_space<vmem>> -> memref<1x80x128xf32, #tpu.memory_space<vmem>>
    %dma_start3A_496 = tpu.memref_squeeze %dma_start3A_495 : memref<1x80x128xf32, #tpu.memory_space<vmem>> -> memref<80x128xf32, #tpu.memory_space<vmem>>
    tpu.enqueue_dma source(%dma_start3A_496 : memref<80x128xf32, #tpu.memory_space<vmem>>) target(%dma_start3A_492 : memref<80x128xf32, #tpu.memory_space<hbm>>) target_semaphore(%dma_start3A_489 : memref<!tpu.dma_semaphore, #tpu.memory_space<semaphore_mem>>)
    %dma_wait3A_497 = arith.constant 3 : i32
    %dma_wait3A_498 = arith.constant 0 : i32
    %dma_wait3A_499 = arith.constant 3 : i32
    %dma_wait3A_500 = arith.constant 0 : i32
    %dma_wait3A_501 = arith.constant 0 : i32
    %dma_wait3A_502 = tpu.memref_slice %arg18[%dma_wait3A_497, %dma_wait3A_500, %dma_wait3A_501] : memref<4x80x128xf32, #tpu.memory_space<vmem>> -> memref<1x80x128xf32, #tpu.memory_space<vmem>>
    %dma_wait3A_503 = tpu.memref_squeeze %dma_wait3A_502 : memref<1x80x128xf32, #tpu.memory_space<vmem>> -> memref<80x128xf32, #tpu.memory_space<vmem>>
    %dma_wait3A_504 = arith.constant 0 : i32
    %dma_wait3A_505 = tpu.memref_slice %arg12[%dma_wait3A_498, %add3A_341, %dma_wait3A_504] : memref<4x10240x128xf32, #tpu.memory_space<hbm>> -> memref<1x80x128xf32, #tpu.memory_space<hbm>>
    %dma_wait3A_506 = tpu.memref_squeeze %dma_wait3A_505 : memref<1x80x128xf32, #tpu.memory_space<hbm>> -> memref<80x128xf32, #tpu.memory_space<hbm>>
    %dma_wait3A_507 = tpu.memref_slice %arg24[%dma_wait3A_499] : memref<4x!tpu.dma_semaphore, #tpu.memory_space<semaphore_mem>> -> memref<1x!tpu.dma_semaphore, #tpu.memory_space<semaphore_mem>>
    %dma_wait3A_508 = tpu.memref_squeeze %dma_wait3A_507 : memref<1x!tpu.dma_semaphore, #tpu.memory_space<semaphore_mem>> -> memref<!tpu.dma_semaphore, #tpu.memory_space<semaphore_mem>>
    %dma_wait3A_509 = arith.constant 0 : i32
    %dma_wait3A_510 = tpu.memref_slice %arg12[%dma_wait3A_498, %add3A_341, %dma_wait3A_509] : memref<4x10240x128xf32, #tpu.memory_space<hbm>> -> memref<1x80x128xf32, #tpu.memory_space<hbm>>
    %dma_wait3A_511 = tpu.memref_squeeze %dma_wait3A_510 : memref<1x80x128xf32, #tpu.memory_space<hbm>> -> memref<80x128xf32, #tpu.memory_space<hbm>>
    %dma_wait3A_512 = arith.constant 0 : i32
    %dma_wait3A_513 = arith.constant 0 : i32
    %dma_wait3A_514 = tpu.memref_slice %arg18[%dma_wait3A_497, %dma_wait3A_512, %dma_wait3A_513] : memref<4x80x128xf32, #tpu.memory_space<vmem>> -> memref<1x80x128xf32, #tpu.memory_space<vmem>>
    %dma_wait3A_515 = tpu.memref_squeeze %dma_wait3A_514 : memref<1x80x128xf32, #tpu.memory_space<vmem>> -> memref<80x128xf32, #tpu.memory_space<vmem>>
    tpu.wait_dma2 semaphore(%dma_wait3A_508 : memref<!tpu.dma_semaphore, #tpu.memory_space<semaphore_mem>>) src(%dma_wait3A_515 : memref<80x128xf32, #tpu.memory_space<vmem>>) dst(%dma_wait3A_511 : memref<80x128xf32, #tpu.memory_space<hbm>>)
    %add3A_516 = arith.constant 240 : i32
    %add3A_517 = arith.addi %mul3A_2, %add3A_516 : i32
    %dma_start3A_518 = arith.constant 3 : i32
    %dma_start3A_519 = arith.constant 3 : i32
    %dma_start3A_520 = arith.constant 0 : i32
    %dma_start3A_521 = arith.constant 0 : i32
    %dma_start3A_522 = tpu.memref_slice %arg18[%dma_start3A_518, %dma_start3A_520, %dma_start3A_521] : memref<4x80x128xf32, #tpu.memory_space<vmem>> -> memref<1x80x128xf32, #tpu.memory_space<vmem>>
    %dma_start3A_523 = tpu.memref_squeeze %dma_start3A_522 : memref<1x80x128xf32, #tpu.memory_space<vmem>> -> memref<80x128xf32, #tpu.memory_space<vmem>>
    %dma_start3A_524 = arith.constant 240 : i32
    %dma_start3A_525 = tpu.memref_slice %arg15[%dma_start3A_524] : memref<320xi32, #tpu.memory_space<vmem>> -> memref<80xi32, #tpu.memory_space<vmem>>
    %dma_start3A_526 = arith.constant 0 : i32
    %dma_start3A_527 = arith.constant 0 : i32
    %dma_start3A_528 = tpu.memref_slice %arg7[%dma_start3A_526, %dma_start3A_527] : memref<100000x128xf32, #tpu.memory_space<hbm>> -> memref<100000x128xf32, #tpu.memory_space<hbm>>
    %dma_start3A_529 = tpu.memref_slice %arg23[%dma_start3A_519] : memref<4x!tpu.dma_semaphore, #tpu.memory_space<semaphore_mem>> -> memref<1x!tpu.dma_semaphore, #tpu.memory_space<semaphore_mem>>
    %dma_start3A_530 = tpu.memref_squeeze %dma_start3A_529 : memref<1x!tpu.dma_semaphore, #tpu.memory_space<semaphore_mem>> -> memref<!tpu.dma_semaphore, #tpu.memory_space<semaphore_mem>>
    tpu.enqueue_indirect_dma source(%dma_start3A_528 : memref<100000x128xf32, #tpu.memory_space<hbm>>) target(%dma_start3A_523 : memref<80x128xf32, #tpu.memory_space<vmem>>) offsets(%dma_start3A_525 : memref<80xi32, #tpu.memory_space<vmem>>) semaphore(%dma_start3A_530 : memref<!tpu.dma_semaphore, #tpu.memory_space<semaphore_mem>>)
    %dma_wait3A_531 = arith.constant 2 : i32
    %dma_wait3A_532 = arith.constant 2 : i32
    %dma_wait3A_533 = arith.constant 0 : i32
    %dma_wait3A_534 = arith.constant 0 : i32
    %dma_wait3A_535 = tpu.memref_slice %arg18[%dma_wait3A_531, %dma_wait3A_533, %dma_wait3A_534] : memref<4x80x128xf32, #tpu.memory_space<vmem>> -> memref<1x80x128xf32, #tpu.memory_space<vmem>>
    %dma_wait3A_536 = tpu.memref_squeeze %dma_wait3A_535 : memref<1x80x128xf32, #tpu.memory_space<vmem>> -> memref<80x128xf32, #tpu.memory_space<vmem>>
    %dma_wait3A_537 = arith.constant 160 : i32
    %dma_wait3A_538 = tpu.memref_slice %arg15[%dma_wait3A_537] : memref<320xi32, #tpu.memory_space<vmem>> -> memref<80xi32, #tpu.memory_space<vmem>>
    %dma_wait3A_539 = arith.constant 0 : i32
    %dma_wait3A_540 = arith.constant 0 : i32
    %dma_wait3A_541 = tpu.memref_slice %arg7[%dma_wait3A_539, %dma_wait3A_540] : memref<100000x128xf32, #tpu.memory_space<hbm>> -> memref<100000x128xf32, #tpu.memory_space<hbm>>
    %dma_wait3A_542 = tpu.memref_slice %arg23[%dma_wait3A_532] : memref<4x!tpu.dma_semaphore, #tpu.memory_space<semaphore_mem>> -> memref<1x!tpu.dma_semaphore, #tpu.memory_space<semaphore_mem>>
    %dma_wait3A_543 = tpu.memref_squeeze %dma_wait3A_542 : memref<1x!tpu.dma_semaphore, #tpu.memory_space<semaphore_mem>> -> memref<!tpu.dma_semaphore, #tpu.memory_space<semaphore_mem>>
    tpu.wait_indirect_dma semaphore(%dma_wait3A_543 : memref<!tpu.dma_semaphore, #tpu.memory_space<semaphore_mem>>) src(%dma_wait3A_541 : memref<100000x128xf32, #tpu.memory_space<hbm>>) dst(%dma_wait3A_536 : memref<80x128xf32, #tpu.memory_space<vmem>>)
    %add3A_544 = arith.constant 160 : i32
    %add3A_545 = arith.addi %mul3A_2, %add3A_544 : i32
    %dma_start3A_546 = arith.constant 2 : i32
    %dma_start3A_547 = arith.constant 1 : i32
    %dma_start3A_548 = arith.constant 2 : i32
    %dma_start3A_549 = arith.constant 0 : i32
    %dma_start3A_550 = arith.constant 0 : i32
    %dma_start3A_551 = tpu.memref_slice %arg18[%dma_start3A_546, %dma_start3A_549, %dma_start3A_550] : memref<4x80x128xf32, #tpu.memory_space<vmem>> -> memref<1x80x128xf32, #tpu.memory_space<vmem>>
    %dma_start3A_552 = tpu.memref_squeeze %dma_start3A_551 : memref<1x80x128xf32, #tpu.memory_space<vmem>> -> memref<80x128xf32, #tpu.memory_space<vmem>>
    %dma_start3A_553 = arith.constant 0 : i32
    %dma_start3A_554 = tpu.memref_slice %arg12[%dma_start3A_547, %add3A_545, %dma_start3A_553] : memref<4x10240x128xf32, #tpu.memory_space<hbm>> -> memref<1x80x128xf32, #tpu.memory_space<hbm>>
    %dma_start3A_555 = tpu.memref_squeeze %dma_start3A_554 : memref<1x80x128xf32, #tpu.memory_space<hbm>> -> memref<80x128xf32, #tpu.memory_space<hbm>>
    %dma_start3A_556 = tpu.memref_slice %arg24[%dma_start3A_548] : memref<4x!tpu.dma_semaphore, #tpu.memory_space<semaphore_mem>> -> memref<1x!tpu.dma_semaphore, #tpu.memory_space<semaphore_mem>>
    %dma_start3A_557 = tpu.memref_squeeze %dma_start3A_556 : memref<1x!tpu.dma_semaphore, #tpu.memory_space<semaphore_mem>> -> memref<!tpu.dma_semaphore, #tpu.memory_space<semaphore_mem>>
    %dma_start3A_558 = arith.constant 0 : i32
    %dma_start3A_559 = tpu.memref_slice %arg12[%dma_start3A_547, %add3A_545, %dma_start3A_558] : memref<4x10240x128xf32, #tpu.memory_space<hbm>> -> memref<1x80x128xf32, #tpu.memory_space<hbm>>
    %dma_start3A_560 = tpu.memref_squeeze %dma_start3A_559 : memref<1x80x128xf32, #tpu.memory_space<hbm>> -> memref<80x128xf32, #tpu.memory_space<hbm>>
    %dma_start3A_561 = arith.constant 0 : i32
    %dma_start3A_562 = arith.constant 0 : i32
    %dma_start3A_563 = tpu.memref_slice %arg18[%dma_start3A_546, %dma_start3A_561, %dma_start3A_562] : memref<4x80x128xf32, #tpu.memory_space<vmem>> -> memref<1x80x128xf32, #tpu.memory_space<vmem>>
    %dma_start3A_564 = tpu.memref_squeeze %dma_start3A_563 : memref<1x80x128xf32, #tpu.memory_space<vmem>> -> memref<80x128xf32, #tpu.memory_space<vmem>>
    tpu.enqueue_dma source(%dma_start3A_564 : memref<80x128xf32, #tpu.memory_space<vmem>>) target(%dma_start3A_560 : memref<80x128xf32, #tpu.memory_space<hbm>>) target_semaphore(%dma_start3A_557 : memref<!tpu.dma_semaphore, #tpu.memory_space<semaphore_mem>>)
    %dma_wait3A_565 = arith.constant 0 : i32
    %dma_wait3A_566 = arith.constant 1 : i32
    %dma_wait3A_567 = arith.constant 0 : i32
    %dma_wait3A_568 = arith.constant 0 : i32
    %dma_wait3A_569 = arith.constant 0 : i32
    %dma_wait3A_570 = tpu.memref_slice %arg18[%dma_wait3A_565, %dma_wait3A_568, %dma_wait3A_569] : memref<4x80x128xf32, #tpu.memory_space<vmem>> -> memref<1x80x128xf32, #tpu.memory_space<vmem>>
    %dma_wait3A_571 = tpu.memref_squeeze %dma_wait3A_570 : memref<1x80x128xf32, #tpu.memory_space<vmem>> -> memref<80x128xf32, #tpu.memory_space<vmem>>
    %dma_wait3A_572 = arith.constant 0 : i32
    %dma_wait3A_573 = tpu.memref_slice %arg12[%dma_wait3A_566, %add3A_409, %dma_wait3A_572] : memref<4x10240x128xf32, #tpu.memory_space<hbm>> -> memref<1x80x128xf32, #tpu.memory_space<hbm>>
    %dma_wait3A_574 = tpu.memref_squeeze %dma_wait3A_573 : memref<1x80x128xf32, #tpu.memory_space<hbm>> -> memref<80x128xf32, #tpu.memory_space<hbm>>
    %dma_wait3A_575 = tpu.memref_slice %arg24[%dma_wait3A_567] : memref<4x!tpu.dma_semaphore, #tpu.memory_space<semaphore_mem>> -> memref<1x!tpu.dma_semaphore, #tpu.memory_space<semaphore_mem>>
    %dma_wait3A_576 = tpu.memref_squeeze %dma_wait3A_575 : memref<1x!tpu.dma_semaphore, #tpu.memory_space<semaphore_mem>> -> memref<!tpu.dma_semaphore, #tpu.memory_space<semaphore_mem>>
    %dma_wait3A_577 = arith.constant 0 : i32
    %dma_wait3A_578 = tpu.memref_slice %arg12[%dma_wait3A_566, %add3A_409, %dma_wait3A_577] : memref<4x10240x128xf32, #tpu.memory_space<hbm>> -> memref<1x80x128xf32, #tpu.memory_space<hbm>>
    %dma_wait3A_579 = tpu.memref_squeeze %dma_wait3A_578 : memref<1x80x128xf32, #tpu.memory_space<hbm>> -> memref<80x128xf32, #tpu.memory_space<hbm>>
    %dma_wait3A_580 = arith.constant 0 : i32
    %dma_wait3A_581 = arith.constant 0 : i32
    %dma_wait3A_582 = tpu.memref_slice %arg18[%dma_wait3A_565, %dma_wait3A_580, %dma_wait3A_581] : memref<4x80x128xf32, #tpu.memory_space<vmem>> -> memref<1x80x128xf32, #tpu.memory_space<vmem>>
    %dma_wait3A_583 = tpu.memref_squeeze %dma_wait3A_582 : memref<1x80x128xf32, #tpu.memory_space<vmem>> -> memref<80x128xf32, #tpu.memory_space<vmem>>
    tpu.wait_dma2 semaphore(%dma_wait3A_576 : memref<!tpu.dma_semaphore, #tpu.memory_space<semaphore_mem>>) src(%dma_wait3A_583 : memref<80x128xf32, #tpu.memory_space<vmem>>) dst(%dma_wait3A_579 : memref<80x128xf32, #tpu.memory_space<hbm>>)
    %add3A_584 = arith.constant 0 : i32
    %add3A_585 = arith.addi %mul3A_2, %add3A_584 : i32
    %dma_start3A_586 = arith.constant 0 : i32
    %dma_start3A_587 = arith.constant 0 : i32
    %dma_start3A_588 = arith.constant 0 : i32
    %dma_start3A_589 = arith.constant 0 : i32
    %dma_start3A_590 = tpu.memref_slice %arg18[%dma_start3A_586, %dma_start3A_588, %dma_start3A_589] : memref<4x80x128xf32, #tpu.memory_space<vmem>> -> memref<1x80x128xf32, #tpu.memory_space<vmem>>
    %dma_start3A_591 = tpu.memref_squeeze %dma_start3A_590 : memref<1x80x128xf32, #tpu.memory_space<vmem>> -> memref<80x128xf32, #tpu.memory_space<vmem>>
    %dma_start3A_592 = arith.constant 0 : i32
    %dma_start3A_593 = tpu.memref_slice %arg16[%dma_start3A_592] : memref<320xi32, #tpu.memory_space<vmem>> -> memref<80xi32, #tpu.memory_space<vmem>>
    %dma_start3A_594 = arith.constant 0 : i32
    %dma_start3A_595 = arith.constant 0 : i32
    %dma_start3A_596 = tpu.memref_slice %arg8[%dma_start3A_594, %dma_start3A_595] : memref<100000x128xf32, #tpu.memory_space<hbm>> -> memref<100000x128xf32, #tpu.memory_space<hbm>>
    %dma_start3A_597 = tpu.memref_slice %arg23[%dma_start3A_587] : memref<4x!tpu.dma_semaphore, #tpu.memory_space<semaphore_mem>> -> memref<1x!tpu.dma_semaphore, #tpu.memory_space<semaphore_mem>>
    %dma_start3A_598 = tpu.memref_squeeze %dma_start3A_597 : memref<1x!tpu.dma_semaphore, #tpu.memory_space<semaphore_mem>> -> memref<!tpu.dma_semaphore, #tpu.memory_space<semaphore_mem>>
    tpu.enqueue_indirect_dma source(%dma_start3A_596 : memref<100000x128xf32, #tpu.memory_space<hbm>>) target(%dma_start3A_591 : memref<80x128xf32, #tpu.memory_space<vmem>>) offsets(%dma_start3A_593 : memref<80xi32, #tpu.memory_space<vmem>>) semaphore(%dma_start3A_598 : memref<!tpu.dma_semaphore, #tpu.memory_space<semaphore_mem>>)
    %dma_wait3A_599 = arith.constant 3 : i32
    %dma_wait3A_600 = arith.constant 3 : i32
    %dma_wait3A_601 = arith.constant 0 : i32
    %dma_wait3A_602 = arith.constant 0 : i32
    %dma_wait3A_603 = tpu.memref_slice %arg18[%dma_wait3A_599, %dma_wait3A_601, %dma_wait3A_602] : memref<4x80x128xf32, #tpu.memory_space<vmem>> -> memref<1x80x128xf32, #tpu.memory_space<vmem>>
    %dma_wait3A_604 = tpu.memref_squeeze %dma_wait3A_603 : memref<1x80x128xf32, #tpu.memory_space<vmem>> -> memref<80x128xf32, #tpu.memory_space<vmem>>
    %dma_wait3A_605 = arith.constant 240 : i32
    %dma_wait3A_606 = tpu.memref_slice %arg15[%dma_wait3A_605] : memref<320xi32, #tpu.memory_space<vmem>> -> memref<80xi32, #tpu.memory_space<vmem>>
    %dma_wait3A_607 = arith.constant 0 : i32
    %dma_wait3A_608 = arith.constant 0 : i32
    %dma_wait3A_609 = tpu.memref_slice %arg7[%dma_wait3A_607, %dma_wait3A_608] : memref<100000x128xf32, #tpu.memory_space<hbm>> -> memref<100000x128xf32, #tpu.memory_space<hbm>>
    %dma_wait3A_610 = tpu.memref_slice %arg23[%dma_wait3A_600] : memref<4x!tpu.dma_semaphore, #tpu.memory_space<semaphore_mem>> -> memref<1x!tpu.dma_semaphore, #tpu.memory_space<semaphore_mem>>
    %dma_wait3A_611 = tpu.memref_squeeze %dma_wait3A_610 : memref<1x!tpu.dma_semaphore, #tpu.memory_space<semaphore_mem>> -> memref<!tpu.dma_semaphore, #tpu.memory_space<semaphore_mem>>
    tpu.wait_indirect_dma semaphore(%dma_wait3A_611 : memref<!tpu.dma_semaphore, #tpu.memory_space<semaphore_mem>>) src(%dma_wait3A_609 : memref<100000x128xf32, #tpu.memory_space<hbm>>) dst(%dma_wait3A_604 : memref<80x128xf32, #tpu.memory_space<vmem>>)
    %add3A_612 = arith.constant 240 : i32
    %add3A_613 = arith.addi %mul3A_2, %add3A_612 : i32
    %dma_start3A_614 = arith.constant 3 : i32
    %dma_start3A_615 = arith.constant 1 : i32
    %dma_start3A_616 = arith.constant 3 : i32
    %dma_start3A_617 = arith.constant 0 : i32
    %dma_start3A_618 = arith.constant 0 : i32
    %dma_start3A_619 = tpu.memref_slice %arg18[%dma_start3A_614, %dma_start3A_617, %dma_start3A_618] : memref<4x80x128xf32, #tpu.memory_space<vmem>> -> memref<1x80x128xf32, #tpu.memory_space<vmem>>
    %dma_start3A_620 = tpu.memref_squeeze %dma_start3A_619 : memref<1x80x128xf32, #tpu.memory_space<vmem>> -> memref<80x128xf32, #tpu.memory_space<vmem>>
    %dma_start3A_621 = arith.constant 0 : i32
    %dma_start3A_622 = tpu.memref_slice %arg12[%dma_start3A_615, %add3A_613, %dma_start3A_621] : memref<4x10240x128xf32, #tpu.memory_space<hbm>> -> memref<1x80x128xf32, #tpu.memory_space<hbm>>
    %dma_start3A_623 = tpu.memref_squeeze %dma_start3A_622 : memref<1x80x128xf32, #tpu.memory_space<hbm>> -> memref<80x128xf32, #tpu.memory_space<hbm>>
    %dma_start3A_624 = tpu.memref_slice %arg24[%dma_start3A_616] : memref<4x!tpu.dma_semaphore, #tpu.memory_space<semaphore_mem>> -> memref<1x!tpu.dma_semaphore, #tpu.memory_space<semaphore_mem>>
    %dma_start3A_625 = tpu.memref_squeeze %dma_start3A_624 : memref<1x!tpu.dma_semaphore, #tpu.memory_space<semaphore_mem>> -> memref<!tpu.dma_semaphore, #tpu.memory_space<semaphore_mem>>
    %dma_start3A_626 = arith.constant 0 : i32
    %dma_start3A_627 = tpu.memref_slice %arg12[%dma_start3A_615, %add3A_613, %dma_start3A_626] : memref<4x10240x128xf32, #tpu.memory_space<hbm>> -> memref<1x80x128xf32, #tpu.memory_space<hbm>>
    %dma_start3A_628 = tpu.memref_squeeze %dma_start3A_627 : memref<1x80x128xf32, #tpu.memory_space<hbm>> -> memref<80x128xf32, #tpu.memory_space<hbm>>
    %dma_start3A_629 = arith.constant 0 : i32
    %dma_start3A_630 = arith.constant 0 : i32
    %dma_start3A_631 = tpu.memref_slice %arg18[%dma_start3A_614, %dma_start3A_629, %dma_start3A_630] : memref<4x80x128xf32, #tpu.memory_space<vmem>> -> memref<1x80x128xf32, #tpu.memory_space<vmem>>
    %dma_start3A_632 = tpu.memref_squeeze %dma_start3A_631 : memref<1x80x128xf32, #tpu.memory_space<vmem>> -> memref<80x128xf32, #tpu.memory_space<vmem>>
    tpu.enqueue_dma source(%dma_start3A_632 : memref<80x128xf32, #tpu.memory_space<vmem>>) target(%dma_start3A_628 : memref<80x128xf32, #tpu.memory_space<hbm>>) target_semaphore(%dma_start3A_625 : memref<!tpu.dma_semaphore, #tpu.memory_space<semaphore_mem>>)
    %dma_wait3A_633 = arith.constant 1 : i32
    %dma_wait3A_634 = arith.constant 1 : i32
    %dma_wait3A_635 = arith.constant 1 : i32
    %dma_wait3A_636 = arith.constant 0 : i32
    %dma_wait3A_637 = arith.constant 0 : i32
    %dma_wait3A_638 = tpu.memref_slice %arg18[%dma_wait3A_633, %dma_wait3A_636, %dma_wait3A_637] : memref<4x80x128xf32, #tpu.memory_space<vmem>> -> memref<1x80x128xf32, #tpu.memory_space<vmem>>
    %dma_wait3A_639 = tpu.memref_squeeze %dma_wait3A_638 : memref<1x80x128xf32, #tpu.memory_space<vmem>> -> memref<80x128xf32, #tpu.memory_space<vmem>>
    %dma_wait3A_640 = arith.constant 0 : i32
    %dma_wait3A_641 = tpu.memref_slice %arg12[%dma_wait3A_634, %add3A_477, %dma_wait3A_640] : memref<4x10240x128xf32, #tpu.memory_space<hbm>> -> memref<1x80x128xf32, #tpu.memory_space<hbm>>
    %dma_wait3A_642 = tpu.memref_squeeze %dma_wait3A_641 : memref<1x80x128xf32, #tpu.memory_space<hbm>> -> memref<80x128xf32, #tpu.memory_space<hbm>>
    %dma_wait3A_643 = tpu.memref_slice %arg24[%dma_wait3A_635] : memref<4x!tpu.dma_semaphore, #tpu.memory_space<semaphore_mem>> -> memref<1x!tpu.dma_semaphore, #tpu.memory_space<semaphore_mem>>
    %dma_wait3A_644 = tpu.memref_squeeze %dma_wait3A_643 : memref<1x!tpu.dma_semaphore, #tpu.memory_space<semaphore_mem>> -> memref<!tpu.dma_semaphore, #tpu.memory_space<semaphore_mem>>
    %dma_wait3A_645 = arith.constant 0 : i32
    %dma_wait3A_646 = tpu.memref_slice %arg12[%dma_wait3A_634, %add3A_477, %dma_wait3A_645] : memref<4x10240x128xf32, #tpu.memory_space<hbm>> -> memref<1x80x128xf32, #tpu.memory_space<hbm>>
    %dma_wait3A_647 = tpu.memref_squeeze %dma_wait3A_646 : memref<1x80x128xf32, #tpu.memory_space<hbm>> -> memref<80x128xf32, #tpu.memory_space<hbm>>
    %dma_wait3A_648 = arith.constant 0 : i32
    %dma_wait3A_649 = arith.constant 0 : i32
    %dma_wait3A_650 = tpu.memref_slice %arg18[%dma_wait3A_633, %dma_wait3A_648, %dma_wait3A_649] : memref<4x80x128xf32, #tpu.memory_space<vmem>> -> memref<1x80x128xf32, #tpu.memory_space<vmem>>
    %dma_wait3A_651 = tpu.memref_squeeze %dma_wait3A_650 : memref<1x80x128xf32, #tpu.memory_space<vmem>> -> memref<80x128xf32, #tpu.memory_space<vmem>>
    tpu.wait_dma2 semaphore(%dma_wait3A_644 : memref<!tpu.dma_semaphore, #tpu.memory_space<semaphore_mem>>) src(%dma_wait3A_651 : memref<80x128xf32, #tpu.memory_space<vmem>>) dst(%dma_wait3A_647 : memref<80x128xf32, #tpu.memory_space<hbm>>)
    %add3A_652 = arith.constant 80 : i32
    %add3A_653 = arith.addi %mul3A_2, %add3A_652 : i32
    %dma_start3A_654 = arith.constant 1 : i32
    %dma_start3A_655 = arith.constant 1 : i32
    %dma_start3A_656 = arith.constant 0 : i32
    %dma_start3A_657 = arith.constant 0 : i32
    %dma_start3A_658 = tpu.memref_slice %arg18[%dma_start3A_654, %dma_start3A_656, %dma_start3A_657] : memref<4x80x128xf32, #tpu.memory_space<vmem>> -> memref<1x80x128xf32, #tpu.memory_space<vmem>>
    %dma_start3A_659 = tpu.memref_squeeze %dma_start3A_658 : memref<1x80x128xf32, #tpu.memory_space<vmem>> -> memref<80x128xf32, #tpu.memory_space<vmem>>
    %dma_start3A_660 = arith.constant 80 : i32
    %dma_start3A_661 = tpu.memref_slice %arg16[%dma_start3A_660] : memref<320xi32, #tpu.memory_space<vmem>> -> memref<80xi32, #tpu.memory_space<vmem>>
    %dma_start3A_662 = arith.constant 0 : i32
    %dma_start3A_663 = arith.constant 0 : i32
    %dma_start3A_664 = tpu.memref_slice %arg8[%dma_start3A_662, %dma_start3A_663] : memref<100000x128xf32, #tpu.memory_space<hbm>> -> memref<100000x128xf32, #tpu.memory_space<hbm>>
    %dma_start3A_665 = tpu.memref_slice %arg23[%dma_start3A_655] : memref<4x!tpu.dma_semaphore, #tpu.memory_space<semaphore_mem>> -> memref<1x!tpu.dma_semaphore, #tpu.memory_space<semaphore_mem>>
    %dma_start3A_666 = tpu.memref_squeeze %dma_start3A_665 : memref<1x!tpu.dma_semaphore, #tpu.memory_space<semaphore_mem>> -> memref<!tpu.dma_semaphore, #tpu.memory_space<semaphore_mem>>
    tpu.enqueue_indirect_dma source(%dma_start3A_664 : memref<100000x128xf32, #tpu.memory_space<hbm>>) target(%dma_start3A_659 : memref<80x128xf32, #tpu.memory_space<vmem>>) offsets(%dma_start3A_661 : memref<80xi32, #tpu.memory_space<vmem>>) semaphore(%dma_start3A_666 : memref<!tpu.dma_semaphore, #tpu.memory_space<semaphore_mem>>)
    %dma_wait3A_667 = arith.constant 0 : i32
    %dma_wait3A_668 = arith.constant 0 : i32
    %dma_wait3A_669 = arith.constant 0 : i32
    %dma_wait3A_670 = arith.constant 0 : i32
    %dma_wait3A_671 = tpu.memref_slice %arg18[%dma_wait3A_667, %dma_wait3A_669, %dma_wait3A_670] : memref<4x80x128xf32, #tpu.memory_space<vmem>> -> memref<1x80x128xf32, #tpu.memory_space<vmem>>
    %dma_wait3A_672 = tpu.memref_squeeze %dma_wait3A_671 : memref<1x80x128xf32, #tpu.memory_space<vmem>> -> memref<80x128xf32, #tpu.memory_space<vmem>>
    %dma_wait3A_673 = arith.constant 0 : i32
    %dma_wait3A_674 = tpu.memref_slice %arg16[%dma_wait3A_673] : memref<320xi32, #tpu.memory_space<vmem>> -> memref<80xi32, #tpu.memory_space<vmem>>
    %dma_wait3A_675 = arith.constant 0 : i32
    %dma_wait3A_676 = arith.constant 0 : i32
    %dma_wait3A_677 = tpu.memref_slice %arg8[%dma_wait3A_675, %dma_wait3A_676] : memref<100000x128xf32, #tpu.memory_space<hbm>> -> memref<100000x128xf32, #tpu.memory_space<hbm>>
    %dma_wait3A_678 = tpu.memref_slice %arg23[%dma_wait3A_668] : memref<4x!tpu.dma_semaphore, #tpu.memory_space<semaphore_mem>> -> memref<1x!tpu.dma_semaphore, #tpu.memory_space<semaphore_mem>>
    %dma_wait3A_679 = tpu.memref_squeeze %dma_wait3A_678 : memref<1x!tpu.dma_semaphore, #tpu.memory_space<semaphore_mem>> -> memref<!tpu.dma_semaphore, #tpu.memory_space<semaphore_mem>>
    tpu.wait_indirect_dma semaphore(%dma_wait3A_679 : memref<!tpu.dma_semaphore, #tpu.memory_space<semaphore_mem>>) src(%dma_wait3A_677 : memref<100000x128xf32, #tpu.memory_space<hbm>>) dst(%dma_wait3A_672 : memref<80x128xf32, #tpu.memory_space<vmem>>)
    %add3A_680 = arith.constant 0 : i32
    %add3A_681 = arith.addi %mul3A_2, %add3A_680 : i32
    %dma_start3A_682 = arith.constant 0 : i32
    %dma_start3A_683 = arith.constant 2 : i32
    %dma_start3A_684 = arith.constant 0 : i32
    %dma_start3A_685 = arith.constant 0 : i32
    %dma_start3A_686 = arith.constant 0 : i32
    %dma_start3A_687 = tpu.memref_slice %arg18[%dma_start3A_682, %dma_start3A_685, %dma_start3A_686] : memref<4x80x128xf32, #tpu.memory_space<vmem>> -> memref<1x80x128xf32, #tpu.memory_space<vmem>>
    %dma_start3A_688 = tpu.memref_squeeze %dma_start3A_687 : memref<1x80x128xf32, #tpu.memory_space<vmem>> -> memref<80x128xf32, #tpu.memory_space<vmem>>
    %dma_start3A_689 = arith.constant 0 : i32
    %dma_start3A_690 = tpu.memref_slice %arg12[%dma_start3A_683, %add3A_681, %dma_start3A_689] : memref<4x10240x128xf32, #tpu.memory_space<hbm>> -> memref<1x80x128xf32, #tpu.memory_space<hbm>>
    %dma_start3A_691 = tpu.memref_squeeze %dma_start3A_690 : memref<1x80x128xf32, #tpu.memory_space<hbm>> -> memref<80x128xf32, #tpu.memory_space<hbm>>
    %dma_start3A_692 = tpu.memref_slice %arg24[%dma_start3A_684] : memref<4x!tpu.dma_semaphore, #tpu.memory_space<semaphore_mem>> -> memref<1x!tpu.dma_semaphore, #tpu.memory_space<semaphore_mem>>
    %dma_start3A_693 = tpu.memref_squeeze %dma_start3A_692 : memref<1x!tpu.dma_semaphore, #tpu.memory_space<semaphore_mem>> -> memref<!tpu.dma_semaphore, #tpu.memory_space<semaphore_mem>>
    %dma_start3A_694 = arith.constant 0 : i32
    %dma_start3A_695 = tpu.memref_slice %arg12[%dma_start3A_683, %add3A_681, %dma_start3A_694] : memref<4x10240x128xf32, #tpu.memory_space<hbm>> -> memref<1x80x128xf32, #tpu.memory_space<hbm>>
    %dma_start3A_696 = tpu.memref_squeeze %dma_start3A_695 : memref<1x80x128xf32, #tpu.memory_space<hbm>> -> memref<80x128xf32, #tpu.memory_space<hbm>>
    %dma_start3A_697 = arith.constant 0 : i32
    %dma_start3A_698 = arith.constant 0 : i32
    %dma_start3A_699 = tpu.memref_slice %arg18[%dma_start3A_682, %dma_start3A_697, %dma_start3A_698] : memref<4x80x128xf32, #tpu.memory_space<vmem>> -> memref<1x80x128xf32, #tpu.memory_space<vmem>>
    %dma_start3A_700 = tpu.memref_squeeze %dma_start3A_699 : memref<1x80x128xf32, #tpu.memory_space<vmem>> -> memref<80x128xf32, #tpu.memory_space<vmem>>
    tpu.enqueue_dma source(%dma_start3A_700 : memref<80x128xf32, #tpu.memory_space<vmem>>) target(%dma_start3A_696 : memref<80x128xf32, #tpu.memory_space<hbm>>) target_semaphore(%dma_start3A_693 : memref<!tpu.dma_semaphore, #tpu.memory_space<semaphore_mem>>)
    %dma_wait3A_701 = arith.constant 2 : i32
    %dma_wait3A_702 = arith.constant 1 : i32
    %dma_wait3A_703 = arith.constant 2 : i32
    %dma_wait3A_704 = arith.constant 0 : i32
    %dma_wait3A_705 = arith.constant 0 : i32
    %dma_wait3A_706 = tpu.memref_slice %arg18[%dma_wait3A_701, %dma_wait3A_704, %dma_wait3A_705] : memref<4x80x128xf32, #tpu.memory_space<vmem>> -> memref<1x80x128xf32, #tpu.memory_space<vmem>>
    %dma_wait3A_707 = tpu.memref_squeeze %dma_wait3A_706 : memref<1x80x128xf32, #tpu.memory_space<vmem>> -> memref<80x128xf32, #tpu.memory_space<vmem>>
    %dma_wait3A_708 = arith.constant 0 : i32
    %dma_wait3A_709 = tpu.memref_slice %arg12[%dma_wait3A_702, %add3A_545, %dma_wait3A_708] : memref<4x10240x128xf32, #tpu.memory_space<hbm>> -> memref<1x80x128xf32, #tpu.memory_space<hbm>>
    %dma_wait3A_710 = tpu.memref_squeeze %dma_wait3A_709 : memref<1x80x128xf32, #tpu.memory_space<hbm>> -> memref<80x128xf32, #tpu.memory_space<hbm>>
    %dma_wait3A_711 = tpu.memref_slice %arg24[%dma_wait3A_703] : memref<4x!tpu.dma_semaphore, #tpu.memory_space<semaphore_mem>> -> memref<1x!tpu.dma_semaphore, #tpu.memory_space<semaphore_mem>>
    %dma_wait3A_712 = tpu.memref_squeeze %dma_wait3A_711 : memref<1x!tpu.dma_semaphore, #tpu.memory_space<semaphore_mem>> -> memref<!tpu.dma_semaphore, #tpu.memory_space<semaphore_mem>>
    %dma_wait3A_713 = arith.constant 0 : i32
    %dma_wait3A_714 = tpu.memref_slice %arg12[%dma_wait3A_702, %add3A_545, %dma_wait3A_713] : memref<4x10240x128xf32, #tpu.memory_space<hbm>> -> memref<1x80x128xf32, #tpu.memory_space<hbm>>
    %dma_wait3A_715 = tpu.memref_squeeze %dma_wait3A_714 : memref<1x80x128xf32, #tpu.memory_space<hbm>> -> memref<80x128xf32, #tpu.memory_space<hbm>>
    %dma_wait3A_716 = arith.constant 0 : i32
    %dma_wait3A_717 = arith.constant 0 : i32
    %dma_wait3A_718 = tpu.memref_slice %arg18[%dma_wait3A_701, %dma_wait3A_716, %dma_wait3A_717] : memref<4x80x128xf32, #tpu.memory_space<vmem>> -> memref<1x80x128xf32, #tpu.memory_space<vmem>>
    %dma_wait3A_719 = tpu.memref_squeeze %dma_wait3A_718 : memref<1x80x128xf32, #tpu.memory_space<vmem>> -> memref<80x128xf32, #tpu.memory_space<vmem>>
    tpu.wait_dma2 semaphore(%dma_wait3A_712 : memref<!tpu.dma_semaphore, #tpu.memory_space<semaphore_mem>>) src(%dma_wait3A_719 : memref<80x128xf32, #tpu.memory_space<vmem>>) dst(%dma_wait3A_715 : memref<80x128xf32, #tpu.memory_space<hbm>>)
    %add3A_720 = arith.constant 160 : i32
    %add3A_721 = arith.addi %mul3A_2, %add3A_720 : i32
    %dma_start3A_722 = arith.constant 2 : i32
    %dma_start3A_723 = arith.constant 2 : i32
    %dma_start3A_724 = arith.constant 0 : i32
    %dma_start3A_725 = arith.constant 0 : i32
    %dma_start3A_726 = tpu.memref_slice %arg18[%dma_start3A_722, %dma_start3A_724, %dma_start3A_725] : memref<4x80x128xf32, #tpu.memory_space<vmem>> -> memref<1x80x128xf32, #tpu.memory_space<vmem>>
    %dma_start3A_727 = tpu.memref_squeeze %dma_start3A_726 : memref<1x80x128xf32, #tpu.memory_space<vmem>> -> memref<80x128xf32, #tpu.memory_space<vmem>>
    %dma_start3A_728 = arith.constant 160 : i32
    %dma_start3A_729 = tpu.memref_slice %arg16[%dma_start3A_728] : memref<320xi32, #tpu.memory_space<vmem>> -> memref<80xi32, #tpu.memory_space<vmem>>
    %dma_start3A_730 = arith.constant 0 : i32
    %dma_start3A_731 = arith.constant 0 : i32
    %dma_start3A_732 = tpu.memref_slice %arg8[%dma_start3A_730, %dma_start3A_731] : memref<100000x128xf32, #tpu.memory_space<hbm>> -> memref<100000x128xf32, #tpu.memory_space<hbm>>
    %dma_start3A_733 = tpu.memref_slice %arg23[%dma_start3A_723] : memref<4x!tpu.dma_semaphore, #tpu.memory_space<semaphore_mem>> -> memref<1x!tpu.dma_semaphore, #tpu.memory_space<semaphore_mem>>
    %dma_start3A_734 = tpu.memref_squeeze %dma_start3A_733 : memref<1x!tpu.dma_semaphore, #tpu.memory_space<semaphore_mem>> -> memref<!tpu.dma_semaphore, #tpu.memory_space<semaphore_mem>>
    tpu.enqueue_indirect_dma source(%dma_start3A_732 : memref<100000x128xf32, #tpu.memory_space<hbm>>) target(%dma_start3A_727 : memref<80x128xf32, #tpu.memory_space<vmem>>) offsets(%dma_start3A_729 : memref<80xi32, #tpu.memory_space<vmem>>) semaphore(%dma_start3A_734 : memref<!tpu.dma_semaphore, #tpu.memory_space<semaphore_mem>>)
    %dma_wait3A_735 = arith.constant 1 : i32
    %dma_wait3A_736 = arith.constant 1 : i32
    %dma_wait3A_737 = arith.constant 0 : i32
    %dma_wait3A_738 = arith.constant 0 : i32
    %dma_wait3A_739 = tpu.memref_slice %arg18[%dma_wait3A_735, %dma_wait3A_737, %dma_wait3A_738] : memref<4x80x128xf32, #tpu.memory_space<vmem>> -> memref<1x80x128xf32, #tpu.memory_space<vmem>>
    %dma_wait3A_740 = tpu.memref_squeeze %dma_wait3A_739 : memref<1x80x128xf32, #tpu.memory_space<vmem>> -> memref<80x128xf32, #tpu.memory_space<vmem>>
    %dma_wait3A_741 = arith.constant 80 : i32
    %dma_wait3A_742 = tpu.memref_slice %arg16[%dma_wait3A_741] : memref<320xi32, #tpu.memory_space<vmem>> -> memref<80xi32, #tpu.memory_space<vmem>>
    %dma_wait3A_743 = arith.constant 0 : i32
    %dma_wait3A_744 = arith.constant 0 : i32
    %dma_wait3A_745 = tpu.memref_slice %arg8[%dma_wait3A_743, %dma_wait3A_744] : memref<100000x128xf32, #tpu.memory_space<hbm>> -> memref<100000x128xf32, #tpu.memory_space<hbm>>
    %dma_wait3A_746 = tpu.memref_slice %arg23[%dma_wait3A_736] : memref<4x!tpu.dma_semaphore, #tpu.memory_space<semaphore_mem>> -> memref<1x!tpu.dma_semaphore, #tpu.memory_space<semaphore_mem>>
    %dma_wait3A_747 = tpu.memref_squeeze %dma_wait3A_746 : memref<1x!tpu.dma_semaphore, #tpu.memory_space<semaphore_mem>> -> memref<!tpu.dma_semaphore, #tpu.memory_space<semaphore_mem>>
    tpu.wait_indirect_dma semaphore(%dma_wait3A_747 : memref<!tpu.dma_semaphore, #tpu.memory_space<semaphore_mem>>) src(%dma_wait3A_745 : memref<100000x128xf32, #tpu.memory_space<hbm>>) dst(%dma_wait3A_740 : memref<80x128xf32, #tpu.memory_space<vmem>>)
    %add3A_748 = arith.constant 80 : i32
    %add3A_749 = arith.addi %mul3A_2, %add3A_748 : i32
    %dma_start3A_750 = arith.constant 1 : i32
    %dma_start3A_751 = arith.constant 2 : i32
    %dma_start3A_752 = arith.constant 1 : i32
    %dma_start3A_753 = arith.constant 0 : i32
    %dma_start3A_754 = arith.constant 0 : i32
    %dma_start3A_755 = tpu.memref_slice %arg18[%dma_start3A_750, %dma_start3A_753, %dma_start3A_754] : memref<4x80x128xf32, #tpu.memory_space<vmem>> -> memref<1x80x128xf32, #tpu.memory_space<vmem>>
    %dma_start3A_756 = tpu.memref_squeeze %dma_start3A_755 : memref<1x80x128xf32, #tpu.memory_space<vmem>> -> memref<80x128xf32, #tpu.memory_space<vmem>>
    %dma_start3A_757 = arith.constant 0 : i32
    %dma_start3A_758 = tpu.memref_slice %arg12[%dma_start3A_751, %add3A_749, %dma_start3A_757] : memref<4x10240x128xf32, #tpu.memory_space<hbm>> -> memref<1x80x128xf32, #tpu.memory_space<hbm>>
    %dma_start3A_759 = tpu.memref_squeeze %dma_start3A_758 : memref<1x80x128xf32, #tpu.memory_space<hbm>> -> memref<80x128xf32, #tpu.memory_space<hbm>>
    %dma_start3A_760 = tpu.memref_slice %arg24[%dma_start3A_752] : memref<4x!tpu.dma_semaphore, #tpu.memory_space<semaphore_mem>> -> memref<1x!tpu.dma_semaphore, #tpu.memory_space<semaphore_mem>>
    %dma_start3A_761 = tpu.memref_squeeze %dma_start3A_760 : memref<1x!tpu.dma_semaphore, #tpu.memory_space<semaphore_mem>> -> memref<!tpu.dma_semaphore, #tpu.memory_space<semaphore_mem>>
    %dma_start3A_762 = arith.constant 0 : i32
    %dma_start3A_763 = tpu.memref_slice %arg12[%dma_start3A_751, %add3A_749, %dma_start3A_762] : memref<4x10240x128xf32, #tpu.memory_space<hbm>> -> memref<1x80x128xf32, #tpu.memory_space<hbm>>
    %dma_start3A_764 = tpu.memref_squeeze %dma_start3A_763 : memref<1x80x128xf32, #tpu.memory_space<hbm>> -> memref<80x128xf32, #tpu.memory_space<hbm>>
    %dma_start3A_765 = arith.constant 0 : i32
    %dma_start3A_766 = arith.constant 0 : i32
    %dma_start3A_767 = tpu.memref_slice %arg18[%dma_start3A_750, %dma_start3A_765, %dma_start3A_766] : memref<4x80x128xf32, #tpu.memory_space<vmem>> -> memref<1x80x128xf32, #tpu.memory_space<vmem>>
    %dma_start3A_768 = tpu.memref_squeeze %dma_start3A_767 : memref<1x80x128xf32, #tpu.memory_space<vmem>> -> memref<80x128xf32, #tpu.memory_space<vmem>>
    tpu.enqueue_dma source(%dma_start3A_768 : memref<80x128xf32, #tpu.memory_space<vmem>>) target(%dma_start3A_764 : memref<80x128xf32, #tpu.memory_space<hbm>>) target_semaphore(%dma_start3A_761 : memref<!tpu.dma_semaphore, #tpu.memory_space<semaphore_mem>>)
    %dma_wait3A_769 = arith.constant 3 : i32
    %dma_wait3A_770 = arith.constant 1 : i32
    %dma_wait3A_771 = arith.constant 3 : i32
    %dma_wait3A_772 = arith.constant 0 : i32
    %dma_wait3A_773 = arith.constant 0 : i32
    %dma_wait3A_774 = tpu.memref_slice %arg18[%dma_wait3A_769, %dma_wait3A_772, %dma_wait3A_773] : memref<4x80x128xf32, #tpu.memory_space<vmem>> -> memref<1x80x128xf32, #tpu.memory_space<vmem>>
    %dma_wait3A_775 = tpu.memref_squeeze %dma_wait3A_774 : memref<1x80x128xf32, #tpu.memory_space<vmem>> -> memref<80x128xf32, #tpu.memory_space<vmem>>
    %dma_wait3A_776 = arith.constant 0 : i32
    %dma_wait3A_777 = tpu.memref_slice %arg12[%dma_wait3A_770, %add3A_613, %dma_wait3A_776] : memref<4x10240x128xf32, #tpu.memory_space<hbm>> -> memref<1x80x128xf32, #tpu.memory_space<hbm>>
    %dma_wait3A_778 = tpu.memref_squeeze %dma_wait3A_777 : memref<1x80x128xf32, #tpu.memory_space<hbm>> -> memref<80x128xf32, #tpu.memory_space<hbm>>
    %dma_wait3A_779 = tpu.memref_slice %arg24[%dma_wait3A_771] : memref<4x!tpu.dma_semaphore, #tpu.memory_space<semaphore_mem>> -> memref<1x!tpu.dma_semaphore, #tpu.memory_space<semaphore_mem>>
    %dma_wait3A_780 = tpu.memref_squeeze %dma_wait3A_779 : memref<1x!tpu.dma_semaphore, #tpu.memory_space<semaphore_mem>> -> memref<!tpu.dma_semaphore, #tpu.memory_space<semaphore_mem>>
    %dma_wait3A_781 = arith.constant 0 : i32
    %dma_wait3A_782 = tpu.memref_slice %arg12[%dma_wait3A_770, %add3A_613, %dma_wait3A_781] : memref<4x10240x128xf32, #tpu.memory_space<hbm>> -> memref<1x80x128xf32, #tpu.memory_space<hbm>>
    %dma_wait3A_783 = tpu.memref_squeeze %dma_wait3A_782 : memref<1x80x128xf32, #tpu.memory_space<hbm>> -> memref<80x128xf32, #tpu.memory_space<hbm>>
    %dma_wait3A_784 = arith.constant 0 : i32
    %dma_wait3A_785 = arith.constant 0 : i32
    %dma_wait3A_786 = tpu.memref_slice %arg18[%dma_wait3A_769, %dma_wait3A_784, %dma_wait3A_785] : memref<4x80x128xf32, #tpu.memory_space<vmem>> -> memref<1x80x128xf32, #tpu.memory_space<vmem>>
    %dma_wait3A_787 = tpu.memref_squeeze %dma_wait3A_786 : memref<1x80x128xf32, #tpu.memory_space<vmem>> -> memref<80x128xf32, #tpu.memory_space<vmem>>
    tpu.wait_dma2 semaphore(%dma_wait3A_780 : memref<!tpu.dma_semaphore, #tpu.memory_space<semaphore_mem>>) src(%dma_wait3A_787 : memref<80x128xf32, #tpu.memory_space<vmem>>) dst(%dma_wait3A_783 : memref<80x128xf32, #tpu.memory_space<hbm>>)
    %add3A_788 = arith.constant 240 : i32
    %add3A_789 = arith.addi %mul3A_2, %add3A_788 : i32
    %dma_start3A_790 = arith.constant 3 : i32
    %dma_start3A_791 = arith.constant 3 : i32
    %dma_start3A_792 = arith.constant 0 : i32
    %dma_start3A_793 = arith.constant 0 : i32
    %dma_start3A_794 = tpu.memref_slice %arg18[%dma_start3A_790, %dma_start3A_792, %dma_start3A_793] : memref<4x80x128xf32, #tpu.memory_space<vmem>> -> memref<1x80x128xf32, #tpu.memory_space<vmem>>
    %dma_start3A_795 = tpu.memref_squeeze %dma_start3A_794 : memref<1x80x128xf32, #tpu.memory_space<vmem>> -> memref<80x128xf32, #tpu.memory_space<vmem>>
    %dma_start3A_796 = arith.constant 240 : i32
    %dma_start3A_797 = tpu.memref_slice %arg16[%dma_start3A_796] : memref<320xi32, #tpu.memory_space<vmem>> -> memref<80xi32, #tpu.memory_space<vmem>>
    %dma_start3A_798 = arith.constant 0 : i32
    %dma_start3A_799 = arith.constant 0 : i32
    %dma_start3A_800 = tpu.memref_slice %arg8[%dma_start3A_798, %dma_start3A_799] : memref<100000x128xf32, #tpu.memory_space<hbm>> -> memref<100000x128xf32, #tpu.memory_space<hbm>>
    %dma_start3A_801 = tpu.memref_slice %arg23[%dma_start3A_791] : memref<4x!tpu.dma_semaphore, #tpu.memory_space<semaphore_mem>> -> memref<1x!tpu.dma_semaphore, #tpu.memory_space<semaphore_mem>>
    %dma_start3A_802 = tpu.memref_squeeze %dma_start3A_801 : memref<1x!tpu.dma_semaphore, #tpu.memory_space<semaphore_mem>> -> memref<!tpu.dma_semaphore, #tpu.memory_space<semaphore_mem>>
    tpu.enqueue_indirect_dma source(%dma_start3A_800 : memref<100000x128xf32, #tpu.memory_space<hbm>>) target(%dma_start3A_795 : memref<80x128xf32, #tpu.memory_space<vmem>>) offsets(%dma_start3A_797 : memref<80xi32, #tpu.memory_space<vmem>>) semaphore(%dma_start3A_802 : memref<!tpu.dma_semaphore, #tpu.memory_space<semaphore_mem>>)
    %dma_wait3A_803 = arith.constant 2 : i32
    %dma_wait3A_804 = arith.constant 2 : i32
    %dma_wait3A_805 = arith.constant 0 : i32
    %dma_wait3A_806 = arith.constant 0 : i32
    %dma_wait3A_807 = tpu.memref_slice %arg18[%dma_wait3A_803, %dma_wait3A_805, %dma_wait3A_806] : memref<4x80x128xf32, #tpu.memory_space<vmem>> -> memref<1x80x128xf32, #tpu.memory_space<vmem>>
    %dma_wait3A_808 = tpu.memref_squeeze %dma_wait3A_807 : memref<1x80x128xf32, #tpu.memory_space<vmem>> -> memref<80x128xf32, #tpu.memory_space<vmem>>
    %dma_wait3A_809 = arith.constant 160 : i32
    %dma_wait3A_810 = tpu.memref_slice %arg16[%dma_wait3A_809] : memref<320xi32, #tpu.memory_space<vmem>> -> memref<80xi32, #tpu.memory_space<vmem>>
    %dma_wait3A_811 = arith.constant 0 : i32
    %dma_wait3A_812 = arith.constant 0 : i32
    %dma_wait3A_813 = tpu.memref_slice %arg8[%dma_wait3A_811, %dma_wait3A_812] : memref<100000x128xf32, #tpu.memory_space<hbm>> -> memref<100000x128xf32, #tpu.memory_space<hbm>>
    %dma_wait3A_814 = tpu.memref_slice %arg23[%dma_wait3A_804] : memref<4x!tpu.dma_semaphore, #tpu.memory_space<semaphore_mem>> -> memref<1x!tpu.dma_semaphore, #tpu.memory_space<semaphore_mem>>
    %dma_wait3A_815 = tpu.memref_squeeze %dma_wait3A_814 : memref<1x!tpu.dma_semaphore, #tpu.memory_space<semaphore_mem>> -> memref<!tpu.dma_semaphore, #tpu.memory_space<semaphore_mem>>
    tpu.wait_indirect_dma semaphore(%dma_wait3A_815 : memref<!tpu.dma_semaphore, #tpu.memory_space<semaphore_mem>>) src(%dma_wait3A_813 : memref<100000x128xf32, #tpu.memory_space<hbm>>) dst(%dma_wait3A_808 : memref<80x128xf32, #tpu.memory_space<vmem>>)
    %add3A_816 = arith.constant 160 : i32
    %add3A_817 = arith.addi %mul3A_2, %add3A_816 : i32
    %dma_start3A_818 = arith.constant 2 : i32
    %dma_start3A_819 = arith.constant 2 : i32
    %dma_start3A_820 = arith.constant 2 : i32
    %dma_start3A_821 = arith.constant 0 : i32
    %dma_start3A_822 = arith.constant 0 : i32
    %dma_start3A_823 = tpu.memref_slice %arg18[%dma_start3A_818, %dma_start3A_821, %dma_start3A_822] : memref<4x80x128xf32, #tpu.memory_space<vmem>> -> memref<1x80x128xf32, #tpu.memory_space<vmem>>
    %dma_start3A_824 = tpu.memref_squeeze %dma_start3A_823 : memref<1x80x128xf32, #tpu.memory_space<vmem>> -> memref<80x128xf32, #tpu.memory_space<vmem>>
    %dma_start3A_825 = arith.constant 0 : i32
    %dma_start3A_826 = tpu.memref_slice %arg12[%dma_start3A_819, %add3A_817, %dma_start3A_825] : memref<4x10240x128xf32, #tpu.memory_space<hbm>> -> memref<1x80x128xf32, #tpu.memory_space<hbm>>
    %dma_start3A_827 = tpu.memref_squeeze %dma_start3A_826 : memref<1x80x128xf32, #tpu.memory_space<hbm>> -> memref<80x128xf32, #tpu.memory_space<hbm>>
    %dma_start3A_828 = tpu.memref_slice %arg24[%dma_start3A_820] : memref<4x!tpu.dma_semaphore, #tpu.memory_space<semaphore_mem>> -> memref<1x!tpu.dma_semaphore, #tpu.memory_space<semaphore_mem>>
    %dma_start3A_829 = tpu.memref_squeeze %dma_start3A_828 : memref<1x!tpu.dma_semaphore, #tpu.memory_space<semaphore_mem>> -> memref<!tpu.dma_semaphore, #tpu.memory_space<semaphore_mem>>
    %dma_start3A_830 = arith.constant 0 : i32
    %dma_start3A_831 = tpu.memref_slice %arg12[%dma_start3A_819, %add3A_817, %dma_start3A_830] : memref<4x10240x128xf32, #tpu.memory_space<hbm>> -> memref<1x80x128xf32, #tpu.memory_space<hbm>>
    %dma_start3A_832 = tpu.memref_squeeze %dma_start3A_831 : memref<1x80x128xf32, #tpu.memory_space<hbm>> -> memref<80x128xf32, #tpu.memory_space<hbm>>
    %dma_start3A_833 = arith.constant 0 : i32
    %dma_start3A_834 = arith.constant 0 : i32
    %dma_start3A_835 = tpu.memref_slice %arg18[%dma_start3A_818, %dma_start3A_833, %dma_start3A_834] : memref<4x80x128xf32, #tpu.memory_space<vmem>> -> memref<1x80x128xf32, #tpu.memory_space<vmem>>
    %dma_start3A_836 = tpu.memref_squeeze %dma_start3A_835 : memref<1x80x128xf32, #tpu.memory_space<vmem>> -> memref<80x128xf32, #tpu.memory_space<vmem>>
    tpu.enqueue_dma source(%dma_start3A_836 : memref<80x128xf32, #tpu.memory_space<vmem>>) target(%dma_start3A_832 : memref<80x128xf32, #tpu.memory_space<hbm>>) target_semaphore(%dma_start3A_829 : memref<!tpu.dma_semaphore, #tpu.memory_space<semaphore_mem>>)
    %dma_wait3A_837 = arith.constant 0 : i32
    %dma_wait3A_838 = arith.constant 2 : i32
    %dma_wait3A_839 = arith.constant 0 : i32
    %dma_wait3A_840 = arith.constant 0 : i32
    %dma_wait3A_841 = arith.constant 0 : i32
    %dma_wait3A_842 = tpu.memref_slice %arg18[%dma_wait3A_837, %dma_wait3A_840, %dma_wait3A_841] : memref<4x80x128xf32, #tpu.memory_space<vmem>> -> memref<1x80x128xf32, #tpu.memory_space<vmem>>
    %dma_wait3A_843 = tpu.memref_squeeze %dma_wait3A_842 : memref<1x80x128xf32, #tpu.memory_space<vmem>> -> memref<80x128xf32, #tpu.memory_space<vmem>>
    %dma_wait3A_844 = arith.constant 0 : i32
    %dma_wait3A_845 = tpu.memref_slice %arg12[%dma_wait3A_838, %add3A_681, %dma_wait3A_844] : memref<4x10240x128xf32, #tpu.memory_space<hbm>> -> memref<1x80x128xf32, #tpu.memory_space<hbm>>
    %dma_wait3A_846 = tpu.memref_squeeze %dma_wait3A_845 : memref<1x80x128xf32, #tpu.memory_space<hbm>> -> memref<80x128xf32, #tpu.memory_space<hbm>>
    %dma_wait3A_847 = tpu.memref_slice %arg24[%dma_wait3A_839] : memref<4x!tpu.dma_semaphore, #tpu.memory_space<semaphore_mem>> -> memref<1x!tpu.dma_semaphore, #tpu.memory_space<semaphore_mem>>
    %dma_wait3A_848 = tpu.memref_squeeze %dma_wait3A_847 : memref<1x!tpu.dma_semaphore, #tpu.memory_space<semaphore_mem>> -> memref<!tpu.dma_semaphore, #tpu.memory_space<semaphore_mem>>
    %dma_wait3A_849 = arith.constant 0 : i32
    %dma_wait3A_850 = tpu.memref_slice %arg12[%dma_wait3A_838, %add3A_681, %dma_wait3A_849] : memref<4x10240x128xf32, #tpu.memory_space<hbm>> -> memref<1x80x128xf32, #tpu.memory_space<hbm>>
    %dma_wait3A_851 = tpu.memref_squeeze %dma_wait3A_850 : memref<1x80x128xf32, #tpu.memory_space<hbm>> -> memref<80x128xf32, #tpu.memory_space<hbm>>
    %dma_wait3A_852 = arith.constant 0 : i32
    %dma_wait3A_853 = arith.constant 0 : i32
    %dma_wait3A_854 = tpu.memref_slice %arg18[%dma_wait3A_837, %dma_wait3A_852, %dma_wait3A_853] : memref<4x80x128xf32, #tpu.memory_space<vmem>> -> memref<1x80x128xf32, #tpu.memory_space<vmem>>
    %dma_wait3A_855 = tpu.memref_squeeze %dma_wait3A_854 : memref<1x80x128xf32, #tpu.memory_space<vmem>> -> memref<80x128xf32, #tpu.memory_space<vmem>>
    tpu.wait_dma2 semaphore(%dma_wait3A_848 : memref<!tpu.dma_semaphore, #tpu.memory_space<semaphore_mem>>) src(%dma_wait3A_855 : memref<80x128xf32, #tpu.memory_space<vmem>>) dst(%dma_wait3A_851 : memref<80x128xf32, #tpu.memory_space<hbm>>)
    %add3A_856 = arith.constant 0 : i32
    %add3A_857 = arith.addi %mul3A_2, %add3A_856 : i32
    %dma_start3A_858 = arith.constant 0 : i32
    %dma_start3A_859 = arith.constant 0 : i32
    %dma_start3A_860 = arith.constant 0 : i32
    %dma_start3A_861 = arith.constant 0 : i32
    %dma_start3A_862 = tpu.memref_slice %arg18[%dma_start3A_858, %dma_start3A_860, %dma_start3A_861] : memref<4x80x128xf32, #tpu.memory_space<vmem>> -> memref<1x80x128xf32, #tpu.memory_space<vmem>>
    %dma_start3A_863 = tpu.memref_squeeze %dma_start3A_862 : memref<1x80x128xf32, #tpu.memory_space<vmem>> -> memref<80x128xf32, #tpu.memory_space<vmem>>
    %dma_start3A_864 = arith.constant 0 : i32
    %dma_start3A_865 = tpu.memref_slice %arg17[%dma_start3A_864] : memref<320xi32, #tpu.memory_space<vmem>> -> memref<80xi32, #tpu.memory_space<vmem>>
    %dma_start3A_866 = arith.constant 0 : i32
    %dma_start3A_867 = arith.constant 0 : i32
    %dma_start3A_868 = tpu.memref_slice %arg9[%dma_start3A_866, %dma_start3A_867] : memref<100000x128xf32, #tpu.memory_space<hbm>> -> memref<100000x128xf32, #tpu.memory_space<hbm>>
    %dma_start3A_869 = tpu.memref_slice %arg23[%dma_start3A_859] : memref<4x!tpu.dma_semaphore, #tpu.memory_space<semaphore_mem>> -> memref<1x!tpu.dma_semaphore, #tpu.memory_space<semaphore_mem>>
    %dma_start3A_870 = tpu.memref_squeeze %dma_start3A_869 : memref<1x!tpu.dma_semaphore, #tpu.memory_space<semaphore_mem>> -> memref<!tpu.dma_semaphore, #tpu.memory_space<semaphore_mem>>
    tpu.enqueue_indirect_dma source(%dma_start3A_868 : memref<100000x128xf32, #tpu.memory_space<hbm>>) target(%dma_start3A_863 : memref<80x128xf32, #tpu.memory_space<vmem>>) offsets(%dma_start3A_865 : memref<80xi32, #tpu.memory_space<vmem>>) semaphore(%dma_start3A_870 : memref<!tpu.dma_semaphore, #tpu.memory_space<semaphore_mem>>)
    %dma_wait3A_871 = arith.constant 3 : i32
    %dma_wait3A_872 = arith.constant 3 : i32
    %dma_wait3A_873 = arith.constant 0 : i32
    %dma_wait3A_874 = arith.constant 0 : i32
    %dma_wait3A_875 = tpu.memref_slice %arg18[%dma_wait3A_871, %dma_wait3A_873, %dma_wait3A_874] : memref<4x80x128xf32, #tpu.memory_space<vmem>> -> memref<1x80x128xf32, #tpu.memory_space<vmem>>
    %dma_wait3A_876 = tpu.memref_squeeze %dma_wait3A_875 : memref<1x80x128xf32, #tpu.memory_space<vmem>> -> memref<80x128xf32, #tpu.memory_space<vmem>>
    %dma_wait3A_877 = arith.constant 240 : i32
    %dma_wait3A_878 = tpu.memref_slice %arg16[%dma_wait3A_877] : memref<320xi32, #tpu.memory_space<vmem>> -> memref<80xi32, #tpu.memory_space<vmem>>
    %dma_wait3A_879 = arith.constant 0 : i32
    %dma_wait3A_880 = arith.constant 0 : i32
    %dma_wait3A_881 = tpu.memref_slice %arg8[%dma_wait3A_879, %dma_wait3A_880] : memref<100000x128xf32, #tpu.memory_space<hbm>> -> memref<100000x128xf32, #tpu.memory_space<hbm>>
    %dma_wait3A_882 = tpu.memref_slice %arg23[%dma_wait3A_872] : memref<4x!tpu.dma_semaphore, #tpu.memory_space<semaphore_mem>> -> memref<1x!tpu.dma_semaphore, #tpu.memory_space<semaphore_mem>>
    %dma_wait3A_883 = tpu.memref_squeeze %dma_wait3A_882 : memref<1x!tpu.dma_semaphore, #tpu.memory_space<semaphore_mem>> -> memref<!tpu.dma_semaphore, #tpu.memory_space<semaphore_mem>>
    tpu.wait_indirect_dma semaphore(%dma_wait3A_883 : memref<!tpu.dma_semaphore, #tpu.memory_space<semaphore_mem>>) src(%dma_wait3A_881 : memref<100000x128xf32, #tpu.memory_space<hbm>>) dst(%dma_wait3A_876 : memref<80x128xf32, #tpu.memory_space<vmem>>)
    %add3A_884 = arith.constant 240 : i32
    %add3A_885 = arith.addi %mul3A_2, %add3A_884 : i32
    %dma_start3A_886 = arith.constant 3 : i32
    %dma_start3A_887 = arith.constant 2 : i32
    %dma_start3A_888 = arith.constant 3 : i32
    %dma_start3A_889 = arith.constant 0 : i32
    %dma_start3A_890 = arith.constant 0 : i32
    %dma_start3A_891 = tpu.memref_slice %arg18[%dma_start3A_886, %dma_start3A_889, %dma_start3A_890] : memref<4x80x128xf32, #tpu.memory_space<vmem>> -> memref<1x80x128xf32, #tpu.memory_space<vmem>>
    %dma_start3A_892 = tpu.memref_squeeze %dma_start3A_891 : memref<1x80x128xf32, #tpu.memory_space<vmem>> -> memref<80x128xf32, #tpu.memory_space<vmem>>
    %dma_start3A_893 = arith.constant 0 : i32
    %dma_start3A_894 = tpu.memref_slice %arg12[%dma_start3A_887, %add3A_885, %dma_start3A_893] : memref<4x10240x128xf32, #tpu.memory_space<hbm>> -> memref<1x80x128xf32, #tpu.memory_space<hbm>>
    %dma_start3A_895 = tpu.memref_squeeze %dma_start3A_894 : memref<1x80x128xf32, #tpu.memory_space<hbm>> -> memref<80x128xf32, #tpu.memory_space<hbm>>
    %dma_start3A_896 = tpu.memref_slice %arg24[%dma_start3A_888] : memref<4x!tpu.dma_semaphore, #tpu.memory_space<semaphore_mem>> -> memref<1x!tpu.dma_semaphore, #tpu.memory_space<semaphore_mem>>
    %dma_start3A_897 = tpu.memref_squeeze %dma_start3A_896 : memref<1x!tpu.dma_semaphore, #tpu.memory_space<semaphore_mem>> -> memref<!tpu.dma_semaphore, #tpu.memory_space<semaphore_mem>>
    %dma_start3A_898 = arith.constant 0 : i32
    %dma_start3A_899 = tpu.memref_slice %arg12[%dma_start3A_887, %add3A_885, %dma_start3A_898] : memref<4x10240x128xf32, #tpu.memory_space<hbm>> -> memref<1x80x128xf32, #tpu.memory_space<hbm>>
    %dma_start3A_900 = tpu.memref_squeeze %dma_start3A_899 : memref<1x80x128xf32, #tpu.memory_space<hbm>> -> memref<80x128xf32, #tpu.memory_space<hbm>>
    %dma_start3A_901 = arith.constant 0 : i32
    %dma_start3A_902 = arith.constant 0 : i32
    %dma_start3A_903 = tpu.memref_slice %arg18[%dma_start3A_886, %dma_start3A_901, %dma_start3A_902] : memref<4x80x128xf32, #tpu.memory_space<vmem>> -> memref<1x80x128xf32, #tpu.memory_space<vmem>>
    %dma_start3A_904 = tpu.memref_squeeze %dma_start3A_903 : memref<1x80x128xf32, #tpu.memory_space<vmem>> -> memref<80x128xf32, #tpu.memory_space<vmem>>
    tpu.enqueue_dma source(%dma_start3A_904 : memref<80x128xf32, #tpu.memory_space<vmem>>) target(%dma_start3A_900 : memref<80x128xf32, #tpu.memory_space<hbm>>) target_semaphore(%dma_start3A_897 : memref<!tpu.dma_semaphore, #tpu.memory_space<semaphore_mem>>)
    %dma_wait3A_905 = arith.constant 1 : i32
    %dma_wait3A_906 = arith.constant 2 : i32
    %dma_wait3A_907 = arith.constant 1 : i32
    %dma_wait3A_908 = arith.constant 0 : i32
    %dma_wait3A_909 = arith.constant 0 : i32
    %dma_wait3A_910 = tpu.memref_slice %arg18[%dma_wait3A_905, %dma_wait3A_908, %dma_wait3A_909] : memref<4x80x128xf32, #tpu.memory_space<vmem>> -> memref<1x80x128xf32, #tpu.memory_space<vmem>>
    %dma_wait3A_911 = tpu.memref_squeeze %dma_wait3A_910 : memref<1x80x128xf32, #tpu.memory_space<vmem>> -> memref<80x128xf32, #tpu.memory_space<vmem>>
    %dma_wait3A_912 = arith.constant 0 : i32
    %dma_wait3A_913 = tpu.memref_slice %arg12[%dma_wait3A_906, %add3A_749, %dma_wait3A_912] : memref<4x10240x128xf32, #tpu.memory_space<hbm>> -> memref<1x80x128xf32, #tpu.memory_space<hbm>>
    %dma_wait3A_914 = tpu.memref_squeeze %dma_wait3A_913 : memref<1x80x128xf32, #tpu.memory_space<hbm>> -> memref<80x128xf32, #tpu.memory_space<hbm>>
    %dma_wait3A_915 = tpu.memref_slice %arg24[%dma_wait3A_907] : memref<4x!tpu.dma_semaphore, #tpu.memory_space<semaphore_mem>> -> memref<1x!tpu.dma_semaphore, #tpu.memory_space<semaphore_mem>>
    %dma_wait3A_916 = tpu.memref_squeeze %dma_wait3A_915 : memref<1x!tpu.dma_semaphore, #tpu.memory_space<semaphore_mem>> -> memref<!tpu.dma_semaphore, #tpu.memory_space<semaphore_mem>>
    %dma_wait3A_917 = arith.constant 0 : i32
    %dma_wait3A_918 = tpu.memref_slice %arg12[%dma_wait3A_906, %add3A_749, %dma_wait3A_917] : memref<4x10240x128xf32, #tpu.memory_space<hbm>> -> memref<1x80x128xf32, #tpu.memory_space<hbm>>
    %dma_wait3A_919 = tpu.memref_squeeze %dma_wait3A_918 : memref<1x80x128xf32, #tpu.memory_space<hbm>> -> memref<80x128xf32, #tpu.memory_space<hbm>>
    %dma_wait3A_920 = arith.constant 0 : i32
    %dma_wait3A_921 = arith.constant 0 : i32
    %dma_wait3A_922 = tpu.memref_slice %arg18[%dma_wait3A_905, %dma_wait3A_920, %dma_wait3A_921] : memref<4x80x128xf32, #tpu.memory_space<vmem>> -> memref<1x80x128xf32, #tpu.memory_space<vmem>>
    %dma_wait3A_923 = tpu.memref_squeeze %dma_wait3A_922 : memref<1x80x128xf32, #tpu.memory_space<vmem>> -> memref<80x128xf32, #tpu.memory_space<vmem>>
    tpu.wait_dma2 semaphore(%dma_wait3A_916 : memref<!tpu.dma_semaphore, #tpu.memory_space<semaphore_mem>>) src(%dma_wait3A_923 : memref<80x128xf32, #tpu.memory_space<vmem>>) dst(%dma_wait3A_919 : memref<80x128xf32, #tpu.memory_space<hbm>>)
    %add3A_924 = arith.constant 80 : i32
    %add3A_925 = arith.addi %mul3A_2, %add3A_924 : i32
    %dma_start3A_926 = arith.constant 1 : i32
    %dma_start3A_927 = arith.constant 1 : i32
    %dma_start3A_928 = arith.constant 0 : i32
    %dma_start3A_929 = arith.constant 0 : i32
    %dma_start3A_930 = tpu.memref_slice %arg18[%dma_start3A_926, %dma_start3A_928, %dma_start3A_929] : memref<4x80x128xf32, #tpu.memory_space<vmem>> -> memref<1x80x128xf32, #tpu.memory_space<vmem>>
    %dma_start3A_931 = tpu.memref_squeeze %dma_start3A_930 : memref<1x80x128xf32, #tpu.memory_space<vmem>> -> memref<80x128xf32, #tpu.memory_space<vmem>>
    %dma_start3A_932 = arith.constant 80 : i32
    %dma_start3A_933 = tpu.memref_slice %arg17[%dma_start3A_932] : memref<320xi32, #tpu.memory_space<vmem>> -> memref<80xi32, #tpu.memory_space<vmem>>
    %dma_start3A_934 = arith.constant 0 : i32
    %dma_start3A_935 = arith.constant 0 : i32
    %dma_start3A_936 = tpu.memref_slice %arg9[%dma_start3A_934, %dma_start3A_935] : memref<100000x128xf32, #tpu.memory_space<hbm>> -> memref<100000x128xf32, #tpu.memory_space<hbm>>
    %dma_start3A_937 = tpu.memref_slice %arg23[%dma_start3A_927] : memref<4x!tpu.dma_semaphore, #tpu.memory_space<semaphore_mem>> -> memref<1x!tpu.dma_semaphore, #tpu.memory_space<semaphore_mem>>
    %dma_start3A_938 = tpu.memref_squeeze %dma_start3A_937 : memref<1x!tpu.dma_semaphore, #tpu.memory_space<semaphore_mem>> -> memref<!tpu.dma_semaphore, #tpu.memory_space<semaphore_mem>>
    tpu.enqueue_indirect_dma source(%dma_start3A_936 : memref<100000x128xf32, #tpu.memory_space<hbm>>) target(%dma_start3A_931 : memref<80x128xf32, #tpu.memory_space<vmem>>) offsets(%dma_start3A_933 : memref<80xi32, #tpu.memory_space<vmem>>) semaphore(%dma_start3A_938 : memref<!tpu.dma_semaphore, #tpu.memory_space<semaphore_mem>>)
    %dma_wait3A_939 = arith.constant 0 : i32
    %dma_wait3A_940 = arith.constant 0 : i32
    %dma_wait3A_941 = arith.constant 0 : i32
    %dma_wait3A_942 = arith.constant 0 : i32
    %dma_wait3A_943 = tpu.memref_slice %arg18[%dma_wait3A_939, %dma_wait3A_941, %dma_wait3A_942] : memref<4x80x128xf32, #tpu.memory_space<vmem>> -> memref<1x80x128xf32, #tpu.memory_space<vmem>>
    %dma_wait3A_944 = tpu.memref_squeeze %dma_wait3A_943 : memref<1x80x128xf32, #tpu.memory_space<vmem>> -> memref<80x128xf32, #tpu.memory_space<vmem>>
    %dma_wait3A_945 = arith.constant 0 : i32
    %dma_wait3A_946 = tpu.memref_slice %arg17[%dma_wait3A_945] : memref<320xi32, #tpu.memory_space<vmem>> -> memref<80xi32, #tpu.memory_space<vmem>>
    %dma_wait3A_947 = arith.constant 0 : i32
    %dma_wait3A_948 = arith.constant 0 : i32
    %dma_wait3A_949 = tpu.memref_slice %arg9[%dma_wait3A_947, %dma_wait3A_948] : memref<100000x128xf32, #tpu.memory_space<hbm>> -> memref<100000x128xf32, #tpu.memory_space<hbm>>
    %dma_wait3A_950 = tpu.memref_slice %arg23[%dma_wait3A_940] : memref<4x!tpu.dma_semaphore, #tpu.memory_space<semaphore_mem>> -> memref<1x!tpu.dma_semaphore, #tpu.memory_space<semaphore_mem>>
    %dma_wait3A_951 = tpu.memref_squeeze %dma_wait3A_950 : memref<1x!tpu.dma_semaphore, #tpu.memory_space<semaphore_mem>> -> memref<!tpu.dma_semaphore, #tpu.memory_space<semaphore_mem>>
    tpu.wait_indirect_dma semaphore(%dma_wait3A_951 : memref<!tpu.dma_semaphore, #tpu.memory_space<semaphore_mem>>) src(%dma_wait3A_949 : memref<100000x128xf32, #tpu.memory_space<hbm>>) dst(%dma_wait3A_944 : memref<80x128xf32, #tpu.memory_space<vmem>>)
    %add3A_952 = arith.constant 0 : i32
    %add3A_953 = arith.addi %mul3A_2, %add3A_952 : i32
    %dma_start3A_954 = arith.constant 0 : i32
    %dma_start3A_955 = arith.constant 3 : i32
    %dma_start3A_956 = arith.constant 0 : i32
    %dma_start3A_957 = arith.constant 0 : i32
    %dma_start3A_958 = arith.constant 0 : i32
    %dma_start3A_959 = tpu.memref_slice %arg18[%dma_start3A_954, %dma_start3A_957, %dma_start3A_958] : memref<4x80x128xf32, #tpu.memory_space<vmem>> -> memref<1x80x128xf32, #tpu.memory_space<vmem>>
    %dma_start3A_960 = tpu.memref_squeeze %dma_start3A_959 : memref<1x80x128xf32, #tpu.memory_space<vmem>> -> memref<80x128xf32, #tpu.memory_space<vmem>>
    %dma_start3A_961 = arith.constant 0 : i32
    %dma_start3A_962 = tpu.memref_slice %arg12[%dma_start3A_955, %add3A_953, %dma_start3A_961] : memref<4x10240x128xf32, #tpu.memory_space<hbm>> -> memref<1x80x128xf32, #tpu.memory_space<hbm>>
    %dma_start3A_963 = tpu.memref_squeeze %dma_start3A_962 : memref<1x80x128xf32, #tpu.memory_space<hbm>> -> memref<80x128xf32, #tpu.memory_space<hbm>>
    %dma_start3A_964 = tpu.memref_slice %arg24[%dma_start3A_956] : memref<4x!tpu.dma_semaphore, #tpu.memory_space<semaphore_mem>> -> memref<1x!tpu.dma_semaphore, #tpu.memory_space<semaphore_mem>>
    %dma_start3A_965 = tpu.memref_squeeze %dma_start3A_964 : memref<1x!tpu.dma_semaphore, #tpu.memory_space<semaphore_mem>> -> memref<!tpu.dma_semaphore, #tpu.memory_space<semaphore_mem>>
    %dma_start3A_966 = arith.constant 0 : i32
    %dma_start3A_967 = tpu.memref_slice %arg12[%dma_start3A_955, %add3A_953, %dma_start3A_966] : memref<4x10240x128xf32, #tpu.memory_space<hbm>> -> memref<1x80x128xf32, #tpu.memory_space<hbm>>
    %dma_start3A_968 = tpu.memref_squeeze %dma_start3A_967 : memref<1x80x128xf32, #tpu.memory_space<hbm>> -> memref<80x128xf32, #tpu.memory_space<hbm>>
    %dma_start3A_969 = arith.constant 0 : i32
    %dma_start3A_970 = arith.constant 0 : i32
    %dma_start3A_971 = tpu.memref_slice %arg18[%dma_start3A_954, %dma_start3A_969, %dma_start3A_970] : memref<4x80x128xf32, #tpu.memory_space<vmem>> -> memref<1x80x128xf32, #tpu.memory_space<vmem>>
    %dma_start3A_972 = tpu.memref_squeeze %dma_start3A_971 : memref<1x80x128xf32, #tpu.memory_space<vmem>> -> memref<80x128xf32, #tpu.memory_space<vmem>>
    tpu.enqueue_dma source(%dma_start3A_972 : memref<80x128xf32, #tpu.memory_space<vmem>>) target(%dma_start3A_968 : memref<80x128xf32, #tpu.memory_space<hbm>>) target_semaphore(%dma_start3A_965 : memref<!tpu.dma_semaphore, #tpu.memory_space<semaphore_mem>>)
    %dma_wait3A_973 = arith.constant 2 : i32
    %dma_wait3A_974 = arith.constant 2 : i32
    %dma_wait3A_975 = arith.constant 2 : i32
    %dma_wait3A_976 = arith.constant 0 : i32
    %dma_wait3A_977 = arith.constant 0 : i32
    %dma_wait3A_978 = tpu.memref_slice %arg18[%dma_wait3A_973, %dma_wait3A_976, %dma_wait3A_977] : memref<4x80x128xf32, #tpu.memory_space<vmem>> -> memref<1x80x128xf32, #tpu.memory_space<vmem>>
    %dma_wait3A_979 = tpu.memref_squeeze %dma_wait3A_978 : memref<1x80x128xf32, #tpu.memory_space<vmem>> -> memref<80x128xf32, #tpu.memory_space<vmem>>
    %dma_wait3A_980 = arith.constant 0 : i32
    %dma_wait3A_981 = tpu.memref_slice %arg12[%dma_wait3A_974, %add3A_817, %dma_wait3A_980] : memref<4x10240x128xf32, #tpu.memory_space<hbm>> -> memref<1x80x128xf32, #tpu.memory_space<hbm>>
    %dma_wait3A_982 = tpu.memref_squeeze %dma_wait3A_981 : memref<1x80x128xf32, #tpu.memory_space<hbm>> -> memref<80x128xf32, #tpu.memory_space<hbm>>
    %dma_wait3A_983 = tpu.memref_slice %arg24[%dma_wait3A_975] : memref<4x!tpu.dma_semaphore, #tpu.memory_space<semaphore_mem>> -> memref<1x!tpu.dma_semaphore, #tpu.memory_space<semaphore_mem>>
    %dma_wait3A_984 = tpu.memref_squeeze %dma_wait3A_983 : memref<1x!tpu.dma_semaphore, #tpu.memory_space<semaphore_mem>> -> memref<!tpu.dma_semaphore, #tpu.memory_space<semaphore_mem>>
    %dma_wait3A_985 = arith.constant 0 : i32
    %dma_wait3A_986 = tpu.memref_slice %arg12[%dma_wait3A_974, %add3A_817, %dma_wait3A_985] : memref<4x10240x128xf32, #tpu.memory_space<hbm>> -> memref<1x80x128xf32, #tpu.memory_space<hbm>>
    %dma_wait3A_987 = tpu.memref_squeeze %dma_wait3A_986 : memref<1x80x128xf32, #tpu.memory_space<hbm>> -> memref<80x128xf32, #tpu.memory_space<hbm>>
    %dma_wait3A_988 = arith.constant 0 : i32
    %dma_wait3A_989 = arith.constant 0 : i32
    %dma_wait3A_990 = tpu.memref_slice %arg18[%dma_wait3A_973, %dma_wait3A_988, %dma_wait3A_989] : memref<4x80x128xf32, #tpu.memory_space<vmem>> -> memref<1x80x128xf32, #tpu.memory_space<vmem>>
    %dma_wait3A_991 = tpu.memref_squeeze %dma_wait3A_990 : memref<1x80x128xf32, #tpu.memory_space<vmem>> -> memref<80x128xf32, #tpu.memory_space<vmem>>
    tpu.wait_dma2 semaphore(%dma_wait3A_984 : memref<!tpu.dma_semaphore, #tpu.memory_space<semaphore_mem>>) src(%dma_wait3A_991 : memref<80x128xf32, #tpu.memory_space<vmem>>) dst(%dma_wait3A_987 : memref<80x128xf32, #tpu.memory_space<hbm>>)
    %add3A_992 = arith.constant 160 : i32
    %add3A_993 = arith.addi %mul3A_2, %add3A_992 : i32
    %dma_start3A_994 = arith.constant 2 : i32
    %dma_start3A_995 = arith.constant 2 : i32
    %dma_start3A_996 = arith.constant 0 : i32
    %dma_start3A_997 = arith.constant 0 : i32
    %dma_start3A_998 = tpu.memref_slice %arg18[%dma_start3A_994, %dma_start3A_996, %dma_start3A_997] : memref<4x80x128xf32, #tpu.memory_space<vmem>> -> memref<1x80x128xf32, #tpu.memory_space<vmem>>
    %dma_start3A_999 = tpu.memref_squeeze %dma_start3A_998 : memref<1x80x128xf32, #tpu.memory_space<vmem>> -> memref<80x128xf32, #tpu.memory_space<vmem>>
    %dma_start3A_1000 = arith.constant 160 : i32
    %dma_start3A_1001 = tpu.memref_slice %arg17[%dma_start3A_1000] : memref<320xi32, #tpu.memory_space<vmem>> -> memref<80xi32, #tpu.memory_space<vmem>>
    %dma_start3A_1002 = arith.constant 0 : i32
    %dma_start3A_1003 = arith.constant 0 : i32
    %dma_start3A_1004 = tpu.memref_slice %arg9[%dma_start3A_1002, %dma_start3A_1003] : memref<100000x128xf32, #tpu.memory_space<hbm>> -> memref<100000x128xf32, #tpu.memory_space<hbm>>
    %dma_start3A_1005 = tpu.memref_slice %arg23[%dma_start3A_995] : memref<4x!tpu.dma_semaphore, #tpu.memory_space<semaphore_mem>> -> memref<1x!tpu.dma_semaphore, #tpu.memory_space<semaphore_mem>>
    %dma_start3A_1006 = tpu.memref_squeeze %dma_start3A_1005 : memref<1x!tpu.dma_semaphore, #tpu.memory_space<semaphore_mem>> -> memref<!tpu.dma_semaphore, #tpu.memory_space<semaphore_mem>>
    tpu.enqueue_indirect_dma source(%dma_start3A_1004 : memref<100000x128xf32, #tpu.memory_space<hbm>>) target(%dma_start3A_999 : memref<80x128xf32, #tpu.memory_space<vmem>>) offsets(%dma_start3A_1001 : memref<80xi32, #tpu.memory_space<vmem>>) semaphore(%dma_start3A_1006 : memref<!tpu.dma_semaphore, #tpu.memory_space<semaphore_mem>>)
    %dma_wait3A_1007 = arith.constant 1 : i32
    %dma_wait3A_1008 = arith.constant 1 : i32
    %dma_wait3A_1009 = arith.constant 0 : i32
    %dma_wait3A_1010 = arith.constant 0 : i32
    %dma_wait3A_1011 = tpu.memref_slice %arg18[%dma_wait3A_1007, %dma_wait3A_1009, %dma_wait3A_1010] : memref<4x80x128xf32, #tpu.memory_space<vmem>> -> memref<1x80x128xf32, #tpu.memory_space<vmem>>
    %dma_wait3A_1012 = tpu.memref_squeeze %dma_wait3A_1011 : memref<1x80x128xf32, #tpu.memory_space<vmem>> -> memref<80x128xf32, #tpu.memory_space<vmem>>
    %dma_wait3A_1013 = arith.constant 80 : i32
    %dma_wait3A_1014 = tpu.memref_slice %arg17[%dma_wait3A_1013] : memref<320xi32, #tpu.memory_space<vmem>> -> memref<80xi32, #tpu.memory_space<vmem>>
    %dma_wait3A_1015 = arith.constant 0 : i32
    %dma_wait3A_1016 = arith.constant 0 : i32
    %dma_wait3A_1017 = tpu.memref_slice %arg9[%dma_wait3A_1015, %dma_wait3A_1016] : memref<100000x128xf32, #tpu.memory_space<hbm>> -> memref<100000x128xf32, #tpu.memory_space<hbm>>
    %dma_wait3A_1018 = tpu.memref_slice %arg23[%dma_wait3A_1008] : memref<4x!tpu.dma_semaphore, #tpu.memory_space<semaphore_mem>> -> memref<1x!tpu.dma_semaphore, #tpu.memory_space<semaphore_mem>>
    %dma_wait3A_1019 = tpu.memref_squeeze %dma_wait3A_1018 : memref<1x!tpu.dma_semaphore, #tpu.memory_space<semaphore_mem>> -> memref<!tpu.dma_semaphore, #tpu.memory_space<semaphore_mem>>
    tpu.wait_indirect_dma semaphore(%dma_wait3A_1019 : memref<!tpu.dma_semaphore, #tpu.memory_space<semaphore_mem>>) src(%dma_wait3A_1017 : memref<100000x128xf32, #tpu.memory_space<hbm>>) dst(%dma_wait3A_1012 : memref<80x128xf32, #tpu.memory_space<vmem>>)
    %add3A_1020 = arith.constant 80 : i32
    %add3A_1021 = arith.addi %mul3A_2, %add3A_1020 : i32
    %dma_start3A_1022 = arith.constant 1 : i32
    %dma_start3A_1023 = arith.constant 3 : i32
    %dma_start3A_1024 = arith.constant 1 : i32
    %dma_start3A_1025 = arith.constant 0 : i32
    %dma_start3A_1026 = arith.constant 0 : i32
    %dma_start3A_1027 = tpu.memref_slice %arg18[%dma_start3A_1022, %dma_start3A_1025, %dma_start3A_1026] : memref<4x80x128xf32, #tpu.memory_space<vmem>> -> memref<1x80x128xf32, #tpu.memory_space<vmem>>
    %dma_start3A_1028 = tpu.memref_squeeze %dma_start3A_1027 : memref<1x80x128xf32, #tpu.memory_space<vmem>> -> memref<80x128xf32, #tpu.memory_space<vmem>>
    %dma_start3A_1029 = arith.constant 0 : i32
    %dma_start3A_1030 = tpu.memref_slice %arg12[%dma_start3A_1023, %add3A_1021, %dma_start3A_1029] : memref<4x10240x128xf32, #tpu.memory_space<hbm>> -> memref<1x80x128xf32, #tpu.memory_space<hbm>>
    %dma_start3A_1031 = tpu.memref_squeeze %dma_start3A_1030 : memref<1x80x128xf32, #tpu.memory_space<hbm>> -> memref<80x128xf32, #tpu.memory_space<hbm>>
    %dma_start3A_1032 = tpu.memref_slice %arg24[%dma_start3A_1024] : memref<4x!tpu.dma_semaphore, #tpu.memory_space<semaphore_mem>> -> memref<1x!tpu.dma_semaphore, #tpu.memory_space<semaphore_mem>>
    %dma_start3A_1033 = tpu.memref_squeeze %dma_start3A_1032 : memref<1x!tpu.dma_semaphore, #tpu.memory_space<semaphore_mem>> -> memref<!tpu.dma_semaphore, #tpu.memory_space<semaphore_mem>>
    %dma_start3A_1034 = arith.constant 0 : i32
    %dma_start3A_1035 = tpu.memref_slice %arg12[%dma_start3A_1023, %add3A_1021, %dma_start3A_1034] : memref<4x10240x128xf32, #tpu.memory_space<hbm>> -> memref<1x80x128xf32, #tpu.memory_space<hbm>>
    %dma_start3A_1036 = tpu.memref_squeeze %dma_start3A_1035 : memref<1x80x128xf32, #tpu.memory_space<hbm>> -> memref<80x128xf32, #tpu.memory_space<hbm>>
    %dma_start3A_1037 = arith.constant 0 : i32
    %dma_start3A_1038 = arith.constant 0 : i32
    %dma_start3A_1039 = tpu.memref_slice %arg18[%dma_start3A_1022, %dma_start3A_1037, %dma_start3A_1038] : memref<4x80x128xf32, #tpu.memory_space<vmem>> -> memref<1x80x128xf32, #tpu.memory_space<vmem>>
    %dma_start3A_1040 = tpu.memref_squeeze %dma_start3A_1039 : memref<1x80x128xf32, #tpu.memory_space<vmem>> -> memref<80x128xf32, #tpu.memory_space<vmem>>
    tpu.enqueue_dma source(%dma_start3A_1040 : memref<80x128xf32, #tpu.memory_space<vmem>>) target(%dma_start3A_1036 : memref<80x128xf32, #tpu.memory_space<hbm>>) target_semaphore(%dma_start3A_1033 : memref<!tpu.dma_semaphore, #tpu.memory_space<semaphore_mem>>)
    %dma_wait3A_1041 = arith.constant 3 : i32
    %dma_wait3A_1042 = arith.constant 2 : i32
    %dma_wait3A_1043 = arith.constant 3 : i32
    %dma_wait3A_1044 = arith.constant 0 : i32
    %dma_wait3A_1045 = arith.constant 0 : i32
    %dma_wait3A_1046 = tpu.memref_slice %arg18[%dma_wait3A_1041, %dma_wait3A_1044, %dma_wait3A_1045] : memref<4x80x128xf32, #tpu.memory_space<vmem>> -> memref<1x80x128xf32, #tpu.memory_space<vmem>>
    %dma_wait3A_1047 = tpu.memref_squeeze %dma_wait3A_1046 : memref<1x80x128xf32, #tpu.memory_space<vmem>> -> memref<80x128xf32, #tpu.memory_space<vmem>>
    %dma_wait3A_1048 = arith.constant 0 : i32
    %dma_wait3A_1049 = tpu.memref_slice %arg12[%dma_wait3A_1042, %add3A_885, %dma_wait3A_1048] : memref<4x10240x128xf32, #tpu.memory_space<hbm>> -> memref<1x80x128xf32, #tpu.memory_space<hbm>>
    %dma_wait3A_1050 = tpu.memref_squeeze %dma_wait3A_1049 : memref<1x80x128xf32, #tpu.memory_space<hbm>> -> memref<80x128xf32, #tpu.memory_space<hbm>>
    %dma_wait3A_1051 = tpu.memref_slice %arg24[%dma_wait3A_1043] : memref<4x!tpu.dma_semaphore, #tpu.memory_space<semaphore_mem>> -> memref<1x!tpu.dma_semaphore, #tpu.memory_space<semaphore_mem>>
    %dma_wait3A_1052 = tpu.memref_squeeze %dma_wait3A_1051 : memref<1x!tpu.dma_semaphore, #tpu.memory_space<semaphore_mem>> -> memref<!tpu.dma_semaphore, #tpu.memory_space<semaphore_mem>>
    %dma_wait3A_1053 = arith.constant 0 : i32
    %dma_wait3A_1054 = tpu.memref_slice %arg12[%dma_wait3A_1042, %add3A_885, %dma_wait3A_1053] : memref<4x10240x128xf32, #tpu.memory_space<hbm>> -> memref<1x80x128xf32, #tpu.memory_space<hbm>>
    %dma_wait3A_1055 = tpu.memref_squeeze %dma_wait3A_1054 : memref<1x80x128xf32, #tpu.memory_space<hbm>> -> memref<80x128xf32, #tpu.memory_space<hbm>>
    %dma_wait3A_1056 = arith.constant 0 : i32
    %dma_wait3A_1057 = arith.constant 0 : i32
    %dma_wait3A_1058 = tpu.memref_slice %arg18[%dma_wait3A_1041, %dma_wait3A_1056, %dma_wait3A_1057] : memref<4x80x128xf32, #tpu.memory_space<vmem>> -> memref<1x80x128xf32, #tpu.memory_space<vmem>>
    %dma_wait3A_1059 = tpu.memref_squeeze %dma_wait3A_1058 : memref<1x80x128xf32, #tpu.memory_space<vmem>> -> memref<80x128xf32, #tpu.memory_space<vmem>>
    tpu.wait_dma2 semaphore(%dma_wait3A_1052 : memref<!tpu.dma_semaphore, #tpu.memory_space<semaphore_mem>>) src(%dma_wait3A_1059 : memref<80x128xf32, #tpu.memory_space<vmem>>) dst(%dma_wait3A_1055 : memref<80x128xf32, #tpu.memory_space<hbm>>)
    %add3A_1060 = arith.constant 240 : i32
    %add3A_1061 = arith.addi %mul3A_2, %add3A_1060 : i32
    %dma_start3A_1062 = arith.constant 3 : i32
    %dma_start3A_1063 = arith.constant 3 : i32
    %dma_start3A_1064 = arith.constant 0 : i32
    %dma_start3A_1065 = arith.constant 0 : i32
    %dma_start3A_1066 = tpu.memref_slice %arg18[%dma_start3A_1062, %dma_start3A_1064, %dma_start3A_1065] : memref<4x80x128xf32, #tpu.memory_space<vmem>> -> memref<1x80x128xf32, #tpu.memory_space<vmem>>
    %dma_start3A_1067 = tpu.memref_squeeze %dma_start3A_1066 : memref<1x80x128xf32, #tpu.memory_space<vmem>> -> memref<80x128xf32, #tpu.memory_space<vmem>>
    %dma_start3A_1068 = arith.constant 240 : i32
    %dma_start3A_1069 = tpu.memref_slice %arg17[%dma_start3A_1068] : memref<320xi32, #tpu.memory_space<vmem>> -> memref<80xi32, #tpu.memory_space<vmem>>
    %dma_start3A_1070 = arith.constant 0 : i32
    %dma_start3A_1071 = arith.constant 0 : i32
    %dma_start3A_1072 = tpu.memref_slice %arg9[%dma_start3A_1070, %dma_start3A_1071] : memref<100000x128xf32, #tpu.memory_space<hbm>> -> memref<100000x128xf32, #tpu.memory_space<hbm>>
    %dma_start3A_1073 = tpu.memref_slice %arg23[%dma_start3A_1063] : memref<4x!tpu.dma_semaphore, #tpu.memory_space<semaphore_mem>> -> memref<1x!tpu.dma_semaphore, #tpu.memory_space<semaphore_mem>>
    %dma_start3A_1074 = tpu.memref_squeeze %dma_start3A_1073 : memref<1x!tpu.dma_semaphore, #tpu.memory_space<semaphore_mem>> -> memref<!tpu.dma_semaphore, #tpu.memory_space<semaphore_mem>>
    tpu.enqueue_indirect_dma source(%dma_start3A_1072 : memref<100000x128xf32, #tpu.memory_space<hbm>>) target(%dma_start3A_1067 : memref<80x128xf32, #tpu.memory_space<vmem>>) offsets(%dma_start3A_1069 : memref<80xi32, #tpu.memory_space<vmem>>) semaphore(%dma_start3A_1074 : memref<!tpu.dma_semaphore, #tpu.memory_space<semaphore_mem>>)
    %dma_wait3A_1075 = arith.constant 2 : i32
    %dma_wait3A_1076 = arith.constant 2 : i32
    %dma_wait3A_1077 = arith.constant 0 : i32
    %dma_wait3A_1078 = arith.constant 0 : i32
    %dma_wait3A_1079 = tpu.memref_slice %arg18[%dma_wait3A_1075, %dma_wait3A_1077, %dma_wait3A_1078] : memref<4x80x128xf32, #tpu.memory_space<vmem>> -> memref<1x80x128xf32, #tpu.memory_space<vmem>>
    %dma_wait3A_1080 = tpu.memref_squeeze %dma_wait3A_1079 : memref<1x80x128xf32, #tpu.memory_space<vmem>> -> memref<80x128xf32, #tpu.memory_space<vmem>>
    %dma_wait3A_1081 = arith.constant 160 : i32
    %dma_wait3A_1082 = tpu.memref_slice %arg17[%dma_wait3A_1081] : memref<320xi32, #tpu.memory_space<vmem>> -> memref<80xi32, #tpu.memory_space<vmem>>
    %dma_wait3A_1083 = arith.constant 0 : i32
    %dma_wait3A_1084 = arith.constant 0 : i32
    %dma_wait3A_1085 = tpu.memref_slice %arg9[%dma_wait3A_1083, %dma_wait3A_1084] : memref<100000x128xf32, #tpu.memory_space<hbm>> -> memref<100000x128xf32, #tpu.memory_space<hbm>>
    %dma_wait3A_1086 = tpu.memref_slice %arg23[%dma_wait3A_1076] : memref<4x!tpu.dma_semaphore, #tpu.memory_space<semaphore_mem>> -> memref<1x!tpu.dma_semaphore, #tpu.memory_space<semaphore_mem>>
    %dma_wait3A_1087 = tpu.memref_squeeze %dma_wait3A_1086 : memref<1x!tpu.dma_semaphore, #tpu.memory_space<semaphore_mem>> -> memref<!tpu.dma_semaphore, #tpu.memory_space<semaphore_mem>>
    tpu.wait_indirect_dma semaphore(%dma_wait3A_1087 : memref<!tpu.dma_semaphore, #tpu.memory_space<semaphore_mem>>) src(%dma_wait3A_1085 : memref<100000x128xf32, #tpu.memory_space<hbm>>) dst(%dma_wait3A_1080 : memref<80x128xf32, #tpu.memory_space<vmem>>)
    %add3A_1088 = arith.constant 160 : i32
    %add3A_1089 = arith.addi %mul3A_2, %add3A_1088 : i32
    %dma_start3A_1090 = arith.constant 2 : i32
    %dma_start3A_1091 = arith.constant 3 : i32
    %dma_start3A_1092 = arith.constant 2 : i32
    %dma_start3A_1093 = arith.constant 0 : i32
    %dma_start3A_1094 = arith.constant 0 : i32
    %dma_start3A_1095 = tpu.memref_slice %arg18[%dma_start3A_1090, %dma_start3A_1093, %dma_start3A_1094] : memref<4x80x128xf32, #tpu.memory_space<vmem>> -> memref<1x80x128xf32, #tpu.memory_space<vmem>>
    %dma_start3A_1096 = tpu.memref_squeeze %dma_start3A_1095 : memref<1x80x128xf32, #tpu.memory_space<vmem>> -> memref<80x128xf32, #tpu.memory_space<vmem>>
    %dma_start3A_1097 = arith.constant 0 : i32
    %dma_start3A_1098 = tpu.memref_slice %arg12[%dma_start3A_1091, %add3A_1089, %dma_start3A_1097] : memref<4x10240x128xf32, #tpu.memory_space<hbm>> -> memref<1x80x128xf32, #tpu.memory_space<hbm>>
    %dma_start3A_1099 = tpu.memref_squeeze %dma_start3A_1098 : memref<1x80x128xf32, #tpu.memory_space<hbm>> -> memref<80x128xf32, #tpu.memory_space<hbm>>
    %dma_start3A_1100 = tpu.memref_slice %arg24[%dma_start3A_1092] : memref<4x!tpu.dma_semaphore, #tpu.memory_space<semaphore_mem>> -> memref<1x!tpu.dma_semaphore, #tpu.memory_space<semaphore_mem>>
    %dma_start3A_1101 = tpu.memref_squeeze %dma_start3A_1100 : memref<1x!tpu.dma_semaphore, #tpu.memory_space<semaphore_mem>> -> memref<!tpu.dma_semaphore, #tpu.memory_space<semaphore_mem>>
    %dma_start3A_1102 = arith.constant 0 : i32
    %dma_start3A_1103 = tpu.memref_slice %arg12[%dma_start3A_1091, %add3A_1089, %dma_start3A_1102] : memref<4x10240x128xf32, #tpu.memory_space<hbm>> -> memref<1x80x128xf32, #tpu.memory_space<hbm>>
    %dma_start3A_1104 = tpu.memref_squeeze %dma_start3A_1103 : memref<1x80x128xf32, #tpu.memory_space<hbm>> -> memref<80x128xf32, #tpu.memory_space<hbm>>
    %dma_start3A_1105 = arith.constant 0 : i32
    %dma_start3A_1106 = arith.constant 0 : i32
    %dma_start3A_1107 = tpu.memref_slice %arg18[%dma_start3A_1090, %dma_start3A_1105, %dma_start3A_1106] : memref<4x80x128xf32, #tpu.memory_space<vmem>> -> memref<1x80x128xf32, #tpu.memory_space<vmem>>
    %dma_start3A_1108 = tpu.memref_squeeze %dma_start3A_1107 : memref<1x80x128xf32, #tpu.memory_space<vmem>> -> memref<80x128xf32, #tpu.memory_space<vmem>>
    tpu.enqueue_dma source(%dma_start3A_1108 : memref<80x128xf32, #tpu.memory_space<vmem>>) target(%dma_start3A_1104 : memref<80x128xf32, #tpu.memory_space<hbm>>) target_semaphore(%dma_start3A_1101 : memref<!tpu.dma_semaphore, #tpu.memory_space<semaphore_mem>>)
    %dma_wait3A_1109 = arith.constant 3 : i32
    %dma_wait3A_1110 = arith.constant 3 : i32
    %dma_wait3A_1111 = arith.constant 0 : i32
    %dma_wait3A_1112 = arith.constant 0 : i32
    %dma_wait3A_1113 = tpu.memref_slice %arg18[%dma_wait3A_1109, %dma_wait3A_1111, %dma_wait3A_1112] : memref<4x80x128xf32, #tpu.memory_space<vmem>> -> memref<1x80x128xf32, #tpu.memory_space<vmem>>
    %dma_wait3A_1114 = tpu.memref_squeeze %dma_wait3A_1113 : memref<1x80x128xf32, #tpu.memory_space<vmem>> -> memref<80x128xf32, #tpu.memory_space<vmem>>
    %dma_wait3A_1115 = arith.constant 240 : i32
    %dma_wait3A_1116 = tpu.memref_slice %arg17[%dma_wait3A_1115] : memref<320xi32, #tpu.memory_space<vmem>> -> memref<80xi32, #tpu.memory_space<vmem>>
    %dma_wait3A_1117 = arith.constant 0 : i32
    %dma_wait3A_1118 = arith.constant 0 : i32
    %dma_wait3A_1119 = tpu.memref_slice %arg9[%dma_wait3A_1117, %dma_wait3A_1118] : memref<100000x128xf32, #tpu.memory_space<hbm>> -> memref<100000x128xf32, #tpu.memory_space<hbm>>
    %dma_wait3A_1120 = tpu.memref_slice %arg23[%dma_wait3A_1110] : memref<4x!tpu.dma_semaphore, #tpu.memory_space<semaphore_mem>> -> memref<1x!tpu.dma_semaphore, #tpu.memory_space<semaphore_mem>>
    %dma_wait3A_1121 = tpu.memref_squeeze %dma_wait3A_1120 : memref<1x!tpu.dma_semaphore, #tpu.memory_space<semaphore_mem>> -> memref<!tpu.dma_semaphore, #tpu.memory_space<semaphore_mem>>
    tpu.wait_indirect_dma semaphore(%dma_wait3A_1121 : memref<!tpu.dma_semaphore, #tpu.memory_space<semaphore_mem>>) src(%dma_wait3A_1119 : memref<100000x128xf32, #tpu.memory_space<hbm>>) dst(%dma_wait3A_1114 : memref<80x128xf32, #tpu.memory_space<vmem>>)
    %add3A_1122 = arith.constant 240 : i32
    %add3A_1123 = arith.addi %mul3A_2, %add3A_1122 : i32
    %dma_start3A_1124 = arith.constant 3 : i32
    %dma_start3A_1125 = arith.constant 3 : i32
    %dma_start3A_1126 = arith.constant 3 : i32
    %dma_start3A_1127 = arith.constant 0 : i32
    %dma_start3A_1128 = arith.constant 0 : i32
    %dma_start3A_1129 = tpu.memref_slice %arg18[%dma_start3A_1124, %dma_start3A_1127, %dma_start3A_1128] : memref<4x80x128xf32, #tpu.memory_space<vmem>> -> memref<1x80x128xf32, #tpu.memory_space<vmem>>
    %dma_start3A_1130 = tpu.memref_squeeze %dma_start3A_1129 : memref<1x80x128xf32, #tpu.memory_space<vmem>> -> memref<80x128xf32, #tpu.memory_space<vmem>>
    %dma_start3A_1131 = arith.constant 0 : i32
    %dma_start3A_1132 = tpu.memref_slice %arg12[%dma_start3A_1125, %add3A_1123, %dma_start3A_1131] : memref<4x10240x128xf32, #tpu.memory_space<hbm>> -> memref<1x80x128xf32, #tpu.memory_space<hbm>>
    %dma_start3A_1133 = tpu.memref_squeeze %dma_start3A_1132 : memref<1x80x128xf32, #tpu.memory_space<hbm>> -> memref<80x128xf32, #tpu.memory_space<hbm>>
    %dma_start3A_1134 = tpu.memref_slice %arg24[%dma_start3A_1126] : memref<4x!tpu.dma_semaphore, #tpu.memory_space<semaphore_mem>> -> memref<1x!tpu.dma_semaphore, #tpu.memory_space<semaphore_mem>>
    %dma_start3A_1135 = tpu.memref_squeeze %dma_start3A_1134 : memref<1x!tpu.dma_semaphore, #tpu.memory_space<semaphore_mem>> -> memref<!tpu.dma_semaphore, #tpu.memory_space<semaphore_mem>>
    %dma_start3A_1136 = arith.constant 0 : i32
    %dma_start3A_1137 = tpu.memref_slice %arg12[%dma_start3A_1125, %add3A_1123, %dma_start3A_1136] : memref<4x10240x128xf32, #tpu.memory_space<hbm>> -> memref<1x80x128xf32, #tpu.memory_space<hbm>>
    %dma_start3A_1138 = tpu.memref_squeeze %dma_start3A_1137 : memref<1x80x128xf32, #tpu.memory_space<hbm>> -> memref<80x128xf32, #tpu.memory_space<hbm>>
    %dma_start3A_1139 = arith.constant 0 : i32
    %dma_start3A_1140 = arith.constant 0 : i32
    %dma_start3A_1141 = tpu.memref_slice %arg18[%dma_start3A_1124, %dma_start3A_1139, %dma_start3A_1140] : memref<4x80x128xf32, #tpu.memory_space<vmem>> -> memref<1x80x128xf32, #tpu.memory_space<vmem>>
    %dma_start3A_1142 = tpu.memref_squeeze %dma_start3A_1141 : memref<1x80x128xf32, #tpu.memory_space<vmem>> -> memref<80x128xf32, #tpu.memory_space<vmem>>
    tpu.enqueue_dma source(%dma_start3A_1142 : memref<80x128xf32, #tpu.memory_space<vmem>>) target(%dma_start3A_1138 : memref<80x128xf32, #tpu.memory_space<hbm>>) target_semaphore(%dma_start3A_1135 : memref<!tpu.dma_semaphore, #tpu.memory_space<semaphore_mem>>)
    %dma_wait3A_1143 = arith.constant 0 : i32
    %dma_wait3A_1144 = arith.constant 3 : i32
    %dma_wait3A_1145 = arith.constant 0 : i32
    %dma_wait3A_1146 = arith.constant 0 : i32
    %dma_wait3A_1147 = arith.constant 0 : i32
    %dma_wait3A_1148 = tpu.memref_slice %arg18[%dma_wait3A_1143, %dma_wait3A_1146, %dma_wait3A_1147] : memref<4x80x128xf32, #tpu.memory_space<vmem>> -> memref<1x80x128xf32, #tpu.memory_space<vmem>>
    %dma_wait3A_1149 = tpu.memref_squeeze %dma_wait3A_1148 : memref<1x80x128xf32, #tpu.memory_space<vmem>> -> memref<80x128xf32, #tpu.memory_space<vmem>>
    %dma_wait3A_1150 = arith.constant 0 : i32
    %dma_wait3A_1151 = tpu.memref_slice %arg12[%dma_wait3A_1144, %add3A_953, %dma_wait3A_1150] : memref<4x10240x128xf32, #tpu.memory_space<hbm>> -> memref<1x80x128xf32, #tpu.memory_space<hbm>>
    %dma_wait3A_1152 = tpu.memref_squeeze %dma_wait3A_1151 : memref<1x80x128xf32, #tpu.memory_space<hbm>> -> memref<80x128xf32, #tpu.memory_space<hbm>>
    %dma_wait3A_1153 = tpu.memref_slice %arg24[%dma_wait3A_1145] : memref<4x!tpu.dma_semaphore, #tpu.memory_space<semaphore_mem>> -> memref<1x!tpu.dma_semaphore, #tpu.memory_space<semaphore_mem>>
    %dma_wait3A_1154 = tpu.memref_squeeze %dma_wait3A_1153 : memref<1x!tpu.dma_semaphore, #tpu.memory_space<semaphore_mem>> -> memref<!tpu.dma_semaphore, #tpu.memory_space<semaphore_mem>>
    %dma_wait3A_1155 = arith.constant 0 : i32
    %dma_wait3A_1156 = tpu.memref_slice %arg12[%dma_wait3A_1144, %add3A_953, %dma_wait3A_1155] : memref<4x10240x128xf32, #tpu.memory_space<hbm>> -> memref<1x80x128xf32, #tpu.memory_space<hbm>>
    %dma_wait3A_1157 = tpu.memref_squeeze %dma_wait3A_1156 : memref<1x80x128xf32, #tpu.memory_space<hbm>> -> memref<80x128xf32, #tpu.memory_space<hbm>>
    %dma_wait3A_1158 = arith.constant 0 : i32
    %dma_wait3A_1159 = arith.constant 0 : i32
    %dma_wait3A_1160 = tpu.memref_slice %arg18[%dma_wait3A_1143, %dma_wait3A_1158, %dma_wait3A_1159] : memref<4x80x128xf32, #tpu.memory_space<vmem>> -> memref<1x80x128xf32, #tpu.memory_space<vmem>>
    %dma_wait3A_1161 = tpu.memref_squeeze %dma_wait3A_1160 : memref<1x80x128xf32, #tpu.memory_space<vmem>> -> memref<80x128xf32, #tpu.memory_space<vmem>>
    tpu.wait_dma2 semaphore(%dma_wait3A_1154 : memref<!tpu.dma_semaphore, #tpu.memory_space<semaphore_mem>>) src(%dma_wait3A_1161 : memref<80x128xf32, #tpu.memory_space<vmem>>) dst(%dma_wait3A_1157 : memref<80x128xf32, #tpu.memory_space<hbm>>)
    %dma_wait3A_1162 = arith.constant 1 : i32
    %dma_wait3A_1163 = arith.constant 3 : i32
    %dma_wait3A_1164 = arith.constant 1 : i32
    %dma_wait3A_1165 = arith.constant 0 : i32
    %dma_wait3A_1166 = arith.constant 0 : i32
    %dma_wait3A_1167 = tpu.memref_slice %arg18[%dma_wait3A_1162, %dma_wait3A_1165, %dma_wait3A_1166] : memref<4x80x128xf32, #tpu.memory_space<vmem>> -> memref<1x80x128xf32, #tpu.memory_space<vmem>>
    %dma_wait3A_1168 = tpu.memref_squeeze %dma_wait3A_1167 : memref<1x80x128xf32, #tpu.memory_space<vmem>> -> memref<80x128xf32, #tpu.memory_space<vmem>>
    %dma_wait3A_1169 = arith.constant 0 : i32
    %dma_wait3A_1170 = tpu.memref_slice %arg12[%dma_wait3A_1163, %add3A_1021, %dma_wait3A_1169] : memref<4x10240x128xf32, #tpu.memory_space<hbm>> -> memref<1x80x128xf32, #tpu.memory_space<hbm>>
    %dma_wait3A_1171 = tpu.memref_squeeze %dma_wait3A_1170 : memref<1x80x128xf32, #tpu.memory_space<hbm>> -> memref<80x128xf32, #tpu.memory_space<hbm>>
    %dma_wait3A_1172 = tpu.memref_slice %arg24[%dma_wait3A_1164] : memref<4x!tpu.dma_semaphore, #tpu.memory_space<semaphore_mem>> -> memref<1x!tpu.dma_semaphore, #tpu.memory_space<semaphore_mem>>
    %dma_wait3A_1173 = tpu.memref_squeeze %dma_wait3A_1172 : memref<1x!tpu.dma_semaphore, #tpu.memory_space<semaphore_mem>> -> memref<!tpu.dma_semaphore, #tpu.memory_space<semaphore_mem>>
    %dma_wait3A_1174 = arith.constant 0 : i32
    %dma_wait3A_1175 = tpu.memref_slice %arg12[%dma_wait3A_1163, %add3A_1021, %dma_wait3A_1174] : memref<4x10240x128xf32, #tpu.memory_space<hbm>> -> memref<1x80x128xf32, #tpu.memory_space<hbm>>
    %dma_wait3A_1176 = tpu.memref_squeeze %dma_wait3A_1175 : memref<1x80x128xf32, #tpu.memory_space<hbm>> -> memref<80x128xf32, #tpu.memory_space<hbm>>
    %dma_wait3A_1177 = arith.constant 0 : i32
    %dma_wait3A_1178 = arith.constant 0 : i32
    %dma_wait3A_1179 = tpu.memref_slice %arg18[%dma_wait3A_1162, %dma_wait3A_1177, %dma_wait3A_1178] : memref<4x80x128xf32, #tpu.memory_space<vmem>> -> memref<1x80x128xf32, #tpu.memory_space<vmem>>
    %dma_wait3A_1180 = tpu.memref_squeeze %dma_wait3A_1179 : memref<1x80x128xf32, #tpu.memory_space<vmem>> -> memref<80x128xf32, #tpu.memory_space<vmem>>
    tpu.wait_dma2 semaphore(%dma_wait3A_1173 : memref<!tpu.dma_semaphore, #tpu.memory_space<semaphore_mem>>) src(%dma_wait3A_1180 : memref<80x128xf32, #tpu.memory_space<vmem>>) dst(%dma_wait3A_1176 : memref<80x128xf32, #tpu.memory_space<hbm>>)
    %dma_wait3A_1181 = arith.constant 2 : i32
    %dma_wait3A_1182 = arith.constant 3 : i32
    %dma_wait3A_1183 = arith.constant 2 : i32
    %dma_wait3A_1184 = arith.constant 0 : i32
    %dma_wait3A_1185 = arith.constant 0 : i32
    %dma_wait3A_1186 = tpu.memref_slice %arg18[%dma_wait3A_1181, %dma_wait3A_1184, %dma_wait3A_1185] : memref<4x80x128xf32, #tpu.memory_space<vmem>> -> memref<1x80x128xf32, #tpu.memory_space<vmem>>
    %dma_wait3A_1187 = tpu.memref_squeeze %dma_wait3A_1186 : memref<1x80x128xf32, #tpu.memory_space<vmem>> -> memref<80x128xf32, #tpu.memory_space<vmem>>
    %dma_wait3A_1188 = arith.constant 0 : i32
    %dma_wait3A_1189 = tpu.memref_slice %arg12[%dma_wait3A_1182, %add3A_1089, %dma_wait3A_1188] : memref<4x10240x128xf32, #tpu.memory_space<hbm>> -> memref<1x80x128xf32, #tpu.memory_space<hbm>>
    %dma_wait3A_1190 = tpu.memref_squeeze %dma_wait3A_1189 : memref<1x80x128xf32, #tpu.memory_space<hbm>> -> memref<80x128xf32, #tpu.memory_space<hbm>>
    %dma_wait3A_1191 = tpu.memref_slice %arg24[%dma_wait3A_1183] : memref<4x!tpu.dma_semaphore, #tpu.memory_space<semaphore_mem>> -> memref<1x!tpu.dma_semaphore, #tpu.memory_space<semaphore_mem>>
    %dma_wait3A_1192 = tpu.memref_squeeze %dma_wait3A_1191 : memref<1x!tpu.dma_semaphore, #tpu.memory_space<semaphore_mem>> -> memref<!tpu.dma_semaphore, #tpu.memory_space<semaphore_mem>>
    %dma_wait3A_1193 = arith.constant 0 : i32
    %dma_wait3A_1194 = tpu.memref_slice %arg12[%dma_wait3A_1182, %add3A_1089, %dma_wait3A_1193] : memref<4x10240x128xf32, #tpu.memory_space<hbm>> -> memref<1x80x128xf32, #tpu.memory_space<hbm>>
    %dma_wait3A_1195 = tpu.memref_squeeze %dma_wait3A_1194 : memref<1x80x128xf32, #tpu.memory_space<hbm>> -> memref<80x128xf32, #tpu.memory_space<hbm>>
    %dma_wait3A_1196 = arith.constant 0 : i32
    %dma_wait3A_1197 = arith.constant 0 : i32
    %dma_wait3A_1198 = tpu.memref_slice %arg18[%dma_wait3A_1181, %dma_wait3A_1196, %dma_wait3A_1197] : memref<4x80x128xf32, #tpu.memory_space<vmem>> -> memref<1x80x128xf32, #tpu.memory_space<vmem>>
    %dma_wait3A_1199 = tpu.memref_squeeze %dma_wait3A_1198 : memref<1x80x128xf32, #tpu.memory_space<vmem>> -> memref<80x128xf32, #tpu.memory_space<vmem>>
    tpu.wait_dma2 semaphore(%dma_wait3A_1192 : memref<!tpu.dma_semaphore, #tpu.memory_space<semaphore_mem>>) src(%dma_wait3A_1199 : memref<80x128xf32, #tpu.memory_space<vmem>>) dst(%dma_wait3A_1195 : memref<80x128xf32, #tpu.memory_space<hbm>>)
    %dma_wait3A_1200 = arith.constant 3 : i32
    %dma_wait3A_1201 = arith.constant 3 : i32
    %dma_wait3A_1202 = arith.constant 3 : i32
    %dma_wait3A_1203 = arith.constant 0 : i32
    %dma_wait3A_1204 = arith.constant 0 : i32
    %dma_wait3A_1205 = tpu.memref_slice %arg18[%dma_wait3A_1200, %dma_wait3A_1203, %dma_wait3A_1204] : memref<4x80x128xf32, #tpu.memory_space<vmem>> -> memref<1x80x128xf32, #tpu.memory_space<vmem>>
    %dma_wait3A_1206 = tpu.memref_squeeze %dma_wait3A_1205 : memref<1x80x128xf32, #tpu.memory_space<vmem>> -> memref<80x128xf32, #tpu.memory_space<vmem>>
    %dma_wait3A_1207 = arith.constant 0 : i32
    %dma_wait3A_1208 = tpu.memref_slice %arg12[%dma_wait3A_1201, %add3A_1123, %dma_wait3A_1207] : memref<4x10240x128xf32, #tpu.memory_space<hbm>> -> memref<1x80x128xf32, #tpu.memory_space<hbm>>
    %dma_wait3A_1209 = tpu.memref_squeeze %dma_wait3A_1208 : memref<1x80x128xf32, #tpu.memory_space<hbm>> -> memref<80x128xf32, #tpu.memory_space<hbm>>
    %dma_wait3A_1210 = tpu.memref_slice %arg24[%dma_wait3A_1202] : memref<4x!tpu.dma_semaphore, #tpu.memory_space<semaphore_mem>> -> memref<1x!tpu.dma_semaphore, #tpu.memory_space<semaphore_mem>>
    %dma_wait3A_1211 = tpu.memref_squeeze %dma_wait3A_1210 : memref<1x!tpu.dma_semaphore, #tpu.memory_space<semaphore_mem>> -> memref<!tpu.dma_semaphore, #tpu.memory_space<semaphore_mem>>
    %dma_wait3A_1212 = arith.constant 0 : i32
    %dma_wait3A_1213 = tpu.memref_slice %arg12[%dma_wait3A_1201, %add3A_1123, %dma_wait3A_1212] : memref<4x10240x128xf32, #tpu.memory_space<hbm>> -> memref<1x80x128xf32, #tpu.memory_space<hbm>>
    %dma_wait3A_1214 = tpu.memref_squeeze %dma_wait3A_1213 : memref<1x80x128xf32, #tpu.memory_space<hbm>> -> memref<80x128xf32, #tpu.memory_space<hbm>>
    %dma_wait3A_1215 = arith.constant 0 : i32
    %dma_wait3A_1216 = arith.constant 0 : i32
    %dma_wait3A_1217 = tpu.memref_slice %arg18[%dma_wait3A_1200, %dma_wait3A_1215, %dma_wait3A_1216] : memref<4x80x128xf32, #tpu.memory_space<vmem>> -> memref<1x80x128xf32, #tpu.memory_space<vmem>>
    %dma_wait3A_1218 = tpu.memref_squeeze %dma_wait3A_1217 : memref<1x80x128xf32, #tpu.memory_space<vmem>> -> memref<80x128xf32, #tpu.memory_space<vmem>>
    tpu.wait_dma2 semaphore(%dma_wait3A_1211 : memref<!tpu.dma_semaphore, #tpu.memory_space<semaphore_mem>>) src(%dma_wait3A_1218 : memref<80x128xf32, #tpu.memory_space<vmem>>) dst(%dma_wait3A_1214 : memref<80x128xf32, #tpu.memory_space<hbm>>)
    %barrier3A_1219 = arith.constant 0 : index
    tpu.barrier barrier_id(%barrier3A_1219)
    "tpu.region"() ({
      %run_scoped3A = tpu.sem_alloc : memref<!tpu.dma_semaphore, #tpu.memory_space<semaphore_mem>>
      %dma_start3A_1220 = tpu.memref_slice %arg13[%arg0, %mul3A_4] : memref<2x10240xf32, #tpu.memory_space<hbm>> -> memref<1x640xf32, #tpu.memory_space<hbm>>
      %dma_start3A_1221 = tpu.memref_squeeze %dma_start3A_1220 : memref<1x640xf32, #tpu.memory_space<hbm>> -> memref<640xf32, #tpu.memory_space<hbm>>
      %dma_start3A_1222 = tpu.memref_slice %arg21[%mul3A_4] : memref<10240xf32, #tpu.memory_space<vmem_shared>> -> memref<640xf32, #tpu.memory_space<vmem_shared>>
      tpu.enqueue_dma source(%dma_start3A_1222 : memref<640xf32, #tpu.memory_space<vmem_shared>>) target(%dma_start3A_1221 : memref<640xf32, #tpu.memory_space<hbm>>) target_semaphore(%run_scoped3A : memref<!tpu.dma_semaphore, #tpu.memory_space<semaphore_mem>>)
      %dma_wait3A_1223 = tpu.memref_slice %arg13[%arg0, %mul3A_4] : memref<2x10240xf32, #tpu.memory_space<hbm>> -> memref<1x640xf32, #tpu.memory_space<hbm>>
      %dma_wait3A_1224 = tpu.memref_squeeze %dma_wait3A_1223 : memref<1x640xf32, #tpu.memory_space<hbm>> -> memref<640xf32, #tpu.memory_space<hbm>>
      %dma_wait3A_1225 = tpu.memref_slice %arg21[%mul3A_4] : memref<10240xf32, #tpu.memory_space<vmem_shared>> -> memref<640xf32, #tpu.memory_space<vmem_shared>>
      tpu.wait_dma2 semaphore(%run_scoped3A : memref<!tpu.dma_semaphore, #tpu.memory_space<semaphore_mem>>) src(%dma_wait3A_1225 : memref<640xf32, #tpu.memory_space<vmem_shared>>) dst(%dma_wait3A_1224 : memref<640xf32, #tpu.memory_space<hbm>>)
      tpu.yield
    }) : () -> ()
    return
  }
}

module attributes {stable_mosaic.version = 14 : i64} {
  func.func @_t0_body(%arg0: i32, %arg1: memref<4x1024x128xf32, #tpu.memory_space<vmem>>, %arg2: memref<4x128x128xf32, #tpu.memory_space<vmem>>, %arg3: memref<1x128xf32, #tpu.memory_space<vmem>>, %arg4: memref<128x128xf32, #tpu.memory_space<vmem>>, %arg5: memref<1x128xf32, #tpu.memory_space<vmem>>, %arg6: memref<128x128xf32, #tpu.memory_space<vmem>>, %arg7: memref<2x1024x1xf32, #tpu.memory_space<vmem>>, %arg8: memref<1024x128xf32, #tpu.memory_space<vmem>>) attributes {dimension_semantics = [#tpu.dimension_semantics<arbitrary>], iteration_bounds = array<i64: 10>, scalar_prefetch = 0 : i64, scratch_operands = 0 : i64, tpu.core_type = #tpu.core_type<tc>, window_params = [{transform_indices = @transform_0, window_bounds = array<i64: 4, 1024, 128>}, {pipeline_mode = #tpu.pipeline_mode<synchronous>, transform_indices = @transform_1, window_bounds = array<i64: 4, 128, 128>}, {pipeline_mode = #tpu.pipeline_mode<synchronous>, transform_indices = @transform_2, window_bounds = array<i64: 1, 128>}, {pipeline_mode = #tpu.pipeline_mode<synchronous>, transform_indices = @transform_3, window_bounds = array<i64: 128, 128>}, {pipeline_mode = #tpu.pipeline_mode<synchronous>, transform_indices = @transform_4, window_bounds = array<i64: 1, 128>}, {pipeline_mode = #tpu.pipeline_mode<synchronous>, transform_indices = @transform_5, window_bounds = array<i64: 128, 128>}, {transform_indices = @transform_6, window_bounds = array<i64: 2, 1024, 1>}, {transform_indices = @transform_7, window_bounds = array<i64: 1024, 128>}]} {
    %get3A = arith.constant 0 : index
    %get3A_0 = arith.constant 0 : index
    %get3A_1 = arith.constant 0 : index
    %get3A_2 = vector.load %arg1[%get3A, %get3A_0, %get3A_1] : memref<4x1024x128xf32, #tpu.memory_space<vmem>>, vector<1x1024x128xf32>
    %get3A_3 = vector.shape_cast %get3A_2 : vector<1x1024x128xf32> to vector<1024x128xf32>
    %get3A_4 = arith.constant 0 : index
    %get3A_5 = arith.constant 0 : index
    %get3A_6 = arith.constant 0 : index
    %get3A_7 = vector.load %arg2[%get3A_4, %get3A_5, %get3A_6] : memref<4x128x128xf32, #tpu.memory_space<vmem>>, vector<1x128x128xf32>
    %get3A_8 = vector.shape_cast %get3A_7 : vector<1x128x128xf32> to vector<128x128xf32>
    %dot_general3A = arith.constant dense<0.000000e+00> : vector<1024x128xf32>
    %dot_general3A_9 = tpu.matmul %get3A_3, %get3A_8, %dot_general3A {dimension_numbers = #tpu.dot_dimension_numbers<[1], [0], [0], [1], [0, 0, 1, 1], [], []>, transpose_lhs_hint = false} : vector<1024x128xf32>, vector<128x128xf32>, vector<1024x128xf32> -> vector<1024x128xf32>
    %get3A_10 = arith.constant 1 : index
    %get3A_11 = arith.constant 0 : index
    %get3A_12 = arith.constant 0 : index
    %get3A_13 = vector.load %arg1[%get3A_10, %get3A_11, %get3A_12] : memref<4x1024x128xf32, #tpu.memory_space<vmem>>, vector<1x1024x128xf32>
    %get3A_14 = vector.shape_cast %get3A_13 : vector<1x1024x128xf32> to vector<1024x128xf32>
    %get3A_15 = arith.constant 1 : index
    %get3A_16 = arith.constant 0 : index
    %get3A_17 = arith.constant 0 : index
    %get3A_18 = vector.load %arg2[%get3A_15, %get3A_16, %get3A_17] : memref<4x128x128xf32, #tpu.memory_space<vmem>>, vector<1x128x128xf32>
    %get3A_19 = vector.shape_cast %get3A_18 : vector<1x128x128xf32> to vector<128x128xf32>
    %dot_general3A_20 = arith.constant dense<0.000000e+00> : vector<1024x128xf32>
    %dot_general3A_21 = tpu.matmul %get3A_14, %get3A_19, %dot_general3A_20 {dimension_numbers = #tpu.dot_dimension_numbers<[1], [0], [0], [1], [0, 0, 1, 1], [], []>, transpose_lhs_hint = false} : vector<1024x128xf32>, vector<128x128xf32>, vector<1024x128xf32> -> vector<1024x128xf32>
    %add3A = arith.addf %dot_general3A_9, %dot_general3A_21 : vector<1024x128xf32>
    %get3A_22 = arith.constant 2 : index
    %get3A_23 = arith.constant 0 : index
    %get3A_24 = arith.constant 0 : index
    %get3A_25 = vector.load %arg1[%get3A_22, %get3A_23, %get3A_24] : memref<4x1024x128xf32, #tpu.memory_space<vmem>>, vector<1x1024x128xf32>
    %get3A_26 = vector.shape_cast %get3A_25 : vector<1x1024x128xf32> to vector<1024x128xf32>
    %get3A_27 = arith.constant 2 : index
    %get3A_28 = arith.constant 0 : index
    %get3A_29 = arith.constant 0 : index
    %get3A_30 = vector.load %arg2[%get3A_27, %get3A_28, %get3A_29] : memref<4x128x128xf32, #tpu.memory_space<vmem>>, vector<1x128x128xf32>
    %get3A_31 = vector.shape_cast %get3A_30 : vector<1x128x128xf32> to vector<128x128xf32>
    %dot_general3A_32 = arith.constant dense<0.000000e+00> : vector<1024x128xf32>
    %dot_general3A_33 = tpu.matmul %get3A_26, %get3A_31, %dot_general3A_32 {dimension_numbers = #tpu.dot_dimension_numbers<[1], [0], [0], [1], [0, 0, 1, 1], [], []>, transpose_lhs_hint = false} : vector<1024x128xf32>, vector<128x128xf32>, vector<1024x128xf32> -> vector<1024x128xf32>
    %add3A_34 = arith.addf %add3A, %dot_general3A_33 : vector<1024x128xf32>
    %get3A_35 = arith.constant 3 : index
    %get3A_36 = arith.constant 0 : index
    %get3A_37 = arith.constant 0 : index
    %get3A_38 = vector.load %arg1[%get3A_35, %get3A_36, %get3A_37] : memref<4x1024x128xf32, #tpu.memory_space<vmem>>, vector<1x1024x128xf32>
    %get3A_39 = vector.shape_cast %get3A_38 : vector<1x1024x128xf32> to vector<1024x128xf32>
    %get3A_40 = arith.constant 3 : index
    %get3A_41 = arith.constant 0 : index
    %get3A_42 = arith.constant 0 : index
    %get3A_43 = vector.load %arg2[%get3A_40, %get3A_41, %get3A_42] : memref<4x128x128xf32, #tpu.memory_space<vmem>>, vector<1x128x128xf32>
    %get3A_44 = vector.shape_cast %get3A_43 : vector<1x128x128xf32> to vector<128x128xf32>
    %dot_general3A_45 = arith.constant dense<0.000000e+00> : vector<1024x128xf32>
    %dot_general3A_46 = tpu.matmul %get3A_39, %get3A_44, %dot_general3A_45 {dimension_numbers = #tpu.dot_dimension_numbers<[1], [0], [0], [1], [0, 0, 1, 1], [], []>, transpose_lhs_hint = false} : vector<1024x128xf32>, vector<128x128xf32>, vector<1024x128xf32> -> vector<1024x128xf32>
    %add3A_47 = arith.addf %add3A_34, %dot_general3A_46 : vector<1024x128xf32>
    %get3A_48 = arith.constant 0 : index
    %get3A_49 = arith.constant 0 : index
    %get3A_50 = vector.load %arg3[%get3A_48, %get3A_49] : memref<1x128xf32, #tpu.memory_space<vmem>>, vector<1x128xf32>
    %add3A_51 = vector.broadcast %get3A_50 : vector<1x128xf32> to vector<1024x128xf32>
    %add3A_52 = arith.addf %add3A_47, %add3A_51 : vector<1024x128xf32>
    %max3A = arith.constant 0.000000e+00 : f32
    %max3A_53 = vector.broadcast %max3A : f32 to vector<1024x128xf32>
    %max3A_54 = arith.maximumf %add3A_52, %max3A_53 : vector<1024x128xf32>
    %get3A_55 = arith.constant 0 : index
    %get3A_56 = arith.constant 0 : index
    %get3A_57 = vector.load %arg4[%get3A_55, %get3A_56] : memref<128x128xf32, #tpu.memory_space<vmem>>, vector<128x128xf32>
    %dot_general3A_58 = arith.constant dense<0.000000e+00> : vector<1024x128xf32>
    %dot_general3A_59 = tpu.matmul %max3A_54, %get3A_57, %dot_general3A_58 {dimension_numbers = #tpu.dot_dimension_numbers<[1], [0], [0], [1], [0, 0, 1, 1], [], []>, transpose_lhs_hint = false} : vector<1024x128xf32>, vector<128x128xf32>, vector<1024x128xf32> -> vector<1024x128xf32>
    %get3A_60 = arith.constant 0 : index
    %get3A_61 = arith.constant 0 : index
    %get3A_62 = vector.load %arg5[%get3A_60, %get3A_61] : memref<1x128xf32, #tpu.memory_space<vmem>>, vector<1x128xf32>
    %add3A_63 = vector.broadcast %get3A_62 : vector<1x128xf32> to vector<1024x128xf32>
    %add3A_64 = arith.addf %dot_general3A_59, %add3A_63 : vector<1024x128xf32>
    %get3A_65 = arith.constant 0 : index
    %get3A_66 = arith.constant 0 : index
    %get3A_67 = arith.constant 0 : index
    %get3A_68 = vector.load %arg7[%get3A_65, %get3A_66, %get3A_67] : memref<2x1024x1xf32, #tpu.memory_space<vmem>>, vector<1x1024x1xf32>
    %get3A_69 = vector.shape_cast %get3A_68 : vector<1x1024x1xf32> to vector<1024x1xf32>
    %get3A_70 = arith.constant 1 : index
    %get3A_71 = arith.constant 0 : index
    %get3A_72 = arith.constant 0 : index
    %get3A_73 = vector.load %arg7[%get3A_70, %get3A_71, %get3A_72] : memref<2x1024x1xf32, #tpu.memory_space<vmem>>, vector<1x1024x1xf32>
    %get3A_74 = vector.shape_cast %get3A_73 : vector<1x1024x1xf32> to vector<1024x1xf32>
    %add3A_75 = arith.addf %get3A_69, %get3A_74 : vector<1024x1xf32>
    %add3A_76 = arith.constant 1.000000e+00 : f32
    %add3A_77 = vector.broadcast %add3A_76 : f32 to vector<1024x1xf32>
    %add3A_78 = arith.addf %add3A_75, %add3A_77 : vector<1024x1xf32>
    %rsqrt3A = math.rsqrt %add3A_78 : vector<1024x1xf32>
    %get3A_79 = arith.constant 0 : index
    %get3A_80 = arith.constant 0 : index
    %get3A_81 = vector.load %arg6[%get3A_79, %get3A_80] : memref<128x128xf32, #tpu.memory_space<vmem>>, vector<128x128xf32>
    %dot_general3A_82 = arith.constant dense<0.000000e+00> : vector<1024x128xf32>
    %dot_general3A_83 = tpu.matmul %add3A_64, %get3A_81, %dot_general3A_82 {dimension_numbers = #tpu.dot_dimension_numbers<[1], [0], [0], [1], [0, 0, 1, 1], [], []>, transpose_lhs_hint = false} : vector<1024x128xf32>, vector<128x128xf32>, vector<1024x128xf32> -> vector<1024x128xf32>
    %mul3A = vector.broadcast %rsqrt3A : vector<1024x1xf32> to vector<1024x128xf32>
    %mul3A_84 = arith.mulf %mul3A, %dot_general3A_83 : vector<1024x128xf32>
    %swap3A = arith.constant 0 : index
    %swap3A_85 = arith.constant 0 : index
    %swap3A_86 = vector.load %arg8[%swap3A, %swap3A_85] : memref<1024x128xf32, #tpu.memory_space<vmem>>, vector<1024x128xf32>
    tpu.vector_store %arg8[%swap3A, %swap3A_85], %mul3A_84 {strides = array<i32>} : memref<1024x128xf32, #tpu.memory_space<vmem>>, vector<1024x128xf32>,
    return
  }
  func.func @transform_0(%arg0: i32) -> (i32, i32, i32) {
    %c0_i32 = arith.constant 0 : i32
    %c0_i32_0 = arith.constant 0 : i32
    %c0_i32_1 = arith.constant 0 : i32
    return %c0_i32, %arg0, %c0_i32_0 : i32, i32, i32
  }
  func.func @transform_1(%arg0: i32) -> (i32, i32, i32) {
    %c0_i32 = arith.constant 0 : i32
    %c0_i32_0 = arith.constant 0 : i32
    %c0_i32_1 = arith.constant 0 : i32
    %c0_i32_2 = arith.constant 0 : i32
    return %c0_i32, %c0_i32_0, %c0_i32_1 : i32, i32, i32
  }
  func.func @transform_2(%arg0: i32) -> (i32, i32) {
    %c0_i32 = arith.constant 0 : i32
    %c0_i32_0 = arith.constant 0 : i32
    %c0_i32_1 = arith.constant 0 : i32
    return %c0_i32, %c0_i32_0 : i32, i32
  }
  func.func @transform_3(%arg0: i32) -> (i32, i32) {
    %c0_i32 = arith.constant 0 : i32
    %c0_i32_0 = arith.constant 0 : i32
    %c0_i32_1 = arith.constant 0 : i32
    return %c0_i32, %c0_i32_0 : i32, i32
  }
  func.func @transform_4(%arg0: i32) -> (i32, i32) {
    %c0_i32 = arith.constant 0 : i32
    %c0_i32_0 = arith.constant 0 : i32
    %c0_i32_1 = arith.constant 0 : i32
    return %c0_i32, %c0_i32_0 : i32, i32
  }
  func.func @transform_5(%arg0: i32) -> (i32, i32) {
    %c0_i32 = arith.constant 0 : i32
    %c0_i32_0 = arith.constant 0 : i32
    %c0_i32_1 = arith.constant 0 : i32
    return %c0_i32, %c0_i32_0 : i32, i32
  }
  func.func @transform_6(%arg0: i32) -> (i32, i32, i32) {
    %c0_i32 = arith.constant 0 : i32
    %c0_i32_0 = arith.constant 0 : i32
    %c0_i32_1 = arith.constant 0 : i32
    return %c0_i32, %arg0, %c0_i32_0 : i32, i32, i32
  }
  func.func @transform_7(%arg0: i32) -> (i32, i32) {
    %c0_i32 = arith.constant 0 : i32
    %c0_i32_0 = arith.constant 0 : i32
    return %arg0, %c0_i32 : i32, i32
  }
}

module attributes {stable_mosaic.version = 14 : i64} {
  func.func @_comb_body(%arg0: i32, %arg1: memref<2x1024x128xf32, #tpu.memory_space<vmem>>, %arg2: memref<1024x128xf32, #tpu.memory_space<vmem>>, %arg3: memref<2x1024x1xf32, #tpu.memory_space<vmem>>, %arg4: memref<1x128xf32, #tpu.memory_space<vmem>>, %arg5: memref<128x128xf32, #tpu.memory_space<vmem>>, %arg6: memref<1024x128xf32, #tpu.memory_space<vmem>>) attributes {dimension_semantics = [#tpu.dimension_semantics<arbitrary>], iteration_bounds = array<i64: 10>, scalar_prefetch = 0 : i64, scratch_operands = 0 : i64, tpu.core_type = #tpu.core_type<tc>, window_params = [{transform_indices = @transform_0, window_bounds = array<i64: 2, 1024, 128>}, {transform_indices = @transform_1, window_bounds = array<i64: 1024, 128>}, {transform_indices = @transform_2, window_bounds = array<i64: 2, 1024, 1>}, {pipeline_mode = #tpu.pipeline_mode<synchronous>, transform_indices = @transform_3, window_bounds = array<i64: 1, 128>}, {pipeline_mode = #tpu.pipeline_mode<synchronous>, transform_indices = @transform_4, window_bounds = array<i64: 128, 128>}, {transform_indices = @transform_5, window_bounds = array<i64: 1024, 128>}]} {
    %get3A = arith.constant 0 : index
    %get3A_0 = arith.constant 0 : index
    %get3A_1 = arith.constant 0 : index
    %get3A_2 = vector.load %arg3[%get3A, %get3A_0, %get3A_1] : memref<2x1024x1xf32, #tpu.memory_space<vmem>>, vector<1x1024x1xf32>
    %get3A_3 = vector.shape_cast %get3A_2 : vector<1x1024x1xf32> to vector<1024x1xf32>
    %get3A_4 = arith.constant 1 : index
    %get3A_5 = arith.constant 0 : index
    %get3A_6 = arith.constant 0 : index
    %get3A_7 = vector.load %arg3[%get3A_4, %get3A_5, %get3A_6] : memref<2x1024x1xf32, #tpu.memory_space<vmem>>, vector<1x1024x1xf32>
    %get3A_8 = vector.shape_cast %get3A_7 : vector<1x1024x1xf32> to vector<1024x1xf32>
    %add3A = arith.addf %get3A_3, %get3A_8 : vector<1024x1xf32>
    %add3A_9 = arith.constant 1.000000e+00 : f32
    %add3A_10 = vector.broadcast %add3A_9 : f32 to vector<1024x1xf32>
    %add3A_11 = arith.addf %add3A, %add3A_10 : vector<1024x1xf32>
    %rsqrt3A = math.rsqrt %add3A_11 : vector<1024x1xf32>
    %get3A_12 = arith.constant 0 : index
    %get3A_13 = arith.constant 0 : index
    %get3A_14 = arith.constant 0 : index
    %get3A_15 = vector.load %arg1[%get3A_12, %get3A_13, %get3A_14] : memref<2x1024x128xf32, #tpu.memory_space<vmem>>, vector<1x1024x128xf32>
    %get3A_16 = vector.shape_cast %get3A_15 : vector<1x1024x128xf32> to vector<1024x128xf32>
    %get3A_17 = arith.constant 1 : index
    %get3A_18 = arith.constant 0 : index
    %get3A_19 = arith.constant 0 : index
    %get3A_20 = vector.load %arg1[%get3A_17, %get3A_18, %get3A_19] : memref<2x1024x128xf32, #tpu.memory_space<vmem>>, vector<1x1024x128xf32>
    %get3A_21 = vector.shape_cast %get3A_20 : vector<1x1024x128xf32> to vector<1024x128xf32>
    %add3A_22 = arith.addf %get3A_16, %get3A_21 : vector<1024x128xf32>
    %get3A_23 = arith.constant 0 : index
    %get3A_24 = arith.constant 0 : index
    %get3A_25 = vector.load %arg2[%get3A_23, %get3A_24] : memref<1024x128xf32, #tpu.memory_space<vmem>>, vector<1024x128xf32>
    %add3A_26 = arith.addf %add3A_22, %get3A_25 : vector<1024x128xf32>
    %mul3A = vector.broadcast %rsqrt3A : vector<1024x1xf32> to vector<1024x128xf32>
    %mul3A_27 = arith.mulf %mul3A, %add3A_26 : vector<1024x128xf32>
    %get3A_28 = arith.constant 0 : index
    %get3A_29 = arith.constant 0 : index
    %get3A_30 = vector.load %arg4[%get3A_28, %get3A_29] : memref<1x128xf32, #tpu.memory_space<vmem>>, vector<1x128xf32>
    %add3A_31 = vector.broadcast %get3A_30 : vector<1x128xf32> to vector<1024x128xf32>
    %add3A_32 = arith.addf %mul3A_27, %add3A_31 : vector<1024x128xf32>
    %max3A = arith.constant 0.000000e+00 : f32
    %max3A_33 = vector.broadcast %max3A : f32 to vector<1024x128xf32>
    %max3A_34 = arith.maximumf %add3A_32, %max3A_33 : vector<1024x128xf32>
    %get3A_35 = arith.constant 0 : index
    %get3A_36 = arith.constant 0 : index
    %get3A_37 = vector.load %arg5[%get3A_35, %get3A_36] : memref<128x128xf32, #tpu.memory_space<vmem>>, vector<128x128xf32>
    %dot_general3A = arith.constant dense<0.000000e+00> : vector<1024x128xf32>
    %dot_general3A_38 = tpu.matmul %max3A_34, %get3A_37, %dot_general3A {dimension_numbers = #tpu.dot_dimension_numbers<[1], [0], [0], [1], [0, 0, 1, 1], [], []>, transpose_lhs_hint = false} : vector<1024x128xf32>, vector<128x128xf32>, vector<1024x128xf32> -> vector<1024x128xf32>
    %mul3A_39 = vector.broadcast %rsqrt3A : vector<1024x1xf32> to vector<1024x128xf32>
    %mul3A_40 = arith.mulf %mul3A_39, %dot_general3A_38 : vector<1024x128xf32>
    %swap3A = arith.constant 0 : index
    %swap3A_41 = arith.constant 0 : index
    %swap3A_42 = vector.load %arg6[%swap3A, %swap3A_41] : memref<1024x128xf32, #tpu.memory_space<vmem>>, vector<1024x128xf32>
    tpu.vector_store %arg6[%swap3A, %swap3A_41], %mul3A_40 {strides = array<i32>} : memref<1024x128xf32, #tpu.memory_space<vmem>>, vector<1024x128xf32>,
    return
  }
  func.func @transform_0(%arg0: i32) -> (i32, i32, i32) {
    %c0_i32 = arith.constant 0 : i32
    %c0_i32_0 = arith.constant 0 : i32
    %c0_i32_1 = arith.constant 0 : i32
    return %c0_i32, %arg0, %c0_i32_0 : i32, i32, i32
  }
  func.func @transform_1(%arg0: i32) -> (i32, i32) {
    %c0_i32 = arith.constant 0 : i32
    %c0_i32_0 = arith.constant 0 : i32
    return %arg0, %c0_i32 : i32, i32
  }
  func.func @transform_2(%arg0: i32) -> (i32, i32, i32) {
    %c0_i32 = arith.constant 0 : i32
    %c0_i32_0 = arith.constant 0 : i32
    %c0_i32_1 = arith.constant 0 : i32
    return %c0_i32, %arg0, %c0_i32_0 : i32, i32, i32
  }
  func.func @transform_3(%arg0: i32) -> (i32, i32) {
    %c0_i32 = arith.constant 0 : i32
    %c0_i32_0 = arith.constant 0 : i32
    %c0_i32_1 = arith.constant 0 : i32
    return %c0_i32, %c0_i32_0 : i32, i32
  }
  func.func @transform_4(%arg0: i32) -> (i32, i32) {
    %c0_i32 = arith.constant 0 : i32
    %c0_i32_0 = arith.constant 0 : i32
    %c0_i32_1 = arith.constant 0 : i32
    return %c0_i32, %c0_i32_0 : i32, i32
  }
  func.func @transform_5(%arg0: i32) -> (i32, i32) {
    %c0_i32 = arith.constant 0 : i32
    %c0_i32_0 = arith.constant 0 : i32
    return %arg0, %c0_i32 : i32, i32
  }
}

module attributes {stable_mosaic.version = 14 : i64} {
  func.func @_pool_head_body(%arg0: i32, %arg1: memref<2x1024x128xf32, #tpu.memory_space<vmem>>, %arg2: memref<1024x128xf32, #tpu.memory_space<vmem>>, %arg3: memref<2x1024x1xf32, #tpu.memory_space<vmem>>, %arg4: memref<1x128xf32, #tpu.memory_space<vmem>>, %arg5: memref<1024x1xi32, #tpu.memory_space<vmem>>, %arg6: memref<64x2048xf32, #tpu.memory_space<vmem>>, %arg7: memref<2048x128xf32, #tpu.memory_space<vmem>>, %arg8: memref<1x128xf32, #tpu.memory_space<vmem>>, %arg9: memref<128x64xf32, #tpu.memory_space<vmem>>, %arg10: memref<128x64xf32, #tpu.memory_space<vmem>>, %arg11: memref<1x64xf32, #tpu.memory_space<vmem>>, %arg12: memref<64x1xf32, #tpu.memory_space<vmem>>, %arg13: memref<1x1xf32, #tpu.memory_space<vmem>>, %arg14: memref<64x1xf32, #tpu.memory_space<vmem>>, %arg15: memref<64x128xf32, #tpu.memory_space<vmem>>) attributes {dimension_semantics = [#tpu.dimension_semantics<arbitrary>], iteration_bounds = array<i64: 10>, scalar_prefetch = 0 : i64, scratch_operands = 1 : i64, tpu.core_type = #tpu.core_type<tc>, window_params = [{transform_indices = @transform_0, window_bounds = array<i64: 2, 1024, 128>}, {transform_indices = @transform_1, window_bounds = array<i64: 1024, 128>}, {transform_indices = @transform_2, window_bounds = array<i64: 2, 1024, 1>}, {pipeline_mode = #tpu.pipeline_mode<synchronous>, transform_indices = @transform_3, window_bounds = array<i64: 1, 128>}, {transform_indices = @transform_4, window_bounds = array<i64: 1024, 1>}, {pipeline_mode = #tpu.pipeline_mode<synchronous>, transform_indices = @transform_5, window_bounds = array<i64: 64, 2048>}, {pipeline_mode = #tpu.pipeline_mode<synchronous>, transform_indices = @transform_6, window_bounds = array<i64: 2048, 128>}, {pipeline_mode = #tpu.pipeline_mode<synchronous>, transform_indices = @transform_7, window_bounds = array<i64: 1, 128>}, {pipeline_mode = #tpu.pipeline_mode<synchronous>, transform_indices = @transform_8, window_bounds = array<i64: 128, 64>}, {pipeline_mode = #tpu.pipeline_mode<synchronous>, transform_indices = @transform_9, window_bounds = array<i64: 128, 64>}, {pipeline_mode = #tpu.pipeline_mode<synchronous>, transform_indices = @transform_10, window_bounds = array<i64: 1, 64>}, {pipeline_mode = #tpu.pipeline_mode<synchronous>, transform_indices = @transform_11, window_bounds = array<i64: 64, 1>}, {pipeline_mode = #tpu.pipeline_mode<synchronous>, transform_indices = @transform_12, window_bounds = array<i64: 1, 1>}, {pipeline_mode = #tpu.pipeline_mode<synchronous>, transform_indices = @transform_13, window_bounds = array<i64: 64, 1>}]} {
    %get3A = arith.constant 0 : index
    %get3A_0 = arith.constant 0 : index
    %get3A_1 = arith.constant 0 : index
    %get3A_2 = vector.load %arg3[%get3A, %get3A_0, %get3A_1] : memref<2x1024x1xf32, #tpu.memory_space<vmem>>, vector<1x1024x1xf32>
    %get3A_3 = vector.shape_cast %get3A_2 : vector<1x1024x1xf32> to vector<1024x1xf32>
    %get3A_4 = arith.constant 1 : index
    %get3A_5 = arith.constant 0 : index
    %get3A_6 = arith.constant 0 : index
    %get3A_7 = vector.load %arg3[%get3A_4, %get3A_5, %get3A_6] : memref<2x1024x1xf32, #tpu.memory_space<vmem>>, vector<1x1024x1xf32>
    %get3A_8 = vector.shape_cast %get3A_7 : vector<1x1024x1xf32> to vector<1024x1xf32>
    %add3A = arith.addf %get3A_3, %get3A_8 : vector<1024x1xf32>
    %add3A_9 = arith.constant 1.000000e+00 : f32
    %add3A_10 = vector.broadcast %add3A_9 : f32 to vector<1024x1xf32>
    %add3A_11 = arith.addf %add3A, %add3A_10 : vector<1024x1xf32>
    %rsqrt3A = math.rsqrt %add3A_11 : vector<1024x1xf32>
    %get3A_12 = arith.constant 0 : index
    %get3A_13 = arith.constant 0 : index
    %get3A_14 = arith.constant 0 : index
    %get3A_15 = vector.load %arg1[%get3A_12, %get3A_13, %get3A_14] : memref<2x1024x128xf32, #tpu.memory_space<vmem>>, vector<1x1024x128xf32>
    %get3A_16 = vector.shape_cast %get3A_15 : vector<1x1024x128xf32> to vector<1024x128xf32>
    %get3A_17 = arith.constant 1 : index
    %get3A_18 = arith.constant 0 : index
    %get3A_19 = arith.constant 0 : index
    %get3A_20 = vector.load %arg1[%get3A_17, %get3A_18, %get3A_19] : memref<2x1024x128xf32, #tpu.memory_space<vmem>>, vector<1x1024x128xf32>
    %get3A_21 = vector.shape_cast %get3A_20 : vector<1x1024x128xf32> to vector<1024x128xf32>
    %add3A_22 = arith.addf %get3A_16, %get3A_21 : vector<1024x128xf32>
    %get3A_23 = arith.constant 0 : index
    %get3A_24 = arith.constant 0 : index
    %get3A_25 = vector.load %arg2[%get3A_23, %get3A_24] : memref<1024x128xf32, #tpu.memory_space<vmem>>, vector<1024x128xf32>
    %add3A_26 = arith.addf %add3A_22, %get3A_25 : vector<1024x128xf32>
    %mul3A = vector.broadcast %rsqrt3A : vector<1024x1xf32> to vector<1024x128xf32>
    %mul3A_27 = arith.mulf %mul3A, %add3A_26 : vector<1024x128xf32>
    %get3A_28 = arith.constant 0 : index
    %get3A_29 = arith.constant 0 : index
    %get3A_30 = vector.load %arg4[%get3A_28, %get3A_29] : memref<1x128xf32, #tpu.memory_space<vmem>>, vector<1x128xf32>
    %add3A_31 = vector.broadcast %get3A_30 : vector<1x128xf32> to vector<1024x128xf32>
    %add3A_32 = arith.addf %mul3A_27, %add3A_31 : vector<1024x128xf32>
    %max3A = arith.constant 0.000000e+00 : f32
    %max3A_33 = vector.broadcast %max3A : f32 to vector<1024x128xf32>
    %max3A_34 = arith.maximumf %add3A_32, %max3A_33 : vector<1024x128xf32>
    %get3A_35 = arith.constant 0 : index
    %get3A_36 = arith.constant 0 : index
    %get3A_37 = vector.load %arg5[%get3A_35, %get3A_36] : memref<1024x1xi32, #tpu.memory_space<vmem>>, vector<1024x1xi32>
    %iota3A = tpu.iota {dimensions = array<i32: 1>} : vector<1024x64xi32>
    %eq3A = vector.broadcast %get3A_37 : vector<1024x1xi32> to vector<1024x64xi32>
    %eq3A_38 = arith.cmpi eq, %eq3A, %iota3A : vector<1024x64xi32>
    %convert_element_type3A = arith.extui %eq3A_38 : vector<1024x64xi1> to vector<1024x64xi32>
    %convert_element_type3A_39 = arith.sitofp %convert_element_type3A : vector<1024x64xi32> to vector<1024x64xf32>
    %dot_general3A = arith.constant dense<0.000000e+00> : vector<64x128xf32>
    %dot_general3A_40 = tpu.matmul %convert_element_type3A_39, %max3A_34, %dot_general3A {dimension_numbers = #tpu.dot_dimension_numbers<[0], [0], [1], [1], [0, 1, 1, 1], [], []>, transpose_lhs_hint = false} : vector<1024x64xf32>, vector<1024x128xf32>, vector<64x128xf32> -> vector<64x128xf32>
    %eq3A_41 = arith.constant 0 : i32
    %eq3A_42 = arith.cmpi eq, %arg0, %eq3A_41 : i32
    %convert_element_type3A_43 = arith.extui %eq3A_42 : i1 to i32
    %cond3A = arith.constant 0 : i32
    %cond3A_44 = arith.cmpi ne, %convert_element_type3A_43, %cond3A : i32
    scf.if %cond3A_44 {
      %swap3A = arith.constant 0 : index
      %swap3A_54 = arith.constant 0 : index
      %swap3A_55 = vector.load %arg15[%swap3A, %swap3A_54] : memref<64x128xf32, #tpu.memory_space<vmem>>, vector<64x128xf32>
      tpu.vector_store %arg15[%swap3A, %swap3A_54], %dot_general3A_40 {strides = array<i32>} : memref<64x128xf32, #tpu.memory_space<vmem>>, vector<64x128xf32>,
    } else {
    }
    %ne3A = arith.constant 0 : i32
    %ne3A_45 = arith.cmpi ne, %arg0, %ne3A : i32
    %convert_element_type3A_46 = arith.extui %ne3A_45 : i1 to i32
    %cond3A_47 = arith.constant 0 : i32
    %cond3A_48 = arith.cmpi ne, %convert_element_type3A_46, %cond3A_47 : i32
    scf.if %cond3A_48 {
      %get3A_54 = arith.constant 0 : index
      %get3A_55 = arith.constant 0 : index
      %get3A_56 = vector.load %arg15[%get3A_54, %get3A_55] : memref<64x128xf32, #tpu.memory_space<vmem>>, vector<64x128xf32>
      %add3A_57 = arith.addf %get3A_56, %dot_general3A_40 : vector<64x128xf32>
      %swap3A = arith.constant 0 : index
      %swap3A_58 = arith.constant 0 : index
      %swap3A_59 = vector.load %arg15[%swap3A, %swap3A_58] : memref<64x128xf32, #tpu.memory_space<vmem>>, vector<64x128xf32>
      tpu.vector_store %arg15[%swap3A, %swap3A_58], %add3A_57 {strides = array<i32>} : memref<64x128xf32, #tpu.memory_space<vmem>>, vector<64x128xf32>,
    } else {
    }
    %eq3A_49 = arith.constant 9 : i32
    %eq3A_50 = arith.cmpi eq, %arg0, %eq3A_49 : i32
    %convert_element_type3A_51 = arith.extui %eq3A_50 : i1 to i32
    %cond3A_52 = arith.constant 0 : i32
    %cond3A_53 = arith.cmpi ne, %convert_element_type3A_51, %cond3A_52 : i32
    scf.if %cond3A_53 {
      %get3A_54 = arith.constant 0 : index
      %get3A_55 = arith.constant 0 : index
      %get3A_56 = vector.load %arg6[%get3A_54, %get3A_55] : memref<64x2048xf32, #tpu.memory_space<vmem>>, vector<64x2048xf32>
      %get3A_57 = arith.constant 0 : index
      %get3A_58 = arith.constant 0 : index
      %get3A_59 = vector.load %arg7[%get3A_57, %get3A_58] : memref<2048x128xf32, #tpu.memory_space<vmem>>, vector<2048x128xf32>
      %dot_general3A_60 = arith.constant dense<0.000000e+00> : vector<64x128xf32>
      %dot_general3A_61 = tpu.matmul %get3A_56, %get3A_59, %dot_general3A_60 {dimension_numbers = #tpu.dot_dimension_numbers<[1], [0], [0], [1], [0, 0, 1, 1], [], []>, transpose_lhs_hint = false} : vector<64x2048xf32>, vector<2048x128xf32>, vector<64x128xf32> -> vector<64x128xf32>
      %get3A_62 = arith.constant 0 : index
      %get3A_63 = arith.constant 0 : index
      %get3A_64 = vector.load %arg8[%get3A_62, %get3A_63] : memref<1x128xf32, #tpu.memory_space<vmem>>, vector<1x128xf32>
      %add3A_65 = vector.broadcast %get3A_64 : vector<1x128xf32> to vector<64x128xf32>
      %add3A_66 = arith.addf %dot_general3A_61, %add3A_65 : vector<64x128xf32>
      %get3A_67 = arith.constant 0 : index
      %get3A_68 = arith.constant 0 : index
      %get3A_69 = vector.load %arg9[%get3A_67, %get3A_68] : memref<128x64xf32, #tpu.memory_space<vmem>>, vector<128x64xf32>
      %dot_general3A_70 = arith.constant dense<0.000000e+00> : vector<64x64xf32>
      %dot_general3A_71 = tpu.matmul %add3A_66, %get3A_69, %dot_general3A_70 {dimension_numbers = #tpu.dot_dimension_numbers<[1], [0], [0], [1], [0, 0, 1, 1], [], []>, transpose_lhs_hint = false} : vector<64x128xf32>, vector<128x64xf32>, vector<64x64xf32> -> vector<64x64xf32>
      %get3A_72 = arith.constant 0 : index
      %get3A_73 = arith.constant 0 : index
      %get3A_74 = vector.load %arg15[%get3A_72, %get3A_73] : memref<64x128xf32, #tpu.memory_space<vmem>>, vector<64x128xf32>
      %get3A_75 = arith.constant 0 : index
      %get3A_76 = arith.constant 0 : index
      %get3A_77 = vector.load %arg10[%get3A_75, %get3A_76] : memref<128x64xf32, #tpu.memory_space<vmem>>, vector<128x64xf32>
      %dot_general3A_78 = arith.constant dense<0.000000e+00> : vector<64x64xf32>
      %dot_general3A_79 = tpu.matmul %get3A_74, %get3A_77, %dot_general3A_78 {dimension_numbers = #tpu.dot_dimension_numbers<[1], [0], [0], [1], [0, 0, 1, 1], [], []>, transpose_lhs_hint = false} : vector<64x128xf32>, vector<128x64xf32>, vector<64x64xf32> -> vector<64x64xf32>
      %add3A_80 = arith.addf %dot_general3A_71, %dot_general3A_79 : vector<64x64xf32>
      %get3A_81 = arith.constant 0 : index
      %get3A_82 = arith.constant 0 : index
      %get3A_83 = vector.load %arg11[%get3A_81, %get3A_82] : memref<1x64xf32, #tpu.memory_space<vmem>>, vector<1x64xf32>
      %add3A_84 = vector.broadcast %get3A_83 : vector<1x64xf32> to vector<64x64xf32>
      %add3A_85 = arith.addf %add3A_80, %add3A_84 : vector<64x64xf32>
      %max3A_86 = arith.constant 0.000000e+00 : f32
      %max3A_87 = vector.broadcast %max3A_86 : f32 to vector<64x64xf32>
      %max3A_88 = arith.maximumf %add3A_85, %max3A_87 : vector<64x64xf32>
      %get3A_89 = arith.constant 0 : index
      %get3A_90 = arith.constant 0 : index
      %get3A_91 = vector.load %arg12[%get3A_89, %get3A_90] : memref<64x1xf32, #tpu.memory_space<vmem>>, vector<64x1xf32>
      %dot_general3A_92 = arith.constant dense<0.000000e+00> : vector<64x1xf32>
      %dot_general3A_93 = tpu.matmul %max3A_88, %get3A_91, %dot_general3A_92 {dimension_numbers = #tpu.dot_dimension_numbers<[1], [0], [0], [1], [0, 0, 1, 1], [], []>, transpose_lhs_hint = false} : vector<64x64xf32>, vector<64x1xf32>, vector<64x1xf32> -> vector<64x1xf32>
      %get3A_94 = arith.constant 0 : index
      %get3A_95 = arith.constant 0 : index
      %get3A_96 = vector.load %arg13[%get3A_94, %get3A_95] : memref<1x1xf32, #tpu.memory_space<vmem>>, vector<1x1xf32>
      %add3A_97 = vector.broadcast %get3A_96 : vector<1x1xf32> to vector<64x1xf32>
      %add3A_98 = arith.addf %dot_general3A_93, %add3A_97 : vector<64x1xf32>
      %swap3A = arith.constant 0 : index
      %swap3A_99 = arith.constant 0 : index
      %swap3A_100 = vector.load %arg14[%swap3A, %swap3A_99] : memref<64x1xf32, #tpu.memory_space<vmem>>, vector<64x1xf32>
      tpu.vector_store %arg14[%swap3A, %swap3A_99], %add3A_98 {strides = array<i32>} : memref<64x1xf32, #tpu.memory_space<vmem>>, vector<64x1xf32>,
    } else {
    }
    return
  }
  func.func @transform_0(%arg0: i32) -> (i32, i32, i32) {
    %c0_i32 = arith.constant 0 : i32
    %c0_i32_0 = arith.constant 0 : i32
    %c0_i32_1 = arith.constant 0 : i32
    return %c0_i32, %arg0, %c0_i32_0 : i32, i32, i32
  }
  func.func @transform_1(%arg0: i32) -> (i32, i32) {
    %c0_i32 = arith.constant 0 : i32
    %c0_i32_0 = arith.constant 0 : i32
    return %arg0, %c0_i32 : i32, i32
  }
  func.func @transform_2(%arg0: i32) -> (i32, i32, i32) {
    %c0_i32 = arith.constant 0 : i32
    %c0_i32_0 = arith.constant 0 : i32
    %c0_i32_1 = arith.constant 0 : i32
    return %c0_i32, %arg0, %c0_i32_0 : i32, i32, i32
  }
  func.func @transform_3(%arg0: i32) -> (i32, i32) {
    %c0_i32 = arith.constant 0 : i32
    %c0_i32_0 = arith.constant 0 : i32
    %c0_i32_1 = arith.constant 0 : i32
    return %c0_i32, %c0_i32_0 : i32, i32
  }
  func.func @transform_4(%arg0: i32) -> (i32, i32) {
    %c0_i32 = arith.constant 0 : i32
    %c0_i32_0 = arith.constant 0 : i32
    return %arg0, %c0_i32 : i32, i32
  }
  func.func @transform_5(%arg0: i32) -> (i32, i32) {
    %c0_i32 = arith.constant 0 : i32
    %c0_i32_0 = arith.constant 0 : i32
    %c0_i32_1 = arith.constant 0 : i32
    return %c0_i32, %c0_i32_0 : i32, i32
  }
  func.func @transform_6(%arg0: i32) -> (i32, i32) {
    %c0_i32 = arith.constant 0 : i32
    %c0_i32_0 = arith.constant 0 : i32
    %c0_i32_1 = arith.constant 0 : i32
    return %c0_i32, %c0_i32_0 : i32, i32
  }
  func.func @transform_7(%arg0: i32) -> (i32, i32) {
    %c0_i32 = arith.constant 0 : i32
    %c0_i32_0 = arith.constant 0 : i32
    %c0_i32_1 = arith.constant 0 : i32
    return %c0_i32, %c0_i32_0 : i32, i32
  }
  func.func @transform_8(%arg0: i32) -> (i32, i32) {
    %c0_i32 = arith.constant 0 : i32
    %c0_i32_0 = arith.constant 0 : i32
    %c0_i32_1 = arith.constant 0 : i32
    return %c0_i32, %c0_i32_0 : i32, i32
  }
  func.func @transform_9(%arg0: i32) -> (i32, i32) {
    %c0_i32 = arith.constant 0 : i32
    %c0_i32_0 = arith.constant 0 : i32
    %c0_i32_1 = arith.constant 0 : i32
    return %c0_i32, %c0_i32_0 : i32, i32
  }
  func.func @transform_10(%arg0: i32) -> (i32, i32) {
    %c0_i32 = arith.constant 0 : i32
    %c0_i32_0 = arith.constant 0 : i32
    %c0_i32_1 = arith.constant 0 : i32
    return %c0_i32, %c0_i32_0 : i32, i32
  }
  func.func @transform_11(%arg0: i32) -> (i32, i32) {
    %c0_i32 = arith.constant 0 : i32
    %c0_i32_0 = arith.constant 0 : i32
    %c0_i32_1 = arith.constant 0 : i32
    return %c0_i32, %c0_i32_0 : i32, i32
  }
  func.func @transform_12(%arg0: i32) -> (i32, i32) {
    %c0_i32 = arith.constant 0 : i32
    %c0_i32_0 = arith.constant 0 : i32
    %c0_i32_1 = arith.constant 0 : i32
    return %c0_i32, %c0_i32_0 : i32, i32
  }
  func.func @transform_13(%arg0: i32) -> (i32, i32) {
    %c0_i32 = arith.constant 0 : i32
    %c0_i32_0 = arith.constant 0 : i32
    %c0_i32_1 = arith.constant 0 : i32
    return %c0_i32, %c0_i32_0 : i32, i32
  }
}

</mosaic_0001>

<sc_bundles>
// kernel: kernel.10.cloned.1.call-start
scs
__scs_entry_jumppad:
0x0: {  	(pc) =	sbr.rel $0x88, $3  }
0x1: {  	(tag) =	ssettag $0x0;
	lr =	simm.s32 $0x1  }
0x2: {  	[smem:$0x3F86] =	sst lr;
	_ =	strace $0xD0000000  }
0x3: {  	_ = 	snop  }
0x4: {  	_ = 	snop  }
0x5: {  	_ = 	snop  }
0x6: {  	_ = 	snop  }
0x7: {  	_ = 	snop  }
__scs_overlays_trampoline_lowered:
0x8: {  	[smem:$0x3F95] =	sst s0  }
0x9: {  	[smem:$0x3F96] =	sst s1  }
0xa: {  	[smem:$0x3F97] =	sst s2  }
0xb: {  	[smem:$0x3F98] =	sst s3  }
0xc: {  	[smem:$0x3F99] =	sst s4  }
0xd: {  	[smem:$0x3F9A] =	sst s5  }
0xe: {  	[smem:$0x3F9B] =	sst s6  }
0xf: {  	[smem:$0x3F9C] =	sst s7  }
0x10: {  	[smem:$0x3F9D] =	sst s8  }
0x11: {  	[smem:$0x3F9E] =	sst s9;
	s0 =	simm.s32 @!p0 $0x0  }
0x12: {  	s1 =	sld [smem:$0x3F84];
	s0 =	simm.s32 @p0 $0x1  }
0x13: {  	[smem:$0x3F9F] =	sst s0;
	s0 =	simm.s32 @!p1 $0x0  }
0x14: {  	s2 =	sld [smem:$0x3F83];
	s0 =	simm.s32 @p1 $0x1  }
0x15: {  	[smem:$0x3FA0] =	sst s0;
	s0 =	simm.s32 @!p2 $0x0  }
0x16: {  	s3 =	sld [smem:$0x3FDB];
	s0 =	simm.s32 @p2 $0x1  }
0x17: {  	s4 =	simm.s32 $0x1BF5;
	[smem:$0x3FA2] =	sst s0  }
0x18: {  	s0 =	sld [smem:$0x3F85];
	_ =	swait.ge [sflag:s4], $0x0  }
0x19: {  	s7 =	sld [smem:$0x3F86]  }
0x1a: {  	s8 =	sadd.s32 $0xFFFFE003, lr  }
0x1b: {  	s9 =	sadd.s32 $0xFFFFFEF7, lr;
	s5 =	simm.s32 $0xFFFFFFFF;
	p2 =	slt.u32 s8, $0xFFFFF086  }
0x1c: {  	p1 =	slt.u32 s9, $0xF7A;
	s5 =	simm.s32 @!p2 $0x0  }
0x1d: {  	s5 =	simm.s32 @p1 $0x1;
	p0 =	seq.s32 s7, s2  }
0x1e: {  	s7 =	smul.u32 @!p0 $0xF7A, s2;
	p2 =	seq.s32 @!p0 s5, $0x0  }
0x1f: {  	s9 =	smul.u32 $0xF7A, s1;
	s8 =	simm.s32 @!p0 $0x1BF5;
	p2 =	por !p2, p0  }
0x20: {  	[sflag:s8] =	ssyncset.s32 @!p0 $0xFFFFF086;
	s6 =	sadd.s32 @!p0 s3, s7;
	s7 =	simm.s32 @!p0 $0x108  }
0x21: {  	s3 =	sadd.s32 s3, s9;
	s6 =	sadd.s32 @!p0 $0x88, s6;
	s7 =	simm.s32 @p2 $0x1082  }
0x22: {  	[simem:s7], [sflag:s8] =	dma.local @!p0 [hbm:s6], $0xF7A  }
0x23: {  	s9 =	sor.u32 $0xD0000000, s2;
	s6 =	simm.s32 $0x108;
	_ =	swait.ge @!p0 [sflag:s8], $0x0  }
0x24: {  	s3 =	sadd.s32 $0x88, s3;
	s6 =	simm.s32 @!p1 $0x1082;
	[sflag:s4] =	ssyncset.s32 $0xFFFFF086  }
0x25: {  	[simem:s6], [sflag:s4] =	dma.local [hbm:s3], $0xF7A  }
0x26: {  	[smem:$0x3F86] =	sst s1;
	(tag) =	ssettag s2;
	_ =	strace s9  }
0x27: {  	s1 =	sld [smem:$0x3F96]  }
0x28: {  	s2 =	sld [smem:$0x3F97]  }
0x29: {  	s4 =	sld [smem:$0x3F99]  }
0x2a: {  	p0 =	seq.s32 s5, $0x0;
	s5 =	sld [smem:$0x3F9A]  }
0x2b: {  	s6 =	sld [smem:$0x3F9B]  }
0x2c: {  	s7 =	sld [smem:$0x3F9C]  }
0x2d: {  	s3 =	simm.s32 $0x108;
	s8 =	sld [smem:$0x3F9D]  }
0x2e: {  	s3 =	simm.s32 @!p0 $0x1082;
	s9 =	sld [smem:$0x3F9E]  }
0x2f: {  	lr =	sadd.s32 s0, s3;
	s0 =	sld [smem:$0x3F95]  }
0x30: {  	s3 =	sld [smem:$0x3F98]  }
0x31: {  	[smem:$0x3FA1] =	sst s10  }
0x32: {  	s10 =	sld [smem:$0x3F9F];
	_ =	sdelay $0x3  }
0x33: {  	p0 =	seq.s32 s10, $0x1;
	s10 =	sld [smem:$0x3FA1];
	_ =	sdelay $0x3  }
0x34: {  	[smem:$0x3FA1] =	sst s10  }
0x35: {  	s10 =	sld [smem:$0x3FA0];
	_ =	sdelay $0x3  }
0x36: {  	p1 =	seq.s32 s10, $0x1;
	s10 =	sld [smem:$0x3FA1];
	_ =	sdelay $0x3  }
0x37: {  	[smem:$0x3FA1] =	sst s10  }
0x38: {  	s10 =	sld [smem:$0x3FA2]  }
0x39: {  	_ = 	snop;
	(pc) =	sbr.ind lr, $3  }
0x3a: {  	_ = 	snop  }
0x3b: {  	_ = 	snop  }
0x3c: {  	p2 =	seq.s32 s10, $0x1;
	s10 =	sld [smem:$0x3FA1]  }
0x3d: {  	_ =	shalt  }
0x3e: {  	_ =	shalt  }
0x3f: {  	_ =	shalt  }
0x40: {  	_ =	shalt  }
0x41: {  	_ =	shalt  }
0x42: {  	_ =	shalt  }
0x43: {  	_ =	shalt  }
0x44: {  	_ =	shalt  }
0x45: {  	_ =	shalt  }
0x46: {  	_ =	shalt  }
0x47: {  	_ =	shalt  }
0x48: {  	_ =	shalt  }
0x49: {  	_ =	shalt  }
0x4a: {  	_ =	shalt  }
0x4b: {  	_ =	shalt  }
0x4c: {  	_ =	shalt  }
0x4d: {  	_ =	shalt  }
0x4e: {  	_ =	shalt  }
0x4f: {  	_ =	shalt  }
0x50: {  	_ =	shalt  }
0x51: {  	_ =	shalt  }
0x52: {  	_ =	shalt  }
0x53: {  	_ =	shalt  }
0x54: {  	_ =	shalt  }
0x55: {  	_ =	shalt  }
0x56: {  	_ =	shalt  }
0x57: {  	_ =	shalt  }
0x58: {  	_ =	shalt  }
0x59: {  	_ =	shalt  }
0x5a: {  	_ =	shalt  }
0x5b: {  	_ =	shalt  }
0x5c: {  	_ =	shalt  }
0x5d: {  	_ =	shalt  }
0x5e: {  	_ =	shalt  }
0x5f: {  	_ =	shalt  }
0x60: {  	_ =	shalt  }
0x61: {  	_ =	shalt  }
0x62: {  	_ =	shalt  }
0x63: {  	_ =	shalt  }
0x64: {  	_ =	shalt  }
0x65: {  	_ =	shalt  }
0x66: {  	_ =	shalt  }
0x67: {  	_ =	shalt  }
0x68: {  	_ =	shalt  }
0x69: {  	_ =	shalt  }
0x6a: {  	_ =	shalt  }
0x6b: {  	_ =	shalt  }
0x6c: {  	_ =	shalt  }
0x6d: {  	_ =	shalt  }
0x6e: {  	_ =	shalt  }
0x6f: {  	_ =	shalt  }
0x70: {  	_ =	shalt  }
0x71: {  	_ =	shalt  }
0x72: {  	_ =	shalt  }
0x73: {  	_ =	shalt  }
0x74: {  	_ =	shalt  }
0x75: {  	_ =	shalt  }
0x76: {  	_ =	shalt  }
0x77: {  	_ =	shalt  }
0x78: {  	_ =	shalt  }
0x79: {  	_ =	shalt  }
0x7a: {  	_ =	shalt  }
0x7b: {  	_ =	shalt  }
0x7c: {  	_ =	shalt  }
0x7d: {  	_ =	shalt  }
0x7e: {  	_ =	shalt  }
0x7f: {  	_ =	shalt  }
0x80: {  	_ =	shalt  }
0x81: {  	_ =	shalt  }
0x82: {  	_ =	shalt  }
0x83: {  	_ =	shalt  }
0x84: {  	_ =	shalt  }
0x85: {  	_ =	shalt  }
0x86: {  	_ =	shalt  }
0x87: {  	_ =	shalt  }
.Lfunc_end0:
.L_simem_size_0:
called_computation_lowered:
.L_overlay_start_0:
0x88: {  	s2 =	sld [smem:$0x3FD9]  }
0x89: {  	s3 =	sld [smem:$0x3FFE];
	_ =	sdelay $0x1  }
0x8a: {  	s1 =	srdreg.scid  }
0x8b: {  	s0 =	sand.u32 $0x1, s1  }
0x8c: {  	s17 =	sshll.u32 s0, $0xA;
	s2 =	sadd.s32 s3, s2  }
0x8d: {  	s2 =	sadd.s32 s2, s17  }
0x8e: {  	[smem:$0x3FAD] =	sst s2  }
0x8f: {  	_ = 	snop  }
0x90: {  	s2 =	sld [smem:$0x3FC2]  }
0x91: {  	s18 =	sld [smem:$0x3FC1]  }
0x92: {  	s4 =	sld [smem:$0x3FC0]  }
0x93: {  	s5 =	sld [smem:$0x3FBF];
	(tm) =	ssettm $0x1  }
0x94: {  	s6 =	sld [smem:$0x3FFB];
	_ =	sdelay $0x3  }
0x95: {  	_ =	strace s6  }
0x96: {  	s6 =	sld [smem:$0x3FFC];
	_ =	sdelay $0x3  }
0x97: {  	_ =	strace s6  }
0x98: {  	s6 =	sld [smem:$0x3FFD];
	_ =	sdelay $0x3  }
0x99: {  	_ =	strace s6  }
0x9a: {  	_ =	strace $0x8FFFFFFF  }
0x9b: {  	s19 =	sld [smem:$0x3FDB];
	_ =	sdelay $0x1  }
0x9c: {  	s7 =	simm.s32 $_scs_section_size  }
0x9d: {  	s8 =	simm.s32 $_size__tile_overlayer_lowered;
	s9 =	simm.s32 $_tile_overlayer_lowered  }
0x9e: {  	s22 =	simm.s32 $0x1BFF;
	s21 =	sshll.u32 s9, $0x1;
	s6 =	sadd.s32 s7, s19  }
0x9f: {  	s10 =	simm.s32 $0x0;
	s20 =	sshll.u32 s8, $0x1;
	s8 =	sadd.s32 s21, s6  }
0xa0: {  	[timem:s10], [sflag:s22] =	dma.local [hbm:s8], s20  }
0xa1: {  	_ =	swait.ge [sflag:s22], s20  }
0xa2: {  	s7 =	ssub.s32 $0x0, s20;
	[sflag:s22] =	ssyncset.done $0x0  }
0xa3: {  	[sflag:s22] =	ssyncadd.s32 s7;
	_ =	sdelay $0x1  }
0xa4: {  	s23 =	simm.s32 $0x1B8B  }
0xa5: {  	_ =	swait.ge [sflag:s23], $0x1  }
0xa6: {  	[sflag:s23] =	ssyncset.done $0x0  }
0xa7: {  	s25 =	simm.s32 $0x1B8E;
	s24 =	sld [smem:$0x3FFE];
	[sflag:s23] =	ssyncadd.s32 $0xFFFFFFFF  }
0xa8: {  	s26 =	simm.s32 $execute0_lowered;
	[smem:$0x3FD2] =	sst s25  }
0xa9: {  	s8 =	sshll.u32 s26, $0x1;
	_ =	strace $0x80000046;
	[dreg:$0x1] =	wrdreg $0xFFFFFFFF  }
0xaa: {  	s28 =	simm.s32 $_size_execute0_lowered;
	s6 =	sadd.s32 s6, s8;
	[dreg:$0x0] =	wrdreg $0x0  }
0xab: {  	s8 =	sshll.u32 s28, $0x1;
	[dreg:$0x2] =	wrdreg s6  }
0xac: {  	[dreg:$0x3] =	wrdreg s8  }
0xad: {  	[dreg:$0x4] =	wrdreg $0xC0  }
0xae: {  	_ =	task [dreg:s10], $0x5FFFF  }
0xaf: {  	[dreg:$0x1] =	wrdreg $0xFFFFFFFF  }
0xb0: {  	[dreg:$0x0] =	wrdreg $0x60  }
0xb1: {  	[dreg:$0x2] =	wrdreg s24  }
0xb2: {  	[dreg:$0x3] =	wrdreg s2  }
0xb3: {  	[dreg:$0x4] =	wrdreg s18  }
0xb4: {  	[dreg:$0x5] =	wrdreg s4  }
0xb5: {  	[dreg:$0x6] =	wrdreg s5  }
0xb6: {  	[dreg:$0x7] =	wrdreg $0xCE800  }
0xb7: {  	[dreg:$0x8] =	wrdreg $0x9  }
0xb8: {  	_ =	task.clear_ibuf [dreg:s10], $0x9FFFF;
	_ =	strace $0x90000046  }
0xb9: {  	s29 =	simm.s32 $0x9;
	_ =	strace $0x80000048  }
0xba: {  	_ =	swait.ge [sflag:s29], $0x1  }
0xbb: {  	[sflag:s29] =	ssyncadd.s32 $0xFFFFFFFF  }
0xbc: {  	_ =	strace $0x90000048  }
0xbd: {  	_ =	sfence  }
0xbe: {  	s30 =	sld [smem:$0x0];
	_ =	sdelay $0x2  }
0xbf: {  	s31 =	sshll.u32 s1, $0xD;
	s1 =	sshrl.u32 s1, $0x2  }
0xc0: {  	s3 =	sand.u32 $0x4000, s31;
	s1 =	sadd.s32 s1, s30  }
0xc1: {  	s0 =	sor.u32 s3, s0;
	s1 =	sshll.u32 s1, $0x11  }
0xc2: {  	s0 =	sor.u32 s1, s0  }
0xc3: {  	s0 =	sadd.s32 $0x8F2B, s0  }
0xc4: {  	[sflag:s0] =	ssyncadd.remote.s32 $0x1  }
0xc5: {  	_ =	sfence.sel $0xFFFF  }
0xc6: {  	[dreg:$0x0] =	wrdreg $0xFFFFFFFF;
	(pc) =	sbr.abs _section_cstart, $3  }
0xc7: {  	[dreg:$0x1] =	wrdreg $0xFFFFFFFF  }
0xc8: {  	_ =	task.clear_ibuf [dreg:s10], $0x2FFFF;
	_ =	strace $0x9FFFFFFF  }
0xc9: {  	(tm) =	ssettm $0x7FFFFFFF  }
tec
execute0_lowered:
.L_overlay_start_1:
0x0: {  	(tag) =	ssettag $0x1  }
0x1: {  	s0 =	rddreg [dreg:$0x0];
	s1 =	srdreg.scid  }
0x2: {  	s3 =	stileid.u32;
	s6 =	rddreg [dreg:$0x5]  }
0x3: {  	s7 =	simm.s32 $0x0;
	s1 =	sand.u32 $0x1, s1;
	s2 =	sshll.u32 s3, $0x1  }
0x4: {  	[smem:$0x7FF] =	sst s7;
	s9 =	smul.u32 $0x500, s3;
	s11 =	sadd.s32 $0x1B000, s0  }
0x5: {  	s20 =	smul.u32 $0xA00, s3;
	s23 =	sshll.u32 s3, $0x6;
	s2 =	sor.u32 s1, s2  }
0x6: {  	_ =	strace $0x80000047;
	s10 =	sshll.u32 s1, $0x7;
	s4 =	smul.u32 $0x28, s2  }
0x7: {  	[dreg:$0x7] =	wrdreg s11;
	s15 =	sor.u32 $0x1C10, s23;
	s8 =	smul.u32 $0x500, s2  }
0x8: {  	s2 =	smul.u32 $0xA000, s2;
	s9 =	sor.u32 s10, s9;
	s22 =	sshrl.u32 s20, $0x2  }
0x9: {  	[smem:$0x7FD] =	sst s15;
	s25 =	sadd.s32 s22, s6;
	s8 =	sadd.s32 s8, s0  }
0xa: {  	s4 =	sadd.s32 s4, s0;
	[dreg:$0x9] =	wrdreg s25;
	s24 =	sadd.s32 $0xF800, s8  }
0xb: {  	s9 =	sshrl.u32 s9, $0x3;
	s26 =	sadd.s32 $0x1AA00, s4;
	[dreg:$0x8] =	wrdreg s24  }
0xc: {  	s2 =	sshrl.u32 s2, $0x3;
	s5 =	sadd.s32 $0x19E00, s4;
	[dreg:$0xa] =	wrdreg s26  }
0xd: {  	s2 =	sadd.s32 s2, s0;
	s8 =	sadd.s32 $0x1A400, s4;
	[dreg:$0xb] =	wrdreg s5  }
0xe: {  	s0 =	sadd.s32 s9, s0;
	s9 =	sadd.s32 $0x19800, s4;
	[dreg:$0xc] =	wrdreg s8  }
0xf: {  	[dreg:$0xd] =	wrdreg s9;
	s10 =	sadd.s32 $0x1BC00, s2  }
0x10: {  	s11 =	sadd.s32 $0x1C100, s2;
	[dreg:$0xe] =	wrdreg s10  }
0x11: {  	s12 =	sadd.s32 $0x1C600, s2;
	[dreg:$0xf] =	wrdreg s11  }
0x12: {  	s13 =	sadd.s32 $0x1CB00, s2;
	[dreg:$0x10] =	wrdreg s12  }
0x13: {  	s14 =	sadd.s32 $0x43C00, s2;
	[dreg:$0x11] =	wrdreg s13  }
0x14: {  	s16 =	sadd.s32 $0x44100, s2;
	[dreg:$0x12] =	wrdreg s14  }
0x15: {  	s17 =	sadd.s32 $0x44600, s2;
	[dreg:$0x13] =	wrdreg s16  }
0x16: {  	s18 =	sadd.s32 $0x44B00, s2;
	[dreg:$0x14] =	wrdreg s17  }
0x17: {  	s1 =	ssub.s32 $0x2, s1;
	s19 =	sadd.s32 $0x6BC00, s2;
	[dreg:$0x15] =	wrdreg s18  }
0x18: {  	s21 =	sshrl.u32 s1, $0x1;
	s20 =	sadd.s32 $0x6C100, s2;
	[dreg:$0x16] =	wrdreg s19  }
0x19: {  	s1 =	ssub.s32 s1, s21;
	s21 =	sadd.s32 $0x6C600, s2;
	[dreg:$0x17] =	wrdreg s20  }
0x1a: {  	s28 =	simm.s32 $0x2;
	s22 =	sadd.s32 $0x6CB00, s2;
	[dreg:$0x18] =	wrdreg s21  }
0x1b: {  	s29 =	simm.s32 $0x5600;
	s23 =	sadd.s32 $0x93C00, s2;
	[dreg:$0x19] =	wrdreg s22  }
0x1c: {  	s30 =	simm.s32 $0x7E00;
	s24 =	sadd.s32 $0x94100, s2;
	[dreg:$0x1a] =	wrdreg s23  }
0x1d: {  	s31 =	simm.s32 $0x4;
	s25 =	sadd.s32 $0x94600, s2;
	[dreg:$0x1b] =	wrdreg s24  }
0x1e: {  	s3 =	simm.s32 $0x180;
	s2 =	sadd.s32 $0x94B00, s2;
	[dreg:$0x1c] =	wrdreg s25  }
0x1f: {  	s4 =	simm.s32 $0x5;
	s0 =	sadd.s32 $0x1B200, s0;
	[dreg:$0x1d] =	wrdreg s2  }
0x20: {  	s26 =	smax.u32 s1, $0x1;
	s5 =	simm.s32 $0x300;
	[dreg:$0x1e] =	wrdreg s0  }
0x21: {  	s9 =	simm.s32 $0x3;
	s8 =	simm.s32 $0x0;
	[dreg:$0x1f] =	wrdreg s26  }
0x22: {  	s11 =	simm.s32 $0x480;
	s16 =	simm.s32 $0x80;
	s17 =	simm.s32 $0xCE00  }
0x23: {  	s18 =	simm.s32 $0xB;
	s19 =	simm.s32 $0xC;
	s20 =	simm.s32 $0xD  }
0x24: {  	s21 =	simm.s32 $0xE;
	s22 =	simm.s32 $0xF;
	s23 =	simm.s32 $0x1  }
0x25: {  	s24 =	simm.s32 $0x50;
	s26 =	simm.s32 $0x2E00;
	s12 =	simm.s32 $0x6  }
0x26: {  	v0 =	vimm.f32 $1.000000000e+00;
	s13 =	simm.s32 $0x7;
	s0 =	simm.s32 $0x8;
	s14 =	simm.s32 $0x9  }
.LBB2_1:
0x27: {  	[tilespmem:$0xCE00] =	vst v0  }
0x28: {  	[tilespmem:$0xCE10] =	vst v0  }
0x29: {  	[tilespmem:$0xCE20] =	vst v0  }
0x2a: {  	[tilespmem:$0xCE30] =	vst v0  }
0x2b: {  	[tilespmem:$0xCE40] =	vst v0  }
0x2c: {  	[tilespmem:$0xCE50] =	vst v0  }
0x2d: {  	[tilespmem:$0xCE60] =	vst v0;
	s1 =	rddreg [dreg:$0x8]  }
0x2e: {  	[tilespmem:$0xCE70] =	vst v0;
	s2 =	simm.s32 $0xA600;
	s25 =	rddreg [dreg:$0x9]  }
0x2f: {  	[tilespmem:s2], [sflag:$0xA] =	stream.linear.gather [hbm4b:s1+s7], $0x2800, $0x38;
	[tilespmem:$0xD100] =	vst v63  }
0x30: {  	s25 =	sshrl.u32 s25, $0x3;
	s1 =	rddreg [dreg:$0x7]  }
0x31: {  	s10 =	simm.s32 $0x10;
	[smem:$0x7FC] =	sst s25  }
0x32: {  	[spmem:s25], [sflag:s15] =	dma.local [hbm:s1], $0x50  }
0x33: {  	_ =	swait.ge [sflag:s10], $0x50  }
0x34: {  	[sflag:s10] =	ssyncset.done $0x0  }
0x35: {  	s15 =	rddreg [dreg:$0xa];
	[sflag:s10] =	ssyncadd.s32 $0xFFFFFFB0  }
0x36: {  	[tilespmem:s7], [sflag:$0x1] =	stream.linear.gather [hbm4b:s15+s7], $0x140, $0x38;
	[tilespmem:$0xD100] =	vst v63  }
0x37: {  	s25 =	rddreg [dreg:$0xb]  }
0x38: {  	[tilespmem:s3], [sflag:$0x1] =	stream.linear.gather [hbm4b:s25+s7], $0x140, $0x38;
	[tilespmem:$0xD100] =	vst v63  }
0x39: {  	s3 =	rddreg [dreg:$0xc]  }
0x3a: {  	[tilespmem:s5], [sflag:$0x1] =	stream.linear.gather [hbm4b:s3+s7], $0x140, $0x38;
	[tilespmem:$0xD100] =	vst v63  }
0x3b: {  	s10 =	rddreg [dreg:$0xd];
	s15 =	simm.s32 $0xA  }
0x3c: {  	[tilespmem:s11], [sflag:$0x1] =	stream.linear.gather [hbm4b:s10+s7], $0x140, $0x38;
	[tilespmem:$0xD100] =	vst v63  }
0x3d: {  	_ =	swait.ge [sflag:s15], $0x2800  }
0x3e: {  	[sflag:s15] =	ssyncset.done $0x0  }
0x3f: {  	[sflag:s15] =	ssyncadd.s32 $0xFFFFD800  }
0x40: {  	[bflag:$0x0] =	sbarrier.arrive $0xFFFF  }
0x41: {  	[spmem:s6] =	stream.indirect.scatter.add.f32 [tilespmem:s17], [sflag:$0xB], $0x1, s2, s16, $0xb8;
	[tilespmem:$0xD100] =	vst v63  }
0x42: {  	s25 =	simm.s32 $0xA680  }
0x43: {  	[spmem:s6] =	stream.indirect.scatter.add.f32 [tilespmem:s17], [sflag:$0xC], $0x1, s25, s16, $0xb8;
	[tilespmem:$0xD100] =	vst v63  }
0x44: {  	s2 =	simm.s32 $0xA700  }
0x45: {  	[spmem:s6] =	stream.indirect.scatter.add.f32 [tilespmem:s17], [sflag:$0xD], $0x1, s2, s16, $0xb8;
	[tilespmem:$0xD100] =	vst v63  }
0x46: {  	s3 =	simm.s32 $0xA780  }
0x47: {  	[spmem:s6] =	stream.indirect.scatter.add.f32 [tilespmem:s17], [sflag:$0xE], $0x1, s3, s16, $0xb8;
	[tilespmem:$0xD100] =	vst v63  }
0x48: {  	s5 =	simm.s32 $0xA800  }
0x49: {  	[spmem:s6] =	stream.indirect.scatter.add.f32 [tilespmem:s17], [sflag:$0xF], $0x1, s5, s16, $0xb8;
	[tilespmem:$0xD100] =	vst v63  }
0x4a: {  	_ =	swait.ge [sflag:s18], $0x80  }
0x4b: {  	[sflag:s18] =	ssyncset.done $0x0  }
0x4c: {  	s10 =	simm.s32 $0xA880;
	[sflag:s18] =	ssyncadd.s32 $0xFFFFFF80  }
0x4d: {  	[spmem:s6] =	stream.indirect.scatter.add.f32 [tilespmem:s17], [sflag:$0xB], $0x1, s10, s16, $0xb8;
	[tilespmem:$0xD100] =	vst v63  }
0x4e: {  	_ =	swait.ge [sflag:s19], $0x80  }
0x4f: {  	[sflag:s19] =	ssyncset.done $0x0  }
0x50: {  	s11 =	simm.s32 $0xA900;
	[sflag:s19] =	ssyncadd.s32 $0xFFFFFF80  }
0x51: {  	[spmem:s6] =	stream.indirect.scatter.add.f32 [tilespmem:s17], [sflag:$0xC], $0x1, s11, s16, $0xb8;
	[tilespmem:$0xD100] =	vst v63  }
0x52: {  	_ =	swait.ge [sflag:s20], $0x80  }
0x53: {  	[sflag:s20] =	ssyncset.done $0x0  }
0x54: {  	s15 =	simm.s32 $0xA980;
	[sflag:s20] =	ssyncadd.s32 $0xFFFFFF80  }
0x55: {  	[spmem:s6] =	stream.indirect.scatter.add.f32 [tilespmem:s17], [sflag:$0xD], $0x1, s15, s16, $0xb8;
	[tilespmem:$0xD100] =	vst v63  }
0x56: {  	_ =	swait.ge [sflag:s21], $0x80  }
0x57: {  	[sflag:s21] =	ssyncset.done $0x0  }
0x58: {  	s25 =	simm.s32 $0xAA00;
	[sflag:s21] =	ssyncadd.s32 $0xFFFFFF80  }
0x59: {  	[spmem:s6] =	stream.indirect.scatter.add.f32 [tilespmem:s17], [sflag:$0xE], $0x1, s25, s16, $0xb8;
	[tilespmem:$0xD100] =	vst v63  }
0x5a: {  	_ =	swait.ge [sflag:s22], $0x80  }
0x5b: {  	[sflag:s22] =	ssyncset.done $0x0  }
0x5c: {  	s1 =	simm.s32 $0xFFFF7400;
	s2 =	simm.s32 $0xAA80;
	[sflag:s22] =	ssyncadd.s32 $0xFFFFFF80  }
.LBB2_2:
0x5d: {  	[spmem:s6] =	stream.indirect.scatter.add.f32 [tilespmem:s17], [sflag:$0xF], $0x1, s2, s16, $0xb8;
	[tilespmem:$0xD100] =	vst v63  }
0x5e: {  	s2 =	smov.u32 s1  }
0x5f: {  	p0 =	sne.s32 s1, $0xFFFFF600;
	s1 =	sadd.s32 $0xA00, s1;
	_ =	swait.ge [sflag:s18], $0x80  }
0x60: {  	s2 =	sshra.s32 s2, $0x2;
	[sflag:s18] =	ssyncset.done $0x0  }
0x61: {  	s3 =	sadd.s32 $0xCE00, s2;
	[sflag:s18] =	ssyncadd.s32 $0xFFFFFF80  }
0x62: {  	[spmem:s6] =	stream.indirect.scatter.add.f32 [tilespmem:s17], [sflag:$0xB], $0x1, s3, s16, $0xb8;
	[tilespmem:$0xD100] =	vst v63  }
0x63: {  	_ =	swait.ge [sflag:s19], $0x80  }
0x64: {  	[sflag:s19] =	ssyncset.done $0x0  }
0x65: {  	s3 =	sadd.s32 $0xCE80, s2;
	[sflag:s19] =	ssyncadd.s32 $0xFFFFFF80  }
0x66: {  	[spmem:s6] =	stream.indirect.scatter.add.f32 [tilespmem:s17], [sflag:$0xC], $0x1, s3, s16, $0xb8;
	[tilespmem:$0xD100] =	vst v63  }
0x67: {  	_ =	swait.ge [sflag:s20], $0x80  }
0x68: {  	[sflag:s20] =	ssyncset.done $0x0  }
0x69: {  	s3 =	sadd.s32 $0xCF00, s2;
	[sflag:s20] =	ssyncadd.s32 $0xFFFFFF80  }
0x6a: {  	[spmem:s6] =	stream.indirect.scatter.add.f32 [tilespmem:s17], [sflag:$0xD], $0x1, s3, s16, $0xb8;
	[tilespmem:$0xD100] =	vst v63  }
0x6b: {  	_ =	swait.ge [sflag:s21], $0x80  }
0x6c: {  	[sflag:s21] =	ssyncset.done $0x0  }
.Ltmp0:
0x6d: {  	s3 =	sadd.s32 $0xCF80, s2;
	[sflag:s21] =	ssyncadd.s32 $0xFFFFFF80;
	(pc) =	sbr.rel @p0 .LBB2_2-.Ltmp0, $4  }
0x6e: {  	[spmem:s6] =	stream.indirect.scatter.add.f32 [tilespmem:s17], [sflag:$0xE], $0x1, s3, s16, $0xb8;
	[tilespmem:$0xD100] =	vst v63  }
0x6f: {  	_ =	swait.ge [sflag:s22], $0x80  }
0x70: {  	[sflag:s22] =	ssyncset.done $0x0  }
0x71: {  	s2 =	sadd.s32 $0xD000, s2;
	[sflag:s22] =	ssyncadd.s32 $0xFFFFFF80  }
0x72: {  	[spmem:s6] =	stream.indirect.scatter.add.f32 [tilespmem:s17], [sflag:$0xF], $0x1, s2, s16, $0xb8;
	[tilespmem:$0xD100] =	vst v63  }
0x73: {  	_ =	swait.ge [sflag:s18], $0x80  }
0x74: {  	[sflag:s18] =	ssyncset.done $0x0  }
0x75: {  	[sflag:s18] =	ssyncadd.s32 $0xFFFFFF80  }
0x76: {  	_ =	swait.ge [sflag:s19], $0x80  }
0x77: {  	[sflag:s19] =	ssyncset.done $0x0  }
0x78: {  	[sflag:s19] =	ssyncadd.s32 $0xFFFFFF80  }
0x79: {  	_ =	swait.ge [sflag:s20], $0x80  }
0x7a: {  	[sflag:s20] =	ssyncset.done $0x0  }
0x7b: {  	[sflag:s20] =	ssyncadd.s32 $0xFFFFFF80  }
0x7c: {  	_ =	swait.ge [sflag:s21], $0x80  }
0x7d: {  	[sflag:s21] =	ssyncset.done $0x0  }
0x7e: {  	[sflag:s21] =	ssyncadd.s32 $0xFFFFFF80  }
0x7f: {  	_ =	swait.ge [sflag:s22], $0x80  }
0x80: {  	[sflag:s22] =	ssyncset.done $0x0  }
0x81: {  	[sflag:s22] =	ssyncadd.s32 $0xFFFFFF80  }
0x82: {  	_ =	swait.ge [sflag:s23], $0x140  }
0x83: {  	[sflag:s23] =	ssyncset.done $0x0  }
0x84: {  	[sflag:s23] =	ssyncadd.s32 $0xFFFFFEC0  }
0x85: {  	_ =	swait.ge [sflag:s23], $0x140  }
0x86: {  	[sflag:s23] =	ssyncset.done $0x0  }
0x87: {  	[sflag:s23] =	ssyncadd.s32 $0xFFFFFEC0  }
0x88: {  	_ =	swait.ge [sflag:s23], $0x140  }
0x89: {  	[sflag:s23] =	ssyncset.done $0x0  }
0x8a: {  	[sflag:s23] =	ssyncadd.s32 $0xFFFFFEC0  }
0x8b: {  	_ =	swait.ge [sflag:s23], $0x140  }
0x8c: {  	[sflag:s23] =	ssyncset.done $0x0  }
0x8d: {  	[sflag:s23] =	ssyncadd.s32 $0xFFFFFEC0  }
0x8e: {  	s10 =	simm.s32 $0x600;
	s1 =	rddreg [dreg:$0x1]  }
0x8f: {  	[tilespmem:s10], [sflag:$0x2] =	stream.indirect.gather [hbm4b:s1+s24], $0x80, s7, s24, $0xb8;
	[tilespmem:$0xD100] =	vst v63  }
0x90: {  	_ = 	snop  }
0x91: {  	[tilespmem:s26], [sflag:$0x3] =	stream.indirect.gather [hbm4b:s1+s24], $0x80, s24, s24, $0xb8;
	[tilespmem:$0xD100] =	vst v63  }
0x92: {  	_ =	swait.ge [sflag:s28], $0x2800  }
0x93: {  	[sflag:s28] =	ssyncset.done $0x0  }
0x94: {  	s25 =	rddreg [dreg:$0xe];
	[sflag:s28] =	ssyncadd.s32 $0xFFFFD800  }
0x95: {  	[hbm4b:s25+s7] =	stream.linear.scatter [tilespmem:s10], [sflag:$0x6], $0x2800, $0x38;
	[tilespmem:$0xD100] =	vst v63  }
0x96: {  	s3 =	simm.s32 $0xA0  }
0x97: {  	[tilespmem:s29], [sflag:$0x4] =	stream.indirect.gather [hbm4b:s1+s24], $0x80, s3, s24, $0xb8;
	[tilespmem:$0xD100] =	vst v63  }
0x98: {  	_ =	swait.ge [sflag:s9], $0x2800  }
0x99: {  	[sflag:s9] =	ssyncset.done $0x0  }
0x9a: {  	s5 =	rddreg [dreg:$0xf];
	[sflag:s9] =	ssyncadd.s32 $0xFFFFD800  }
0x9b: {  	[hbm4b:s5+s7] =	stream.linear.scatter [tilespmem:s26], [sflag:$0x7], $0x2800, $0x38;
	[tilespmem:$0xD100] =	vst v63  }
0x9c: {  	s11 =	simm.s32 $0xF0  }
0x9d: {  	[tilespmem:s30], [sflag:$0x5] =	stream.indirect.gather [hbm4b:s1+s24], $0x80, s11, s24, $0xb8;
	[tilespmem:$0xD100] =	vst v63  }
0x9e: {  	_ =	swait.ge [sflag:s31], $0x2800  }
0x9f: {  	[sflag:s31] =	ssyncset.done $0x0  }
0xa0: {  	s15 =	rddreg [dreg:$0x10];
	[sflag:s31] =	ssyncadd.s32 $0xFFFFD800  }
0xa1: {  	[hbm4b:s15+s7] =	stream.linear.scatter [tilespmem:s29], [sflag:$0x8], $0x2800, $0x38;
	[tilespmem:$0xD100] =	vst v63  }
0xa2: {  	_ =	swait.ge [sflag:s12], $0x2800  }
0xa3: {  	[sflag:s12] =	ssyncset.done $0x0  }
0xa4: {  	[sflag:s12] =	ssyncadd.s32 $0xFFFFD800  }
0xa5: {  	s3 =	simm.s32 $0x180;
	s1 =	rddreg [dreg:$0x2]  }
0xa6: {  	[tilespmem:s10], [sflag:$0x2] =	stream.indirect.gather [hbm4b:s1+s24], $0x80, s3, s24, $0xb8;
	[tilespmem:$0xD100] =	vst v63  }
0xa7: {  	_ =	swait.ge [sflag:s4], $0x2800  }
0xa8: {  	[sflag:s4] =	ssyncset.done $0x0  }
0xa9: {  	s25 =	rddreg [dreg:$0x11];
	[sflag:s4] =	ssyncadd.s32 $0xFFFFD800  }
0xaa: {  	[hbm4b:s25+s7] =	stream.linear.scatter [tilespmem:s30], [sflag:$0x9], $0x2800, $0x38;
	[tilespmem:$0xD100] =	vst v63  }
0xab: {  	_ =	swait.ge [sflag:s13], $0x2800  }
0xac: {  	[sflag:s13] =	ssyncset.done $0x0  }
0xad: {  	s5 =	simm.s32 $0x1D0;
	[sflag:s13] =	ssyncadd.s32 $0xFFFFD800  }
0xae: {  	[tilespmem:s26], [sflag:$0x3] =	stream.indirect.gather [hbm4b:s1+s24], $0x80, s5, s24, $0xb8;
	[tilespmem:$0xD100] =	vst v63  }
0xaf: {  	_ =	swait.ge [sflag:s28], $0x2800  }
0xb0: {  	[sflag:s28] =	ssyncset.done $0x0  }
0xb1: {  	s11 =	rddreg [dreg:$0x12];
	[sflag:s28] =	ssyncadd.s32 $0xFFFFD800  }
0xb2: {  	[hbm4b:s11+s7] =	stream.linear.scatter [tilespmem:s10], [sflag:$0x6], $0x2800, $0x38;
	[tilespmem:$0xD100] =	vst v63  }
0xb3: {  	_ =	swait.ge [sflag:s0], $0x2800  }
0xb4: {  	[sflag:s0] =	ssyncset.done $0x0  }
0xb5: {  	s15 =	simm.s32 $0x220;
	[sflag:s0] =	ssyncadd.s32 $0xFFFFD800  }
0xb6: {  	[tilespmem:s29], [sflag:$0x4] =	stream.indirect.gather [hbm4b:s1+s24], $0x80, s15, s24, $0xb8;
	[tilespmem:$0xD100] =	vst v63  }
0xb7: {  	_ =	swait.ge [sflag:s9], $0x2800  }
0xb8: {  	[sflag:s9] =	ssyncset.done $0x0  }
0xb9: {  	s25 =	rddreg [dreg:$0x13];
	[sflag:s9] =	ssyncadd.s32 $0xFFFFD800  }
0xba: {  	[hbm4b:s25+s7] =	stream.linear.scatter [tilespmem:s26], [sflag:$0x7], $0x2800, $0x38;
	[tilespmem:$0xD100] =	vst v63  }
0xbb: {  	_ =	swait.ge [sflag:s14], $0x2800  }
0xbc: {  	[sflag:s14] =	ssyncset.done $0x0  }
0xbd: {  	s5 =	simm.s32 $0x270;
	[sflag:s14] =	ssyncadd.s32 $0xFFFFD800  }
0xbe: {  	[tilespmem:s30], [sflag:$0x5] =	stream.indirect.gather [hbm4b:s1+s24], $0x80, s5, s24, $0xb8;
	[tilespmem:$0xD100] =	vst v63  }
0xbf: {  	_ =	swait.ge [sflag:s31], $0x2800  }
0xc0: {  	[sflag:s31] =	ssyncset.done $0x0  }
0xc1: {  	s11 =	rddreg [dreg:$0x14];
	[sflag:s31] =	ssyncadd.s32 $0xFFFFD800  }
0xc2: {  	[hbm4b:s11+s7] =	stream.linear.scatter [tilespmem:s29], [sflag:$0x8], $0x2800, $0x38;
	[tilespmem:$0xD100] =	vst v63  }
0xc3: {  	_ =	swait.ge [sflag:s12], $0x2800  }
0xc4: {  	[sflag:s12] =	ssyncset.done $0x0  }
0xc5: {  	[sflag:s12] =	ssyncadd.s32 $0xFFFFD800  }
0xc6: {  	s5 =	simm.s32 $0x300;
	s1 =	rddreg [dreg:$0x3]  }
0xc7: {  	[tilespmem:s10], [sflag:$0x2] =	stream.indirect.gather [hbm4b:s1+s24], $0x80, s5, s24, $0xb8;
	[tilespmem:$0xD100] =	vst v63  }
0xc8: {  	_ =	swait.ge [sflag:s4], $0x2800  }
0xc9: {  	[sflag:s4] =	ssyncset.done $0x0  }
0xca: {  	s15 =	rddreg [dreg:$0x15];
	[sflag:s4] =	ssyncadd.s32 $0xFFFFD800  }
0xcb: {  	[hbm4b:s15+s7] =	stream.linear.scatter [tilespmem:s30], [sflag:$0x9], $0x2800, $0x38;
	[tilespmem:$0xD100] =	vst v63  }
0xcc: {  	_ =	swait.ge [sflag:s13], $0x2800  }
0xcd: {  	[sflag:s13] =	ssyncset.done $0x0  }
0xce: {  	s25 =	simm.s32 $0x350;
	[sflag:s13] =	ssyncadd.s32 $0xFFFFD800  }
0xcf: {  	[tilespmem:s26], [sflag:$0x3] =	stream.indirect.gather [hbm4b:s1+s24], $0x80, s25, s24, $0xb8;
	[tilespmem:$0xD100] =	vst v63  }
0xd0: {  	_ =	swait.ge [sflag:s28], $0x2800  }
0xd1: {  	[sflag:s28] =	ssyncset.done $0x0  }
0xd2: {  	s11 =	rddreg [dreg:$0x16];
	[sflag:s28] =	ssyncadd.s32 $0xFFFFD800  }
0xd3: {  	[hbm4b:s11+s7] =	stream.linear.scatter [tilespmem:s10], [sflag:$0x6], $0x2800, $0x38;
	[tilespmem:$0xD100] =	vst v63  }
0xd4: {  	_ =	swait.ge [sflag:s0], $0x2800  }
0xd5: {  	[sflag:s0] =	ssyncset.done $0x0  }
0xd6: {  	s15 =	simm.s32 $0x3A0;
	[sflag:s0] =	ssyncadd.s32 $0xFFFFD800  }
0xd7: {  	[tilespmem:s29], [sflag:$0x4] =	stream.indirect.gather [hbm4b:s1+s24], $0x80, s15, s24, $0xb8;
	[tilespmem:$0xD100] =	vst v63  }
0xd8: {  	_ =	swait.ge [sflag:s9], $0x2800  }
0xd9: {  	[sflag:s9] =	ssyncset.done $0x0  }
0xda: {  	s25 =	rddreg [dreg:$0x17];
	[sflag:s9] =	ssyncadd.s32 $0xFFFFD800  }
0xdb: {  	[hbm4b:s25+s7] =	stream.linear.scatter [tilespmem:s26], [sflag:$0x7], $0x2800, $0x38;
	[tilespmem:$0xD100] =	vst v63  }
0xdc: {  	_ =	swait.ge [sflag:s14], $0x2800  }
0xdd: {  	[sflag:s14] =	ssyncset.done $0x0  }
0xde: {  	s11 =	simm.s32 $0x3F0;
	[sflag:s14] =	ssyncadd.s32 $0xFFFFD800  }
0xdf: {  	[tilespmem:s30], [sflag:$0x5] =	stream.indirect.gather [hbm4b:s1+s24], $0x80, s11, s24, $0xb8;
	[tilespmem:$0xD100] =	vst v63  }
0xe0: {  	_ =	swait.ge [sflag:s31], $0x2800  }
0xe1: {  	[sflag:s31] =	ssyncset.done $0x0  }
0xe2: {  	s15 =	rddreg [dreg:$0x18];
	[sflag:s31] =	ssyncadd.s32 $0xFFFFD800  }
0xe3: {  	[hbm4b:s15+s7] =	stream.linear.scatter [tilespmem:s29], [sflag:$0x8], $0x2800, $0x38;
	[tilespmem:$0xD100] =	vst v63  }
0xe4: {  	_ =	swait.ge [sflag:s12], $0x2800  }
0xe5: {  	[sflag:s12] =	ssyncset.done $0x0  }
0xe6: {  	[sflag:s12] =	ssyncadd.s32 $0xFFFFD800  }
0xe7: {  	s11 =	simm.s32 $0x480;
	s2 =	rddreg [dreg:$0x4]  }
0xe8: {  	[tilespmem:s10], [sflag:$0x2] =	stream.indirect.gather [hbm4b:s2+s24], $0x80, s11, s24, $0xb8;
	[tilespmem:$0xD100] =	vst v63  }
0xe9: {  	_ =	swait.ge [sflag:s4], $0x2800  }
0xea: {  	[sflag:s4] =	ssyncset.done $0x0  }
0xeb: {  	s25 =	rddreg [dreg:$0x19];
	[sflag:s4] =	ssyncadd.s32 $0xFFFFD800  }
0xec: {  	[hbm4b:s25+s7] =	stream.linear.scatter [tilespmem:s30], [sflag:$0x9], $0x2800, $0x38;
	[tilespmem:$0xD100] =	vst v63  }
0xed: {  	_ =	swait.ge [sflag:s13], $0x2800  }
0xee: {  	[sflag:s13] =	ssyncset.done $0x0  }
0xef: {  	s15 =	simm.s32 $0x4D0;
	[sflag:s13] =	ssyncadd.s32 $0xFFFFD800  }
0xf0: {  	[tilespmem:s26], [sflag:$0x3] =	stream.indirect.gather [hbm4b:s2+s24], $0x80, s15, s24, $0xb8;
	[tilespmem:$0xD100] =	vst v63  }
0xf1: {  	_ =	swait.ge [sflag:s28], $0x2800  }
0xf2: {  	[sflag:s28] =	ssyncset.done $0x0  }
0xf3: {  	s25 =	rddreg [dreg:$0x1a];
	[sflag:s28] =	ssyncadd.s32 $0xFFFFD800  }
0xf4: {  	[hbm4b:s25+s7] =	stream.linear.scatter [tilespmem:s10], [sflag:$0x6], $0x2800, $0x38;
	[tilespmem:$0xD100] =	vst v63  }
0xf5: {  	_ =	swait.ge [sflag:s0], $0x2800  }
0xf6: {  	[sflag:s0] =	ssyncset.done $0x0  }
0xf7: {  	s10 =	simm.s32 $0x520;
	[sflag:s0] =	ssyncadd.s32 $0xFFFFD800  }
0xf8: {  	[tilespmem:s29], [sflag:$0x4] =	stream.indirect.gather [hbm4b:s2+s24], $0x80, s10, s24, $0xb8;
	[tilespmem:$0xD100] =	vst v63  }
0xf9: {  	_ =	swait.ge [sflag:s9], $0x2800  }
0xfa: {  	[sflag:s9] =	ssyncset.done $0x0  }
0xfb: {  	s15 =	rddreg [dreg:$0x1b];
	[sflag:s9] =	ssyncadd.s32 $0xFFFFD800  }
0xfc: {  	[hbm4b:s15+s7] =	stream.linear.scatter [tilespmem:s26], [sflag:$0x7], $0x2800, $0x38;
	[tilespmem:$0xD100] =	vst v63  }
0xfd: {  	_ =	swait.ge [sflag:s14], $0x2800  }
0xfe: {  	[sflag:s14] =	ssyncset.done $0x0  }
0xff: {  	s25 =	simm.s32 $0x570;
	[sflag:s14] =	ssyncadd.s32 $0xFFFFD800  }
0x100: {  	[tilespmem:s30], [sflag:$0x5] =	stream.indirect.gather [hbm4b:s2+s24], $0x80, s25, s24, $0xb8;
	[tilespmem:$0xD100] =	vst v63  }
0x101: {  	_ =	swait.ge [sflag:s31], $0x2800  }
0x102: {  	[sflag:s31] =	ssyncset.done $0x0  }
0x103: {  	s10 =	rddreg [dreg:$0x1c];
	[sflag:s31] =	ssyncadd.s32 $0xFFFFD800  }
0x104: {  	[hbm4b:s10+s7] =	stream.linear.scatter [tilespmem:s29], [sflag:$0x8], $0x2800, $0x38;
	[tilespmem:$0xD100] =	vst v63  }
0x105: {  	_ =	swait.ge [sflag:s4], $0x2800  }
0x106: {  	[sflag:s4] =	ssyncset.done $0x0  }
0x107: {  	s15 =	rddreg [dreg:$0x1d];
	[sflag:s4] =	ssyncadd.s32 $0xFFFFD800  }
0x108: {  	[hbm4b:s15+s7] =	stream.linear.scatter [tilespmem:s30], [sflag:$0x9], $0x2800, $0x38;
	[tilespmem:$0xD100] =	vst v63  }
0x109: {  	_ =	swait.ge [sflag:s12], $0x2800  }
0x10a: {  	[sflag:s12] =	ssyncset.done $0x0  }
0x10b: {  	[sflag:s12] =	ssyncadd.s32 $0xFFFFD800  }
0x10c: {  	_ =	swait.ge [sflag:s13], $0x2800  }
0x10d: {  	[sflag:s13] =	ssyncset.done $0x0  }
0x10e: {  	[sflag:s13] =	ssyncadd.s32 $0xFFFFD800  }
0x10f: {  	_ =	swait.ge [sflag:s0], $0x2800  }
0x110: {  	[sflag:s0] =	ssyncset.done $0x0  }
0x111: {  	[sflag:s0] =	ssyncadd.s32 $0xFFFFD800  }
0x112: {  	_ =	swait.ge [sflag:s14], $0x2800  }
0x113: {  	[sflag:s14] =	ssyncset.done $0x0  }
0x114: {  	[sflag:s14] =	ssyncadd.s32 $0xFFFFD800  }
0x115: {  	[bflag:$0x0] =	sbarrier.arrive $0xFFFF  }
0x116: {  	s15 =	sld [smem:$0x7FD]  }
0x117: {  	s25 =	sld [smem:$0x7FC];
	_ =	sdelay $0x1  }
0x118: {  	s2 =	simm.s32 $0x10;
	s10 =	simm.s32 $0x20;
	s1 =	rddreg [dreg:$0x1e]  }
0x119: {  	[hbm:s1@s10], [sflag:s15] =	dma.strided [spmem:s25@s2], $0x50, s23, $0x10   }
0x11a: {  	_ =	swait.ge [sflag:s2], $0x50  }
0x11b: {  	s8 =	sadd.s32 $0x1, s8;
	s25 =	rddreg [dreg:$0x1f]  }
0x11c: {  	p0 =	sne.s32 s8, s25  }
.Ltmp1:
0x11d: {  	_ = 	snop;
	(pc) =	sbr.rel @p0 .LBB2_1-.Ltmp1, $3  }
0x11e: {  	_ =	sdelay $0x1  }
0x11f: {  	[sflag:s2] =	ssyncset.done $0x0  }
0x120: {  	[sflag:s2] =	ssyncadd.s32 $0xFFFFFFB0  }
0x121: {  	_ =	sfence.sel $0x180000  }
0x122: {  	[bflag:$0x0] =	sbarrier.arrive $0xFFFF  }
0x123: {  	_ =	strace $0x90000047  }
0x124: {  	s0 =	stileid.u32;
	[bflag:$0x2] =	sbarrier.arrive $0xFFFF  }
0x125: {  	p0 =	sne.s32 s0, $0x0;
	s0 =	rddreg [dreg:$0x6]  }
0x126: {  	s0 =	sadd.s32 @!p0 $0x100000, s0  }
0x127: {  	[sflag:s0] =	ssyncadd.tile.s32 @!p0 $0x1;
	_ =	shalt  }
.Lfunc_end2:
_tile_overlayer_lowered:
.L_overlay_start_2:
0x128: {  	(tag) =	ssettag $0x2  }
0x129: {  	s0 =	rddreg [dreg:$0x0];
	s2 =	stileid.u32  }
0x12a: {  	s1 =	rddreg [dreg:$0x1];
	p0 =	sne.s32 s2, $0x0  }
0x12b: {  	s3 =	rddreg [dreg:$0x2];
	[bflag:$0x3] =	sbarrier.arrive $0xFFFF;
	s2 =	simm.s32 @!p0 $0x1C10  }
0x12c: {  	[timem:s3], [sflag:s2] =	dma.local @!p0 [hbm:s0], s1  }
0x12d: {  	s0 =	simm.s32 @!p0 $0x10  }
0x12e: {  	_ =	swait.ge @!p0 [sflag:s0], s1  }
0x12f: {  	s1 =	ssub.s32 @!p0 $0x0, s1;
	[sflag:s0] =	ssyncset.done @!p0 $0x0  }
0x130: {  	[sflag:s0] =	ssyncadd.s32 @!p0 s1  }
0x131: {  	[bflag:$0x3] =	sbarrier.arrive $0xFFFF  }
0x132: {  	_ =	shalt  }

// kernel: kernel.13.cloned.1.call-start
scs
__scs_entry_jumppad:
0x0: {  	(pc) =	sbr.rel $0x88, $3  }
0x1: {  	(tag) =	ssettag $0x0;
	lr =	simm.s32 $0x1  }
0x2: {  	[smem:$0x3F86] =	sst lr;
	_ =	strace $0xD0000000  }
0x3: {  	_ = 	snop  }
0x4: {  	_ = 	snop  }
0x5: {  	_ = 	snop  }
0x6: {  	_ = 	snop  }
0x7: {  	_ = 	snop  }
__scs_overlays_trampoline_lowered:
0x8: {  	[smem:$0x3F95] =	sst s0  }
0x9: {  	[smem:$0x3F96] =	sst s1  }
0xa: {  	[smem:$0x3F97] =	sst s2  }
0xb: {  	[smem:$0x3F98] =	sst s3  }
0xc: {  	[smem:$0x3F99] =	sst s4  }
0xd: {  	[smem:$0x3F9A] =	sst s5  }
0xe: {  	[smem:$0x3F9B] =	sst s6  }
0xf: {  	[smem:$0x3F9C] =	sst s7  }
0x10: {  	[smem:$0x3F9D] =	sst s8  }
0x11: {  	[smem:$0x3F9E] =	sst s9;
	s0 =	simm.s32 @!p0 $0x0  }
0x12: {  	s1 =	sld [smem:$0x3F84];
	s0 =	simm.s32 @p0 $0x1  }
0x13: {  	[smem:$0x3F9F] =	sst s0;
	s0 =	simm.s32 @!p1 $0x0  }
0x14: {  	s2 =	sld [smem:$0x3F83];
	s0 =	simm.s32 @p1 $0x1  }
0x15: {  	[smem:$0x3FA0] =	sst s0;
	s0 =	simm.s32 @!p2 $0x0  }
0x16: {  	s3 =	sld [smem:$0x3FDB];
	s0 =	simm.s32 @p2 $0x1  }
0x17: {  	s4 =	simm.s32 $0x1BF5;
	[smem:$0x3FA2] =	sst s0  }
0x18: {  	s0 =	sld [smem:$0x3F85];
	_ =	swait.ge [sflag:s4], $0x0  }
0x19: {  	s7 =	sld [smem:$0x3F86]  }
0x1a: {  	s8 =	sadd.s32 $0xFFFFE003, lr  }
0x1b: {  	s9 =	sadd.s32 $0xFFFFFEF7, lr;
	s5 =	simm.s32 $0xFFFFFFFF;
	p2 =	slt.u32 s8, $0xFFFFF086  }
0x1c: {  	p1 =	slt.u32 s9, $0xF7A;
	s5 =	simm.s32 @!p2 $0x0  }
0x1d: {  	s5 =	simm.s32 @p1 $0x1;
	p0 =	seq.s32 s7, s2  }
0x1e: {  	s7 =	smul.u32 @!p0 $0xF7A, s2;
	p2 =	seq.s32 @!p0 s5, $0x0  }
0x1f: {  	s9 =	smul.u32 $0xF7A, s1;
	s8 =	simm.s32 @!p0 $0x1BF5;
	p2 =	por !p2, p0  }
0x20: {  	[sflag:s8] =	ssyncset.s32 @!p0 $0xFFFFF086;
	s6 =	sadd.s32 @!p0 s3, s7;
	s7 =	simm.s32 @!p0 $0x108  }
0x21: {  	s3 =	sadd.s32 s3, s9;
	s6 =	sadd.s32 @!p0 $0x88, s6;
	s7 =	simm.s32 @p2 $0x1082  }
0x22: {  	[simem:s7], [sflag:s8] =	dma.local @!p0 [hbm:s6], $0xF7A  }
0x23: {  	s9 =	sor.u32 $0xD0000000, s2;
	s6 =	simm.s32 $0x108;
	_ =	swait.ge @!p0 [sflag:s8], $0x0  }
0x24: {  	s3 =	sadd.s32 $0x88, s3;
	s6 =	simm.s32 @!p1 $0x1082;
	[sflag:s4] =	ssyncset.s32 $0xFFFFF086  }
0x25: {  	[simem:s6], [sflag:s4] =	dma.local [hbm:s3], $0xF7A  }
0x26: {  	[smem:$0x3F86] =	sst s1;
	(tag) =	ssettag s2;
	_ =	strace s9  }
0x27: {  	s1 =	sld [smem:$0x3F96]  }
0x28: {  	s2 =	sld [smem:$0x3F97]  }
0x29: {  	s4 =	sld [smem:$0x3F99]  }
0x2a: {  	p0 =	seq.s32 s5, $0x0;
	s5 =	sld [smem:$0x3F9A]  }
0x2b: {  	s6 =	sld [smem:$0x3F9B]  }
0x2c: {  	s7 =	sld [smem:$0x3F9C]  }
0x2d: {  	s3 =	simm.s32 $0x108;
	s8 =	sld [smem:$0x3F9D]  }
0x2e: {  	s3 =	simm.s32 @!p0 $0x1082;
	s9 =	sld [smem:$0x3F9E]  }
0x2f: {  	lr =	sadd.s32 s0, s3;
	s0 =	sld [smem:$0x3F95]  }
0x30: {  	s3 =	sld [smem:$0x3F98]  }
0x31: {  	[smem:$0x3FA1] =	sst s10  }
0x32: {  	s10 =	sld [smem:$0x3F9F];
	_ =	sdelay $0x3  }
0x33: {  	p0 =	seq.s32 s10, $0x1;
	s10 =	sld [smem:$0x3FA1];
	_ =	sdelay $0x3  }
0x34: {  	[smem:$0x3FA1] =	sst s10  }
0x35: {  	s10 =	sld [smem:$0x3FA0];
	_ =	sdelay $0x3  }
0x36: {  	p1 =	seq.s32 s10, $0x1;
	s10 =	sld [smem:$0x3FA1];
	_ =	sdelay $0x3  }
0x37: {  	[smem:$0x3FA1] =	sst s10  }
0x38: {  	s10 =	sld [smem:$0x3FA2]  }
0x39: {  	_ = 	snop;
	(pc) =	sbr.ind lr, $3  }
0x3a: {  	_ = 	snop  }
0x3b: {  	_ = 	snop  }
0x3c: {  	p2 =	seq.s32 s10, $0x1;
	s10 =	sld [smem:$0x3FA1]  }
0x3d: {  	_ =	shalt  }
0x3e: {  	_ =	shalt  }
0x3f: {  	_ =	shalt  }
0x40: {  	_ =	shalt  }
0x41: {  	_ =	shalt  }
0x42: {  	_ =	shalt  }
0x43: {  	_ =	shalt  }
0x44: {  	_ =	shalt  }
0x45: {  	_ =	shalt  }
0x46: {  	_ =	shalt  }
0x47: {  	_ =	shalt  }
0x48: {  	_ =	shalt  }
0x49: {  	_ =	shalt  }
0x4a: {  	_ =	shalt  }
0x4b: {  	_ =	shalt  }
0x4c: {  	_ =	shalt  }
0x4d: {  	_ =	shalt  }
0x4e: {  	_ =	shalt  }
0x4f: {  	_ =	shalt  }
0x50: {  	_ =	shalt  }
0x51: {  	_ =	shalt  }
0x52: {  	_ =	shalt  }
0x53: {  	_ =	shalt  }
0x54: {  	_ =	shalt  }
0x55: {  	_ =	shalt  }
0x56: {  	_ =	shalt  }
0x57: {  	_ =	shalt  }
0x58: {  	_ =	shalt  }
0x59: {  	_ =	shalt  }
0x5a: {  	_ =	shalt  }
0x5b: {  	_ =	shalt  }
0x5c: {  	_ =	shalt  }
0x5d: {  	_ =	shalt  }
0x5e: {  	_ =	shalt  }
0x5f: {  	_ =	shalt  }
0x60: {  	_ =	shalt  }
0x61: {  	_ =	shalt  }
0x62: {  	_ =	shalt  }
0x63: {  	_ =	shalt  }
0x64: {  	_ =	shalt  }
0x65: {  	_ =	shalt  }
0x66: {  	_ =	shalt  }
0x67: {  	_ =	shalt  }
0x68: {  	_ =	shalt  }
0x69: {  	_ =	shalt  }
0x6a: {  	_ =	shalt  }
0x6b: {  	_ =	shalt  }
0x6c: {  	_ =	shalt  }
0x6d: {  	_ =	shalt  }
0x6e: {  	_ =	shalt  }
0x6f: {  	_ =	shalt  }
0x70: {  	_ =	shalt  }
0x71: {  	_ =	shalt  }
0x72: {  	_ =	shalt  }
0x73: {  	_ =	shalt  }
0x74: {  	_ =	shalt  }
0x75: {  	_ =	shalt  }
0x76: {  	_ =	shalt  }
0x77: {  	_ =	shalt  }
0x78: {  	_ =	shalt  }
0x79: {  	_ =	shalt  }
0x7a: {  	_ =	shalt  }
0x7b: {  	_ =	shalt  }
0x7c: {  	_ =	shalt  }
0x7d: {  	_ =	shalt  }
0x7e: {  	_ =	shalt  }
0x7f: {  	_ =	shalt  }
0x80: {  	_ =	shalt  }
0x81: {  	_ =	shalt  }
0x82: {  	_ =	shalt  }
0x83: {  	_ =	shalt  }
0x84: {  	_ =	shalt  }
0x85: {  	_ =	shalt  }
0x86: {  	_ =	shalt  }
0x87: {  	_ =	shalt  }
.Lfunc_end0:
.L_simem_size_0:
called_computation.1_lowered:
.L_overlay_start_0:
0x88: {  	s2 =	sld [smem:$0x3FD9]  }
0x89: {  	s3 =	sld [smem:$0x3FFE];
	_ =	sdelay $0x1  }
0x8a: {  	s1 =	srdreg.scid  }
0x8b: {  	s0 =	sand.u32 $0x1, s1  }
0x8c: {  	s16 =	sshll.u32 s0, $0xA;
	s2 =	sadd.s32 s3, s2  }
0x8d: {  	s2 =	sadd.s32 s2, s16  }
0x8e: {  	[smem:$0x3FAD] =	sst s2  }
0x8f: {  	_ = 	snop  }
0x90: {  	(tm) =	ssettm $0x1  }
0x91: {  	s17 =	sld [smem:$0x3FFB];
	_ =	sdelay $0x3  }
0x92: {  	_ =	strace s17  }
0x93: {  	s2 =	sld [smem:$0x3FFC];
	_ =	sdelay $0x3  }
0x94: {  	_ =	strace s2  }
0x95: {  	s2 =	sld [smem:$0x3FFD];
	_ =	sdelay $0x3  }
0x96: {  	_ =	strace s2  }
0x97: {  	_ =	strace $0x8FFFFFFF  }
0x98: {  	s18 =	sld [smem:$0x3FDB];
	_ =	sdelay $0x1  }
0x99: {  	s19 =	simm.s32 $_scs_section_size  }
0x9a: {  	s4 =	simm.s32 $_size__tile_overlayer_lowered;
	s5 =	simm.s32 $_tile_overlayer_lowered  }
0x9b: {  	s22 =	simm.s32 $0x1BFF;
	s21 =	sshll.u32 s5, $0x1;
	s2 =	sadd.s32 s19, s18  }
0x9c: {  	s6 =	simm.s32 $0x0;
	s20 =	sshll.u32 s4, $0x1;
	s4 =	sadd.s32 s21, s2  }
0x9d: {  	[timem:s6], [sflag:s22] =	dma.local [hbm:s4], s20  }
0x9e: {  	_ =	swait.ge [sflag:s22], s20  }
0x9f: {  	s3 =	ssub.s32 $0x0, s20;
	[sflag:s22] =	ssyncset.done $0x0  }
0xa0: {  	[sflag:s22] =	ssyncadd.s32 s3;
	_ =	sdelay $0x1  }
0xa1: {  	s23 =	simm.s32 $0x1B8B  }
0xa2: {  	_ =	swait.ge [sflag:s23], $0x1  }
0xa3: {  	[sflag:s23] =	ssyncset.done $0x0  }
0xa4: {  	s25 =	simm.s32 $0x1B8E;
	s24 =	sld [smem:$0x3FFE];
	[sflag:s23] =	ssyncadd.s32 $0xFFFFFFFF  }
0xa5: {  	s26 =	simm.s32 $execute0_lowered;
	[smem:$0x3FD2] =	sst s25  }
0xa6: {  	s4 =	sshll.u32 s26, $0x1;
	_ =	strace $0x80000049;
	[dreg:$0x1] =	wrdreg $0xFFFFFFFF  }
0xa7: {  	s28 =	simm.s32 $_size_execute0_lowered;
	s2 =	sadd.s32 s2, s4;
	[dreg:$0x0] =	wrdreg $0x0  }
0xa8: {  	s4 =	sshll.u32 s28, $0x1;
	[dreg:$0x2] =	wrdreg s2  }
0xa9: {  	[dreg:$0x3] =	wrdreg s4  }
0xaa: {  	[dreg:$0x4] =	wrdreg $0xC0  }
0xab: {  	_ =	task [dreg:s6], $0x5FFFF  }
0xac: {  	[dreg:$0x1] =	wrdreg $0xFFFFFFFF  }
0xad: {  	[dreg:$0x0] =	wrdreg $0x60  }
0xae: {  	[dreg:$0x2] =	wrdreg s24  }
0xaf: {  	[dreg:$0x3] =	wrdreg $0xBC000  }
0xb0: {  	[dreg:$0x4] =	wrdreg $0x9  }
0xb1: {  	_ =	task.clear_ibuf [dreg:s6], $0x5FFFF;
	_ =	strace $0x90000049  }
0xb2: {  	s29 =	simm.s32 $0x9;
	_ =	strace $0x8000004B  }
0xb3: {  	_ =	swait.ge [sflag:s29], $0x1  }
0xb4: {  	[sflag:s29] =	ssyncadd.s32 $0xFFFFFFFF  }
0xb5: {  	_ =	strace $0x9000004B  }
0xb6: {  	_ =	sfence  }
0xb7: {  	s30 =	sld [smem:$0x0];
	_ =	sdelay $0x2  }
0xb8: {  	s31 =	sshll.u32 s1, $0xD;
	s1 =	sshrl.u32 s1, $0x2  }
0xb9: {  	s3 =	sand.u32 $0x4000, s31;
	s1 =	sadd.s32 s1, s30  }
0xba: {  	s0 =	sor.u32 s3, s0;
	s1 =	sshll.u32 s1, $0x11  }
0xbb: {  	s0 =	sor.u32 s1, s0  }
0xbc: {  	s0 =	sadd.s32 $0x8F2B, s0  }
0xbd: {  	[sflag:s0] =	ssyncadd.remote.s32 $0x1  }
0xbe: {  	_ =	sfence.sel $0xFFFF  }
0xbf: {  	[dreg:$0x0] =	wrdreg $0xFFFFFFFF;
	(pc) =	sbr.abs _section_cstart, $3  }
0xc0: {  	[dreg:$0x1] =	wrdreg $0xFFFFFFFF  }
0xc1: {  	_ =	task.clear_ibuf [dreg:s6], $0x2FFFF;
	_ =	strace $0x9FFFFFFF  }
0xc2: {  	(tm) =	ssettm $0x7FFFFFFF  }
0xc3: {  	_ =	shalt  }
tec
execute0_lowered:
.L_overlay_start_1:
0x0: {  	(tag) =	ssettag $0x1  }
0x1: {  	s1 =	srdreg.scid;
	s6 =	rddreg [dreg:$0x0]  }
0x2: {  	s0 =	stileid.u32;
	s2 =	rddreg [dreg:$0x1]  }
0x3: {  	s3 =	simm.s32 $0x0;
	s15 =	simm.s32 $0x1;
	s16 =	simm.s32 $0x80  }
0x4: {  	s17 =	simm.s32 $0x3C00;
	s18 =	simm.s32 $0x7C00;
	s19 =	simm.s32 $0x2  }
0x5: {  	s20 =	simm.s32 $0x4;
	s21 =	simm.s32 $0x3;
	s22 =	simm.s32 $0x5  }
0x6: {  	s23 =	simm.s32 $0x2780;
	s24 =	simm.s32 $0x2800;
	s5 =	sand.u32 $0x1, s1  }
0x7: {  	s25 =	sshll.u32 s0, $0x1;
	[smem:$0x7FF] =	sst s3;
	s9 =	smul.u32 $0x14000, s0  }
0x8: {  	s4 =	sadd.s32 $0x19800, s6;
	s11 =	smul.u32 $0x50000, s0;
	s31 =	sshll.u32 s0, $0x6  }
0x9: {  	s1 =	sor.u32 s5, s25;
	s8 =	smul.u32 $0x140000, s5;
	s28 =	ssub.s32 $0x2, s5  }
0xa: {  	s5 =	sadd.s32 $0x41800, s6;
	s25 =	simm.s32 $0x3B80;
	s7 =	smul.u32 $0x2800, s1  }
0xb: {  	s1 =	rddreg [dreg:$0x2];
	_ =	strace $0x8000004A;
	s29 =	sshrl.u32 s28, $0x1  }
0xc: {  	s30 =	sshrl.u32 s11, $0x2;
	s26 =	sadd.s32 s9, s8;
	s13 =	ssub.s32 s28, s29  }
0xd: {  	s14 =	sadd.s32 s30, s2;
	s8 =	sor.u32 $0x1C06, s31;
	s7 =	sshrl.u32 s7, $0x3  }
0xe: {  	s11 =	smax.u32 s13, $0x1;
	s13 =	sshrl.u32 s14, $0x3;
	s14 =	simm.s32 $0x6  }
0xf: {  	s10 =	sadd.s32 s7, s6;
	s7 =	sshrl.u32 s26, $0x3;
	s26 =	simm.s32 $0x0  }
0x10: {  	s12 =	sadd.s32 s7, s6;
	s6 =	sadd.s32 $0x5800, s10;
	s7 =	sadd.s32 $0xF800, s10  }
0x11: {  	s9 =	sadd.s32 $0x5A80, s10;
	s10 =	sadd.s32 $0x44000, s12;
	s12 =	simm.s32 $0x1400  }
.LBB2_1:
0x12: {  	[tilespmem:s3], [sflag:$0x1] =	stream.linear.gather [hbm4b:s6+s3], $0x1400, $0x38;
	[tilespmem:$0x1FC00] =	vst v63  }
0x13: {  	_ = 	snop  }
0x14: {  	[tilespmem:s12], [sflag:$0x1] =	stream.linear.gather [hbm4b:s7+s3], $0x2800, $0x38;
	[tilespmem:$0x1FC00] =	vst v63  }
0x15: {  	[spmem:s13], [sflag:s8] =	dma.local [hbm:s5], $0x2800  }
0x16: {  	_ =	swait.ge [sflag:s14], $0x2800  }
0x17: {  	[sflag:s14] =	ssyncset.done $0x0  }
0x18: {  	[sflag:s14] =	ssyncadd.s32 $0xFFFFD800  }
0x19: {  	_ =	swait.ge [sflag:s15], $0x1400  }
0x1a: {  	[sflag:s15] =	ssyncset.done $0x0  }
0x1b: {  	[sflag:s15] =	ssyncadd.s32 $0xFFFFEC00  }
0x1c: {  	_ =	swait.ge [sflag:s15], $0x2800  }
0x1d: {  	[sflag:s15] =	ssyncset.done $0x0  }
0x1e: {  	[sflag:s15] =	ssyncadd.s32 $0xFFFFD800  }
0x1f: {  	[bflag:$0x0] =	sbarrier.arrive $0xFFFF  }
0x20: {  	[tilespmem:s17], [sflag:$0x2] =	stream.indirect.gather [hbm4b:s4+s16], $0x80, s3, s16, $0xb8;
	[tilespmem:$0x1FC00] =	vst v63  }
0x21: {  	_ = 	snop  }
0x22: {  	[tilespmem:s18], [sflag:$0x3] =	stream.indirect.gather [hbm4b:s4+s16], $0x80, s16, s16, $0xb8;
	[tilespmem:$0x1FC00] =	vst v63  }
0x23: {  	_ =	swait.ge [sflag:s19], $0x4000  }
0x24: {  	[sflag:s19] =	ssyncset.done $0x0  }
0x25: {  	[sflag:s19] =	ssyncadd.s32 $0xFFFFC000  }
0x26: {  	[spmem:s2] =	stream.indirect.scatter.add.f32 [tilespmem:s17], [sflag:$0x4], $0x80, s12, s16, $0xb8;
	[tilespmem:$0x1FC00] =	vst v63  }
0x27: {  	_ =	swait.ge [sflag:s20], $0x4000  }
0x28: {  	[sflag:s20] =	ssyncset.done $0x0  }
0x29: {  	s28 =	simm.s32 $0x100;
	[sflag:s20] =	ssyncadd.s32 $0xFFFFC000  }
0x2a: {  	[tilespmem:s17], [sflag:$0x2] =	stream.indirect.gather [hbm4b:s4+s16], $0x80, s28, s16, $0xb8;
	[tilespmem:$0x1FC00] =	vst v63  }
0x2b: {  	_ =	swait.ge [sflag:s21], $0x4000  }
0x2c: {  	[sflag:s21] =	ssyncset.done $0x0  }
0x2d: {  	s28 =	simm.s32 $0x1480;
	[sflag:s21] =	ssyncadd.s32 $0xFFFFC000  }
0x2e: {  	[spmem:s2] =	stream.indirect.scatter.add.f32 [tilespmem:s18], [sflag:$0x5], $0x80, s28, s16, $0xb8;
	[tilespmem:$0x1FC00] =	vst v63  }
0x2f: {  	_ =	swait.ge [sflag:s22], $0x4000  }
0x30: {  	[sflag:s22] =	ssyncset.done $0x0  }
0x31: {  	s28 =	simm.s32 $0x180;
	[sflag:s22] =	ssyncadd.s32 $0xFFFFC000  }
0x32: {  	[tilespmem:s18], [sflag:$0x3] =	stream.indirect.gather [hbm4b:s4+s16], $0x80, s28, s16, $0xb8;
	[tilespmem:$0x1FC00] =	vst v63  }
0x33: {  	_ =	swait.ge [sflag:s19], $0x4000  }
0x34: {  	[sflag:s19] =	ssyncset.done $0x0  }
0x35: {  	s29 =	simm.s32 $0x1500;
	s28 =	simm.s32 $0xFFFFB800;
	[sflag:s19] =	ssyncadd.s32 $0xFFFFC000  }
.LBB2_2:
0x36: {  	[spmem:s2] =	stream.indirect.scatter.add.f32 [tilespmem:s17], [sflag:$0x4], $0x80, s29, s16, $0xb8;
	[tilespmem:$0x1FC00] =	vst v63  }
0x37: {  	s29 =	smov.u32 s28  }
0x38: {  	p0 =	sne.s32 s28, $0xFFFFFC00;
	s28 =	sadd.s32 $0x400, s28;
	_ =	swait.ge [sflag:s20], $0x4000  }
0x39: {  	s29 =	sshra.s32 s29, $0x2;
	[sflag:s20] =	ssyncset.done $0x0  }
0x3a: {  	s30 =	sadd.s32 $0x1400, s29;
	[sflag:s20] =	ssyncadd.s32 $0xFFFFC000  }
0x3b: {  	[tilespmem:s17], [sflag:$0x2] =	stream.indirect.gather [hbm4b:s4+s16], $0x80, s30, s16, $0xb8;
	[tilespmem:$0x1FC00] =	vst v63  }
0x3c: {  	_ =	swait.ge [sflag:s21], $0x4000  }
0x3d: {  	[sflag:s21] =	ssyncset.done $0x0  }
0x3e: {  	s30 =	sadd.s32 $0x2780, s29;
	[sflag:s21] =	ssyncadd.s32 $0xFFFFC000  }
0x3f: {  	[spmem:s2] =	stream.indirect.scatter.add.f32 [tilespmem:s18], [sflag:$0x5], $0x80, s30, s16, $0xb8;
	[tilespmem:$0x1FC00] =	vst v63  }
0x40: {  	_ =	swait.ge [sflag:s22], $0x4000  }
0x41: {  	[sflag:s22] =	ssyncset.done $0x0  }
.Ltmp0:
0x42: {  	s30 =	sadd.s32 $0x1480, s29;
	[sflag:s22] =	ssyncadd.s32 $0xFFFFC000;
	(pc) =	sbr.rel @p0 .LBB2_2-.Ltmp0, $4  }
0x43: {  	[tilespmem:s18], [sflag:$0x3] =	stream.indirect.gather [hbm4b:s4+s16], $0x80, s30, s16, $0xb8;
	[tilespmem:$0x1FC00] =	vst v63  }
0x44: {  	_ =	swait.ge [sflag:s19], $0x4000  }
0x45: {  	[sflag:s19] =	ssyncset.done $0x0  }
0x46: {  	s29 =	sadd.s32 $0x2800, s29;
	[sflag:s19] =	ssyncadd.s32 $0xFFFFC000  }
0x47: {  	[spmem:s2] =	stream.indirect.scatter.add.f32 [tilespmem:s17], [sflag:$0x4], $0x80, s29, s16, $0xb8;
	[tilespmem:$0x1FC00] =	vst v63  }
0x48: {  	_ =	swait.ge [sflag:s21], $0x4000  }
0x49: {  	[sflag:s21] =	ssyncset.done $0x0  }
0x4a: {  	[sflag:s21] =	ssyncadd.s32 $0xFFFFC000  }
0x4b: {  	[spmem:s2] =	stream.indirect.scatter.add.f32 [tilespmem:s18], [sflag:$0x5], $0x80, s23, s16, $0xb8;
	[tilespmem:$0x1FC00] =	vst v63  }
0x4c: {  	_ =	swait.ge [sflag:s20], $0x4000  }
0x4d: {  	[sflag:s20] =	ssyncset.done $0x0  }
0x4e: {  	[sflag:s20] =	ssyncadd.s32 $0xFFFFC000  }
0x4f: {  	_ =	swait.ge [sflag:s22], $0x4000  }
0x50: {  	[sflag:s22] =	ssyncset.done $0x0  }
0x51: {  	[sflag:s22] =	ssyncadd.s32 $0xFFFFC000  }
0x52: {  	[tilespmem:s3], [sflag:$0x6] =	stream.linear.gather [hbm4b:s9+s3], $0x1400, $0x38;
	[tilespmem:$0x1FC00] =	vst v63  }
0x53: {  	_ =	swait.ge [sflag:s14], $0x1400  }
0x54: {  	[sflag:s14] =	ssyncset.done $0x0  }
0x55: {  	[sflag:s14] =	ssyncadd.s32 $0xFFFFEC00  }
0x56: {  	[tilespmem:s17], [sflag:$0x2] =	stream.indirect.gather [hbm4b:s4+s16], $0x80, s3, s16, $0xb8;
	[tilespmem:$0x1FC00] =	vst v63  }
0x57: {  	_ = 	snop  }
0x58: {  	[tilespmem:s18], [sflag:$0x3] =	stream.indirect.gather [hbm4b:s4+s16], $0x80, s16, s16, $0xb8;
	[tilespmem:$0x1FC00] =	vst v63  }
0x59: {  	_ =	swait.ge [sflag:s19], $0x4000  }
0x5a: {  	[sflag:s19] =	ssyncset.done $0x0  }
0x5b: {  	[sflag:s19] =	ssyncadd.s32 $0xFFFFC000  }
0x5c: {  	[spmem:s2] =	stream.indirect.scatter.add.f32 [tilespmem:s17], [sflag:$0x4], $0x80, s24, s16, $0xb8;
	[tilespmem:$0x1FC00] =	vst v63  }
0x5d: {  	_ =	swait.ge [sflag:s20], $0x4000  }
0x5e: {  	[sflag:s20] =	ssyncset.done $0x0  }
0x5f: {  	s28 =	simm.s32 $0x100;
	[sflag:s20] =	ssyncadd.s32 $0xFFFFC000  }
0x60: {  	[tilespmem:s17], [sflag:$0x2] =	stream.indirect.gather [hbm4b:s4+s16], $0x80, s28, s16, $0xb8;
	[tilespmem:$0x1FC00] =	vst v63  }
0x61: {  	_ =	swait.ge [sflag:s21], $0x4000  }
0x62: {  	[sflag:s21] =	ssyncset.done $0x0  }
0x63: {  	s28 =	simm.s32 $0x2880;
	[sflag:s21] =	ssyncadd.s32 $0xFFFFC000  }
0x64: {  	[spmem:s2] =	stream.indirect.scatter.add.f32 [tilespmem:s18], [sflag:$0x5], $0x80, s28, s16, $0xb8;
	[tilespmem:$0x1FC00] =	vst v63  }
0x65: {  	_ =	swait.ge [sflag:s22], $0x4000  }
0x66: {  	[sflag:s22] =	ssyncset.done $0x0  }
0x67: {  	s28 =	simm.s32 $0x180;
	[sflag:s22] =	ssyncadd.s32 $0xFFFFC000  }
0x68: {  	[tilespmem:s18], [sflag:$0x3] =	stream.indirect.gather [hbm4b:s4+s16], $0x80, s28, s16, $0xb8;
	[tilespmem:$0x1FC00] =	vst v63  }
0x69: {  	_ =	swait.ge [sflag:s19], $0x4000  }
0x6a: {  	[sflag:s19] =	ssyncset.done $0x0  }
0x6b: {  	s29 =	simm.s32 $0x2900;
	s28 =	simm.s32 $0xFFFFB800;
	[sflag:s19] =	ssyncadd.s32 $0xFFFFC000  }
.LBB2_4:
0x6c: {  	[spmem:s2] =	stream.indirect.scatter.add.f32 [tilespmem:s17], [sflag:$0x4], $0x80, s29, s16, $0xb8;
	[tilespmem:$0x1FC00] =	vst v63  }
0x6d: {  	s29 =	smov.u32 s28  }
0x6e: {  	p0 =	sne.s32 s28, $0xFFFFFC00;
	s28 =	sadd.s32 $0x400, s28;
	_ =	swait.ge [sflag:s20], $0x4000  }
0x6f: {  	s29 =	sshra.s32 s29, $0x2;
	[sflag:s20] =	ssyncset.done $0x0  }
0x70: {  	s30 =	sadd.s32 $0x1400, s29;
	[sflag:s20] =	ssyncadd.s32 $0xFFFFC000  }
0x71: {  	[tilespmem:s17], [sflag:$0x2] =	stream.indirect.gather [hbm4b:s4+s16], $0x80, s30, s16, $0xb8;
	[tilespmem:$0x1FC00] =	vst v63  }
0x72: {  	_ =	swait.ge [sflag:s21], $0x4000  }
0x73: {  	[sflag:s21] =	ssyncset.done $0x0  }
0x74: {  	s30 =	sadd.s32 $0x3B80, s29;
	[sflag:s21] =	ssyncadd.s32 $0xFFFFC000  }
0x75: {  	[spmem:s2] =	stream.indirect.scatter.add.f32 [tilespmem:s18], [sflag:$0x5], $0x80, s30, s16, $0xb8;
	[tilespmem:$0x1FC00] =	vst v63  }
0x76: {  	_ =	swait.ge [sflag:s22], $0x4000  }
0x77: {  	[sflag:s22] =	ssyncset.done $0x0  }
.Ltmp1:
0x78: {  	s30 =	sadd.s32 $0x1480, s29;
	[sflag:s22] =	ssyncadd.s32 $0xFFFFC000;
	(pc) =	sbr.rel @p0 .LBB2_4-.Ltmp1, $4  }
0x79: {  	[tilespmem:s18], [sflag:$0x3] =	stream.indirect.gather [hbm4b:s4+s16], $0x80, s30, s16, $0xb8;
	[tilespmem:$0x1FC00] =	vst v63  }
0x7a: {  	_ =	swait.ge [sflag:s19], $0x4000  }
0x7b: {  	[sflag:s19] =	ssyncset.done $0x0  }
0x7c: {  	s29 =	sadd.s32 $0x3C00, s29;
	[sflag:s19] =	ssyncadd.s32 $0xFFFFC000  }
0x7d: {  	[spmem:s2] =	stream.indirect.scatter.add.f32 [tilespmem:s17], [sflag:$0x4], $0x80, s29, s16, $0xb8;
	[tilespmem:$0x1FC00] =	vst v63  }
0x7e: {  	_ =	swait.ge [sflag:s21], $0x4000  }
0x7f: {  	[sflag:s21] =	ssyncset.done $0x0  }
0x80: {  	[sflag:s21] =	ssyncadd.s32 $0xFFFFC000  }
0x81: {  	[spmem:s2] =	stream.indirect.scatter.add.f32 [tilespmem:s18], [sflag:$0x5], $0x80, s25, s16, $0xb8;
	[tilespmem:$0x1FC00] =	vst v63  }
0x82: {  	_ =	swait.ge [sflag:s20], $0x4000  }
0x83: {  	[sflag:s20] =	ssyncset.done $0x0  }
0x84: {  	[sflag:s20] =	ssyncadd.s32 $0xFFFFC000  }
0x85: {  	_ =	swait.ge [sflag:s22], $0x4000  }
0x86: {  	s26 =	sadd.s32 $0x1, s26;
	[sflag:s22] =	ssyncset.done $0x0  }
0x87: {  	p0 =	sne.s32 s26, s11;
	[sflag:s22] =	ssyncadd.s32 $0xFFFFC000  }
.Ltmp2:
0x88: {  	[bflag:$0x0] =	sbarrier.arrive $0xFFFF;
	(pc) =	sbr.rel @p0 .LBB2_1-.Ltmp2, $4  }
0x89: {  	[hbm:s10], [sflag:s8] =	dma.local [spmem:s13], $0x2800  }
0x8a: {  	_ =	swait.ge [sflag:s14], $0x2800  }
0x8b: {  	[sflag:s14] =	ssyncset.done $0x0  }
0x8c: {  	[sflag:s14] =	ssyncadd.s32 $0xFFFFD800  }
0x8d: {  	_ =	sfence.sel $0x180000  }
0x8e: {  	[bflag:$0x0] =	sbarrier.arrive $0xFFFF  }
0x8f: {  	p0 =	sne.s32 s0, $0x0;
	_ =	strace $0x9000004A  }
0x90: {  	s0 =	sadd.s32 @!p0 $0x100000, s1;
	[bflag:$0x2] =	sbarrier.arrive $0xFFFF  }
0x91: {  	[sflag:s0] =	ssyncadd.tile.s32 @!p0 $0x1;
	_ =	shalt  }
.Lfunc_end2:
_tile_overlayer_lowered:
.L_overlay_start_2:
0x92: {  	(tag) =	ssettag $0x2  }
0x93: {  	s0 =	rddreg [dreg:$0x0];
	s2 =	stileid.u32  }
0x94: {  	s1 =	rddreg [dreg:$0x1];
	p0 =	sne.s32 s2, $0x0  }
0x95: {  	s3 =	rddreg [dreg:$0x2];
	[bflag:$0x3] =	sbarrier.arrive $0xFFFF;
	s2 =	simm.s32 @!p0 $0x1C06  }
0x96: {  	[timem:s3], [sflag:s2] =	dma.local @!p0 [hbm:s0], s1  }
0x97: {  	s0 =	simm.s32 @!p0 $0x6  }
0x98: {  	_ =	swait.ge @!p0 [sflag:s0], s1  }
0x99: {  	s1 =	ssub.s32 @!p0 $0x0, s1;
	[sflag:s0] =	ssyncset.done @!p0 $0x0  }
0x9a: {  	[sflag:s0] =	ssyncadd.s32 @!p0 s1  }
0x9b: {  	[bflag:$0x3] =	sbarrier.arrive $0xFFFF  }
0x9c: {  	_ =	shalt  }

// kernel: kernel.16.cloned.1.call-start
scs
__scs_entry_jumppad:
0x0: {  	(pc) =	sbr.rel $0x88, $3  }
0x1: {  	(tag) =	ssettag $0x0;
	lr =	simm.s32 $0x1  }
0x2: {  	[smem:$0x3F86] =	sst lr;
	_ =	strace $0xD0000000  }
0x3: {  	_ = 	snop  }
0x4: {  	_ = 	snop  }
0x5: {  	_ = 	snop  }
0x6: {  	_ = 	snop  }
0x7: {  	_ = 	snop  }
__scs_overlays_trampoline_lowered:
0x8: {  	[smem:$0x3F95] =	sst s0  }
0x9: {  	[smem:$0x3F96] =	sst s1  }
0xa: {  	[smem:$0x3F97] =	sst s2  }
0xb: {  	[smem:$0x3F98] =	sst s3  }
0xc: {  	[smem:$0x3F99] =	sst s4  }
0xd: {  	[smem:$0x3F9A] =	sst s5  }
0xe: {  	[smem:$0x3F9B] =	sst s6  }
0xf: {  	[smem:$0x3F9C] =	sst s7  }
0x10: {  	[smem:$0x3F9D] =	sst s8  }
0x11: {  	[smem:$0x3F9E] =	sst s9;
	s0 =	simm.s32 @!p0 $0x0  }
0x12: {  	s1 =	sld [smem:$0x3F84];
	s0 =	simm.s32 @p0 $0x1  }
0x13: {  	[smem:$0x3F9F] =	sst s0;
	s0 =	simm.s32 @!p1 $0x0  }
0x14: {  	s2 =	sld [smem:$0x3F83];
	s0 =	simm.s32 @p1 $0x1  }
0x15: {  	[smem:$0x3FA0] =	sst s0;
	s0 =	simm.s32 @!p2 $0x0  }
0x16: {  	s3 =	sld [smem:$0x3FDB];
	s0 =	simm.s32 @p2 $0x1  }
0x17: {  	s4 =	simm.s32 $0x1BF5;
	[smem:$0x3FA2] =	sst s0  }
0x18: {  	s0 =	sld [smem:$0x3F85];
	_ =	swait.ge [sflag:s4], $0x0  }
0x19: {  	s7 =	sld [smem:$0x3F86]  }
0x1a: {  	s8 =	sadd.s32 $0xFFFFE003, lr  }
0x1b: {  	s9 =	sadd.s32 $0xFFFFFEF7, lr;
	s5 =	simm.s32 $0xFFFFFFFF;
	p2 =	slt.u32 s8, $0xFFFFF086  }
0x1c: {  	p1 =	slt.u32 s9, $0xF7A;
	s5 =	simm.s32 @!p2 $0x0  }
0x1d: {  	s5 =	simm.s32 @p1 $0x1;
	p0 =	seq.s32 s7, s2  }
0x1e: {  	s7 =	smul.u32 @!p0 $0xF7A, s2;
	p2 =	seq.s32 @!p0 s5, $0x0  }
0x1f: {  	s9 =	smul.u32 $0xF7A, s1;
	s8 =	simm.s32 @!p0 $0x1BF5;
	p2 =	por !p2, p0  }
0x20: {  	[sflag:s8] =	ssyncset.s32 @!p0 $0xFFFFF086;
	s6 =	sadd.s32 @!p0 s3, s7;
	s7 =	simm.s32 @!p0 $0x108  }
0x21: {  	s3 =	sadd.s32 s3, s9;
	s6 =	sadd.s32 @!p0 $0x88, s6;
	s7 =	simm.s32 @p2 $0x1082  }
0x22: {  	[simem:s7], [sflag:s8] =	dma.local @!p0 [hbm:s6], $0xF7A  }
0x23: {  	s9 =	sor.u32 $0xD0000000, s2;
	s6 =	simm.s32 $0x108;
	_ =	swait.ge @!p0 [sflag:s8], $0x0  }
0x24: {  	s3 =	sadd.s32 $0x88, s3;
	s6 =	simm.s32 @!p1 $0x1082;
	[sflag:s4] =	ssyncset.s32 $0xFFFFF086  }
0x25: {  	[simem:s6], [sflag:s4] =	dma.local [hbm:s3], $0xF7A  }
0x26: {  	[smem:$0x3F86] =	sst s1;
	(tag) =	ssettag s2;
	_ =	strace s9  }
0x27: {  	s1 =	sld [smem:$0x3F96]  }
0x28: {  	s2 =	sld [smem:$0x3F97]  }
0x29: {  	s4 =	sld [smem:$0x3F99]  }
0x2a: {  	p0 =	seq.s32 s5, $0x0;
	s5 =	sld [smem:$0x3F9A]  }
0x2b: {  	s6 =	sld [smem:$0x3F9B]  }
0x2c: {  	s7 =	sld [smem:$0x3F9C]  }
0x2d: {  	s3 =	simm.s32 $0x108;
	s8 =	sld [smem:$0x3F9D]  }
0x2e: {  	s3 =	simm.s32 @!p0 $0x1082;
	s9 =	sld [smem:$0x3F9E]  }
0x2f: {  	lr =	sadd.s32 s0, s3;
	s0 =	sld [smem:$0x3F95]  }
0x30: {  	s3 =	sld [smem:$0x3F98]  }
0x31: {  	[smem:$0x3FA1] =	sst s10  }
0x32: {  	s10 =	sld [smem:$0x3F9F];
	_ =	sdelay $0x3  }
0x33: {  	p0 =	seq.s32 s10, $0x1;
	s10 =	sld [smem:$0x3FA1];
	_ =	sdelay $0x3  }
0x34: {  	[smem:$0x3FA1] =	sst s10  }
0x35: {  	s10 =	sld [smem:$0x3FA0];
	_ =	sdelay $0x3  }
0x36: {  	p1 =	seq.s32 s10, $0x1;
	s10 =	sld [smem:$0x3FA1];
	_ =	sdelay $0x3  }
0x37: {  	[smem:$0x3FA1] =	sst s10  }
0x38: {  	s10 =	sld [smem:$0x3FA2]  }
0x39: {  	_ = 	snop;
	(pc) =	sbr.ind lr, $3  }
0x3a: {  	_ = 	snop  }
0x3b: {  	_ = 	snop  }
0x3c: {  	p2 =	seq.s32 s10, $0x1;
	s10 =	sld [smem:$0x3FA1]  }
0x3d: {  	_ =	shalt  }
0x3e: {  	_ =	shalt  }
0x3f: {  	_ =	shalt  }
0x40: {  	_ =	shalt  }
0x41: {  	_ =	shalt  }
0x42: {  	_ =	shalt  }
0x43: {  	_ =	shalt  }
0x44: {  	_ =	shalt  }
0x45: {  	_ =	shalt  }
0x46: {  	_ =	shalt  }
0x47: {  	_ =	shalt  }
0x48: {  	_ =	shalt  }
0x49: {  	_ =	shalt  }
0x4a: {  	_ =	shalt  }
0x4b: {  	_ =	shalt  }
0x4c: {  	_ =	shalt  }
0x4d: {  	_ =	shalt  }
0x4e: {  	_ =	shalt  }
0x4f: {  	_ =	shalt  }
0x50: {  	_ =	shalt  }
0x51: {  	_ =	shalt  }
0x52: {  	_ =	shalt  }
0x53: {  	_ =	shalt  }
0x54: {  	_ =	shalt  }
0x55: {  	_ =	shalt  }
0x56: {  	_ =	shalt  }
0x57: {  	_ =	shalt  }
0x58: {  	_ =	shalt  }
0x59: {  	_ =	shalt  }
0x5a: {  	_ =	shalt  }
0x5b: {  	_ =	shalt  }
0x5c: {  	_ =	shalt  }
0x5d: {  	_ =	shalt  }
0x5e: {  	_ =	shalt  }
0x5f: {  	_ =	shalt  }
0x60: {  	_ =	shalt  }
0x61: {  	_ =	shalt  }
0x62: {  	_ =	shalt  }
0x63: {  	_ =	shalt  }
0x64: {  	_ =	shalt  }
0x65: {  	_ =	shalt  }
0x66: {  	_ =	shalt  }
0x67: {  	_ =	shalt  }
0x68: {  	_ =	shalt  }
0x69: {  	_ =	shalt  }
0x6a: {  	_ =	shalt  }
0x6b: {  	_ =	shalt  }
0x6c: {  	_ =	shalt  }
0x6d: {  	_ =	shalt  }
0x6e: {  	_ =	shalt  }
0x6f: {  	_ =	shalt  }
0x70: {  	_ =	shalt  }
0x71: {  	_ =	shalt  }
0x72: {  	_ =	shalt  }
0x73: {  	_ =	shalt  }
0x74: {  	_ =	shalt  }
0x75: {  	_ =	shalt  }
0x76: {  	_ =	shalt  }
0x77: {  	_ =	shalt  }
0x78: {  	_ =	shalt  }
0x79: {  	_ =	shalt  }
0x7a: {  	_ =	shalt  }
0x7b: {  	_ =	shalt  }
0x7c: {  	_ =	shalt  }
0x7d: {  	_ =	shalt  }
0x7e: {  	_ =	shalt  }
0x7f: {  	_ =	shalt  }
0x80: {  	_ =	shalt  }
0x81: {  	_ =	shalt  }
0x82: {  	_ =	shalt  }
0x83: {  	_ =	shalt  }
0x84: {  	_ =	shalt  }
0x85: {  	_ =	shalt  }
0x86: {  	_ =	shalt  }
0x87: {  	_ =	shalt  }
.Lfunc_end0:
.L_simem_size_0:
called_computation.2_lowered:
.L_overlay_start_0:
0x88: {  	s2 =	sld [smem:$0x3FD9]  }
0x89: {  	s3 =	sld [smem:$0x3FFE];
	_ =	sdelay $0x1  }
0x8a: {  	s1 =	srdreg.scid  }
0x8b: {  	s0 =	sand.u32 $0x1, s1  }
0x8c: {  	s16 =	sshll.u32 s0, $0xA;
	s2 =	sadd.s32 s3, s2  }
0x8d: {  	s2 =	sadd.s32 s2, s16  }
0x8e: {  	[smem:$0x3FAD] =	sst s2  }
0x8f: {  	_ = 	snop  }
0x90: {  	(tm) =	ssettm $0x1  }
0x91: {  	s17 =	sld [smem:$0x3FFB];
	_ =	sdelay $0x3  }
0x92: {  	_ =	strace s17  }
0x93: {  	s2 =	sld [smem:$0x3FFC];
	_ =	sdelay $0x3  }
0x94: {  	_ =	strace s2  }
0x95: {  	s2 =	sld [smem:$0x3FFD];
	_ =	sdelay $0x3  }
0x96: {  	_ =	strace s2  }
0x97: {  	_ =	strace $0x8FFFFFFF  }
0x98: {  	s18 =	sld [smem:$0x3FDB];
	_ =	sdelay $0x1  }
0x99: {  	s19 =	simm.s32 $_scs_section_size  }
0x9a: {  	s4 =	simm.s32 $_size__tile_overlayer_lowered;
	s5 =	simm.s32 $_tile_overlayer_lowered  }
0x9b: {  	s22 =	simm.s32 $0x1BFF;
	s21 =	sshll.u32 s5, $0x1;
	s2 =	sadd.s32 s19, s18  }
0x9c: {  	s6 =	simm.s32 $0x0;
	s20 =	sshll.u32 s4, $0x1;
	s4 =	sadd.s32 s21, s2  }
0x9d: {  	[timem:s6], [sflag:s22] =	dma.local [hbm:s4], s20  }
0x9e: {  	_ =	swait.ge [sflag:s22], s20  }
0x9f: {  	s3 =	ssub.s32 $0x0, s20;
	[sflag:s22] =	ssyncset.done $0x0  }
0xa0: {  	[sflag:s22] =	ssyncadd.s32 s3;
	_ =	sdelay $0x1  }
0xa1: {  	s23 =	simm.s32 $0x1B8B  }
0xa2: {  	_ =	swait.ge [sflag:s23], $0x1  }
0xa3: {  	[sflag:s23] =	ssyncset.done $0x0  }
0xa4: {  	s25 =	simm.s32 $0x1B8E;
	s24 =	sld [smem:$0x3FFE];
	[sflag:s23] =	ssyncadd.s32 $0xFFFFFFFF  }
0xa5: {  	s26 =	simm.s32 $execute0_lowered;
	[smem:$0x3FD2] =	sst s25  }
0xa6: {  	s4 =	sshll.u32 s26, $0x1;
	_ =	strace $0x8000004C;
	[dreg:$0x1] =	wrdreg $0xFFFFFFFF  }
0xa7: {  	s28 =	simm.s32 $_size_execute0_lowered;
	s2 =	sadd.s32 s2, s4;
	[dreg:$0x0] =	wrdreg $0x0  }
0xa8: {  	s4 =	sshll.u32 s28, $0x1;
	[dreg:$0x2] =	wrdreg s2  }
0xa9: {  	[dreg:$0x3] =	wrdreg s4  }
0xaa: {  	[dreg:$0x4] =	wrdreg $0xC0  }
0xab: {  	_ =	task [dreg:s6], $0x5FFFF  }
0xac: {  	[dreg:$0x1] =	wrdreg $0xFFFFFFFF  }
0xad: {  	[dreg:$0x0] =	wrdreg $0x60  }
0xae: {  	[dreg:$0x2] =	wrdreg s24  }
0xaf: {  	[dreg:$0x3] =	wrdreg $0xBC000  }
0xb0: {  	[dreg:$0x4] =	wrdreg $0x9  }
0xb1: {  	_ =	task.clear_ibuf [dreg:s6], $0x5FFFF;
	_ =	strace $0x9000004C  }
0xb2: {  	s29 =	simm.s32 $0x9;
	_ =	strace $0x8000004E  }
0xb3: {  	_ =	swait.ge [sflag:s29], $0x1  }
0xb4: {  	[sflag:s29] =	ssyncadd.s32 $0xFFFFFFFF  }
0xb5: {  	_ =	strace $0x9000004E  }
0xb6: {  	_ =	sfence  }
0xb7: {  	s30 =	sld [smem:$0x0];
	_ =	sdelay $0x2  }
0xb8: {  	s31 =	sshll.u32 s1, $0xD;
	s1 =	sshrl.u32 s1, $0x2  }
0xb9: {  	s3 =	sand.u32 $0x4000, s31;
	s1 =	sadd.s32 s1, s30  }
0xba: {  	s0 =	sor.u32 s3, s0;
	s1 =	sshll.u32 s1, $0x11  }
0xbb: {  	s0 =	sor.u32 s1, s0  }
0xbc: {  	s0 =	sadd.s32 $0x8F2B, s0  }
0xbd: {  	[sflag:s0] =	ssyncadd.remote.s32 $0x1  }
0xbe: {  	_ =	sfence.sel $0xFFFF  }
0xbf: {  	[dreg:$0x0] =	wrdreg $0xFFFFFFFF;
	(pc) =	sbr.abs _section_cstart, $3  }
0xc0: {  	[dreg:$0x1] =	wrdreg $0xFFFFFFFF  }
0xc1: {  	_ =	task.clear_ibuf [dreg:s6], $0x2FFFF;
	_ =	strace $0x9FFFFFFF  }
0xc2: {  	(tm) =	ssettm $0x7FFFFFFF  }
0xc3: {  	_ =	shalt  }
tec
execute0_lowered:
.L_overlay_start_1:
0x0: {  	(tag) =	ssettag $0x1  }
0x1: {  	s1 =	srdreg.scid;
	s6 =	rddreg [dreg:$0x0]  }
0x2: {  	s0 =	stileid.u32;
	s2 =	rddreg [dreg:$0x1]  }
0x3: {  	s3 =	simm.s32 $0x0;
	s15 =	simm.s32 $0x1;
	s16 =	simm.s32 $0x80  }
0x4: {  	s17 =	simm.s32 $0x3C00;
	s18 =	simm.s32 $0x7C00;
	s19 =	simm.s32 $0x2  }
0x5: {  	s20 =	simm.s32 $0x4;
	s21 =	simm.s32 $0x3;
	s22 =	simm.s32 $0x5  }
0x6: {  	s23 =	simm.s32 $0x2780;
	s24 =	simm.s32 $0x2800;
	s5 =	sand.u32 $0x1, s1  }
0x7: {  	s25 =	sshll.u32 s0, $0x1;
	[smem:$0x7FF] =	sst s3;
	s9 =	smul.u32 $0x14000, s0  }
0x8: {  	s4 =	sadd.s32 $0x19800, s6;
	s11 =	smul.u32 $0x50000, s0;
	s31 =	sshll.u32 s0, $0x6  }
0x9: {  	s1 =	sor.u32 s5, s25;
	s8 =	smul.u32 $0x140000, s5;
	s28 =	ssub.s32 $0x2, s5  }
0xa: {  	s5 =	sadd.s32 $0x41800, s6;
	s25 =	simm.s32 $0x3B80;
	s7 =	smul.u32 $0x2800, s1  }
0xb: {  	s1 =	rddreg [dreg:$0x2];
	_ =	strace $0x8000004D;
	s29 =	sshrl.u32 s28, $0x1  }
0xc: {  	s30 =	sshrl.u32 s11, $0x2;
	s26 =	sadd.s32 s9, s8;
	s13 =	ssub.s32 s28, s29  }
0xd: {  	s14 =	sadd.s32 s30, s2;
	s8 =	sor.u32 $0x1C06, s31;
	s7 =	sshrl.u32 s7, $0x3  }
0xe: {  	s11 =	smax.u32 s13, $0x1;
	s13 =	sshrl.u32 s14, $0x3;
	s14 =	simm.s32 $0x6  }
0xf: {  	s10 =	sadd.s32 s7, s6;
	s7 =	sshrl.u32 s26, $0x3;
	s26 =	simm.s32 $0x0  }
0x10: {  	s12 =	sadd.s32 s7, s6;
	s6 =	sadd.s32 $0x5800, s10;
	s7 =	sadd.s32 $0xF800, s10  }
0x11: {  	s9 =	sadd.s32 $0x5A80, s10;
	s10 =	sadd.s32 $0x44000, s12;
	s12 =	simm.s32 $0x1400  }
.LBB2_1:
0x12: {  	[tilespmem:s3], [sflag:$0x1] =	stream.linear.gather [hbm4b:s6+s3], $0x1400, $0x38;
	[tilespmem:$0x1FC00] =	vst v63  }
0x13: {  	_ = 	snop  }
0x14: {  	[tilespmem:s12], [sflag:$0x1] =	stream.linear.gather [hbm4b:s7+s3], $0x2800, $0x38;
	[tilespmem:$0x1FC00] =	vst v63  }
0x15: {  	[spmem:s13], [sflag:s8] =	dma.local [hbm:s5], $0x2800  }
0x16: {  	_ =	swait.ge [sflag:s14], $0x2800  }
0x17: {  	[sflag:s14] =	ssyncset.done $0x0  }
0x18: {  	[sflag:s14] =	ssyncadd.s32 $0xFFFFD800  }
0x19: {  	_ =	swait.ge [sflag:s15], $0x1400  }
0x1a: {  	[sflag:s15] =	ssyncset.done $0x0  }
0x1b: {  	[sflag:s15] =	ssyncadd.s32 $0xFFFFEC00  }
0x1c: {  	_ =	swait.ge [sflag:s15], $0x2800  }
0x1d: {  	[sflag:s15] =	ssyncset.done $0x0  }
0x1e: {  	[sflag:s15] =	ssyncadd.s32 $0xFFFFD800  }
0x1f: {  	[bflag:$0x0] =	sbarrier.arrive $0xFFFF  }
0x20: {  	[tilespmem:s17], [sflag:$0x2] =	stream.indirect.gather [hbm4b:s4+s16], $0x80, s3, s16, $0xb8;
	[tilespmem:$0x1FC00] =	vst v63  }
0x21: {  	_ = 	snop  }
0x22: {  	[tilespmem:s18], [sflag:$0x3] =	stream.indirect.gather [hbm4b:s4+s16], $0x80, s16, s16, $0xb8;
	[tilespmem:$0x1FC00] =	vst v63  }
0x23: {  	_ =	swait.ge [sflag:s19], $0x4000  }
0x24: {  	[sflag:s19] =	ssyncset.done $0x0  }
0x25: {  	[sflag:s19] =	ssyncadd.s32 $0xFFFFC000  }
0x26: {  	[spmem:s2] =	stream.indirect.scatter.add.f32 [tilespmem:s17], [sflag:$0x4], $0x80, s12, s16, $0xb8;
	[tilespmem:$0x1FC00] =	vst v63  }
0x27: {  	_ =	swait.ge [sflag:s20], $0x4000  }
0x28: {  	[sflag:s20] =	ssyncset.done $0x0  }
0x29: {  	s28 =	simm.s32 $0x100;
	[sflag:s20] =	ssyncadd.s32 $0xFFFFC000  }
0x2a: {  	[tilespmem:s17], [sflag:$0x2] =	stream.indirect.gather [hbm4b:s4+s16], $0x80, s28, s16, $0xb8;
	[tilespmem:$0x1FC00] =	vst v63  }
0x2b: {  	_ =	swait.ge [sflag:s21], $0x4000  }
0x2c: {  	[sflag:s21] =	ssyncset.done $0x0  }
0x2d: {  	s28 =	simm.s32 $0x1480;
	[sflag:s21] =	ssyncadd.s32 $0xFFFFC000  }
0x2e: {  	[spmem:s2] =	stream.indirect.scatter.add.f32 [tilespmem:s18], [sflag:$0x5], $0x80, s28, s16, $0xb8;
	[tilespmem:$0x1FC00] =	vst v63  }
0x2f: {  	_ =	swait.ge [sflag:s22], $0x4000  }
0x30: {  	[sflag:s22] =	ssyncset.done $0x0  }
0x31: {  	s28 =	simm.s32 $0x180;
	[sflag:s22] =	ssyncadd.s32 $0xFFFFC000  }
0x32: {  	[tilespmem:s18], [sflag:$0x3] =	stream.indirect.gather [hbm4b:s4+s16], $0x80, s28, s16, $0xb8;
	[tilespmem:$0x1FC00] =	vst v63  }
0x33: {  	_ =	swait.ge [sflag:s19], $0x4000  }
0x34: {  	[sflag:s19] =	ssyncset.done $0x0  }
0x35: {  	s29 =	simm.s32 $0x1500;
	s28 =	simm.s32 $0xFFFFB800;
	[sflag:s19] =	ssyncadd.s32 $0xFFFFC000  }
.LBB2_2:
0x36: {  	[spmem:s2] =	stream.indirect.scatter.add.f32 [tilespmem:s17], [sflag:$0x4], $0x80, s29, s16, $0xb8;
	[tilespmem:$0x1FC00] =	vst v63  }
0x37: {  	s29 =	smov.u32 s28  }
0x38: {  	p0 =	sne.s32 s28, $0xFFFFFC00;
	s28 =	sadd.s32 $0x400, s28;
	_ =	swait.ge [sflag:s20], $0x4000  }
0x39: {  	s29 =	sshra.s32 s29, $0x2;
	[sflag:s20] =	ssyncset.done $0x0  }
0x3a: {  	s30 =	sadd.s32 $0x1400, s29;
	[sflag:s20] =	ssyncadd.s32 $0xFFFFC000  }
0x3b: {  	[tilespmem:s17], [sflag:$0x2] =	stream.indirect.gather [hbm4b:s4+s16], $0x80, s30, s16, $0xb8;
	[tilespmem:$0x1FC00] =	vst v63  }
0x3c: {  	_ =	swait.ge [sflag:s21], $0x4000  }
0x3d: {  	[sflag:s21] =	ssyncset.done $0x0  }
0x3e: {  	s30 =	sadd.s32 $0x2780, s29;
	[sflag:s21] =	ssyncadd.s32 $0xFFFFC000  }
0x3f: {  	[spmem:s2] =	stream.indirect.scatter.add.f32 [tilespmem:s18], [sflag:$0x5], $0x80, s30, s16, $0xb8;
	[tilespmem:$0x1FC00] =	vst v63  }
0x40: {  	_ =	swait.ge [sflag:s22], $0x4000  }
0x41: {  	[sflag:s22] =	ssyncset.done $0x0  }
.Ltmp0:
0x42: {  	s30 =	sadd.s32 $0x1480, s29;
	[sflag:s22] =	ssyncadd.s32 $0xFFFFC000;
	(pc) =	sbr.rel @p0 .LBB2_2-.Ltmp0, $4  }
0x43: {  	[tilespmem:s18], [sflag:$0x3] =	stream.indirect.gather [hbm4b:s4+s16], $0x80, s30, s16, $0xb8;
	[tilespmem:$0x1FC00] =	vst v63  }
0x44: {  	_ =	swait.ge [sflag:s19], $0x4000  }
0x45: {  	[sflag:s19] =	ssyncset.done $0x0  }
0x46: {  	s29 =	sadd.s32 $0x2800, s29;
	[sflag:s19] =	ssyncadd.s32 $0xFFFFC000  }
0x47: {  	[spmem:s2] =	stream.indirect.scatter.add.f32 [tilespmem:s17], [sflag:$0x4], $0x80, s29, s16, $0xb8;
	[tilespmem:$0x1FC00] =	vst v63  }
0x48: {  	_ =	swait.ge [sflag:s21], $0x4000  }
0x49: {  	[sflag:s21] =	ssyncset.done $0x0  }
0x4a: {  	[sflag:s21] =	ssyncadd.s32 $0xFFFFC000  }
0x4b: {  	[spmem:s2] =	stream.indirect.scatter.add.f32 [tilespmem:s18], [sflag:$0x5], $0x80, s23, s16, $0xb8;
	[tilespmem:$0x1FC00] =	vst v63  }
0x4c: {  	_ =	swait.ge [sflag:s20], $0x4000  }
0x4d: {  	[sflag:s20] =	ssyncset.done $0x0  }
0x4e: {  	[sflag:s20] =	ssyncadd.s32 $0xFFFFC000  }
0x4f: {  	_ =	swait.ge [sflag:s22], $0x4000  }
0x50: {  	[sflag:s22] =	ssyncset.done $0x0  }
0x51: {  	[sflag:s22] =	ssyncadd.s32 $0xFFFFC000  }
0x52: {  	[tilespmem:s3], [sflag:$0x6] =	stream.linear.gather [hbm4b:s9+s3], $0x1400, $0x38;
	[tilespmem:$0x1FC00] =	vst v63  }
0x53: {  	_ =	swait.ge [sflag:s14], $0x1400  }
0x54: {  	[sflag:s14] =	ssyncset.done $0x0  }
0x55: {  	[sflag:s14] =	ssyncadd.s32 $0xFFFFEC00  }
0x56: {  	[tilespmem:s17], [sflag:$0x2] =	stream.indirect.gather [hbm4b:s4+s16], $0x80, s3, s16, $0xb8;
	[tilespmem:$0x1FC00] =	vst v63  }
0x57: {  	_ = 	snop  }
0x58: {  	[tilespmem:s18], [sflag:$0x3] =	stream.indirect.gather [hbm4b:s4+s16], $0x80, s16, s16, $0xb8;
	[tilespmem:$0x1FC00] =	vst v63  }
0x59: {  	_ =	swait.ge [sflag:s19], $0x4000  }
0x5a: {  	[sflag:s19] =	ssyncset.done $0x0  }
0x5b: {  	[sflag:s19] =	ssyncadd.s32 $0xFFFFC000  }
0x5c: {  	[spmem:s2] =	stream.indirect.scatter.add.f32 [tilespmem:s17], [sflag:$0x4], $0x80, s24, s16, $0xb8;
	[tilespmem:$0x1FC00] =	vst v63  }
0x5d: {  	_ =	swait.ge [sflag:s20], $0x4000  }
0x5e: {  	[sflag:s20] =	ssyncset.done $0x0  }
0x5f: {  	s28 =	simm.s32 $0x100;
	[sflag:s20] =	ssyncadd.s32 $0xFFFFC000  }
0x60: {  	[tilespmem:s17], [sflag:$0x2] =	stream.indirect.gather [hbm4b:s4+s16], $0x80, s28, s16, $0xb8;
	[tilespmem:$0x1FC00] =	vst v63  }
0x61: {  	_ =	swait.ge [sflag:s21], $0x4000  }
0x62: {  	[sflag:s21] =	ssyncset.done $0x0  }
0x63: {  	s28 =	simm.s32 $0x2880;
	[sflag:s21] =	ssyncadd.s32 $0xFFFFC000  }
0x64: {  	[spmem:s2] =	stream.indirect.scatter.add.f32 [tilespmem:s18], [sflag:$0x5], $0x80, s28, s16, $0xb8;
	[tilespmem:$0x1FC00] =	vst v63  }
0x65: {  	_ =	swait.ge [sflag:s22], $0x4000  }
0x66: {  	[sflag:s22] =	ssyncset.done $0x0  }
0x67: {  	s28 =	simm.s32 $0x180;
	[sflag:s22] =	ssyncadd.s32 $0xFFFFC000  }
0x68: {  	[tilespmem:s18], [sflag:$0x3] =	stream.indirect.gather [hbm4b:s4+s16], $0x80, s28, s16, $0xb8;
	[tilespmem:$0x1FC00] =	vst v63  }
0x69: {  	_ =	swait.ge [sflag:s19], $0x4000  }
0x6a: {  	[sflag:s19] =	ssyncset.done $0x0  }
0x6b: {  	s29 =	simm.s32 $0x2900;
	s28 =	simm.s32 $0xFFFFB800;
	[sflag:s19] =	ssyncadd.s32 $0xFFFFC000  }
.LBB2_4:
0x6c: {  	[spmem:s2] =	stream.indirect.scatter.add.f32 [tilespmem:s17], [sflag:$0x4], $0x80, s29, s16, $0xb8;
	[tilespmem:$0x1FC00] =	vst v63  }
0x6d: {  	s29 =	smov.u32 s28  }
0x6e: {  	p0 =	sne.s32 s28, $0xFFFFFC00;
	s28 =	sadd.s32 $0x400, s28;
	_ =	swait.ge [sflag:s20], $0x4000  }
0x6f: {  	s29 =	sshra.s32 s29, $0x2;
	[sflag:s20] =	ssyncset.done $0x0  }
0x70: {  	s30 =	sadd.s32 $0x1400, s29;
	[sflag:s20] =	ssyncadd.s32 $0xFFFFC000  }
0x71: {  	[tilespmem:s17], [sflag:$0x2] =	stream.indirect.gather [hbm4b:s4+s16], $0x80, s30, s16, $0xb8;
	[tilespmem:$0x1FC00] =	vst v63  }
0x72: {  	_ =	swait.ge [sflag:s21], $0x4000  }
0x73: {  	[sflag:s21] =	ssyncset.done $0x0  }
0x74: {  	s30 =	sadd.s32 $0x3B80, s29;
	[sflag:s21] =	ssyncadd.s32 $0xFFFFC000  }
0x75: {  	[spmem:s2] =	stream.indirect.scatter.add.f32 [tilespmem:s18], [sflag:$0x5], $0x80, s30, s16, $0xb8;
	[tilespmem:$0x1FC00] =	vst v63  }
0x76: {  	_ =	swait.ge [sflag:s22], $0x4000  }
0x77: {  	[sflag:s22] =	ssyncset.done $0x0  }
.Ltmp1:
0x78: {  	s30 =	sadd.s32 $0x1480, s29;
	[sflag:s22] =	ssyncadd.s32 $0xFFFFC000;
	(pc) =	sbr.rel @p0 .LBB2_4-.Ltmp1, $4  }
0x79: {  	[tilespmem:s18], [sflag:$0x3] =	stream.indirect.gather [hbm4b:s4+s16], $0x80, s30, s16, $0xb8;
	[tilespmem:$0x1FC00] =	vst v63  }
0x7a: {  	_ =	swait.ge [sflag:s19], $0x4000  }
0x7b: {  	[sflag:s19] =	ssyncset.done $0x0  }
0x7c: {  	s29 =	sadd.s32 $0x3C00, s29;
	[sflag:s19] =	ssyncadd.s32 $0xFFFFC000  }
0x7d: {  	[spmem:s2] =	stream.indirect.scatter.add.f32 [tilespmem:s17], [sflag:$0x4], $0x80, s29, s16, $0xb8;
	[tilespmem:$0x1FC00] =	vst v63  }
0x7e: {  	_ =	swait.ge [sflag:s21], $0x4000  }
0x7f: {  	[sflag:s21] =	ssyncset.done $0x0  }
0x80: {  	[sflag:s21] =	ssyncadd.s32 $0xFFFFC000  }
0x81: {  	[spmem:s2] =	stream.indirect.scatter.add.f32 [tilespmem:s18], [sflag:$0x5], $0x80, s25, s16, $0xb8;
	[tilespmem:$0x1FC00] =	vst v63  }
0x82: {  	_ =	swait.ge [sflag:s20], $0x4000  }
0x83: {  	[sflag:s20] =	ssyncset.done $0x0  }
0x84: {  	[sflag:s20] =	ssyncadd.s32 $0xFFFFC000  }
0x85: {  	_ =	swait.ge [sflag:s22], $0x4000  }
0x86: {  	s26 =	sadd.s32 $0x1, s26;
	[sflag:s22] =	ssyncset.done $0x0  }
0x87: {  	p0 =	sne.s32 s26, s11;
	[sflag:s22] =	ssyncadd.s32 $0xFFFFC000  }
.Ltmp2:
0x88: {  	[bflag:$0x0] =	sbarrier.arrive $0xFFFF;
	(pc) =	sbr.rel @p0 .LBB2_1-.Ltmp2, $4  }
0x89: {  	[hbm:s10], [sflag:s8] =	dma.local [spmem:s13], $0x2800  }
0x8a: {  	_ =	swait.ge [sflag:s14], $0x2800  }
0x8b: {  	[sflag:s14] =	ssyncset.done $0x0  }
0x8c: {  	[sflag:s14] =	ssyncadd.s32 $0xFFFFD800  }
0x8d: {  	_ =	sfence.sel $0x180000  }
0x8e: {  	[bflag:$0x0] =	sbarrier.arrive $0xFFFF  }
0x8f: {  	p0 =	sne.s32 s0, $0x0;
	_ =	strace $0x9000004D  }
0x90: {  	s0 =	sadd.s32 @!p0 $0x100000, s1;
	[bflag:$0x2] =	sbarrier.arrive $0xFFFF  }
0x91: {  	[sflag:s0] =	ssyncadd.tile.s32 @!p0 $0x1;
	_ =	shalt  }
.Lfunc_end2:
_tile_overlayer_lowered:
.L_overlay_start_2:
0x92: {  	(tag) =	ssettag $0x2  }
0x93: {  	s0 =	rddreg [dreg:$0x0];
	s2 =	stileid.u32  }
0x94: {  	s1 =	rddreg [dreg:$0x1];
	p0 =	sne.s32 s2, $0x0  }
0x95: {  	s3 =	rddreg [dreg:$0x2];
	[bflag:$0x3] =	sbarrier.arrive $0xFFFF;
	s2 =	simm.s32 @!p0 $0x1C06  }
0x96: {  	[timem:s3], [sflag:s2] =	dma.local @!p0 [hbm:s0], s1  }
0x97: {  	s0 =	simm.s32 @!p0 $0x6  }
0x98: {  	_ =	swait.ge @!p0 [sflag:s0], s1  }
0x99: {  	s1 =	ssub.s32 @!p0 $0x0, s1;
	[sflag:s0] =	ssyncset.done @!p0 $0x0  }
0x9a: {  	[sflag:s0] =	ssyncadd.s32 @!p0 s1  }
0x9b: {  	[bflag:$0x3] =	sbarrier.arrive $0xFFFF  }
0x9c: {  	_ =	shalt  }

// kernel: kernel.19.cloned.1.call-start
scs
__scs_entry_jumppad:
0x0: {  	(pc) =	sbr.rel $0x88, $3  }
0x1: {  	(tag) =	ssettag $0x0;
	lr =	simm.s32 $0x1  }
0x2: {  	[smem:$0x3F86] =	sst lr;
	_ =	strace $0xD0000000  }
0x3: {  	_ = 	snop  }
0x4: {  	_ = 	snop  }
0x5: {  	_ = 	snop  }
0x6: {  	_ = 	snop  }
0x7: {  	_ = 	snop  }
__scs_overlays_trampoline_lowered:
0x8: {  	[smem:$0x3F95] =	sst s0  }
0x9: {  	[smem:$0x3F96] =	sst s1  }
0xa: {  	[smem:$0x3F97] =	sst s2  }
0xb: {  	[smem:$0x3F98] =	sst s3  }
0xc: {  	[smem:$0x3F99] =	sst s4  }
0xd: {  	[smem:$0x3F9A] =	sst s5  }
0xe: {  	[smem:$0x3F9B] =	sst s6  }
0xf: {  	[smem:$0x3F9C] =	sst s7  }
0x10: {  	[smem:$0x3F9D] =	sst s8  }
0x11: {  	[smem:$0x3F9E] =	sst s9;
	s0 =	simm.s32 @!p0 $0x0  }
0x12: {  	s1 =	sld [smem:$0x3F84];
	s0 =	simm.s32 @p0 $0x1  }
0x13: {  	[smem:$0x3F9F] =	sst s0;
	s0 =	simm.s32 @!p1 $0x0  }
0x14: {  	s2 =	sld [smem:$0x3F83];
	s0 =	simm.s32 @p1 $0x1  }
0x15: {  	[smem:$0x3FA0] =	sst s0;
	s0 =	simm.s32 @!p2 $0x0  }
0x16: {  	s3 =	sld [smem:$0x3FDB];
	s0 =	simm.s32 @p2 $0x1  }
0x17: {  	s4 =	simm.s32 $0x1BF5;
	[smem:$0x3FA2] =	sst s0  }
0x18: {  	s0 =	sld [smem:$0x3F85];
	_ =	swait.ge [sflag:s4], $0x0  }
0x19: {  	s7 =	sld [smem:$0x3F86]  }
0x1a: {  	s8 =	sadd.s32 $0xFFFFE003, lr  }
0x1b: {  	s9 =	sadd.s32 $0xFFFFFEF7, lr;
	s5 =	simm.s32 $0xFFFFFFFF;
	p2 =	slt.u32 s8, $0xFFFFF086  }
0x1c: {  	p1 =	slt.u32 s9, $0xF7A;
	s5 =	simm.s32 @!p2 $0x0  }
0x1d: {  	s5 =	simm.s32 @p1 $0x1;
	p0 =	seq.s32 s7, s2  }
0x1e: {  	s7 =	smul.u32 @!p0 $0xF7A, s2;
	p2 =	seq.s32 @!p0 s5, $0x0  }
0x1f: {  	s9 =	smul.u32 $0xF7A, s1;
	s8 =	simm.s32 @!p0 $0x1BF5;
	p2 =	por !p2, p0  }
0x20: {  	[sflag:s8] =	ssyncset.s32 @!p0 $0xFFFFF086;
	s6 =	sadd.s32 @!p0 s3, s7;
	s7 =	simm.s32 @!p0 $0x108  }
0x21: {  	s3 =	sadd.s32 s3, s9;
	s6 =	sadd.s32 @!p0 $0x88, s6;
	s7 =	simm.s32 @p2 $0x1082  }
0x22: {  	[simem:s7], [sflag:s8] =	dma.local @!p0 [hbm:s6], $0xF7A  }
0x23: {  	s9 =	sor.u32 $0xD0000000, s2;
	s6 =	simm.s32 $0x108;
	_ =	swait.ge @!p0 [sflag:s8], $0x0  }
0x24: {  	s3 =	sadd.s32 $0x88, s3;
	s6 =	simm.s32 @!p1 $0x1082;
	[sflag:s4] =	ssyncset.s32 $0xFFFFF086  }
0x25: {  	[simem:s6], [sflag:s4] =	dma.local [hbm:s3], $0xF7A  }
0x26: {  	[smem:$0x3F86] =	sst s1;
	(tag) =	ssettag s2;
	_ =	strace s9  }
0x27: {  	s1 =	sld [smem:$0x3F96]  }
0x28: {  	s2 =	sld [smem:$0x3F97]  }
0x29: {  	s4 =	sld [smem:$0x3F99]  }
0x2a: {  	p0 =	seq.s32 s5, $0x0;
	s5 =	sld [smem:$0x3F9A]  }
0x2b: {  	s6 =	sld [smem:$0x3F9B]  }
0x2c: {  	s7 =	sld [smem:$0x3F9C]  }
0x2d: {  	s3 =	simm.s32 $0x108;
	s8 =	sld [smem:$0x3F9D]  }
0x2e: {  	s3 =	simm.s32 @!p0 $0x1082;
	s9 =	sld [smem:$0x3F9E]  }
0x2f: {  	lr =	sadd.s32 s0, s3;
	s0 =	sld [smem:$0x3F95]  }
0x30: {  	s3 =	sld [smem:$0x3F98]  }
0x31: {  	[smem:$0x3FA1] =	sst s10  }
0x32: {  	s10 =	sld [smem:$0x3F9F];
	_ =	sdelay $0x3  }
0x33: {  	p0 =	seq.s32 s10, $0x1;
	s10 =	sld [smem:$0x3FA1];
	_ =	sdelay $0x3  }
0x34: {  	[smem:$0x3FA1] =	sst s10  }
0x35: {  	s10 =	sld [smem:$0x3FA0];
	_ =	sdelay $0x3  }
0x36: {  	p1 =	seq.s32 s10, $0x1;
	s10 =	sld [smem:$0x3FA1];
	_ =	sdelay $0x3  }
0x37: {  	[smem:$0x3FA1] =	sst s10  }
0x38: {  	s10 =	sld [smem:$0x3FA2]  }
0x39: {  	_ = 	snop;
	(pc) =	sbr.ind lr, $3  }
0x3a: {  	_ = 	snop  }
0x3b: {  	_ = 	snop  }
0x3c: {  	p2 =	seq.s32 s10, $0x1;
	s10 =	sld [smem:$0x3FA1]  }
0x3d: {  	_ =	shalt  }
0x3e: {  	_ =	shalt  }
0x3f: {  	_ =	shalt  }
0x40: {  	_ =	shalt  }
0x41: {  	_ =	shalt  }
0x42: {  	_ =	shalt  }
0x43: {  	_ =	shalt  }
0x44: {  	_ =	shalt  }
0x45: {  	_ =	shalt  }
0x46: {  	_ =	shalt  }
0x47: {  	_ =	shalt  }
0x48: {  	_ =	shalt  }
0x49: {  	_ =	shalt  }
0x4a: {  	_ =	shalt  }
0x4b: {  	_ =	shalt  }
0x4c: {  	_ =	shalt  }
0x4d: {  	_ =	shalt  }
0x4e: {  	_ =	shalt  }
0x4f: {  	_ =	shalt  }
0x50: {  	_ =	shalt  }
0x51: {  	_ =	shalt  }
0x52: {  	_ =	shalt  }
0x53: {  	_ =	shalt  }
0x54: {  	_ =	shalt  }
0x55: {  	_ =	shalt  }
0x56: {  	_ =	shalt  }
0x57: {  	_ =	shalt  }
0x58: {  	_ =	shalt  }
0x59: {  	_ =	shalt  }
0x5a: {  	_ =	shalt  }
0x5b: {  	_ =	shalt  }
0x5c: {  	_ =	shalt  }
0x5d: {  	_ =	shalt  }
0x5e: {  	_ =	shalt  }
0x5f: {  	_ =	shalt  }
0x60: {  	_ =	shalt  }
0x61: {  	_ =	shalt  }
0x62: {  	_ =	shalt  }
0x63: {  	_ =	shalt  }
0x64: {  	_ =	shalt  }
0x65: {  	_ =	shalt  }
0x66: {  	_ =	shalt  }
0x67: {  	_ =	shalt  }
0x68: {  	_ =	shalt  }
0x69: {  	_ =	shalt  }
0x6a: {  	_ =	shalt  }
0x6b: {  	_ =	shalt  }
0x6c: {  	_ =	shalt  }
0x6d: {  	_ =	shalt  }
0x6e: {  	_ =	shalt  }
0x6f: {  	_ =	shalt  }
0x70: {  	_ =	shalt  }
0x71: {  	_ =	shalt  }
0x72: {  	_ =	shalt  }
0x73: {  	_ =	shalt  }
0x74: {  	_ =	shalt  }
0x75: {  	_ =	shalt  }
0x76: {  	_ =	shalt  }
0x77: {  	_ =	shalt  }
0x78: {  	_ =	shalt  }
0x79: {  	_ =	shalt  }
0x7a: {  	_ =	shalt  }
0x7b: {  	_ =	shalt  }
0x7c: {  	_ =	shalt  }
0x7d: {  	_ =	shalt  }
0x7e: {  	_ =	shalt  }
0x7f: {  	_ =	shalt  }
0x80: {  	_ =	shalt  }
0x81: {  	_ =	shalt  }
0x82: {  	_ =	shalt  }
0x83: {  	_ =	shalt  }
0x84: {  	_ =	shalt  }
0x85: {  	_ =	shalt  }
0x86: {  	_ =	shalt  }
0x87: {  	_ =	shalt  }
.Lfunc_end0:
.L_simem_size_0:
called_computation.3_lowered:
.L_overlay_start_0:
0x88: {  	s2 =	sld [smem:$0x3FD9]  }
0x89: {  	s3 =	sld [smem:$0x3FFE];
	_ =	sdelay $0x1  }
0x8a: {  	s1 =	srdreg.scid  }
0x8b: {  	s0 =	sand.u32 $0x1, s1  }
0x8c: {  	s16 =	sshll.u32 s0, $0xA;
	s2 =	sadd.s32 s3, s2  }
0x8d: {  	s2 =	sadd.s32 s2, s16  }
0x8e: {  	[smem:$0x3FAD] =	sst s2  }
0x8f: {  	_ = 	snop  }
0x90: {  	(tm) =	ssettm $0x1  }
0x91: {  	s17 =	sld [smem:$0x3FFB];
	_ =	sdelay $0x3  }
0x92: {  	_ =	strace s17  }
0x93: {  	s2 =	sld [smem:$0x3FFC];
	_ =	sdelay $0x3  }
0x94: {  	_ =	strace s2  }
0x95: {  	s2 =	sld [smem:$0x3FFD];
	_ =	sdelay $0x3  }
0x96: {  	_ =	strace s2  }
0x97: {  	_ =	strace $0x8FFFFFFF  }
0x98: {  	s18 =	sld [smem:$0x3FDB];
	_ =	sdelay $0x1  }
0x99: {  	s19 =	simm.s32 $_scs_section_size  }
0x9a: {  	s4 =	simm.s32 $_size__tile_overlayer_lowered;
	s5 =	simm.s32 $_tile_overlayer_lowered  }
0x9b: {  	s22 =	simm.s32 $0x1BFF;
	s21 =	sshll.u32 s5, $0x1;
	s2 =	sadd.s32 s19, s18  }
0x9c: {  	s6 =	simm.s32 $0x0;
	s20 =	sshll.u32 s4, $0x1;
	s4 =	sadd.s32 s21, s2  }
0x9d: {  	[timem:s6], [sflag:s22] =	dma.local [hbm:s4], s20  }
0x9e: {  	_ =	swait.ge [sflag:s22], s20  }
0x9f: {  	s3 =	ssub.s32 $0x0, s20;
	[sflag:s22] =	ssyncset.done $0x0  }
0xa0: {  	[sflag:s22] =	ssyncadd.s32 s3;
	_ =	sdelay $0x1  }
0xa1: {  	s23 =	simm.s32 $0x1B8B  }
0xa2: {  	_ =	swait.ge [sflag:s23], $0x1  }
0xa3: {  	[sflag:s23] =	ssyncset.done $0x0  }
0xa4: {  	s25 =	simm.s32 $0x1B8E;
	s24 =	sld [smem:$0x3FFE];
	[sflag:s23] =	ssyncadd.s32 $0xFFFFFFFF  }
0xa5: {  	s26 =	simm.s32 $execute0_lowered;
	[smem:$0x3FD2] =	sst s25  }
0xa6: {  	s4 =	sshll.u32 s26, $0x1;
	_ =	strace $0x8000004F;
	[dreg:$0x1] =	wrdreg $0xFFFFFFFF  }
0xa7: {  	s28 =	simm.s32 $_size_execute0_lowered;
	s2 =	sadd.s32 s2, s4;
	[dreg:$0x0] =	wrdreg $0x0  }
0xa8: {  	s4 =	sshll.u32 s28, $0x1;
	[dreg:$0x2] =	wrdreg s2  }
0xa9: {  	[dreg:$0x3] =	wrdreg s4  }
0xaa: {  	[dreg:$0x4] =	wrdreg $0xC0  }
0xab: {  	_ =	task [dreg:s6], $0x5FFFF  }
0xac: {  	[dreg:$0x1] =	wrdreg $0xFFFFFFFF  }
0xad: {  	[dreg:$0x0] =	wrdreg $0x60  }
0xae: {  	[dreg:$0x2] =	wrdreg s24  }
0xaf: {  	[dreg:$0x3] =	wrdreg $0xBC000  }
0xb0: {  	[dreg:$0x4] =	wrdreg $0x9  }
0xb1: {  	_ =	task.clear_ibuf [dreg:s6], $0x5FFFF;
	_ =	strace $0x9000004F  }
0xb2: {  	s29 =	simm.s32 $0x9;
	_ =	strace $0x80000051  }
0xb3: {  	_ =	swait.ge [sflag:s29], $0x1  }
0xb4: {  	[sflag:s29] =	ssyncadd.s32 $0xFFFFFFFF  }
0xb5: {  	_ =	strace $0x90000051  }
0xb6: {  	_ =	sfence  }
0xb7: {  	s30 =	sld [smem:$0x0];
	_ =	sdelay $0x2  }
0xb8: {  	s31 =	sshll.u32 s1, $0xD;
	s1 =	sshrl.u32 s1, $0x2  }
0xb9: {  	s3 =	sand.u32 $0x4000, s31;
	s1 =	sadd.s32 s1, s30  }
0xba: {  	s0 =	sor.u32 s3, s0;
	s1 =	sshll.u32 s1, $0x11  }
0xbb: {  	s0 =	sor.u32 s1, s0  }
0xbc: {  	s0 =	sadd.s32 $0x8F2B, s0  }
0xbd: {  	[sflag:s0] =	ssyncadd.remote.s32 $0x1  }
0xbe: {  	_ =	sfence.sel $0xFFFF  }
0xbf: {  	[dreg:$0x0] =	wrdreg $0xFFFFFFFF;
	(pc) =	sbr.abs _section_cstart, $3  }
0xc0: {  	[dreg:$0x1] =	wrdreg $0xFFFFFFFF  }
0xc1: {  	_ =	task.clear_ibuf [dreg:s6], $0x2FFFF;
	_ =	strace $0x9FFFFFFF  }
0xc2: {  	(tm) =	ssettm $0x7FFFFFFF  }
0xc3: {  	_ =	shalt  }
tec
execute0_lowered:
.L_overlay_start_1:
0x0: {  	(tag) =	ssettag $0x1  }
0x1: {  	s1 =	srdreg.scid;
	s6 =	rddreg [dreg:$0x0]  }
0x2: {  	s0 =	stileid.u32;
	s2 =	rddreg [dreg:$0x1]  }
0x3: {  	s3 =	simm.s32 $0x0;
	s15 =	simm.s32 $0x1;
	s16 =	simm.s32 $0x80  }
0x4: {  	s17 =	simm.s32 $0x3C00;
	s18 =	simm.s32 $0x7C00;
	s19 =	simm.s32 $0x2  }
0x5: {  	s20 =	simm.s32 $0x4;
	s21 =	simm.s32 $0x3;
	s22 =	simm.s32 $0x5  }
0x6: {  	s23 =	simm.s32 $0x2780;
	s24 =	simm.s32 $0x2800;
	s5 =	sand.u32 $0x1, s1  }
0x7: {  	s25 =	sshll.u32 s0, $0x1;
	[smem:$0x7FF] =	sst s3;
	s9 =	smul.u32 $0x14000, s0  }
0x8: {  	s4 =	sadd.s32 $0x19800, s6;
	s11 =	smul.u32 $0x50000, s0;
	s31 =	sshll.u32 s0, $0x6  }
0x9: {  	s1 =	sor.u32 s5, s25;
	s8 =	smul.u32 $0x140000, s5;
	s28 =	ssub.s32 $0x2, s5  }
0xa: {  	s5 =	sadd.s32 $0x41800, s6;
	s25 =	simm.s32 $0x3B80;
	s7 =	smul.u32 $0x2800, s1  }
0xb: {  	s1 =	rddreg [dreg:$0x2];
	_ =	strace $0x80000050;
	s29 =	sshrl.u32 s28, $0x1  }
0xc: {  	s30 =	sshrl.u32 s11, $0x2;
	s26 =	sadd.s32 s9, s8;
	s13 =	ssub.s32 s28, s29  }
0xd: {  	s14 =	sadd.s32 s30, s2;
	s8 =	sor.u32 $0x1C06, s31;
	s7 =	sshrl.u32 s7, $0x3  }
0xe: {  	s11 =	smax.u32 s13, $0x1;
	s13 =	sshrl.u32 s14, $0x3;
	s14 =	simm.s32 $0x6  }
0xf: {  	s10 =	sadd.s32 s7, s6;
	s7 =	sshrl.u32 s26, $0x3;
	s26 =	simm.s32 $0x0  }
0x10: {  	s12 =	sadd.s32 s7, s6;
	s6 =	sadd.s32 $0x5800, s10;
	s7 =	sadd.s32 $0xF800, s10  }
0x11: {  	s9 =	sadd.s32 $0x5A80, s10;
	s10 =	sadd.s32 $0x44000, s12;
	s12 =	simm.s32 $0x1400  }
.LBB2_1:
0x12: {  	[tilespmem:s3], [sflag:$0x1] =	stream.linear.gather [hbm4b:s6+s3], $0x1400, $0x38;
	[tilespmem:$0x1FC00] =	vst v63  }
0x13: {  	_ = 	snop  }
0x14: {  	[tilespmem:s12], [sflag:$0x1] =	stream.linear.gather [hbm4b:s7+s3], $0x2800, $0x38;
	[tilespmem:$0x1FC00] =	vst v63  }
0x15: {  	[spmem:s13], [sflag:s8] =	dma.local [hbm:s5], $0x2800  }
0x16: {  	_ =	swait.ge [sflag:s14], $0x2800  }
0x17: {  	[sflag:s14] =	ssyncset.done $0x0  }
0x18: {  	[sflag:s14] =	ssyncadd.s32 $0xFFFFD800  }
0x19: {  	_ =	swait.ge [sflag:s15], $0x1400  }
0x1a: {  	[sflag:s15] =	ssyncset.done $0x0  }
0x1b: {  	[sflag:s15] =	ssyncadd.s32 $0xFFFFEC00  }
0x1c: {  	_ =	swait.ge [sflag:s15], $0x2800  }
0x1d: {  	[sflag:s15] =	ssyncset.done $0x0  }
0x1e: {  	[sflag:s15] =	ssyncadd.s32 $0xFFFFD800  }
0x1f: {  	[bflag:$0x0] =	sbarrier.arrive $0xFFFF  }
0x20: {  	[tilespmem:s17], [sflag:$0x2] =	stream.indirect.gather [hbm4b:s4+s16], $0x80, s3, s16, $0xb8;
	[tilespmem:$0x1FC00] =	vst v63  }
0x21: {  	_ = 	snop  }
0x22: {  	[tilespmem:s18], [sflag:$0x3] =	stream.indirect.gather [hbm4b:s4+s16], $0x80, s16, s16, $0xb8;
	[tilespmem:$0x1FC00] =	vst v63  }
0x23: {  	_ =	swait.ge [sflag:s19], $0x4000  }
0x24: {  	[sflag:s19] =	ssyncset.done $0x0  }
0x25: {  	[sflag:s19] =	ssyncadd.s32 $0xFFFFC000  }
0x26: {  	[spmem:s2] =	stream.indirect.scatter.add.f32 [tilespmem:s17], [sflag:$0x4], $0x80, s12, s16, $0xb8;
	[tilespmem:$0x1FC00] =	vst v63  }
0x27: {  	_ =	swait.ge [sflag:s20], $0x4000  }
0x28: {  	[sflag:s20] =	ssyncset.done $0x0  }
0x29: {  	s28 =	simm.s32 $0x100;
	[sflag:s20] =	ssyncadd.s32 $0xFFFFC000  }
0x2a: {  	[tilespmem:s17], [sflag:$0x2] =	stream.indirect.gather [hbm4b:s4+s16], $0x80, s28, s16, $0xb8;
	[tilespmem:$0x1FC00] =	vst v63  }
0x2b: {  	_ =	swait.ge [sflag:s21], $0x4000  }
0x2c: {  	[sflag:s21] =	ssyncset.done $0x0  }
0x2d: {  	s28 =	simm.s32 $0x1480;
	[sflag:s21] =	ssyncadd.s32 $0xFFFFC000  }
0x2e: {  	[spmem:s2] =	stream.indirect.scatter.add.f32 [tilespmem:s18], [sflag:$0x5], $0x80, s28, s16, $0xb8;
	[tilespmem:$0x1FC00] =	vst v63  }
0x2f: {  	_ =	swait.ge [sflag:s22], $0x4000  }
0x30: {  	[sflag:s22] =	ssyncset.done $0x0  }
0x31: {  	s28 =	simm.s32 $0x180;
	[sflag:s22] =	ssyncadd.s32 $0xFFFFC000  }
0x32: {  	[tilespmem:s18], [sflag:$0x3] =	stream.indirect.gather [hbm4b:s4+s16], $0x80, s28, s16, $0xb8;
	[tilespmem:$0x1FC00] =	vst v63  }
0x33: {  	_ =	swait.ge [sflag:s19], $0x4000  }
0x34: {  	[sflag:s19] =	ssyncset.done $0x0  }
0x35: {  	s29 =	simm.s32 $0x1500;
	s28 =	simm.s32 $0xFFFFB800;
	[sflag:s19] =	ssyncadd.s32 $0xFFFFC000  }
.LBB2_2:
0x36: {  	[spmem:s2] =	stream.indirect.scatter.add.f32 [tilespmem:s17], [sflag:$0x4], $0x80, s29, s16, $0xb8;
	[tilespmem:$0x1FC00] =	vst v63  }
0x37: {  	s29 =	smov.u32 s28  }
0x38: {  	p0 =	sne.s32 s28, $0xFFFFFC00;
	s28 =	sadd.s32 $0x400, s28;
	_ =	swait.ge [sflag:s20], $0x4000  }
0x39: {  	s29 =	sshra.s32 s29, $0x2;
	[sflag:s20] =	ssyncset.done $0x0  }
0x3a: {  	s30 =	sadd.s32 $0x1400, s29;
	[sflag:s20] =	ssyncadd.s32 $0xFFFFC000  }
0x3b: {  	[tilespmem:s17], [sflag:$0x2] =	stream.indirect.gather [hbm4b:s4+s16], $0x80, s30, s16, $0xb8;
	[tilespmem:$0x1FC00] =	vst v63  }
0x3c: {  	_ =	swait.ge [sflag:s21], $0x4000  }
0x3d: {  	[sflag:s21] =	ssyncset.done $0x0  }
0x3e: {  	s30 =	sadd.s32 $0x2780, s29;
	[sflag:s21] =	ssyncadd.s32 $0xFFFFC000  }
0x3f: {  	[spmem:s2] =	stream.indirect.scatter.add.f32 [tilespmem:s18], [sflag:$0x5], $0x80, s30, s16, $0xb8;
	[tilespmem:$0x1FC00] =	vst v63  }
0x40: {  	_ =	swait.ge [sflag:s22], $0x4000  }
0x41: {  	[sflag:s22] =	ssyncset.done $0x0  }
.Ltmp0:
0x42: {  	s30 =	sadd.s32 $0x1480, s29;
	[sflag:s22] =	ssyncadd.s32 $0xFFFFC000;
	(pc) =	sbr.rel @p0 .LBB2_2-.Ltmp0, $4  }
0x43: {  	[tilespmem:s18], [sflag:$0x3] =	stream.indirect.gather [hbm4b:s4+s16], $0x80, s30, s16, $0xb8;
	[tilespmem:$0x1FC00] =	vst v63  }
0x44: {  	_ =	swait.ge [sflag:s19], $0x4000  }
0x45: {  	[sflag:s19] =	ssyncset.done $0x0  }
0x46: {  	s29 =	sadd.s32 $0x2800, s29;
	[sflag:s19] =	ssyncadd.s32 $0xFFFFC000  }
0x47: {  	[spmem:s2] =	stream.indirect.scatter.add.f32 [tilespmem:s17], [sflag:$0x4], $0x80, s29, s16, $0xb8;
	[tilespmem:$0x1FC00] =	vst v63  }
0x48: {  	_ =	swait.ge [sflag:s21], $0x4000  }
0x49: {  	[sflag:s21] =	ssyncset.done $0x0  }
0x4a: {  	[sflag:s21] =	ssyncadd.s32 $0xFFFFC000  }
0x4b: {  	[spmem:s2] =	stream.indirect.scatter.add.f32 [tilespmem:s18], [sflag:$0x5], $0x80, s23, s16, $0xb8;
	[tilespmem:$0x1FC00] =	vst v63  }
0x4c: {  	_ =	swait.ge [sflag:s20], $0x4000  }
0x4d: {  	[sflag:s20] =	ssyncset.done $0x0  }
0x4e: {  	[sflag:s20] =	ssyncadd.s32 $0xFFFFC000  }
0x4f: {  	_ =	swait.ge [sflag:s22], $0x4000  }
0x50: {  	[sflag:s22] =	ssyncset.done $0x0  }
0x51: {  	[sflag:s22] =	ssyncadd.s32 $0xFFFFC000  }
0x52: {  	[tilespmem:s3], [sflag:$0x6] =	stream.linear.gather [hbm4b:s9+s3], $0x1400, $0x38;
	[tilespmem:$0x1FC00] =	vst v63  }
0x53: {  	_ =	swait.ge [sflag:s14], $0x1400  }
0x54: {  	[sflag:s14] =	ssyncset.done $0x0  }
0x55: {  	[sflag:s14] =	ssyncadd.s32 $0xFFFFEC00  }
0x56: {  	[tilespmem:s17], [sflag:$0x2] =	stream.indirect.gather [hbm4b:s4+s16], $0x80, s3, s16, $0xb8;
	[tilespmem:$0x1FC00] =	vst v63  }
0x57: {  	_ = 	snop  }
0x58: {  	[tilespmem:s18], [sflag:$0x3] =	stream.indirect.gather [hbm4b:s4+s16], $0x80, s16, s16, $0xb8;
	[tilespmem:$0x1FC00] =	vst v63  }
0x59: {  	_ =	swait.ge [sflag:s19], $0x4000  }
0x5a: {  	[sflag:s19] =	ssyncset.done $0x0  }
0x5b: {  	[sflag:s19] =	ssyncadd.s32 $0xFFFFC000  }
0x5c: {  	[spmem:s2] =	stream.indirect.scatter.add.f32 [tilespmem:s17], [sflag:$0x4], $0x80, s24, s16, $0xb8;
	[tilespmem:$0x1FC00] =	vst v63  }
0x5d: {  	_ =	swait.ge [sflag:s20], $0x4000  }
0x5e: {  	[sflag:s20] =	ssyncset.done $0x0  }
0x5f: {  	s28 =	simm.s32 $0x100;
	[sflag:s20] =	ssyncadd.s32 $0xFFFFC000  }
0x60: {  	[tilespmem:s17], [sflag:$0x2] =	stream.indirect.gather [hbm4b:s4+s16], $0x80, s28, s16, $0xb8;
	[tilespmem:$0x1FC00] =	vst v63  }
0x61: {  	_ =	swait.ge [sflag:s21], $0x4000  }
0x62: {  	[sflag:s21] =	ssyncset.done $0x0  }
0x63: {  	s28 =	simm.s32 $0x2880;
	[sflag:s21] =	ssyncadd.s32 $0xFFFFC000  }
0x64: {  	[spmem:s2] =	stream.indirect.scatter.add.f32 [tilespmem:s18], [sflag:$0x5], $0x80, s28, s16, $0xb8;
	[tilespmem:$0x1FC00] =	vst v63  }
0x65: {  	_ =	swait.ge [sflag:s22], $0x4000  }
0x66: {  	[sflag:s22] =	ssyncset.done $0x0  }
0x67: {  	s28 =	simm.s32 $0x180;
	[sflag:s22] =	ssyncadd.s32 $0xFFFFC000  }
0x68: {  	[tilespmem:s18], [sflag:$0x3] =	stream.indirect.gather [hbm4b:s4+s16], $0x80, s28, s16, $0xb8;
	[tilespmem:$0x1FC00] =	vst v63  }
0x69: {  	_ =	swait.ge [sflag:s19], $0x4000  }
0x6a: {  	[sflag:s19] =	ssyncset.done $0x0  }
0x6b: {  	s29 =	simm.s32 $0x2900;
	s28 =	simm.s32 $0xFFFFB800;
	[sflag:s19] =	ssyncadd.s32 $0xFFFFC000  }
.LBB2_4:
0x6c: {  	[spmem:s2] =	stream.indirect.scatter.add.f32 [tilespmem:s17], [sflag:$0x4], $0x80, s29, s16, $0xb8;
	[tilespmem:$0x1FC00] =	vst v63  }
0x6d: {  	s29 =	smov.u32 s28  }
0x6e: {  	p0 =	sne.s32 s28, $0xFFFFFC00;
	s28 =	sadd.s32 $0x400, s28;
	_ =	swait.ge [sflag:s20], $0x4000  }
0x6f: {  	s29 =	sshra.s32 s29, $0x2;
	[sflag:s20] =	ssyncset.done $0x0  }
0x70: {  	s30 =	sadd.s32 $0x1400, s29;
	[sflag:s20] =	ssyncadd.s32 $0xFFFFC000  }
0x71: {  	[tilespmem:s17], [sflag:$0x2] =	stream.indirect.gather [hbm4b:s4+s16], $0x80, s30, s16, $0xb8;
	[tilespmem:$0x1FC00] =	vst v63  }
0x72: {  	_ =	swait.ge [sflag:s21], $0x4000  }
0x73: {  	[sflag:s21] =	ssyncset.done $0x0  }
0x74: {  	s30 =	sadd.s32 $0x3B80, s29;
	[sflag:s21] =	ssyncadd.s32 $0xFFFFC000  }
0x75: {  	[spmem:s2] =	stream.indirect.scatter.add.f32 [tilespmem:s18], [sflag:$0x5], $0x80, s30, s16, $0xb8;
	[tilespmem:$0x1FC00] =	vst v63  }
0x76: {  	_ =	swait.ge [sflag:s22], $0x4000  }
0x77: {  	[sflag:s22] =	ssyncset.done $0x0  }
.Ltmp1:
0x78: {  	s30 =	sadd.s32 $0x1480, s29;
	[sflag:s22] =	ssyncadd.s32 $0xFFFFC000;
	(pc) =	sbr.rel @p0 .LBB2_4-.Ltmp1, $4  }
0x79: {  	[tilespmem:s18], [sflag:$0x3] =	stream.indirect.gather [hbm4b:s4+s16], $0x80, s30, s16, $0xb8;
	[tilespmem:$0x1FC00] =	vst v63  }
0x7a: {  	_ =	swait.ge [sflag:s19], $0x4000  }
0x7b: {  	[sflag:s19] =	ssyncset.done $0x0  }
0x7c: {  	s29 =	sadd.s32 $0x3C00, s29;
	[sflag:s19] =	ssyncadd.s32 $0xFFFFC000  }
0x7d: {  	[spmem:s2] =	stream.indirect.scatter.add.f32 [tilespmem:s17], [sflag:$0x4], $0x80, s29, s16, $0xb8;
	[tilespmem:$0x1FC00] =	vst v63  }
0x7e: {  	_ =	swait.ge [sflag:s21], $0x4000  }
0x7f: {  	[sflag:s21] =	ssyncset.done $0x0  }
0x80: {  	[sflag:s21] =	ssyncadd.s32 $0xFFFFC000  }
0x81: {  	[spmem:s2] =	stream.indirect.scatter.add.f32 [tilespmem:s18], [sflag:$0x5], $0x80, s25, s16, $0xb8;
	[tilespmem:$0x1FC00] =	vst v63  }
0x82: {  	_ =	swait.ge [sflag:s20], $0x4000  }
0x83: {  	[sflag:s20] =	ssyncset.done $0x0  }
0x84: {  	[sflag:s20] =	ssyncadd.s32 $0xFFFFC000  }
0x85: {  	_ =	swait.ge [sflag:s22], $0x4000  }
0x86: {  	s26 =	sadd.s32 $0x1, s26;
	[sflag:s22] =	ssyncset.done $0x0  }
0x87: {  	p0 =	sne.s32 s26, s11;
	[sflag:s22] =	ssyncadd.s32 $0xFFFFC000  }
.Ltmp2:
0x88: {  	[bflag:$0x0] =	sbarrier.arrive $0xFFFF;
	(pc) =	sbr.rel @p0 .LBB2_1-.Ltmp2, $4  }
0x89: {  	[hbm:s10], [sflag:s8] =	dma.local [spmem:s13], $0x2800  }
0x8a: {  	_ =	swait.ge [sflag:s14], $0x2800  }
0x8b: {  	[sflag:s14] =	ssyncset.done $0x0  }
0x8c: {  	[sflag:s14] =	ssyncadd.s32 $0xFFFFD800  }
0x8d: {  	_ =	sfence.sel $0x180000  }
0x8e: {  	[bflag:$0x0] =	sbarrier.arrive $0xFFFF  }
0x8f: {  	p0 =	sne.s32 s0, $0x0;
	_ =	strace $0x90000050  }
0x90: {  	s0 =	sadd.s32 @!p0 $0x100000, s1;
	[bflag:$0x2] =	sbarrier.arrive $0xFFFF  }
0x91: {  	[sflag:s0] =	ssyncadd.tile.s32 @!p0 $0x1;
	_ =	shalt  }
.Lfunc_end2:
_tile_overlayer_lowered:
.L_overlay_start_2:
0x92: {  	(tag) =	ssettag $0x2  }
0x93: {  	s0 =	rddreg [dreg:$0x0];
	s2 =	stileid.u32  }
0x94: {  	s1 =	rddreg [dreg:$0x1];
	p0 =	sne.s32 s2, $0x0  }
0x95: {  	s3 =	rddreg [dreg:$0x2];
	[bflag:$0x3] =	sbarrier.arrive $0xFFFF;
	s2 =	simm.s32 @!p0 $0x1C06  }
0x96: {  	[timem:s3], [sflag:s2] =	dma.local @!p0 [hbm:s0], s1  }
0x97: {  	s0 =	simm.s32 @!p0 $0x6  }
0x98: {  	_ =	swait.ge @!p0 [sflag:s0], s1  }
0x99: {  	s1 =	ssub.s32 @!p0 $0x0, s1;
	[sflag:s0] =	ssyncset.done @!p0 $0x0  }
0x9a: {  	[sflag:s0] =	ssyncadd.s32 @!p0 s1  }
0x9b: {  	[bflag:$0x3] =	sbarrier.arrive $0xFFFF  }
0x9c: {  	_ =	shalt  }

</sc_bundles>
